<compile_context>
chip_gen: v7x
topology: tpu7x:2x2x1
jax: 0.10.2.dev20260603
libtpu: 0.0.44.dev20260713+nightly
codegen_flags: <defaults>
</compile_context>

<pallas_src>
import functools

import jax
import jax.numpy as jnp
from jax import lax
from jax.experimental import pallas as pl
from jax.experimental.pallas import tpu as pltpu
from jax.experimental.pallas import tpu_sc as plsc

N = 10000
NPAD = 10240
NROWS = 80
E = 160000
NTILES = 16
EPT = E // NTILES
EPT_PAD = NPAD
ECHUNKS = EPT // 16
ALPHA = 0.1
NITER = 10

BN = 1024
NB = NPAD // BN



def _sc_body(esrc, edst, w_out, src_v, dst_v, z_v, u_v, dinv_v, agg_v, w_v,
             zero_v, iota_v, shared):
    c = lax.axis_index("c")
    s = lax.axis_index("s")

    pltpu.sync_copy(esrc.at[s], src_v)
    pltpu.sync_copy(edst.at[s], dst_v)

    ones16 = jnp.ones((16,), jnp.float32)
    zeros16 = jnp.zeros((16,), jnp.float32)

    @plsc.parallel_loop(0, NROWS, unroll=2)
    def init_row(r):
        for j in range(8):
            sl = pl.ds(j * 16, 16)
            zero_v[r, sl] = zeros16
            agg_v[r, sl] = zeros16
            u_v[r, sl] = ones16

    for t in range((NPAD - N) // 16):
        flat = N + t * 16
        u_v[flat >> 7, pl.ds(flat & 127, 16)] = zeros16

    i16 = lax.iota(jnp.int32, 16)
    for j in range(NROWS // 16):
        iota_v[pl.ds(j * 16, 16)] = i16 + j * 16

    @pl.when(s == 0)
    def _():
        pltpu.sync_copy(zero_v, shared)

    plsc.subcore_barrier()

    def deg_row(r, carry):
        svs = [src_v[r, pl.ds(j * 16, 16)] for j in range(8)]
        for sv in svs:
            plsc.addupdate_scatter(agg_v, [sv >> 7, sv & 127], ones16)
        return carry

    lax.fori_loop(0, EPT // 128, deg_row, 0)
    sv = src_v[EPT // 128, pl.ds(0, 16)]
    plsc.addupdate_scatter(agg_v, [sv >> 7, sv & 127], ones16)

    pltpu.sync_copy(agg_v, shared.at[iota_v], add=True)
    plsc.subcore_barrier()
    pltpu.sync_copy(shared, dinv_v)
    plsc.subcore_barrier()

    @pl.when(s == 0)
    def _():
        pltpu.sync_copy(zero_v, shared)

    @plsc.parallel_loop(0, NROWS, unroll=2)
    def dinv_row(r):
        for j in range(8):
            sl = pl.ds(j * 16, 16)
            xdeg = dinv_v[r, sl] + 1.0
            bi = 0x5F3759DF - lax.shift_right_logical(plsc.bitcast(xdeg, jnp.int32), 1)
            y = plsc.bitcast(bi, jnp.float32)
            y = y * (1.5 - 0.5 * xdeg * y * y)
            y = y * (1.5 - 0.5 * xdeg * y * y)
            y = y * (1.5 - 0.5 * xdeg * y * y)
            dinv_v[r, sl] = y
            agg_v[r, sl] = zeros16
            u0 = u_v[r, sl]
            w_v[r, sl] = 0.1 * u0
            z_v[r, sl] = y * u0

    plsc.subcore_barrier()

    def iteration(k, carry):
        coef = jnp.where(k < NITER, jnp.float32(ALPHA), jnp.float32(1.0))

        def edge_row(r, cc):
            svs = [src_v[r, pl.ds(j * 16, 16)] for j in range(8)]
            dvs = [dst_v[r, pl.ds(j * 16, 16)] for j in range(8)]
            gs = [plsc.load_gather(z_v, [sv >> 7, sv & 127]) for sv in svs]
            for dv, g in zip(dvs, gs):
                plsc.addupdate_scatter(agg_v, [dv >> 7, dv & 127], g)
            return cc

        lax.fori_loop(0, EPT // 128, edge_row, 0)
        sv = src_v[EPT // 128, pl.ds(0, 16)]
        dv = dst_v[EPT // 128, pl.ds(0, 16)]
        g = plsc.load_gather(z_v, [sv >> 7, sv & 127])
        plsc.addupdate_scatter(agg_v, [dv >> 7, dv & 127], g)

        pltpu.sync_copy(agg_v, shared.at[iota_v], add=True)
        plsc.subcore_barrier()
        pltpu.sync_copy(shared, agg_v)
        plsc.subcore_barrier()

        @pl.when(s == 0)
        def _():
            pltpu.sync_copy(zero_v, shared)

        @plsc.parallel_loop(0, NROWS, unroll=2)
        def upd_row(r):
            for j in range(8):
                sl = pl.ds(j * 16, 16)
                d16 = dinv_v[r, sl]
                un = (1.0 - ALPHA) * d16 * (agg_v[r, sl] + z_v[r, sl])
                u_v[r, sl] = un
                w_v[r, sl] = w_v[r, sl] + coef * un
                z_v[r, sl] = d16 * un
                agg_v[r, sl] = zeros16
        plsc.subcore_barrier()
        return carry

    lax.fori_loop(1, NITER + 1, iteration, 0)

    @pl.when(jnp.logical_and(c == 0, s == 0))
    def _():
        pltpu.sync_copy(w_v, w_out)


_sc_ppr = pl.kernel(
    _sc_body,
    out_type=jax.ShapeDtypeStruct((NROWS, 128), jnp.float32),
    mesh=plsc.VectorSubcoreMesh(core_axis_name="c", subcore_axis_name="s",
                                num_cores=1),
    compiler_params=pltpu.CompilerParams(needs_layout_passes=False),
    scratch_types=[
        pltpu.VMEM((NROWS, 128), jnp.int32),
        pltpu.VMEM((NROWS, 128), jnp.int32),
        pltpu.VMEM((NROWS, 128), jnp.float32),
        pltpu.VMEM((NROWS, 128), jnp.float32),
        pltpu.VMEM((NROWS, 128), jnp.float32),
        pltpu.VMEM((NROWS, 128), jnp.float32),
        pltpu.VMEM((NROWS, 128), jnp.float32),
        pltpu.VMEM((NROWS, 128), jnp.float32),
        pltpu.VMEM((NROWS,), jnp.int32),
        pltpu.VMEM_SHARED((NROWS, 128), jnp.float32),
    ],
)



def _rep(shape):
    return pl.BlockSpec(shape, lambda i: tuple(0 for _ in shape))


def _tc_hidden_body(x_ref, w0_ref, w1_ref, w2_ref, w3_ref, h_ref):
    h = jnp.maximum(jnp.dot(x_ref[...], w0_ref[...], preferred_element_type=jnp.float32), 0.0)
    h = jnp.maximum(jnp.dot(h, w1_ref[...], preferred_element_type=jnp.float32), 0.0)
    h = jnp.maximum(jnp.dot(h, w2_ref[...], preferred_element_type=jnp.float32), 0.0)
    h_ref[...] = jnp.maximum(jnp.dot(h, w3_ref[...], preferred_element_type=jnp.float32), 0.0)


_tc_hidden = pl.pallas_call(
    _tc_hidden_body,
    grid=(NB,),
    in_specs=[
        pl.BlockSpec((BN, 256), lambda i: (i, 0)),
        _rep((256, 512)),
        _rep((512, 512)),
        _rep((512, 512)),
        _rep((512, 512)),
    ],
    out_specs=pl.BlockSpec((BN, 512), lambda i: (i, 0)),
    out_shape=jax.ShapeDtypeStruct((NPAD, 512), jnp.float32),
)


def _tc_comb_body(w_ref, h_ref, w4_ref, l1w_ref, l1b_ref, l2w_ref, l2b_ref,
                  out_ref, acc_ref):
    i = pl.program_id(0)
    contrib = jnp.dot(w_ref[0], h_ref[...], preferred_element_type=jnp.float32)

    @pl.when(i == 0)
    def _():
        acc_ref[...] = jnp.zeros_like(acc_ref)

    acc_ref[...] += contrib

    @pl.when(i == NB - 1)
    def _():
        pooled = jnp.dot(acc_ref[...], w4_ref[...], preferred_element_type=jnp.float32)
        h2 = jnp.maximum(
            jnp.dot(pooled, l1w_ref[...], preferred_element_type=jnp.float32) + l1b_ref[...],
            0.0)
        out_ref[...] = jnp.dot(h2, l2w_ref[...], preferred_element_type=jnp.float32) + l2b_ref[...]


_tc_combine = pl.pallas_call(
    _tc_comb_body,
    grid=(NB,),
    in_specs=[
        pl.BlockSpec((1, 1, BN), lambda i: (i, 0, 0)),
        pl.BlockSpec((BN, 512), lambda i: (i, 0)),
        _rep((512, 512)),
        _rep((512, 512)),
        _rep((1, 512)),
        _rep((512, 128)),
        _rep((1, 128)),
    ],
    out_specs=pl.BlockSpec((1, 128), lambda i: (0, 0)),
    out_shape=jax.ShapeDtypeStruct((1, 128), jnp.float32),
    scratch_shapes=[pltpu.VMEM((1, 512), jnp.float32)],
)


def kernel(x, edge_index, batch, W0, W1, W2, W3, W4, lin1_W, lin1_b, lin2_W, lin2_b):
    src = edge_index[0].reshape(NTILES, EPT)
    dst = edge_index[1].reshape(NTILES, EPT)
    pad = ((0, 0), (0, EPT_PAD - EPT))
    esrc3 = jnp.pad(src, pad).reshape(NTILES, NROWS, 128)
    edst3 = jnp.pad(dst, pad).reshape(NTILES, NROWS, 128)
    w2d = _sc_ppr(esrc3, edst3)
    w3 = w2d.reshape(NB, 1, BN)

    x_pad = jnp.pad(x, ((0, NPAD - N), (0, 0)))
    hidden = _tc_hidden(x_pad, W0, W1, W2, W3)
    out = _tc_combine(w3, hidden, W4,
                      lin1_W, lin1_b.reshape(1, 512), lin2_W, lin2_b.reshape(1, 128))
    return out

# --- scband reference (transcript-rebuilt; emitter-appended) ---
"""Pipeline reference for scband-ppnp-80728205295662 (READ-ONLY COPY).

The authoritative reference and input builder live on the scoring server;
editing this copy changes nothing except your own understanding.
"""

import jax, jax.numpy as jnp
import numpy as np

N = 10000
E = 160000
IN = 256
DIM = 512
OUT = 128
ALPHA = 0.1
NITER = 10


def setup_inputs(seed: int = 0) -> dict:
    key = jax.random.key(seed)
    ks = jax.random.split(key, 12)
    x = jax.random.normal(ks[0], (N, IN), dtype=jnp.float32)
    edge_index = jax.random.randint(ks[1], (2, E), 0, N, dtype=jnp.int32)
    batch = jnp.zeros((N,), dtype=jnp.int32)
    W0 = jax.random.normal(ks[2], (IN, DIM), dtype=jnp.float32) * (1.0 / np.sqrt(IN))
    W1 = jax.random.normal(ks[3], (DIM, DIM), dtype=jnp.float32) * (1.0 / np.sqrt(DIM))
    W2 = jax.random.normal(ks[4], (DIM, DIM), dtype=jnp.float32) * (1.0 / np.sqrt(DIM))
    W3 = jax.random.normal(ks[5], (DIM, DIM), dtype=jnp.float32) * (1.0 / np.sqrt(DIM))
    W4 = jax.random.normal(ks[6], (DIM, DIM), dtype=jnp.float32) * (1.0 / np.sqrt(DIM))
    lin1_W = jax.random.normal(ks[7], (DIM, DIM), dtype=jnp.float32) * (1.0 / np.sqrt(DIM))
    lin1_b = jnp.zeros((DIM,), dtype=jnp.float32)
    lin2_W = jax.random.normal(ks[8], (DIM, OUT), dtype=jnp.float32) * (1.0 / np.sqrt(DIM))
    lin2_b = jnp.zeros((OUT,), dtype=jnp.float32)
    return {"x": x, "edge_index": edge_index, "batch": batch, "W0": W0, "W1": W1,
            "W2": W2, "W3": W3, "W4": W4, "lin1_W": lin1_W, "lin1_b": lin1_b,
            "lin2_W": lin2_W, "lin2_b": lin2_b}


def reference(x, edge_index, batch, W0, W1, W2, W3, W4, lin1_W, lin1_b, lin2_W, lin2_b):
    # _transform_features: MixedLinear(in,dim,bias=False) -> relu, 3x Linear(dim,dim,bias=False) -> relu,
    # final Linear(dim,dim,bias=False). Dropout is identity in eval mode.
    h = jnp.maximum(x @ W0, 0.0)
    for W in (W1, W2, W3):
        h = jnp.maximum(h @ W, 0.0)
    local_logits = h @ W4

    # PPRPowerIteration with A_hat = D^-1/2 (A + I) D^-1/2 built from edge_index
    # (equivalent to to_dense_adj -> calc_A_hat), applied sparsely via gather/scatter-add.
    src = edge_index[0]
    dst = edge_index[1]
    n = x.shape[0]
    deg = jnp.ones((n,), dtype=jnp.float32).at[src].add(1.0)  # row sums of A + I
    dinv = 1.0 / jnp.sqrt(deg)

    def a_hat_matmul(p):
        # (A_hat @ p)_i = dinv_i * ( sum_{edges i->j} dinv_j * p_j + dinv_i * p_i )
        msg = dinv[dst][:, None] * p[dst]
        agg = jnp.zeros_like(p).at[src].add(msg)
        return dinv[:, None] * (agg + dinv[:, None] * p)

    preds = local_logits
    for _ in range(NITER):
        preds = (1.0 - ALPHA) * a_hat_matmul(preds) + ALPHA * local_logits
    # idx = arange(n) -> identity gather
    final_logits = preds

    # global_add_pool over batch ids (single graph -> all zeros)
    pooled = jax.ops.segment_sum(final_logits, batch, num_segments=1)
    h2 = jnp.maximum(pooled @ lin1_W + lin1_b, 0.0)
    out = h2 @ lin2_W + lin2_b
    return out

if __name__ == "__main__":
    import jax
    _d = setup_inputs()
    print(jax.jit(kernel)(*tuple(_d.values())))

</pallas_src>

<mosaic_0001>
#map = affine_map<(d0, d1) -> (0, 0, 0)>
#map1 = affine_map<(d0, d1) -> (0, 0)>
module attributes {stable_mosaic.version = 14 : i64} {
  func.func @_sc_body(%arg0: i32, %arg1: i32, %arg2: memref<16x80x128xi32, #tpu.memory_space<hbm>>, %arg3: memref<16x80x128xi32, #tpu.memory_space<hbm>>, %arg4: memref<80x128xf32, #tpu.memory_space<hbm>>, %arg5: memref<80x128xi32, #tpu.memory_space<vmem>>, %arg6: memref<80x128xi32, #tpu.memory_space<vmem>>, %arg7: memref<80x128xf32, #tpu.memory_space<vmem>>, %arg8: memref<80x128xf32, #tpu.memory_space<vmem>>, %arg9: memref<80x128xf32, #tpu.memory_space<vmem>>, %arg10: memref<80x128xf32, #tpu.memory_space<vmem>>, %arg11: memref<80x128xf32, #tpu.memory_space<vmem>>, %arg12: memref<80x128xf32, #tpu.memory_space<vmem>>, %arg13: memref<80xi32, #tpu.memory_space<vmem>>, %arg14: memref<80x128xf32, #tpu.memory_space<vmem_shared>>) attributes {dimension_semantics = [#tpu.dimension_semantics<core_parallel>, #tpu.dimension_semantics<subcore_parallel>], iteration_bounds = array<i64: 1, 16>, scalar_prefetch = 0 : i64, scratch_operands = 10 : i64, tpu.core_type = #tpu.core_type<sc_vector_subcore>, window_params = [{transform_indices = #map}, {transform_indices = #map}, {transform_indices = #map1}]} {
    "tpu.region"() ({
      %run_scoped3A = tpu.sem_alloc : memref<!tpu.dma_semaphore, #tpu.memory_space<semaphore_mem>>
      %dma_start3A = arith.constant 0 : i32
      %dma_start3A_127 = arith.constant 0 : i32
      %dma_start3A_128 = tpu.memref_slice %arg2[%arg1, %dma_start3A, %dma_start3A_127] : memref<16x80x128xi32, #tpu.memory_space<hbm>> -> memref<1x80x128xi32, #tpu.memory_space<hbm>>
      %dma_start3A_129 = tpu.memref_squeeze %dma_start3A_128 : memref<1x80x128xi32, #tpu.memory_space<hbm>> -> memref<80x128xi32, #tpu.memory_space<hbm>>
      %dma_start3A_130 = arith.constant 0 : i32
      %dma_start3A_131 = arith.constant 0 : i32
      %dma_start3A_132 = tpu.memref_slice %arg2[%arg1, %dma_start3A_130, %dma_start3A_131] : memref<16x80x128xi32, #tpu.memory_space<hbm>> -> memref<1x80x128xi32, #tpu.memory_space<hbm>>
      %dma_start3A_133 = tpu.memref_squeeze %dma_start3A_132 : memref<1x80x128xi32, #tpu.memory_space<hbm>> -> memref<80x128xi32, #tpu.memory_space<hbm>>
      tpu.enqueue_dma source(%dma_start3A_133 : memref<80x128xi32, #tpu.memory_space<hbm>>) target(%arg5 : memref<80x128xi32, #tpu.memory_space<vmem>>) target_semaphore(%run_scoped3A : memref<!tpu.dma_semaphore, #tpu.memory_space<semaphore_mem>>)
      %dma_wait3A = arith.constant 0 : i32
      %dma_wait3A_134 = arith.constant 0 : i32
      %dma_wait3A_135 = tpu.memref_slice %arg2[%arg1, %dma_wait3A, %dma_wait3A_134] : memref<16x80x128xi32, #tpu.memory_space<hbm>> -> memref<1x80x128xi32, #tpu.memory_space<hbm>>
      %dma_wait3A_136 = tpu.memref_squeeze %dma_wait3A_135 : memref<1x80x128xi32, #tpu.memory_space<hbm>> -> memref<80x128xi32, #tpu.memory_space<hbm>>
      %dma_wait3A_137 = arith.constant 0 : i32
      %dma_wait3A_138 = arith.constant 0 : i32
      %dma_wait3A_139 = tpu.memref_slice %arg2[%arg1, %dma_wait3A_137, %dma_wait3A_138] : memref<16x80x128xi32, #tpu.memory_space<hbm>> -> memref<1x80x128xi32, #tpu.memory_space<hbm>>
      %dma_wait3A_140 = tpu.memref_squeeze %dma_wait3A_139 : memref<1x80x128xi32, #tpu.memory_space<hbm>> -> memref<80x128xi32, #tpu.memory_space<hbm>>
      tpu.wait_dma2 semaphore(%run_scoped3A : memref<!tpu.dma_semaphore, #tpu.memory_space<semaphore_mem>>) src(%dma_wait3A_140 : memref<80x128xi32, #tpu.memory_space<hbm>>) dst(%arg5 : memref<80x128xi32, #tpu.memory_space<vmem>>)
      tpu.yield
    }) : () -> ()
    "tpu.region"() ({
      %run_scoped3A = tpu.sem_alloc : memref<!tpu.dma_semaphore, #tpu.memory_space<semaphore_mem>>
      %dma_start3A = arith.constant 0 : i32
      %dma_start3A_127 = arith.constant 0 : i32
      %dma_start3A_128 = tpu.memref_slice %arg3[%arg1, %dma_start3A, %dma_start3A_127] : memref<16x80x128xi32, #tpu.memory_space<hbm>> -> memref<1x80x128xi32, #tpu.memory_space<hbm>>
      %dma_start3A_129 = tpu.memref_squeeze %dma_start3A_128 : memref<1x80x128xi32, #tpu.memory_space<hbm>> -> memref<80x128xi32, #tpu.memory_space<hbm>>
      %dma_start3A_130 = arith.constant 0 : i32
      %dma_start3A_131 = arith.constant 0 : i32
      %dma_start3A_132 = tpu.memref_slice %arg3[%arg1, %dma_start3A_130, %dma_start3A_131] : memref<16x80x128xi32, #tpu.memory_space<hbm>> -> memref<1x80x128xi32, #tpu.memory_space<hbm>>
      %dma_start3A_133 = tpu.memref_squeeze %dma_start3A_132 : memref<1x80x128xi32, #tpu.memory_space<hbm>> -> memref<80x128xi32, #tpu.memory_space<hbm>>
      tpu.enqueue_dma source(%dma_start3A_133 : memref<80x128xi32, #tpu.memory_space<hbm>>) target(%arg6 : memref<80x128xi32, #tpu.memory_space<vmem>>) target_semaphore(%run_scoped3A : memref<!tpu.dma_semaphore, #tpu.memory_space<semaphore_mem>>)
      %dma_wait3A = arith.constant 0 : i32
      %dma_wait3A_134 = arith.constant 0 : i32
      %dma_wait3A_135 = tpu.memref_slice %arg3[%arg1, %dma_wait3A, %dma_wait3A_134] : memref<16x80x128xi32, #tpu.memory_space<hbm>> -> memref<1x80x128xi32, #tpu.memory_space<hbm>>
      %dma_wait3A_136 = tpu.memref_squeeze %dma_wait3A_135 : memref<1x80x128xi32, #tpu.memory_space<hbm>> -> memref<80x128xi32, #tpu.memory_space<hbm>>
      %dma_wait3A_137 = arith.constant 0 : i32
      %dma_wait3A_138 = arith.constant 0 : i32
      %dma_wait3A_139 = tpu.memref_slice %arg3[%arg1, %dma_wait3A_137, %dma_wait3A_138] : memref<16x80x128xi32, #tpu.memory_space<hbm>> -> memref<1x80x128xi32, #tpu.memory_space<hbm>>
      %dma_wait3A_140 = tpu.memref_squeeze %dma_wait3A_139 : memref<1x80x128xi32, #tpu.memory_space<hbm>> -> memref<80x128xi32, #tpu.memory_space<hbm>>
      tpu.wait_dma2 semaphore(%run_scoped3A : memref<!tpu.dma_semaphore, #tpu.memory_space<semaphore_mem>>) src(%dma_wait3A_140 : memref<80x128xi32, #tpu.memory_space<hbm>>) dst(%arg6 : memref<80x128xi32, #tpu.memory_space<vmem>>)
      tpu.yield
    }) : () -> ()
    %broadcast_in_dim3A = arith.constant 1.000000e+00 : f32
    %broadcast_in_dim3A_0 = vector.broadcast %broadcast_in_dim3A : f32 to vector<16xf32>
    %broadcast_in_dim3A_1 = arith.constant 0.000000e+00 : f32
    %broadcast_in_dim3A_2 = vector.broadcast %broadcast_in_dim3A_1 : f32 to vector<16xf32>
    %parallel_loop3A = arith.constant 0 : i32
    %parallel_loop3A_3 = arith.constant 80 : i32
    %parallel_loop3A_4 = arith.constant 1 : i32
    scf.for %parallel_loop3A_127 = %parallel_loop3A to %parallel_loop3A_3 step %parallel_loop3A_4  : i32 {
      %parallel_loop3A_128 = arith.index_cast %parallel_loop3A_127 : i32 to index
      %parallel_loop3A_129 = arith.constant 0 : index
      %parallel_loop3A_130 = tpu.vector_load %arg12[%parallel_loop3A_128, %parallel_loop3A_129] {strides = array<i32>} : memref<80x128xf32, #tpu.memory_space<vmem>>, vector<16xf32>,
      tpu.vector_store %arg12[%parallel_loop3A_128, %parallel_loop3A_129], %broadcast_in_dim3A_2 {strides = array<i32>} : memref<80x128xf32, #tpu.memory_space<vmem>>, vector<16xf32>,
      %parallel_loop3A_131 = arith.index_cast %parallel_loop3A_127 : i32 to index
      %parallel_loop3A_132 = arith.constant 0 : index
      %parallel_loop3A_133 = tpu.vector_load %arg10[%parallel_loop3A_131, %parallel_loop3A_132] {strides = array<i32>} : memref<80x128xf32, #tpu.memory_space<vmem>>, vector<16xf32>,
      tpu.vector_store %arg10[%parallel_loop3A_131, %parallel_loop3A_132], %broadcast_in_dim3A_2 {strides = array<i32>} : memref<80x128xf32, #tpu.memory_space<vmem>>, vector<16xf32>,
      %parallel_loop3A_134 = arith.index_cast %parallel_loop3A_127 : i32 to index
      %parallel_loop3A_135 = arith.constant 0 : index
      %parallel_loop3A_136 = tpu.vector_load %arg8[%parallel_loop3A_134, %parallel_loop3A_135] {strides = array<i32>} : memref<80x128xf32, #tpu.memory_space<vmem>>, vector<16xf32>,
      tpu.vector_store %arg8[%parallel_loop3A_134, %parallel_loop3A_135], %broadcast_in_dim3A_0 {strides = array<i32>} : memref<80x128xf32, #tpu.memory_space<vmem>>, vector<16xf32>,
      %parallel_loop3A_137 = arith.index_cast %parallel_loop3A_127 : i32 to index
      %parallel_loop3A_138 = arith.constant 16 : index
      %parallel_loop3A_139 = tpu.vector_load %arg12[%parallel_loop3A_137, %parallel_loop3A_138] {strides = array<i32>} : memref<80x128xf32, #tpu.memory_space<vmem>>, vector<16xf32>,
      tpu.vector_store %arg12[%parallel_loop3A_137, %parallel_loop3A_138], %broadcast_in_dim3A_2 {strides = array<i32>} : memref<80x128xf32, #tpu.memory_space<vmem>>, vector<16xf32>,
      %parallel_loop3A_140 = arith.index_cast %parallel_loop3A_127 : i32 to index
      %parallel_loop3A_141 = arith.constant 16 : index
      %parallel_loop3A_142 = tpu.vector_load %arg10[%parallel_loop3A_140, %parallel_loop3A_141] {strides = array<i32>} : memref<80x128xf32, #tpu.memory_space<vmem>>, vector<16xf32>,
      tpu.vector_store %arg10[%parallel_loop3A_140, %parallel_loop3A_141], %broadcast_in_dim3A_2 {strides = array<i32>} : memref<80x128xf32, #tpu.memory_space<vmem>>, vector<16xf32>,
      %parallel_loop3A_143 = arith.index_cast %parallel_loop3A_127 : i32 to index
      %parallel_loop3A_144 = arith.constant 16 : index
      %parallel_loop3A_145 = tpu.vector_load %arg8[%parallel_loop3A_143, %parallel_loop3A_144] {strides = array<i32>} : memref<80x128xf32, #tpu.memory_space<vmem>>, vector<16xf32>,
      tpu.vector_store %arg8[%parallel_loop3A_143, %parallel_loop3A_144], %broadcast_in_dim3A_0 {strides = array<i32>} : memref<80x128xf32, #tpu.memory_space<vmem>>, vector<16xf32>,
      %parallel_loop3A_146 = arith.index_cast %parallel_loop3A_127 : i32 to index
      %parallel_loop3A_147 = arith.constant 32 : index
      %parallel_loop3A_148 = tpu.vector_load %arg12[%parallel_loop3A_146, %parallel_loop3A_147] {strides = array<i32>} : memref<80x128xf32, #tpu.memory_space<vmem>>, vector<16xf32>,
      tpu.vector_store %arg12[%parallel_loop3A_146, %parallel_loop3A_147], %broadcast_in_dim3A_2 {strides = array<i32>} : memref<80x128xf32, #tpu.memory_space<vmem>>, vector<16xf32>,
      %parallel_loop3A_149 = arith.index_cast %parallel_loop3A_127 : i32 to index
      %parallel_loop3A_150 = arith.constant 32 : index
      %parallel_loop3A_151 = tpu.vector_load %arg10[%parallel_loop3A_149, %parallel_loop3A_150] {strides = array<i32>} : memref<80x128xf32, #tpu.memory_space<vmem>>, vector<16xf32>,
      tpu.vector_store %arg10[%parallel_loop3A_149, %parallel_loop3A_150], %broadcast_in_dim3A_2 {strides = array<i32>} : memref<80x128xf32, #tpu.memory_space<vmem>>, vector<16xf32>,
      %parallel_loop3A_152 = arith.index_cast %parallel_loop3A_127 : i32 to index
      %parallel_loop3A_153 = arith.constant 32 : index
      %parallel_loop3A_154 = tpu.vector_load %arg8[%parallel_loop3A_152, %parallel_loop3A_153] {strides = array<i32>} : memref<80x128xf32, #tpu.memory_space<vmem>>, vector<16xf32>,
      tpu.vector_store %arg8[%parallel_loop3A_152, %parallel_loop3A_153], %broadcast_in_dim3A_0 {strides = array<i32>} : memref<80x128xf32, #tpu.memory_space<vmem>>, vector<16xf32>,
      %parallel_loop3A_155 = arith.index_cast %parallel_loop3A_127 : i32 to index
      %parallel_loop3A_156 = arith.constant 48 : index
      %parallel_loop3A_157 = tpu.vector_load %arg12[%parallel_loop3A_155, %parallel_loop3A_156] {strides = array<i32>} : memref<80x128xf32, #tpu.memory_space<vmem>>, vector<16xf32>,
      tpu.vector_store %arg12[%parallel_loop3A_155, %parallel_loop3A_156], %broadcast_in_dim3A_2 {strides = array<i32>} : memref<80x128xf32, #tpu.memory_space<vmem>>, vector<16xf32>,
      %parallel_loop3A_158 = arith.index_cast %parallel_loop3A_127 : i32 to index
      %parallel_loop3A_159 = arith.constant 48 : index
      %parallel_loop3A_160 = tpu.vector_load %arg10[%parallel_loop3A_158, %parallel_loop3A_159] {strides = array<i32>} : memref<80x128xf32, #tpu.memory_space<vmem>>, vector<16xf32>,
      tpu.vector_store %arg10[%parallel_loop3A_158, %parallel_loop3A_159], %broadcast_in_dim3A_2 {strides = array<i32>} : memref<80x128xf32, #tpu.memory_space<vmem>>, vector<16xf32>,
      %parallel_loop3A_161 = arith.index_cast %parallel_loop3A_127 : i32 to index
      %parallel_loop3A_162 = arith.constant 48 : index
      %parallel_loop3A_163 = tpu.vector_load %arg8[%parallel_loop3A_161, %parallel_loop3A_162] {strides = array<i32>} : memref<80x128xf32, #tpu.memory_space<vmem>>, vector<16xf32>,
      tpu.vector_store %arg8[%parallel_loop3A_161, %parallel_loop3A_162], %broadcast_in_dim3A_0 {strides = array<i32>} : memref<80x128xf32, #tpu.memory_space<vmem>>, vector<16xf32>,
      %parallel_loop3A_164 = arith.index_cast %parallel_loop3A_127 : i32 to index
      %parallel_loop3A_165 = arith.constant 64 : index
      %parallel_loop3A_166 = tpu.vector_load %arg12[%parallel_loop3A_164, %parallel_loop3A_165] {strides = array<i32>} : memref<80x128xf32, #tpu.memory_space<vmem>>, vector<16xf32>,
      tpu.vector_store %arg12[%parallel_loop3A_164, %parallel_loop3A_165], %broadcast_in_dim3A_2 {strides = array<i32>} : memref<80x128xf32, #tpu.memory_space<vmem>>, vector<16xf32>,
      %parallel_loop3A_167 = arith.index_cast %parallel_loop3A_127 : i32 to index
      %parallel_loop3A_168 = arith.constant 64 : index
      %parallel_loop3A_169 = tpu.vector_load %arg10[%parallel_loop3A_167, %parallel_loop3A_168] {strides = array<i32>} : memref<80x128xf32, #tpu.memory_space<vmem>>, vector<16xf32>,
      tpu.vector_store %arg10[%parallel_loop3A_167, %parallel_loop3A_168], %broadcast_in_dim3A_2 {strides = array<i32>} : memref<80x128xf32, #tpu.memory_space<vmem>>, vector<16xf32>,
      %parallel_loop3A_170 = arith.index_cast %parallel_loop3A_127 : i32 to index
      %parallel_loop3A_171 = arith.constant 64 : index
      %parallel_loop3A_172 = tpu.vector_load %arg8[%parallel_loop3A_170, %parallel_loop3A_171] {strides = array<i32>} : memref<80x128xf32, #tpu.memory_space<vmem>>, vector<16xf32>,
      tpu.vector_store %arg8[%parallel_loop3A_170, %parallel_loop3A_171], %broadcast_in_dim3A_0 {strides = array<i32>} : memref<80x128xf32, #tpu.memory_space<vmem>>, vector<16xf32>,
      %parallel_loop3A_173 = arith.index_cast %parallel_loop3A_127 : i32 to index
      %parallel_loop3A_174 = arith.constant 80 : index
      %parallel_loop3A_175 = tpu.vector_load %arg12[%parallel_loop3A_173, %parallel_loop3A_174] {strides = array<i32>} : memref<80x128xf32, #tpu.memory_space<vmem>>, vector<16xf32>,
      tpu.vector_store %arg12[%parallel_loop3A_173, %parallel_loop3A_174], %broadcast_in_dim3A_2 {strides = array<i32>} : memref<80x128xf32, #tpu.memory_space<vmem>>, vector<16xf32>,
      %parallel_loop3A_176 = arith.index_cast %parallel_loop3A_127 : i32 to index
      %parallel_loop3A_177 = arith.constant 80 : index
      %parallel_loop3A_178 = tpu.vector_load %arg10[%parallel_loop3A_176, %parallel_loop3A_177] {strides = array<i32>} : memref<80x128xf32, #tpu.memory_space<vmem>>, vector<16xf32>,
      tpu.vector_store %arg10[%parallel_loop3A_176, %parallel_loop3A_177], %broadcast_in_dim3A_2 {strides = array<i32>} : memref<80x128xf32, #tpu.memory_space<vmem>>, vector<16xf32>,
      %parallel_loop3A_179 = arith.index_cast %parallel_loop3A_127 : i32 to index
      %parallel_loop3A_180 = arith.constant 80 : index
      %parallel_loop3A_181 = tpu.vector_load %arg8[%parallel_loop3A_179, %parallel_loop3A_180] {strides = array<i32>} : memref<80x128xf32, #tpu.memory_space<vmem>>, vector<16xf32>,
      tpu.vector_store %arg8[%parallel_loop3A_179, %parallel_loop3A_180], %broadcast_in_dim3A_0 {strides = array<i32>} : memref<80x128xf32, #tpu.memory_space<vmem>>, vector<16xf32>,
      %parallel_loop3A_182 = arith.index_cast %parallel_loop3A_127 : i32 to index
      %parallel_loop3A_183 = arith.constant 96 : index
      %parallel_loop3A_184 = tpu.vector_load %arg12[%parallel_loop3A_182, %parallel_loop3A_183] {strides = array<i32>} : memref<80x128xf32, #tpu.memory_space<vmem>>, vector<16xf32>,
      tpu.vector_store %arg12[%parallel_loop3A_182, %parallel_loop3A_183], %broadcast_in_dim3A_2 {strides = array<i32>} : memref<80x128xf32, #tpu.memory_space<vmem>>, vector<16xf32>,
      %parallel_loop3A_185 = arith.index_cast %parallel_loop3A_127 : i32 to index
      %parallel_loop3A_186 = arith.constant 96 : index
      %parallel_loop3A_187 = tpu.vector_load %arg10[%parallel_loop3A_185, %parallel_loop3A_186] {strides = array<i32>} : memref<80x128xf32, #tpu.memory_space<vmem>>, vector<16xf32>,
      tpu.vector_store %arg10[%parallel_loop3A_185, %parallel_loop3A_186], %broadcast_in_dim3A_2 {strides = array<i32>} : memref<80x128xf32, #tpu.memory_space<vmem>>, vector<16xf32>,
      %parallel_loop3A_188 = arith.index_cast %parallel_loop3A_127 : i32 to index
      %parallel_loop3A_189 = arith.constant 96 : index
      %parallel_loop3A_190 = tpu.vector_load %arg8[%parallel_loop3A_188, %parallel_loop3A_189] {strides = array<i32>} : memref<80x128xf32, #tpu.memory_space<vmem>>, vector<16xf32>,
      tpu.vector_store %arg8[%parallel_loop3A_188, %parallel_loop3A_189], %broadcast_in_dim3A_0 {strides = array<i32>} : memref<80x128xf32, #tpu.memory_space<vmem>>, vector<16xf32>,
      %parallel_loop3A_191 = arith.index_cast %parallel_loop3A_127 : i32 to index
      %parallel_loop3A_192 = arith.constant 112 : index
      %parallel_loop3A_193 = tpu.vector_load %arg12[%parallel_loop3A_191, %parallel_loop3A_192] {strides = array<i32>} : memref<80x128xf32, #tpu.memory_space<vmem>>, vector<16xf32>,
      tpu.vector_store %arg12[%parallel_loop3A_191, %parallel_loop3A_192], %broadcast_in_dim3A_2 {strides = array<i32>} : memref<80x128xf32, #tpu.memory_space<vmem>>, vector<16xf32>,
      %parallel_loop3A_194 = arith.index_cast %parallel_loop3A_127 : i32 to index
      %parallel_loop3A_195 = arith.constant 112 : index
      %parallel_loop3A_196 = tpu.vector_load %arg10[%parallel_loop3A_194, %parallel_loop3A_195] {strides = array<i32>} : memref<80x128xf32, #tpu.memory_space<vmem>>, vector<16xf32>,
      tpu.vector_store %arg10[%parallel_loop3A_194, %parallel_loop3A_195], %broadcast_in_dim3A_2 {strides = array<i32>} : memref<80x128xf32, #tpu.memory_space<vmem>>, vector<16xf32>,
      %parallel_loop3A_197 = arith.index_cast %parallel_loop3A_127 : i32 to index
      %parallel_loop3A_198 = arith.constant 112 : index
      %parallel_loop3A_199 = tpu.vector_load %arg8[%parallel_loop3A_197, %parallel_loop3A_198] {strides = array<i32>} : memref<80x128xf32, #tpu.memory_space<vmem>>, vector<16xf32>,
      tpu.vector_store %arg8[%parallel_loop3A_197, %parallel_loop3A_198], %broadcast_in_dim3A_0 {strides = array<i32>} : memref<80x128xf32, #tpu.memory_space<vmem>>, vector<16xf32>,
    } {sc.loop_unroll_factor = 2 : i64, sc.parallel_access}
    %swap3A = arith.constant 78 : i32
    %swap3A_5 = arith.index_cast %swap3A : i32 to index
    %swap3A_6 = arith.constant 16 : index
    %swap3A_7 = tpu.vector_load %arg8[%swap3A_5, %swap3A_6] {strides = array<i32>} : memref<80x128xf32, #tpu.memory_space<vmem>>, vector<16xf32>,
    tpu.vector_store %arg8[%swap3A_5, %swap3A_6], %broadcast_in_dim3A_2 {strides = array<i32>} : memref<80x128xf32, #tpu.memory_space<vmem>>, vector<16xf32>,
    %swap3A_8 = arith.constant 78 : i32
    %swap3A_9 = arith.index_cast %swap3A_8 : i32 to index
    %swap3A_10 = arith.constant 32 : index
    %swap3A_11 = tpu.vector_load %arg8[%swap3A_9, %swap3A_10] {strides = array<i32>} : memref<80x128xf32, #tpu.memory_space<vmem>>, vector<16xf32>,
    tpu.vector_store %arg8[%swap3A_9, %swap3A_10], %broadcast_in_dim3A_2 {strides = array<i32>} : memref<80x128xf32, #tpu.memory_space<vmem>>, vector<16xf32>,
    %swap3A_12 = arith.constant 78 : i32
    %swap3A_13 = arith.index_cast %swap3A_12 : i32 to index
    %swap3A_14 = arith.constant 48 : index
    %swap3A_15 = tpu.vector_load %arg8[%swap3A_13, %swap3A_14] {strides = array<i32>} : memref<80x128xf32, #tpu.memory_space<vmem>>, vector<16xf32>,
    tpu.vector_store %arg8[%swap3A_13, %swap3A_14], %broadcast_in_dim3A_2 {strides = array<i32>} : memref<80x128xf32, #tpu.memory_space<vmem>>, vector<16xf32>,
    %swap3A_16 = arith.constant 78 : i32
    %swap3A_17 = arith.index_cast %swap3A_16 : i32 to index
    %swap3A_18 = arith.constant 64 : index
    %swap3A_19 = tpu.vector_load %arg8[%swap3A_17, %swap3A_18] {strides = array<i32>} : memref<80x128xf32, #tpu.memory_space<vmem>>, vector<16xf32>,
    tpu.vector_store %arg8[%swap3A_17, %swap3A_18], %broadcast_in_dim3A_2 {strides = array<i32>} : memref<80x128xf32, #tpu.memory_space<vmem>>, vector<16xf32>,
    %swap3A_20 = arith.constant 78 : i32
    %swap3A_21 = arith.index_cast %swap3A_20 : i32 to index
    %swap3A_22 = arith.constant 80 : index
    %swap3A_23 = tpu.vector_load %arg8[%swap3A_21, %swap3A_22] {strides = array<i32>} : memref<80x128xf32, #tpu.memory_space<vmem>>, vector<16xf32>,
    tpu.vector_store %arg8[%swap3A_21, %swap3A_22], %broadcast_in_dim3A_2 {strides = array<i32>} : memref<80x128xf32, #tpu.memory_space<vmem>>, vector<16xf32>,
    %swap3A_24 = arith.constant 78 : i32
    %swap3A_25 = arith.index_cast %swap3A_24 : i32 to index
    %swap3A_26 = arith.constant 96 : index
    %swap3A_27 = tpu.vector_load %arg8[%swap3A_25, %swap3A_26] {strides = array<i32>} : memref<80x128xf32, #tpu.memory_space<vmem>>, vector<16xf32>,
    tpu.vector_store %arg8[%swap3A_25, %swap3A_26], %broadcast_in_dim3A_2 {strides = array<i32>} : memref<80x128xf32, #tpu.memory_space<vmem>>, vector<16xf32>,
    %swap3A_28 = arith.constant 78 : i32
    %swap3A_29 = arith.index_cast %swap3A_28 : i32 to index
    %swap3A_30 = arith.constant 112 : index
    %swap3A_31 = tpu.vector_load %arg8[%swap3A_29, %swap3A_30] {strides = array<i32>} : memref<80x128xf32, #tpu.memory_space<vmem>>, vector<16xf32>,
    tpu.vector_store %arg8[%swap3A_29, %swap3A_30], %broadcast_in_dim3A_2 {strides = array<i32>} : memref<80x128xf32, #tpu.memory_space<vmem>>, vector<16xf32>,
    %swap3A_32 = arith.constant 79 : i32
    %swap3A_33 = arith.index_cast %swap3A_32 : i32 to index
    %swap3A_34 = arith.constant 0 : index
    %swap3A_35 = tpu.vector_load %arg8[%swap3A_33, %swap3A_34] {strides = array<i32>} : memref<80x128xf32, #tpu.memory_space<vmem>>, vector<16xf32>,
    tpu.vector_store %arg8[%swap3A_33, %swap3A_34], %broadcast_in_dim3A_2 {strides = array<i32>} : memref<80x128xf32, #tpu.memory_space<vmem>>, vector<16xf32>,
    %swap3A_36 = arith.constant 79 : i32
    %swap3A_37 = arith.index_cast %swap3A_36 : i32 to index
    %swap3A_38 = arith.constant 16 : index
    %swap3A_39 = tpu.vector_load %arg8[%swap3A_37, %swap3A_38] {strides = array<i32>} : memref<80x128xf32, #tpu.memory_space<vmem>>, vector<16xf32>,
    tpu.vector_store %arg8[%swap3A_37, %swap3A_38], %broadcast_in_dim3A_2 {strides = array<i32>} : memref<80x128xf32, #tpu.memory_space<vmem>>, vector<16xf32>,
    %swap3A_40 = arith.constant 79 : i32
    %swap3A_41 = arith.index_cast %swap3A_40 : i32 to index
    %swap3A_42 = arith.constant 32 : index
    %swap3A_43 = tpu.vector_load %arg8[%swap3A_41, %swap3A_42] {strides = array<i32>} : memref<80x128xf32, #tpu.memory_space<vmem>>, vector<16xf32>,
    tpu.vector_store %arg8[%swap3A_41, %swap3A_42], %broadcast_in_dim3A_2 {strides = array<i32>} : memref<80x128xf32, #tpu.memory_space<vmem>>, vector<16xf32>,
    %swap3A_44 = arith.constant 79 : i32
    %swap3A_45 = arith.index_cast %swap3A_44 : i32 to index
    %swap3A_46 = arith.constant 48 : index
    %swap3A_47 = tpu.vector_load %arg8[%swap3A_45, %swap3A_46] {strides = array<i32>} : memref<80x128xf32, #tpu.memory_space<vmem>>, vector<16xf32>,
    tpu.vector_store %arg8[%swap3A_45, %swap3A_46], %broadcast_in_dim3A_2 {strides = array<i32>} : memref<80x128xf32, #tpu.memory_space<vmem>>, vector<16xf32>,
    %swap3A_48 = arith.constant 79 : i32
    %swap3A_49 = arith.index_cast %swap3A_48 : i32 to index
    %swap3A_50 = arith.constant 64 : index
    %swap3A_51 = tpu.vector_load %arg8[%swap3A_49, %swap3A_50] {strides = array<i32>} : memref<80x128xf32, #tpu.memory_space<vmem>>, vector<16xf32>,
    tpu.vector_store %arg8[%swap3A_49, %swap3A_50], %broadcast_in_dim3A_2 {strides = array<i32>} : memref<80x128xf32, #tpu.memory_space<vmem>>, vector<16xf32>,
    %swap3A_52 = arith.constant 79 : i32
    %swap3A_53 = arith.index_cast %swap3A_52 : i32 to index
    %swap3A_54 = arith.constant 80 : index
    %swap3A_55 = tpu.vector_load %arg8[%swap3A_53, %swap3A_54] {strides = array<i32>} : memref<80x128xf32, #tpu.memory_space<vmem>>, vector<16xf32>,
    tpu.vector_store %arg8[%swap3A_53, %swap3A_54], %broadcast_in_dim3A_2 {strides = array<i32>} : memref<80x128xf32, #tpu.memory_space<vmem>>, vector<16xf32>,
    %swap3A_56 = arith.constant 79 : i32
    %swap3A_57 = arith.index_cast %swap3A_56 : i32 to index
    %swap3A_58 = arith.constant 96 : index
    %swap3A_59 = tpu.vector_load %arg8[%swap3A_57, %swap3A_58] {strides = array<i32>} : memref<80x128xf32, #tpu.memory_space<vmem>>, vector<16xf32>,
    tpu.vector_store %arg8[%swap3A_57, %swap3A_58], %broadcast_in_dim3A_2 {strides = array<i32>} : memref<80x128xf32, #tpu.memory_space<vmem>>, vector<16xf32>,
    %swap3A_60 = arith.constant 79 : i32
    %swap3A_61 = arith.index_cast %swap3A_60 : i32 to index
    %swap3A_62 = arith.constant 112 : index
    %swap3A_63 = tpu.vector_load %arg8[%swap3A_61, %swap3A_62] {strides = array<i32>} : memref<80x128xf32, #tpu.memory_space<vmem>>, vector<16xf32>,
    tpu.vector_store %arg8[%swap3A_61, %swap3A_62], %broadcast_in_dim3A_2 {strides = array<i32>} : memref<80x128xf32, #tpu.memory_space<vmem>>, vector<16xf32>,
    %iota3A = tpu.iota {dimensions = array<i32: 0>} : vector<16xi32>
    %add3A = arith.constant 0 : i32
    %add3A_64 = vector.broadcast %add3A : i32 to vector<16xi32>
    %add3A_65 = arith.addi %iota3A, %add3A_64 : vector<16xi32>
    %swap3A_66 = arith.constant 0 : index
    %swap3A_67 = tpu.vector_load %arg13[%swap3A_66] {strides = array<i32>} : memref<80xi32, #tpu.memory_space<vmem>>, vector<16xi32>,
    tpu.vector_store %arg13[%swap3A_66], %add3A_65 {strides = array<i32>} : memref<80xi32, #tpu.memory_space<vmem>>, vector<16xi32>,
    %add3A_68 = arith.constant 16 : i32
    %add3A_69 = vector.broadcast %add3A_68 : i32 to vector<16xi32>
    %add3A_70 = arith.addi %iota3A, %add3A_69 : vector<16xi32>
    %swap3A_71 = arith.constant 16 : index
    %swap3A_72 = tpu.vector_load %arg13[%swap3A_71] {strides = array<i32>} : memref<80xi32, #tpu.memory_space<vmem>>, vector<16xi32>,
    tpu.vector_store %arg13[%swap3A_71], %add3A_70 {strides = array<i32>} : memref<80xi32, #tpu.memory_space<vmem>>, vector<16xi32>,
    %add3A_73 = arith.constant 32 : i32
    %add3A_74 = vector.broadcast %add3A_73 : i32 to vector<16xi32>
    %add3A_75 = arith.addi %iota3A, %add3A_74 : vector<16xi32>
    %swap3A_76 = arith.constant 32 : index
    %swap3A_77 = tpu.vector_load %arg13[%swap3A_76] {strides = array<i32>} : memref<80xi32, #tpu.memory_space<vmem>>, vector<16xi32>,
    tpu.vector_store %arg13[%swap3A_76], %add3A_75 {strides = array<i32>} : memref<80xi32, #tpu.memory_space<vmem>>, vector<16xi32>,
    %add3A_78 = arith.constant 48 : i32
    %add3A_79 = vector.broadcast %add3A_78 : i32 to vector<16xi32>
    %add3A_80 = arith.addi %iota3A, %add3A_79 : vector<16xi32>
    %swap3A_81 = arith.constant 48 : index
    %swap3A_82 = tpu.vector_load %arg13[%swap3A_81] {strides = array<i32>} : memref<80xi32, #tpu.memory_space<vmem>>, vector<16xi32>,
    tpu.vector_store %arg13[%swap3A_81], %add3A_80 {strides = array<i32>} : memref<80xi32, #tpu.memory_space<vmem>>, vector<16xi32>,
    %add3A_83 = arith.constant 64 : i32
    %add3A_84 = vector.broadcast %add3A_83 : i32 to vector<16xi32>
    %add3A_85 = arith.addi %iota3A, %add3A_84 : vector<16xi32>
    %swap3A_86 = arith.constant 64 : index
    %swap3A_87 = tpu.vector_load %arg13[%swap3A_86] {strides = array<i32>} : memref<80xi32, #tpu.memory_space<vmem>>, vector<16xi32>,
    tpu.vector_store %arg13[%swap3A_86], %add3A_85 {strides = array<i32>} : memref<80xi32, #tpu.memory_space<vmem>>, vector<16xi32>,
    %eq3A = arith.constant 0 : i32
    %eq3A_88 = arith.cmpi eq, %arg1, %eq3A : i32
    %convert_element_type3A = arith.extui %eq3A_88 : i1 to i32
    %cond3A = arith.constant 0 : i32
    %cond3A_89 = arith.cmpi ne, %convert_element_type3A, %cond3A : i32
    scf.if %cond3A_89 {
      "tpu.region"() ({
        %run_scoped3A = tpu.sem_alloc : memref<!tpu.dma_semaphore, #tpu.memory_space<semaphore_mem>>
        tpu.enqueue_dma source(%arg12 : memref<80x128xf32, #tpu.memory_space<vmem>>) target(%arg14 : memref<80x128xf32, #tpu.memory_space<vmem_shared>>) target_semaphore(%run_scoped3A : memref<!tpu.dma_semaphore, #tpu.memory_space<semaphore_mem>>)
        tpu.wait_dma2 semaphore(%run_scoped3A : memref<!tpu.dma_semaphore, #tpu.memory_space<semaphore_mem>>) src(%arg12 : memref<80x128xf32, #tpu.memory_space<vmem>>) dst(%arg14 : memref<80x128xf32, #tpu.memory_space<vmem_shared>>)
        tpu.yield
      }) : () -> ()
    } else {
    }
    %barrier3A = arith.constant 0 : index
    tpu.barrier barrier_id(%barrier3A)
    %scan3A = arith.constant 0 : i32
    %scan3A_90 = arith.constant 0 : i32
    %scan3A_91 = arith.constant 78 : i32
    %scan3A_92 = arith.addi %scan3A_90, %scan3A_91 : i32
    %scan3A_93 = arith.constant 1 : i32
    scf.for %scan3A_127 = %scan3A_90 to %scan3A_92 step %scan3A_93  : i32 {
      %get3A_128 = arith.index_cast %scan3A_127 : i32 to index
      %get3A_129 = arith.constant 0 : index
      %get3A_130 = tpu.vector_load %arg5[%get3A_128, %get3A_129] {strides = array<i32>} : memref<80x128xi32, #tpu.memory_space<vmem>>, vector<16xi32>,
      %get3A_131 = arith.index_cast %scan3A_127 : i32 to index
      %get3A_132 = arith.constant 16 : index
      %get3A_133 = tpu.vector_load %arg5[%get3A_131, %get3A_132] {strides = array<i32>} : memref<80x128xi32, #tpu.memory_space<vmem>>, vector<16xi32>,
      %get3A_134 = arith.index_cast %scan3A_127 : i32 to index
      %get3A_135 = arith.constant 32 : index
      %get3A_136 = tpu.vector_load %arg5[%get3A_134, %get3A_135] {strides = array<i32>} : memref<80x128xi32, #tpu.memory_space<vmem>>, vector<16xi32>,
      %get3A_137 = arith.index_cast %scan3A_127 : i32 to index
      %get3A_138 = arith.constant 48 : index
      %get3A_139 = tpu.vector_load %arg5[%get3A_137, %get3A_138] {strides = array<i32>} : memref<80x128xi32, #tpu.memory_space<vmem>>, vector<16xi32>,
      %get3A_140 = arith.index_cast %scan3A_127 : i32 to index
      %get3A_141 = arith.constant 64 : index
      %get3A_142 = tpu.vector_load %arg5[%get3A_140, %get3A_141] {strides = array<i32>} : memref<80x128xi32, #tpu.memory_space<vmem>>, vector<16xi32>,
      %get3A_143 = arith.index_cast %scan3A_127 : i32 to index
      %get3A_144 = arith.constant 80 : index
      %get3A_145 = tpu.vector_load %arg5[%get3A_143, %get3A_144] {strides = array<i32>} : memref<80x128xi32, #tpu.memory_space<vmem>>, vector<16xi32>,
      %get3A_146 = arith.index_cast %scan3A_127 : i32 to index
      %get3A_147 = arith.constant 96 : index
      %get3A_148 = tpu.vector_load %arg5[%get3A_146, %get3A_147] {strides = array<i32>} : memref<80x128xi32, #tpu.memory_space<vmem>>, vector<16xi32>,
      %get3A_149 = arith.index_cast %scan3A_127 : i32 to index
      %get3A_150 = arith.constant 112 : index
      %get3A_151 = tpu.vector_load %arg5[%get3A_149, %get3A_150] {strides = array<i32>} : memref<80x128xi32, #tpu.memory_space<vmem>>, vector<16xi32>,
      %shift_right_arithmetic3A_152 = arith.constant 7 : i32
      %shift_right_arithmetic3A_153 = vector.broadcast %shift_right_arithmetic3A_152 : i32 to vector<16xi32>
      %shift_right_arithmetic3A_154 = arith.shrsi %get3A_130, %shift_right_arithmetic3A_153 : vector<16xi32>
      %and3A_155 = arith.constant 127 : i32
      %and3A_156 = vector.broadcast %and3A_155 : i32 to vector<16xi32>
      %and3A_157 = arith.andi %get3A_130, %and3A_156 : vector<16xi32>
      tpu.vector_store_idx %arg10[%shift_right_arithmetic3A_154, %and3A_157], %broadcast_in_dim3A_0 {add = true} : memref<80x128xf32, #tpu.memory_space<vmem>>[vector<16xi32>, vector<16xi32>], vector<16xf32>,
      %shift_right_arithmetic3A_158 = arith.constant 7 : i32
      %shift_right_arithmetic3A_159 = vector.broadcast %shift_right_arithmetic3A_158 : i32 to vector<16xi32>
      %shift_right_arithmetic3A_160 = arith.shrsi %get3A_133, %shift_right_arithmetic3A_159 : vector<16xi32>
      %and3A_161 = arith.constant 127 : i32
      %and3A_162 = vector.broadcast %and3A_161 : i32 to vector<16xi32>
      %and3A_163 = arith.andi %get3A_133, %and3A_162 : vector<16xi32>
      tpu.vector_store_idx %arg10[%shift_right_arithmetic3A_160, %and3A_163], %broadcast_in_dim3A_0 {add = true} : memref<80x128xf32, #tpu.memory_space<vmem>>[vector<16xi32>, vector<16xi32>], vector<16xf32>,
      %shift_right_arithmetic3A_164 = arith.constant 7 : i32
      %shift_right_arithmetic3A_165 = vector.broadcast %shift_right_arithmetic3A_164 : i32 to vector<16xi32>
      %shift_right_arithmetic3A_166 = arith.shrsi %get3A_136, %shift_right_arithmetic3A_165 : vector<16xi32>
      %and3A_167 = arith.constant 127 : i32
      %and3A_168 = vector.broadcast %and3A_167 : i32 to vector<16xi32>
      %and3A_169 = arith.andi %get3A_136, %and3A_168 : vector<16xi32>
      tpu.vector_store_idx %arg10[%shift_right_arithmetic3A_166, %and3A_169], %broadcast_in_dim3A_0 {add = true} : memref<80x128xf32, #tpu.memory_space<vmem>>[vector<16xi32>, vector<16xi32>], vector<16xf32>,
      %shift_right_arithmetic3A_170 = arith.constant 7 : i32
      %shift_right_arithmetic3A_171 = vector.broadcast %shift_right_arithmetic3A_170 : i32 to vector<16xi32>
      %shift_right_arithmetic3A_172 = arith.shrsi %get3A_139, %shift_right_arithmetic3A_171 : vector<16xi32>
      %and3A_173 = arith.constant 127 : i32
      %and3A_174 = vector.broadcast %and3A_173 : i32 to vector<16xi32>
      %and3A_175 = arith.andi %get3A_139, %and3A_174 : vector<16xi32>
      tpu.vector_store_idx %arg10[%shift_right_arithmetic3A_172, %and3A_175], %broadcast_in_dim3A_0 {add = true} : memref<80x128xf32, #tpu.memory_space<vmem>>[vector<16xi32>, vector<16xi32>], vector<16xf32>,
      %shift_right_arithmetic3A_176 = arith.constant 7 : i32
      %shift_right_arithmetic3A_177 = vector.broadcast %shift_right_arithmetic3A_176 : i32 to vector<16xi32>
      %shift_right_arithmetic3A_178 = arith.shrsi %get3A_142, %shift_right_arithmetic3A_177 : vector<16xi32>
      %and3A_179 = arith.constant 127 : i32
      %and3A_180 = vector.broadcast %and3A_179 : i32 to vector<16xi32>
      %and3A_181 = arith.andi %get3A_142, %and3A_180 : vector<16xi32>
      tpu.vector_store_idx %arg10[%shift_right_arithmetic3A_178, %and3A_181], %broadcast_in_dim3A_0 {add = true} : memref<80x128xf32, #tpu.memory_space<vmem>>[vector<16xi32>, vector<16xi32>], vector<16xf32>,
      %shift_right_arithmetic3A_182 = arith.constant 7 : i32
      %shift_right_arithmetic3A_183 = vector.broadcast %shift_right_arithmetic3A_182 : i32 to vector<16xi32>
      %shift_right_arithmetic3A_184 = arith.shrsi %get3A_145, %shift_right_arithmetic3A_183 : vector<16xi32>
      %and3A_185 = arith.constant 127 : i32
      %and3A_186 = vector.broadcast %and3A_185 : i32 to vector<16xi32>
      %and3A_187 = arith.andi %get3A_145, %and3A_186 : vector<16xi32>
      tpu.vector_store_idx %arg10[%shift_right_arithmetic3A_184, %and3A_187], %broadcast_in_dim3A_0 {add = true} : memref<80x128xf32, #tpu.memory_space<vmem>>[vector<16xi32>, vector<16xi32>], vector<16xf32>,
      %shift_right_arithmetic3A_188 = arith.constant 7 : i32
      %shift_right_arithmetic3A_189 = vector.broadcast %shift_right_arithmetic3A_188 : i32 to vector<16xi32>
      %shift_right_arithmetic3A_190 = arith.shrsi %get3A_148, %shift_right_arithmetic3A_189 : vector<16xi32>
      %and3A_191 = arith.constant 127 : i32
      %and3A_192 = vector.broadcast %and3A_191 : i32 to vector<16xi32>
      %and3A_193 = arith.andi %get3A_148, %and3A_192 : vector<16xi32>
      tpu.vector_store_idx %arg10[%shift_right_arithmetic3A_190, %and3A_193], %broadcast_in_dim3A_0 {add = true} : memref<80x128xf32, #tpu.memory_space<vmem>>[vector<16xi32>, vector<16xi32>], vector<16xf32>,
      %shift_right_arithmetic3A_194 = arith.constant 7 : i32
      %shift_right_arithmetic3A_195 = vector.broadcast %shift_right_arithmetic3A_194 : i32 to vector<16xi32>
      %shift_right_arithmetic3A_196 = arith.shrsi %get3A_151, %shift_right_arithmetic3A_195 : vector<16xi32>
      %and3A_197 = arith.constant 127 : i32
      %and3A_198 = vector.broadcast %and3A_197 : i32 to vector<16xi32>
      %and3A_199 = arith.andi %get3A_151, %and3A_198 : vector<16xi32>
      tpu.vector_store_idx %arg10[%shift_right_arithmetic3A_196, %and3A_199], %broadcast_in_dim3A_0 {add = true} : memref<80x128xf32, #tpu.memory_space<vmem>>[vector<16xi32>, vector<16xi32>], vector<16xf32>,
    }
    %scan3A_94 = arith.constant 78 : i32
    %get3A = arith.constant 78 : i32
    %get3A_95 = arith.index_cast %get3A : i32 to index
    %get3A_96 = arith.constant 0 : index
    %get3A_97 = tpu.vector_load %arg5[%get3A_95, %get3A_96] {strides = array<i32>} : memref<80x128xi32, #tpu.memory_space<vmem>>, vector<16xi32>,
    %shift_right_arithmetic3A = arith.constant 7 : i32
    %shift_right_arithmetic3A_98 = vector.broadcast %shift_right_arithmetic3A : i32 to vector<16xi32>
    %shift_right_arithmetic3A_99 = arith.shrsi %get3A_97, %shift_right_arithmetic3A_98 : vector<16xi32>
    %and3A = arith.constant 127 : i32
    %and3A_100 = vector.broadcast %and3A : i32 to vector<16xi32>
    %and3A_101 = arith.andi %get3A_97, %and3A_100 : vector<16xi32>
    tpu.vector_store_idx %arg10[%shift_right_arithmetic3A_99, %and3A_101], %broadcast_in_dim3A_0 {add = true} : memref<80x128xf32, #tpu.memory_space<vmem>>[vector<16xi32>, vector<16xi32>], vector<16xf32>,
    "tpu.region"() ({
      %run_scoped3A = tpu.sem_alloc : memref<!tpu.dma_semaphore, #tpu.memory_space<semaphore_mem>>
      %dma_start3A = arith.constant 0 : i32
      %dma_start3A_127 = arith.constant 0 : i32
      %dma_start3A_128 = tpu.memref_slice %arg14[%dma_start3A, %dma_start3A_127] : memref<80x128xf32, #tpu.memory_space<vmem_shared>> -> memref<80x128xf32, #tpu.memory_space<vmem_shared>>
      tpu.enqueue_indirect_dma source(%arg10 : memref<80x128xf32, #tpu.memory_space<vmem>>) target(%dma_start3A_128 : memref<80x128xf32, #tpu.memory_space<vmem_shared>>) offsets(%arg13 : memref<80xi32, #tpu.memory_space<vmem>>) semaphore(%run_scoped3A : memref<!tpu.dma_semaphore, #tpu.memory_space<semaphore_mem>>) {add = true}
      %dma_wait3A = arith.constant 0 : i32
      %dma_wait3A_129 = arith.constant 0 : i32
      %dma_wait3A_130 = tpu.memref_slice %arg14[%dma_wait3A, %dma_wait3A_129] : memref<80x128xf32, #tpu.memory_space<vmem_shared>> -> memref<80x128xf32, #tpu.memory_space<vmem_shared>>
      tpu.wait_indirect_dma semaphore(%run_scoped3A : memref<!tpu.dma_semaphore, #tpu.memory_space<semaphore_mem>>) src(%arg10 : memref<80x128xf32, #tpu.memory_space<vmem>>) dst(%dma_wait3A_130 : memref<80x128xf32, #tpu.memory_space<vmem_shared>>)
      tpu.yield
    }) : () -> ()
    %barrier3A_102 = arith.constant 0 : index
    tpu.barrier barrier_id(%barrier3A_102)
    "tpu.region"() ({
      %run_scoped3A = tpu.sem_alloc : memref<!tpu.dma_semaphore, #tpu.memory_space<semaphore_mem>>
      tpu.enqueue_dma source(%arg14 : memref<80x128xf32, #tpu.memory_space<vmem_shared>>) target(%arg9 : memref<80x128xf32, #tpu.memory_space<vmem>>) target_semaphore(%run_scoped3A : memref<!tpu.dma_semaphore, #tpu.memory_space<semaphore_mem>>)
      tpu.wait_dma2 semaphore(%run_scoped3A : memref<!tpu.dma_semaphore, #tpu.memory_space<semaphore_mem>>) src(%arg14 : memref<80x128xf32, #tpu.memory_space<vmem_shared>>) dst(%arg9 : memref<80x128xf32, #tpu.memory_space<vmem>>)
      tpu.yield
    }) : () -> ()
    %barrier3A_103 = arith.constant 0 : index
    tpu.barrier barrier_id(%barrier3A_103)
    %eq3A_104 = arith.constant 0 : i32
    %eq3A_105 = arith.cmpi eq, %arg1, %eq3A_104 : i32
    %convert_element_type3A_106 = arith.extui %eq3A_105 : i1 to i32
    %cond3A_107 = arith.constant 0 : i32
    %cond3A_108 = arith.cmpi ne, %convert_element_type3A_106, %cond3A_107 : i32
    scf.if %cond3A_108 {
      "tpu.region"() ({
        %run_scoped3A = tpu.sem_alloc : memref<!tpu.dma_semaphore, #tpu.memory_space<semaphore_mem>>
        tpu.enqueue_dma source(%arg12 : memref<80x128xf32, #tpu.memory_space<vmem>>) target(%arg14 : memref<80x128xf32, #tpu.memory_space<vmem_shared>>) target_semaphore(%run_scoped3A : memref<!tpu.dma_semaphore, #tpu.memory_space<semaphore_mem>>)
        tpu.wait_dma2 semaphore(%run_scoped3A : memref<!tpu.dma_semaphore, #tpu.memory_space<semaphore_mem>>) src(%arg12 : memref<80x128xf32, #tpu.memory_space<vmem>>) dst(%arg14 : memref<80x128xf32, #tpu.memory_space<vmem_shared>>)
        tpu.yield
      }) : () -> ()
    } else {
    }
    %parallel_loop3A_109 = arith.constant 0 : i32
    %parallel_loop3A_110 = arith.constant 80 : i32
    %parallel_loop3A_111 = arith.constant 1 : i32
    scf.for %parallel_loop3A_127 = %parallel_loop3A_109 to %parallel_loop3A_110 step %parallel_loop3A_111  : i32 {
      %parallel_loop3A_128 = arith.index_cast %parallel_loop3A_127 : i32 to index
      %parallel_loop3A_129 = arith.constant 0 : index
      %parallel_loop3A_130 = tpu.vector_load %arg9[%parallel_loop3A_128, %parallel_loop3A_129] {strides = array<i32>} : memref<80x128xf32, #tpu.memory_space<vmem>>, vector<16xf32>,
      %parallel_loop3A_131 = arith.constant 1.000000e+00 : f32
      %parallel_loop3A_132 = vector.broadcast %parallel_loop3A_131 : f32 to vector<16xf32>
      %parallel_loop3A_133 = arith.addf %parallel_loop3A_130, %parallel_loop3A_132 : vector<16xf32>
      %parallel_loop3A_134 = vector.bitcast %parallel_loop3A_133 : vector<16xf32> to vector<16xi32>
      %parallel_loop3A_135 = arith.constant 1 : i32
      %parallel_loop3A_136 = vector.broadcast %parallel_loop3A_135 : i32 to vector<16xi32>
      %parallel_loop3A_137 = arith.shrui %parallel_loop3A_134, %parallel_loop3A_136 : vector<16xi32>
      %parallel_loop3A_138 = arith.constant 1597463007 : i32
      %parallel_loop3A_139 = vector.broadcast %parallel_loop3A_138 : i32 to vector<16xi32>
      %parallel_loop3A_140 = arith.subi %parallel_loop3A_139, %parallel_loop3A_137 : vector<16xi32>
      %parallel_loop3A_141 = vector.bitcast %parallel_loop3A_140 : vector<16xi32> to vector<16xf32>
      %parallel_loop3A_142 = arith.constant 5.000000e-01 : f32
      %parallel_loop3A_143 = vector.broadcast %parallel_loop3A_142 : f32 to vector<16xf32>
      %parallel_loop3A_144 = arith.mulf %parallel_loop3A_143, %parallel_loop3A_133 : vector<16xf32>
      %parallel_loop3A_145 = arith.mulf %parallel_loop3A_144, %parallel_loop3A_141 : vector<16xf32>
      %parallel_loop3A_146 = arith.mulf %parallel_loop3A_145, %parallel_loop3A_141 : vector<16xf32>
      %parallel_loop3A_147 = arith.constant 1.500000e+00 : f32
      %parallel_loop3A_148 = vector.broadcast %parallel_loop3A_147 : f32 to vector<16xf32>
      %parallel_loop3A_149 = arith.subf %parallel_loop3A_148, %parallel_loop3A_146 : vector<16xf32>
      %parallel_loop3A_150 = arith.mulf %parallel_loop3A_141, %parallel_loop3A_149 : vector<16xf32>
      %parallel_loop3A_151 = arith.constant 5.000000e-01 : f32
      %parallel_loop3A_152 = vector.broadcast %parallel_loop3A_151 : f32 to vector<16xf32>
      %parallel_loop3A_153 = arith.mulf %parallel_loop3A_152, %parallel_loop3A_133 : vector<16xf32>
      %parallel_loop3A_154 = arith.mulf %parallel_loop3A_153, %parallel_loop3A_150 : vector<16xf32>
      %parallel_loop3A_155 = arith.mulf %parallel_loop3A_154, %parallel_loop3A_150 : vector<16xf32>
      %parallel_loop3A_156 = arith.constant 1.500000e+00 : f32
      %parallel_loop3A_157 = vector.broadcast %parallel_loop3A_156 : f32 to vector<16xf32>
      %parallel_loop3A_158 = arith.subf %parallel_loop3A_157, %parallel_loop3A_155 : vector<16xf32>
      %parallel_loop3A_159 = arith.mulf %parallel_loop3A_150, %parallel_loop3A_158 : vector<16xf32>
      %parallel_loop3A_160 = arith.constant 5.000000e-01 : f32
      %parallel_loop3A_161 = vector.broadcast %parallel_loop3A_160 : f32 to vector<16xf32>
      %parallel_loop3A_162 = arith.mulf %parallel_loop3A_161, %parallel_loop3A_133 : vector<16xf32>
      %parallel_loop3A_163 = arith.mulf %parallel_loop3A_162, %parallel_loop3A_159 : vector<16xf32>
      %parallel_loop3A_164 = arith.mulf %parallel_loop3A_163, %parallel_loop3A_159 : vector<16xf32>
      %parallel_loop3A_165 = arith.constant 1.500000e+00 : f32
      %parallel_loop3A_166 = vector.broadcast %parallel_loop3A_165 : f32 to vector<16xf32>
      %parallel_loop3A_167 = arith.subf %parallel_loop3A_166, %parallel_loop3A_164 : vector<16xf32>
      %parallel_loop3A_168 = arith.mulf %parallel_loop3A_159, %parallel_loop3A_167 : vector<16xf32>
      %parallel_loop3A_169 = arith.index_cast %parallel_loop3A_127 : i32 to index
      %parallel_loop3A_170 = arith.constant 0 : index
      %parallel_loop3A_171 = tpu.vector_load %arg9[%parallel_loop3A_169, %parallel_loop3A_170] {strides = array<i32>} : memref<80x128xf32, #tpu.memory_space<vmem>>, vector<16xf32>,
      tpu.vector_store %arg9[%parallel_loop3A_169, %parallel_loop3A_170], %parallel_loop3A_168 {strides = array<i32>} : memref<80x128xf32, #tpu.memory_space<vmem>>, vector<16xf32>,
      %parallel_loop3A_172 = arith.index_cast %parallel_loop3A_127 : i32 to index
      %parallel_loop3A_173 = arith.constant 0 : index
      %parallel_loop3A_174 = tpu.vector_load %arg10[%parallel_loop3A_172, %parallel_loop3A_173] {strides = array<i32>} : memref<80x128xf32, #tpu.memory_space<vmem>>, vector<16xf32>,
      tpu.vector_store %arg10[%parallel_loop3A_172, %parallel_loop3A_173], %broadcast_in_dim3A_2 {strides = array<i32>} : memref<80x128xf32, #tpu.memory_space<vmem>>, vector<16xf32>,
      %parallel_loop3A_175 = arith.index_cast %parallel_loop3A_127 : i32 to index
      %parallel_loop3A_176 = arith.constant 0 : index
      %parallel_loop3A_177 = tpu.vector_load %arg8[%parallel_loop3A_175, %parallel_loop3A_176] {strides = array<i32>} : memref<80x128xf32, #tpu.memory_space<vmem>>, vector<16xf32>,
      %parallel_loop3A_178 = arith.constant 1.000000e-01 : f32
      %parallel_loop3A_179 = vector.broadcast %parallel_loop3A_178 : f32 to vector<16xf32>
      %parallel_loop3A_180 = arith.mulf %parallel_loop3A_179, %parallel_loop3A_177 : vector<16xf32>
      %parallel_loop3A_181 = arith.index_cast %parallel_loop3A_127 : i32 to index
      %parallel_loop3A_182 = arith.constant 0 : index
      %parallel_loop3A_183 = tpu.vector_load %arg11[%parallel_loop3A_181, %parallel_loop3A_182] {strides = array<i32>} : memref<80x128xf32, #tpu.memory_space<vmem>>, vector<16xf32>,
      tpu.vector_store %arg11[%parallel_loop3A_181, %parallel_loop3A_182], %parallel_loop3A_180 {strides = array<i32>} : memref<80x128xf32, #tpu.memory_space<vmem>>, vector<16xf32>,
      %parallel_loop3A_184 = arith.mulf %parallel_loop3A_168, %parallel_loop3A_177 : vector<16xf32>
      %parallel_loop3A_185 = arith.index_cast %parallel_loop3A_127 : i32 to index
      %parallel_loop3A_186 = arith.constant 0 : index
      %parallel_loop3A_187 = tpu.vector_load %arg7[%parallel_loop3A_185, %parallel_loop3A_186] {strides = array<i32>} : memref<80x128xf32, #tpu.memory_space<vmem>>, vector<16xf32>,
      tpu.vector_store %arg7[%parallel_loop3A_185, %parallel_loop3A_186], %parallel_loop3A_184 {strides = array<i32>} : memref<80x128xf32, #tpu.memory_space<vmem>>, vector<16xf32>,
      %parallel_loop3A_188 = arith.index_cast %parallel_loop3A_127 : i32 to index
      %parallel_loop3A_189 = arith.constant 16 : index
      %parallel_loop3A_190 = tpu.vector_load %arg9[%parallel_loop3A_188, %parallel_loop3A_189] {strides = array<i32>} : memref<80x128xf32, #tpu.memory_space<vmem>>, vector<16xf32>,
      %parallel_loop3A_191 = arith.constant 1.000000e+00 : f32
      %parallel_loop3A_192 = vector.broadcast %parallel_loop3A_191 : f32 to vector<16xf32>
      %parallel_loop3A_193 = arith.addf %parallel_loop3A_190, %parallel_loop3A_192 : vector<16xf32>
      %parallel_loop3A_194 = vector.bitcast %parallel_loop3A_193 : vector<16xf32> to vector<16xi32>
      %parallel_loop3A_195 = arith.constant 1 : i32
      %parallel_loop3A_196 = vector.broadcast %parallel_loop3A_195 : i32 to vector<16xi32>
      %parallel_loop3A_197 = arith.shrui %parallel_loop3A_194, %parallel_loop3A_196 : vector<16xi32>
      %parallel_loop3A_198 = arith.constant 1597463007 : i32
      %parallel_loop3A_199 = vector.broadcast %parallel_loop3A_198 : i32 to vector<16xi32>
      %parallel_loop3A_200 = arith.subi %parallel_loop3A_199, %parallel_loop3A_197 : vector<16xi32>
      %parallel_loop3A_201 = vector.bitcast %parallel_loop3A_200 : vector<16xi32> to vector<16xf32>
      %parallel_loop3A_202 = arith.constant 5.000000e-01 : f32
      %parallel_loop3A_203 = vector.broadcast %parallel_loop3A_202 : f32 to vector<16xf32>
      %parallel_loop3A_204 = arith.mulf %parallel_loop3A_203, %parallel_loop3A_193 : vector<16xf32>
      %parallel_loop3A_205 = arith.mulf %parallel_loop3A_204, %parallel_loop3A_201 : vector<16xf32>
      %parallel_loop3A_206 = arith.mulf %parallel_loop3A_205, %parallel_loop3A_201 : vector<16xf32>
      %parallel_loop3A_207 = arith.constant 1.500000e+00 : f32
      %parallel_loop3A_208 = vector.broadcast %parallel_loop3A_207 : f32 to vector<16xf32>
      %parallel_loop3A_209 = arith.subf %parallel_loop3A_208, %parallel_loop3A_206 : vector<16xf32>
      %parallel_loop3A_210 = arith.mulf %parallel_loop3A_201, %parallel_loop3A_209 : vector<16xf32>
      %parallel_loop3A_211 = arith.constant 5.000000e-01 : f32
      %parallel_loop3A_212 = vector.broadcast %parallel_loop3A_211 : f32 to vector<16xf32>
      %parallel_loop3A_213 = arith.mulf %parallel_loop3A_212, %parallel_loop3A_193 : vector<16xf32>
      %parallel_loop3A_214 = arith.mulf %parallel_loop3A_213, %parallel_loop3A_210 : vector<16xf32>
      %parallel_loop3A_215 = arith.mulf %parallel_loop3A_214, %parallel_loop3A_210 : vector<16xf32>
      %parallel_loop3A_216 = arith.constant 1.500000e+00 : f32
      %parallel_loop3A_217 = vector.broadcast %parallel_loop3A_216 : f32 to vector<16xf32>
      %parallel_loop3A_218 = arith.subf %parallel_loop3A_217, %parallel_loop3A_215 : vector<16xf32>
      %parallel_loop3A_219 = arith.mulf %parallel_loop3A_210, %parallel_loop3A_218 : vector<16xf32>
      %parallel_loop3A_220 = arith.constant 5.000000e-01 : f32
      %parallel_loop3A_221 = vector.broadcast %parallel_loop3A_220 : f32 to vector<16xf32>
      %parallel_loop3A_222 = arith.mulf %parallel_loop3A_221, %parallel_loop3A_193 : vector<16xf32>
      %parallel_loop3A_223 = arith.mulf %parallel_loop3A_222, %parallel_loop3A_219 : vector<16xf32>
      %parallel_loop3A_224 = arith.mulf %parallel_loop3A_223, %parallel_loop3A_219 : vector<16xf32>
      %parallel_loop3A_225 = arith.constant 1.500000e+00 : f32
      %parallel_loop3A_226 = vector.broadcast %parallel_loop3A_225 : f32 to vector<16xf32>
      %parallel_loop3A_227 = arith.subf %parallel_loop3A_226, %parallel_loop3A_224 : vector<16xf32>
      %parallel_loop3A_228 = arith.mulf %parallel_loop3A_219, %parallel_loop3A_227 : vector<16xf32>
      %parallel_loop3A_229 = arith.index_cast %parallel_loop3A_127 : i32 to index
      %parallel_loop3A_230 = arith.constant 16 : index
      %parallel_loop3A_231 = tpu.vector_load %arg9[%parallel_loop3A_229, %parallel_loop3A_230] {strides = array<i32>} : memref<80x128xf32, #tpu.memory_space<vmem>>, vector<16xf32>,
      tpu.vector_store %arg9[%parallel_loop3A_229, %parallel_loop3A_230], %parallel_loop3A_228 {strides = array<i32>} : memref<80x128xf32, #tpu.memory_space<vmem>>, vector<16xf32>,
      %parallel_loop3A_232 = arith.index_cast %parallel_loop3A_127 : i32 to index
      %parallel_loop3A_233 = arith.constant 16 : index
      %parallel_loop3A_234 = tpu.vector_load %arg10[%parallel_loop3A_232, %parallel_loop3A_233] {strides = array<i32>} : memref<80x128xf32, #tpu.memory_space<vmem>>, vector<16xf32>,
      tpu.vector_store %arg10[%parallel_loop3A_232, %parallel_loop3A_233], %broadcast_in_dim3A_2 {strides = array<i32>} : memref<80x128xf32, #tpu.memory_space<vmem>>, vector<16xf32>,
      %parallel_loop3A_235 = arith.index_cast %parallel_loop3A_127 : i32 to index
      %parallel_loop3A_236 = arith.constant 16 : index
      %parallel_loop3A_237 = tpu.vector_load %arg8[%parallel_loop3A_235, %parallel_loop3A_236] {strides = array<i32>} : memref<80x128xf32, #tpu.memory_space<vmem>>, vector<16xf32>,
      %parallel_loop3A_238 = arith.constant 1.000000e-01 : f32
      %parallel_loop3A_239 = vector.broadcast %parallel_loop3A_238 : f32 to vector<16xf32>
      %parallel_loop3A_240 = arith.mulf %parallel_loop3A_239, %parallel_loop3A_237 : vector<16xf32>
      %parallel_loop3A_241 = arith.index_cast %parallel_loop3A_127 : i32 to index
      %parallel_loop3A_242 = arith.constant 16 : index
      %parallel_loop3A_243 = tpu.vector_load %arg11[%parallel_loop3A_241, %parallel_loop3A_242] {strides = array<i32>} : memref<80x128xf32, #tpu.memory_space<vmem>>, vector<16xf32>,
      tpu.vector_store %arg11[%parallel_loop3A_241, %parallel_loop3A_242], %parallel_loop3A_240 {strides = array<i32>} : memref<80x128xf32, #tpu.memory_space<vmem>>, vector<16xf32>,
      %parallel_loop3A_244 = arith.mulf %parallel_loop3A_228, %parallel_loop3A_237 : vector<16xf32>
      %parallel_loop3A_245 = arith.index_cast %parallel_loop3A_127 : i32 to index
      %parallel_loop3A_246 = arith.constant 16 : index
      %parallel_loop3A_247 = tpu.vector_load %arg7[%parallel_loop3A_245, %parallel_loop3A_246] {strides = array<i32>} : memref<80x128xf32, #tpu.memory_space<vmem>>, vector<16xf32>,
      tpu.vector_store %arg7[%parallel_loop3A_245, %parallel_loop3A_246], %parallel_loop3A_244 {strides = array<i32>} : memref<80x128xf32, #tpu.memory_space<vmem>>, vector<16xf32>,
      %parallel_loop3A_248 = arith.index_cast %parallel_loop3A_127 : i32 to index
      %parallel_loop3A_249 = arith.constant 32 : index
      %parallel_loop3A_250 = tpu.vector_load %arg9[%parallel_loop3A_248, %parallel_loop3A_249] {strides = array<i32>} : memref<80x128xf32, #tpu.memory_space<vmem>>, vector<16xf32>,
      %parallel_loop3A_251 = arith.constant 1.000000e+00 : f32
      %parallel_loop3A_252 = vector.broadcast %parallel_loop3A_251 : f32 to vector<16xf32>
      %parallel_loop3A_253 = arith.addf %parallel_loop3A_250, %parallel_loop3A_252 : vector<16xf32>
      %parallel_loop3A_254 = vector.bitcast %parallel_loop3A_253 : vector<16xf32> to vector<16xi32>
      %parallel_loop3A_255 = arith.constant 1 : i32
      %parallel_loop3A_256 = vector.broadcast %parallel_loop3A_255 : i32 to vector<16xi32>
      %parallel_loop3A_257 = arith.shrui %parallel_loop3A_254, %parallel_loop3A_256 : vector<16xi32>
      %parallel_loop3A_258 = arith.constant 1597463007 : i32
      %parallel_loop3A_259 = vector.broadcast %parallel_loop3A_258 : i32 to vector<16xi32>
      %parallel_loop3A_260 = arith.subi %parallel_loop3A_259, %parallel_loop3A_257 : vector<16xi32>
      %parallel_loop3A_261 = vector.bitcast %parallel_loop3A_260 : vector<16xi32> to vector<16xf32>
      %parallel_loop3A_262 = arith.constant 5.000000e-01 : f32
      %parallel_loop3A_263 = vector.broadcast %parallel_loop3A_262 : f32 to vector<16xf32>
      %parallel_loop3A_264 = arith.mulf %parallel_loop3A_263, %parallel_loop3A_253 : vector<16xf32>
      %parallel_loop3A_265 = arith.mulf %parallel_loop3A_264, %parallel_loop3A_261 : vector<16xf32>
      %parallel_loop3A_266 = arith.mulf %parallel_loop3A_265, %parallel_loop3A_261 : vector<16xf32>
      %parallel_loop3A_267 = arith.constant 1.500000e+00 : f32
      %parallel_loop3A_268 = vector.broadcast %parallel_loop3A_267 : f32 to vector<16xf32>
      %parallel_loop3A_269 = arith.subf %parallel_loop3A_268, %parallel_loop3A_266 : vector<16xf32>
      %parallel_loop3A_270 = arith.mulf %parallel_loop3A_261, %parallel_loop3A_269 : vector<16xf32>
      %parallel_loop3A_271 = arith.constant 5.000000e-01 : f32
      %parallel_loop3A_272 = vector.broadcast %parallel_loop3A_271 : f32 to vector<16xf32>
      %parallel_loop3A_273 = arith.mulf %parallel_loop3A_272, %parallel_loop3A_253 : vector<16xf32>
      %parallel_loop3A_274 = arith.mulf %parallel_loop3A_273, %parallel_loop3A_270 : vector<16xf32>
      %parallel_loop3A_275 = arith.mulf %parallel_loop3A_274, %parallel_loop3A_270 : vector<16xf32>
      %parallel_loop3A_276 = arith.constant 1.500000e+00 : f32
      %parallel_loop3A_277 = vector.broadcast %parallel_loop3A_276 : f32 to vector<16xf32>
      %parallel_loop3A_278 = arith.subf %parallel_loop3A_277, %parallel_loop3A_275 : vector<16xf32>
      %parallel_loop3A_279 = arith.mulf %parallel_loop3A_270, %parallel_loop3A_278 : vector<16xf32>
      %parallel_loop3A_280 = arith.constant 5.000000e-01 : f32
      %parallel_loop3A_281 = vector.broadcast %parallel_loop3A_280 : f32 to vector<16xf32>
      %parallel_loop3A_282 = arith.mulf %parallel_loop3A_281, %parallel_loop3A_253 : vector<16xf32>
      %parallel_loop3A_283 = arith.mulf %parallel_loop3A_282, %parallel_loop3A_279 : vector<16xf32>
      %parallel_loop3A_284 = arith.mulf %parallel_loop3A_283, %parallel_loop3A_279 : vector<16xf32>
      %parallel_loop3A_285 = arith.constant 1.500000e+00 : f32
      %parallel_loop3A_286 = vector.broadcast %parallel_loop3A_285 : f32 to vector<16xf32>
      %parallel_loop3A_287 = arith.subf %parallel_loop3A_286, %parallel_loop3A_284 : vector<16xf32>
      %parallel_loop3A_288 = arith.mulf %parallel_loop3A_279, %parallel_loop3A_287 : vector<16xf32>
      %parallel_loop3A_289 = arith.index_cast %parallel_loop3A_127 : i32 to index
      %parallel_loop3A_290 = arith.constant 32 : index
      %parallel_loop3A_291 = tpu.vector_load %arg9[%parallel_loop3A_289, %parallel_loop3A_290] {strides = array<i32>} : memref<80x128xf32, #tpu.memory_space<vmem>>, vector<16xf32>,
      tpu.vector_store %arg9[%parallel_loop3A_289, %parallel_loop3A_290], %parallel_loop3A_288 {strides = array<i32>} : memref<80x128xf32, #tpu.memory_space<vmem>>, vector<16xf32>,
      %parallel_loop3A_292 = arith.index_cast %parallel_loop3A_127 : i32 to index
      %parallel_loop3A_293 = arith.constant 32 : index
      %parallel_loop3A_294 = tpu.vector_load %arg10[%parallel_loop3A_292, %parallel_loop3A_293] {strides = array<i32>} : memref<80x128xf32, #tpu.memory_space<vmem>>, vector<16xf32>,
      tpu.vector_store %arg10[%parallel_loop3A_292, %parallel_loop3A_293], %broadcast_in_dim3A_2 {strides = array<i32>} : memref<80x128xf32, #tpu.memory_space<vmem>>, vector<16xf32>,
      %parallel_loop3A_295 = arith.index_cast %parallel_loop3A_127 : i32 to index
      %parallel_loop3A_296 = arith.constant 32 : index
      %parallel_loop3A_297 = tpu.vector_load %arg8[%parallel_loop3A_295, %parallel_loop3A_296] {strides = array<i32>} : memref<80x128xf32, #tpu.memory_space<vmem>>, vector<16xf32>,
      %parallel_loop3A_298 = arith.constant 1.000000e-01 : f32
      %parallel_loop3A_299 = vector.broadcast %parallel_loop3A_298 : f32 to vector<16xf32>
      %parallel_loop3A_300 = arith.mulf %parallel_loop3A_299, %parallel_loop3A_297 : vector<16xf32>
      %parallel_loop3A_301 = arith.index_cast %parallel_loop3A_127 : i32 to index
      %parallel_loop3A_302 = arith.constant 32 : index
      %parallel_loop3A_303 = tpu.vector_load %arg11[%parallel_loop3A_301, %parallel_loop3A_302] {strides = array<i32>} : memref<80x128xf32, #tpu.memory_space<vmem>>, vector<16xf32>,
      tpu.vector_store %arg11[%parallel_loop3A_301, %parallel_loop3A_302], %parallel_loop3A_300 {strides = array<i32>} : memref<80x128xf32, #tpu.memory_space<vmem>>, vector<16xf32>,
      %parallel_loop3A_304 = arith.mulf %parallel_loop3A_288, %parallel_loop3A_297 : vector<16xf32>
      %parallel_loop3A_305 = arith.index_cast %parallel_loop3A_127 : i32 to index
      %parallel_loop3A_306 = arith.constant 32 : index
      %parallel_loop3A_307 = tpu.vector_load %arg7[%parallel_loop3A_305, %parallel_loop3A_306] {strides = array<i32>} : memref<80x128xf32, #tpu.memory_space<vmem>>, vector<16xf32>,
      tpu.vector_store %arg7[%parallel_loop3A_305, %parallel_loop3A_306], %parallel_loop3A_304 {strides = array<i32>} : memref<80x128xf32, #tpu.memory_space<vmem>>, vector<16xf32>,
      %parallel_loop3A_308 = arith.index_cast %parallel_loop3A_127 : i32 to index
      %parallel_loop3A_309 = arith.constant 48 : index
      %parallel_loop3A_310 = tpu.vector_load %arg9[%parallel_loop3A_308, %parallel_loop3A_309] {strides = array<i32>} : memref<80x128xf32, #tpu.memory_space<vmem>>, vector<16xf32>,
      %parallel_loop3A_311 = arith.constant 1.000000e+00 : f32
      %parallel_loop3A_312 = vector.broadcast %parallel_loop3A_311 : f32 to vector<16xf32>
      %parallel_loop3A_313 = arith.addf %parallel_loop3A_310, %parallel_loop3A_312 : vector<16xf32>
      %parallel_loop3A_314 = vector.bitcast %parallel_loop3A_313 : vector<16xf32> to vector<16xi32>
      %parallel_loop3A_315 = arith.constant 1 : i32
      %parallel_loop3A_316 = vector.broadcast %parallel_loop3A_315 : i32 to vector<16xi32>
      %parallel_loop3A_317 = arith.shrui %parallel_loop3A_314, %parallel_loop3A_316 : vector<16xi32>
      %parallel_loop3A_318 = arith.constant 1597463007 : i32
      %parallel_loop3A_319 = vector.broadcast %parallel_loop3A_318 : i32 to vector<16xi32>
      %parallel_loop3A_320 = arith.subi %parallel_loop3A_319, %parallel_loop3A_317 : vector<16xi32>
      %parallel_loop3A_321 = vector.bitcast %parallel_loop3A_320 : vector<16xi32> to vector<16xf32>
      %parallel_loop3A_322 = arith.constant 5.000000e-01 : f32
      %parallel_loop3A_323 = vector.broadcast %parallel_loop3A_322 : f32 to vector<16xf32>
      %parallel_loop3A_324 = arith.mulf %parallel_loop3A_323, %parallel_loop3A_313 : vector<16xf32>
      %parallel_loop3A_325 = arith.mulf %parallel_loop3A_324, %parallel_loop3A_321 : vector<16xf32>
      %parallel_loop3A_326 = arith.mulf %parallel_loop3A_325, %parallel_loop3A_321 : vector<16xf32>
      %parallel_loop3A_327 = arith.constant 1.500000e+00 : f32
      %parallel_loop3A_328 = vector.broadcast %parallel_loop3A_327 : f32 to vector<16xf32>
      %parallel_loop3A_329 = arith.subf %parallel_loop3A_328, %parallel_loop3A_326 : vector<16xf32>
      %parallel_loop3A_330 = arith.mulf %parallel_loop3A_321, %parallel_loop3A_329 : vector<16xf32>
      %parallel_loop3A_331 = arith.constant 5.000000e-01 : f32
      %parallel_loop3A_332 = vector.broadcast %parallel_loop3A_331 : f32 to vector<16xf32>
      %parallel_loop3A_333 = arith.mulf %parallel_loop3A_332, %parallel_loop3A_313 : vector<16xf32>
      %parallel_loop3A_334 = arith.mulf %parallel_loop3A_333, %parallel_loop3A_330 : vector<16xf32>
      %parallel_loop3A_335 = arith.mulf %parallel_loop3A_334, %parallel_loop3A_330 : vector<16xf32>
      %parallel_loop3A_336 = arith.constant 1.500000e+00 : f32
      %parallel_loop3A_337 = vector.broadcast %parallel_loop3A_336 : f32 to vector<16xf32>
      %parallel_loop3A_338 = arith.subf %parallel_loop3A_337, %parallel_loop3A_335 : vector<16xf32>
      %parallel_loop3A_339 = arith.mulf %parallel_loop3A_330, %parallel_loop3A_338 : vector<16xf32>
      %parallel_loop3A_340 = arith.constant 5.000000e-01 : f32
      %parallel_loop3A_341 = vector.broadcast %parallel_loop3A_340 : f32 to vector<16xf32>
      %parallel_loop3A_342 = arith.mulf %parallel_loop3A_341, %parallel_loop3A_313 : vector<16xf32>
      %parallel_loop3A_343 = arith.mulf %parallel_loop3A_342, %parallel_loop3A_339 : vector<16xf32>
      %parallel_loop3A_344 = arith.mulf %parallel_loop3A_343, %parallel_loop3A_339 : vector<16xf32>
      %parallel_loop3A_345 = arith.constant 1.500000e+00 : f32
      %parallel_loop3A_346 = vector.broadcast %parallel_loop3A_345 : f32 to vector<16xf32>
      %parallel_loop3A_347 = arith.subf %parallel_loop3A_346, %parallel_loop3A_344 : vector<16xf32>
      %parallel_loop3A_348 = arith.mulf %parallel_loop3A_339, %parallel_loop3A_347 : vector<16xf32>
      %parallel_loop3A_349 = arith.index_cast %parallel_loop3A_127 : i32 to index
      %parallel_loop3A_350 = arith.constant 48 : index
      %parallel_loop3A_351 = tpu.vector_load %arg9[%parallel_loop3A_349, %parallel_loop3A_350] {strides = array<i32>} : memref<80x128xf32, #tpu.memory_space<vmem>>, vector<16xf32>,
      tpu.vector_store %arg9[%parallel_loop3A_349, %parallel_loop3A_350], %parallel_loop3A_348 {strides = array<i32>} : memref<80x128xf32, #tpu.memory_space<vmem>>, vector<16xf32>,
      %parallel_loop3A_352 = arith.index_cast %parallel_loop3A_127 : i32 to index
      %parallel_loop3A_353 = arith.constant 48 : index
      %parallel_loop3A_354 = tpu.vector_load %arg10[%parallel_loop3A_352, %parallel_loop3A_353] {strides = array<i32>} : memref<80x128xf32, #tpu.memory_space<vmem>>, vector<16xf32>,
      tpu.vector_store %arg10[%parallel_loop3A_352, %parallel_loop3A_353], %broadcast_in_dim3A_2 {strides = array<i32>} : memref<80x128xf32, #tpu.memory_space<vmem>>, vector<16xf32>,
      %parallel_loop3A_355 = arith.index_cast %parallel_loop3A_127 : i32 to index
      %parallel_loop3A_356 = arith.constant 48 : index
      %parallel_loop3A_357 = tpu.vector_load %arg8[%parallel_loop3A_355, %parallel_loop3A_356] {strides = array<i32>} : memref<80x128xf32, #tpu.memory_space<vmem>>, vector<16xf32>,
      %parallel_loop3A_358 = arith.constant 1.000000e-01 : f32
      %parallel_loop3A_359 = vector.broadcast %parallel_loop3A_358 : f32 to vector<16xf32>
      %parallel_loop3A_360 = arith.mulf %parallel_loop3A_359, %parallel_loop3A_357 : vector<16xf32>
      %parallel_loop3A_361 = arith.index_cast %parallel_loop3A_127 : i32 to index
      %parallel_loop3A_362 = arith.constant 48 : index
      %parallel_loop3A_363 = tpu.vector_load %arg11[%parallel_loop3A_361, %parallel_loop3A_362] {strides = array<i32>} : memref<80x128xf32, #tpu.memory_space<vmem>>, vector<16xf32>,
      tpu.vector_store %arg11[%parallel_loop3A_361, %parallel_loop3A_362], %parallel_loop3A_360 {strides = array<i32>} : memref<80x128xf32, #tpu.memory_space<vmem>>, vector<16xf32>,
      %parallel_loop3A_364 = arith.mulf %parallel_loop3A_348, %parallel_loop3A_357 : vector<16xf32>
      %parallel_loop3A_365 = arith.index_cast %parallel_loop3A_127 : i32 to index
      %parallel_loop3A_366 = arith.constant 48 : index
      %parallel_loop3A_367 = tpu.vector_load %arg7[%parallel_loop3A_365, %parallel_loop3A_366] {strides = array<i32>} : memref<80x128xf32, #tpu.memory_space<vmem>>, vector<16xf32>,
      tpu.vector_store %arg7[%parallel_loop3A_365, %parallel_loop3A_366], %parallel_loop3A_364 {strides = array<i32>} : memref<80x128xf32, #tpu.memory_space<vmem>>, vector<16xf32>,
      %parallel_loop3A_368 = arith.index_cast %parallel_loop3A_127 : i32 to index
      %parallel_loop3A_369 = arith.constant 64 : index
      %parallel_loop3A_370 = tpu.vector_load %arg9[%parallel_loop3A_368, %parallel_loop3A_369] {strides = array<i32>} : memref<80x128xf32, #tpu.memory_space<vmem>>, vector<16xf32>,
      %parallel_loop3A_371 = arith.constant 1.000000e+00 : f32
      %parallel_loop3A_372 = vector.broadcast %parallel_loop3A_371 : f32 to vector<16xf32>
      %parallel_loop3A_373 = arith.addf %parallel_loop3A_370, %parallel_loop3A_372 : vector<16xf32>
      %parallel_loop3A_374 = vector.bitcast %parallel_loop3A_373 : vector<16xf32> to vector<16xi32>
      %parallel_loop3A_375 = arith.constant 1 : i32
      %parallel_loop3A_376 = vector.broadcast %parallel_loop3A_375 : i32 to vector<16xi32>
      %parallel_loop3A_377 = arith.shrui %parallel_loop3A_374, %parallel_loop3A_376 : vector<16xi32>
      %parallel_loop3A_378 = arith.constant 1597463007 : i32
      %parallel_loop3A_379 = vector.broadcast %parallel_loop3A_378 : i32 to vector<16xi32>
      %parallel_loop3A_380 = arith.subi %parallel_loop3A_379, %parallel_loop3A_377 : vector<16xi32>
      %parallel_loop3A_381 = vector.bitcast %parallel_loop3A_380 : vector<16xi32> to vector<16xf32>
      %parallel_loop3A_382 = arith.constant 5.000000e-01 : f32
      %parallel_loop3A_383 = vector.broadcast %parallel_loop3A_382 : f32 to vector<16xf32>
      %parallel_loop3A_384 = arith.mulf %parallel_loop3A_383, %parallel_loop3A_373 : vector<16xf32>
      %parallel_loop3A_385 = arith.mulf %parallel_loop3A_384, %parallel_loop3A_381 : vector<16xf32>
      %parallel_loop3A_386 = arith.mulf %parallel_loop3A_385, %parallel_loop3A_381 : vector<16xf32>
      %parallel_loop3A_387 = arith.constant 1.500000e+00 : f32
      %parallel_loop3A_388 = vector.broadcast %parallel_loop3A_387 : f32 to vector<16xf32>
      %parallel_loop3A_389 = arith.subf %parallel_loop3A_388, %parallel_loop3A_386 : vector<16xf32>
      %parallel_loop3A_390 = arith.mulf %parallel_loop3A_381, %parallel_loop3A_389 : vector<16xf32>
      %parallel_loop3A_391 = arith.constant 5.000000e-01 : f32
      %parallel_loop3A_392 = vector.broadcast %parallel_loop3A_391 : f32 to vector<16xf32>
      %parallel_loop3A_393 = arith.mulf %parallel_loop3A_392, %parallel_loop3A_373 : vector<16xf32>
      %parallel_loop3A_394 = arith.mulf %parallel_loop3A_393, %parallel_loop3A_390 : vector<16xf32>
      %parallel_loop3A_395 = arith.mulf %parallel_loop3A_394, %parallel_loop3A_390 : vector<16xf32>
      %parallel_loop3A_396 = arith.constant 1.500000e+00 : f32
      %parallel_loop3A_397 = vector.broadcast %parallel_loop3A_396 : f32 to vector<16xf32>
      %parallel_loop3A_398 = arith.subf %parallel_loop3A_397, %parallel_loop3A_395 : vector<16xf32>
      %parallel_loop3A_399 = arith.mulf %parallel_loop3A_390, %parallel_loop3A_398 : vector<16xf32>
      %parallel_loop3A_400 = arith.constant 5.000000e-01 : f32
      %parallel_loop3A_401 = vector.broadcast %parallel_loop3A_400 : f32 to vector<16xf32>
      %parallel_loop3A_402 = arith.mulf %parallel_loop3A_401, %parallel_loop3A_373 : vector<16xf32>
      %parallel_loop3A_403 = arith.mulf %parallel_loop3A_402, %parallel_loop3A_399 : vector<16xf32>
      %parallel_loop3A_404 = arith.mulf %parallel_loop3A_403, %parallel_loop3A_399 : vector<16xf32>
      %parallel_loop3A_405 = arith.constant 1.500000e+00 : f32
      %parallel_loop3A_406 = vector.broadcast %parallel_loop3A_405 : f32 to vector<16xf32>
      %parallel_loop3A_407 = arith.subf %parallel_loop3A_406, %parallel_loop3A_404 : vector<16xf32>
      %parallel_loop3A_408 = arith.mulf %parallel_loop3A_399, %parallel_loop3A_407 : vector<16xf32>
      %parallel_loop3A_409 = arith.index_cast %parallel_loop3A_127 : i32 to index
      %parallel_loop3A_410 = arith.constant 64 : index
      %parallel_loop3A_411 = tpu.vector_load %arg9[%parallel_loop3A_409, %parallel_loop3A_410] {strides = array<i32>} : memref<80x128xf32, #tpu.memory_space<vmem>>, vector<16xf32>,
      tpu.vector_store %arg9[%parallel_loop3A_409, %parallel_loop3A_410], %parallel_loop3A_408 {strides = array<i32>} : memref<80x128xf32, #tpu.memory_space<vmem>>, vector<16xf32>,
      %parallel_loop3A_412 = arith.index_cast %parallel_loop3A_127 : i32 to index
      %parallel_loop3A_413 = arith.constant 64 : index
      %parallel_loop3A_414 = tpu.vector_load %arg10[%parallel_loop3A_412, %parallel_loop3A_413] {strides = array<i32>} : memref<80x128xf32, #tpu.memory_space<vmem>>, vector<16xf32>,
      tpu.vector_store %arg10[%parallel_loop3A_412, %parallel_loop3A_413], %broadcast_in_dim3A_2 {strides = array<i32>} : memref<80x128xf32, #tpu.memory_space<vmem>>, vector<16xf32>,
      %parallel_loop3A_415 = arith.index_cast %parallel_loop3A_127 : i32 to index
      %parallel_loop3A_416 = arith.constant 64 : index
      %parallel_loop3A_417 = tpu.vector_load %arg8[%parallel_loop3A_415, %parallel_loop3A_416] {strides = array<i32>} : memref<80x128xf32, #tpu.memory_space<vmem>>, vector<16xf32>,
      %parallel_loop3A_418 = arith.constant 1.000000e-01 : f32
      %parallel_loop3A_419 = vector.broadcast %parallel_loop3A_418 : f32 to vector<16xf32>
      %parallel_loop3A_420 = arith.mulf %parallel_loop3A_419, %parallel_loop3A_417 : vector<16xf32>
      %parallel_loop3A_421 = arith.index_cast %parallel_loop3A_127 : i32 to index
      %parallel_loop3A_422 = arith.constant 64 : index
      %parallel_loop3A_423 = tpu.vector_load %arg11[%parallel_loop3A_421, %parallel_loop3A_422] {strides = array<i32>} : memref<80x128xf32, #tpu.memory_space<vmem>>, vector<16xf32>,
      tpu.vector_store %arg11[%parallel_loop3A_421, %parallel_loop3A_422], %parallel_loop3A_420 {strides = array<i32>} : memref<80x128xf32, #tpu.memory_space<vmem>>, vector<16xf32>,
      %parallel_loop3A_424 = arith.mulf %parallel_loop3A_408, %parallel_loop3A_417 : vector<16xf32>
      %parallel_loop3A_425 = arith.index_cast %parallel_loop3A_127 : i32 to index
      %parallel_loop3A_426 = arith.constant 64 : index
      %parallel_loop3A_427 = tpu.vector_load %arg7[%parallel_loop3A_425, %parallel_loop3A_426] {strides = array<i32>} : memref<80x128xf32, #tpu.memory_space<vmem>>, vector<16xf32>,
      tpu.vector_store %arg7[%parallel_loop3A_425, %parallel_loop3A_426], %parallel_loop3A_424 {strides = array<i32>} : memref<80x128xf32, #tpu.memory_space<vmem>>, vector<16xf32>,
      %parallel_loop3A_428 = arith.index_cast %parallel_loop3A_127 : i32 to index
      %parallel_loop3A_429 = arith.constant 80 : index
      %parallel_loop3A_430 = tpu.vector_load %arg9[%parallel_loop3A_428, %parallel_loop3A_429] {strides = array<i32>} : memref<80x128xf32, #tpu.memory_space<vmem>>, vector<16xf32>,
      %parallel_loop3A_431 = arith.constant 1.000000e+00 : f32
      %parallel_loop3A_432 = vector.broadcast %parallel_loop3A_431 : f32 to vector<16xf32>
      %parallel_loop3A_433 = arith.addf %parallel_loop3A_430, %parallel_loop3A_432 : vector<16xf32>
      %parallel_loop3A_434 = vector.bitcast %parallel_loop3A_433 : vector<16xf32> to vector<16xi32>
      %parallel_loop3A_435 = arith.constant 1 : i32
      %parallel_loop3A_436 = vector.broadcast %parallel_loop3A_435 : i32 to vector<16xi32>
      %parallel_loop3A_437 = arith.shrui %parallel_loop3A_434, %parallel_loop3A_436 : vector<16xi32>
      %parallel_loop3A_438 = arith.constant 1597463007 : i32
      %parallel_loop3A_439 = vector.broadcast %parallel_loop3A_438 : i32 to vector<16xi32>
      %parallel_loop3A_440 = arith.subi %parallel_loop3A_439, %parallel_loop3A_437 : vector<16xi32>
      %parallel_loop3A_441 = vector.bitcast %parallel_loop3A_440 : vector<16xi32> to vector<16xf32>
      %parallel_loop3A_442 = arith.constant 5.000000e-01 : f32
      %parallel_loop3A_443 = vector.broadcast %parallel_loop3A_442 : f32 to vector<16xf32>
      %parallel_loop3A_444 = arith.mulf %parallel_loop3A_443, %parallel_loop3A_433 : vector<16xf32>
      %parallel_loop3A_445 = arith.mulf %parallel_loop3A_444, %parallel_loop3A_441 : vector<16xf32>
      %parallel_loop3A_446 = arith.mulf %parallel_loop3A_445, %parallel_loop3A_441 : vector<16xf32>
      %parallel_loop3A_447 = arith.constant 1.500000e+00 : f32
      %parallel_loop3A_448 = vector.broadcast %parallel_loop3A_447 : f32 to vector<16xf32>
      %parallel_loop3A_449 = arith.subf %parallel_loop3A_448, %parallel_loop3A_446 : vector<16xf32>
      %parallel_loop3A_450 = arith.mulf %parallel_loop3A_441, %parallel_loop3A_449 : vector<16xf32>
      %parallel_loop3A_451 = arith.constant 5.000000e-01 : f32
      %parallel_loop3A_452 = vector.broadcast %parallel_loop3A_451 : f32 to vector<16xf32>
      %parallel_loop3A_453 = arith.mulf %parallel_loop3A_452, %parallel_loop3A_433 : vector<16xf32>
      %parallel_loop3A_454 = arith.mulf %parallel_loop3A_453, %parallel_loop3A_450 : vector<16xf32>
      %parallel_loop3A_455 = arith.mulf %parallel_loop3A_454, %parallel_loop3A_450 : vector<16xf32>
      %parallel_loop3A_456 = arith.constant 1.500000e+00 : f32
      %parallel_loop3A_457 = vector.broadcast %parallel_loop3A_456 : f32 to vector<16xf32>
      %parallel_loop3A_458 = arith.subf %parallel_loop3A_457, %parallel_loop3A_455 : vector<16xf32>
      %parallel_loop3A_459 = arith.mulf %parallel_loop3A_450, %parallel_loop3A_458 : vector<16xf32>
      %parallel_loop3A_460 = arith.constant 5.000000e-01 : f32
      %parallel_loop3A_461 = vector.broadcast %parallel_loop3A_460 : f32 to vector<16xf32>
      %parallel_loop3A_462 = arith.mulf %parallel_loop3A_461, %parallel_loop3A_433 : vector<16xf32>
      %parallel_loop3A_463 = arith.mulf %parallel_loop3A_462, %parallel_loop3A_459 : vector<16xf32>
      %parallel_loop3A_464 = arith.mulf %parallel_loop3A_463, %parallel_loop3A_459 : vector<16xf32>
      %parallel_loop3A_465 = arith.constant 1.500000e+00 : f32
      %parallel_loop3A_466 = vector.broadcast %parallel_loop3A_465 : f32 to vector<16xf32>
      %parallel_loop3A_467 = arith.subf %parallel_loop3A_466, %parallel_loop3A_464 : vector<16xf32>
      %parallel_loop3A_468 = arith.mulf %parallel_loop3A_459, %parallel_loop3A_467 : vector<16xf32>
      %parallel_loop3A_469 = arith.index_cast %parallel_loop3A_127 : i32 to index
      %parallel_loop3A_470 = arith.constant 80 : index
      %parallel_loop3A_471 = tpu.vector_load %arg9[%parallel_loop3A_469, %parallel_loop3A_470] {strides = array<i32>} : memref<80x128xf32, #tpu.memory_space<vmem>>, vector<16xf32>,
      tpu.vector_store %arg9[%parallel_loop3A_469, %parallel_loop3A_470], %parallel_loop3A_468 {strides = array<i32>} : memref<80x128xf32, #tpu.memory_space<vmem>>, vector<16xf32>,
      %parallel_loop3A_472 = arith.index_cast %parallel_loop3A_127 : i32 to index
      %parallel_loop3A_473 = arith.constant 80 : index
      %parallel_loop3A_474 = tpu.vector_load %arg10[%parallel_loop3A_472, %parallel_loop3A_473] {strides = array<i32>} : memref<80x128xf32, #tpu.memory_space<vmem>>, vector<16xf32>,
      tpu.vector_store %arg10[%parallel_loop3A_472, %parallel_loop3A_473], %broadcast_in_dim3A_2 {strides = array<i32>} : memref<80x128xf32, #tpu.memory_space<vmem>>, vector<16xf32>,
      %parallel_loop3A_475 = arith.index_cast %parallel_loop3A_127 : i32 to index
      %parallel_loop3A_476 = arith.constant 80 : index
      %parallel_loop3A_477 = tpu.vector_load %arg8[%parallel_loop3A_475, %parallel_loop3A_476] {strides = array<i32>} : memref<80x128xf32, #tpu.memory_space<vmem>>, vector<16xf32>,
      %parallel_loop3A_478 = arith.constant 1.000000e-01 : f32
      %parallel_loop3A_479 = vector.broadcast %parallel_loop3A_478 : f32 to vector<16xf32>
      %parallel_loop3A_480 = arith.mulf %parallel_loop3A_479, %parallel_loop3A_477 : vector<16xf32>
      %parallel_loop3A_481 = arith.index_cast %parallel_loop3A_127 : i32 to index
      %parallel_loop3A_482 = arith.constant 80 : index
      %parallel_loop3A_483 = tpu.vector_load %arg11[%parallel_loop3A_481, %parallel_loop3A_482] {strides = array<i32>} : memref<80x128xf32, #tpu.memory_space<vmem>>, vector<16xf32>,
      tpu.vector_store %arg11[%parallel_loop3A_481, %parallel_loop3A_482], %parallel_loop3A_480 {strides = array<i32>} : memref<80x128xf32, #tpu.memory_space<vmem>>, vector<16xf32>,
      %parallel_loop3A_484 = arith.mulf %parallel_loop3A_468, %parallel_loop3A_477 : vector<16xf32>
      %parallel_loop3A_485 = arith.index_cast %parallel_loop3A_127 : i32 to index
      %parallel_loop3A_486 = arith.constant 80 : index
      %parallel_loop3A_487 = tpu.vector_load %arg7[%parallel_loop3A_485, %parallel_loop3A_486] {strides = array<i32>} : memref<80x128xf32, #tpu.memory_space<vmem>>, vector<16xf32>,
      tpu.vector_store %arg7[%parallel_loop3A_485, %parallel_loop3A_486], %parallel_loop3A_484 {strides = array<i32>} : memref<80x128xf32, #tpu.memory_space<vmem>>, vector<16xf32>,
      %parallel_loop3A_488 = arith.index_cast %parallel_loop3A_127 : i32 to index
      %parallel_loop3A_489 = arith.constant 96 : index
      %parallel_loop3A_490 = tpu.vector_load %arg9[%parallel_loop3A_488, %parallel_loop3A_489] {strides = array<i32>} : memref<80x128xf32, #tpu.memory_space<vmem>>, vector<16xf32>,
      %parallel_loop3A_491 = arith.constant 1.000000e+00 : f32
      %parallel_loop3A_492 = vector.broadcast %parallel_loop3A_491 : f32 to vector<16xf32>
      %parallel_loop3A_493 = arith.addf %parallel_loop3A_490, %parallel_loop3A_492 : vector<16xf32>
      %parallel_loop3A_494 = vector.bitcast %parallel_loop3A_493 : vector<16xf32> to vector<16xi32>
      %parallel_loop3A_495 = arith.constant 1 : i32
      %parallel_loop3A_496 = vector.broadcast %parallel_loop3A_495 : i32 to vector<16xi32>
      %parallel_loop3A_497 = arith.shrui %parallel_loop3A_494, %parallel_loop3A_496 : vector<16xi32>
      %parallel_loop3A_498 = arith.constant 1597463007 : i32
      %parallel_loop3A_499 = vector.broadcast %parallel_loop3A_498 : i32 to vector<16xi32>
      %parallel_loop3A_500 = arith.subi %parallel_loop3A_499, %parallel_loop3A_497 : vector<16xi32>
      %parallel_loop3A_501 = vector.bitcast %parallel_loop3A_500 : vector<16xi32> to vector<16xf32>
      %parallel_loop3A_502 = arith.constant 5.000000e-01 : f32
      %parallel_loop3A_503 = vector.broadcast %parallel_loop3A_502 : f32 to vector<16xf32>
      %parallel_loop3A_504 = arith.mulf %parallel_loop3A_503, %parallel_loop3A_493 : vector<16xf32>
      %parallel_loop3A_505 = arith.mulf %parallel_loop3A_504, %parallel_loop3A_501 : vector<16xf32>
      %parallel_loop3A_506 = arith.mulf %parallel_loop3A_505, %parallel_loop3A_501 : vector<16xf32>
      %parallel_loop3A_507 = arith.constant 1.500000e+00 : f32
      %parallel_loop3A_508 = vector.broadcast %parallel_loop3A_507 : f32 to vector<16xf32>
      %parallel_loop3A_509 = arith.subf %parallel_loop3A_508, %parallel_loop3A_506 : vector<16xf32>
      %parallel_loop3A_510 = arith.mulf %parallel_loop3A_501, %parallel_loop3A_509 : vector<16xf32>
      %parallel_loop3A_511 = arith.constant 5.000000e-01 : f32
      %parallel_loop3A_512 = vector.broadcast %parallel_loop3A_511 : f32 to vector<16xf32>
      %parallel_loop3A_513 = arith.mulf %parallel_loop3A_512, %parallel_loop3A_493 : vector<16xf32>
      %parallel_loop3A_514 = arith.mulf %parallel_loop3A_513, %parallel_loop3A_510 : vector<16xf32>
      %parallel_loop3A_515 = arith.mulf %parallel_loop3A_514, %parallel_loop3A_510 : vector<16xf32>
      %parallel_loop3A_516 = arith.constant 1.500000e+00 : f32
      %parallel_loop3A_517 = vector.broadcast %parallel_loop3A_516 : f32 to vector<16xf32>
      %parallel_loop3A_518 = arith.subf %parallel_loop3A_517, %parallel_loop3A_515 : vector<16xf32>
      %parallel_loop3A_519 = arith.mulf %parallel_loop3A_510, %parallel_loop3A_518 : vector<16xf32>
      %parallel_loop3A_520 = arith.constant 5.000000e-01 : f32
      %parallel_loop3A_521 = vector.broadcast %parallel_loop3A_520 : f32 to vector<16xf32>
      %parallel_loop3A_522 = arith.mulf %parallel_loop3A_521, %parallel_loop3A_493 : vector<16xf32>
      %parallel_loop3A_523 = arith.mulf %parallel_loop3A_522, %parallel_loop3A_519 : vector<16xf32>
      %parallel_loop3A_524 = arith.mulf %parallel_loop3A_523, %parallel_loop3A_519 : vector<16xf32>
      %parallel_loop3A_525 = arith.constant 1.500000e+00 : f32
      %parallel_loop3A_526 = vector.broadcast %parallel_loop3A_525 : f32 to vector<16xf32>
      %parallel_loop3A_527 = arith.subf %parallel_loop3A_526, %parallel_loop3A_524 : vector<16xf32>
      %parallel_loop3A_528 = arith.mulf %parallel_loop3A_519, %parallel_loop3A_527 : vector<16xf32>
      %parallel_loop3A_529 = arith.index_cast %parallel_loop3A_127 : i32 to index
      %parallel_loop3A_530 = arith.constant 96 : index
      %parallel_loop3A_531 = tpu.vector_load %arg9[%parallel_loop3A_529, %parallel_loop3A_530] {strides = array<i32>} : memref<80x128xf32, #tpu.memory_space<vmem>>, vector<16xf32>,
      tpu.vector_store %arg9[%parallel_loop3A_529, %parallel_loop3A_530], %parallel_loop3A_528 {strides = array<i32>} : memref<80x128xf32, #tpu.memory_space<vmem>>, vector<16xf32>,
      %parallel_loop3A_532 = arith.index_cast %parallel_loop3A_127 : i32 to index
      %parallel_loop3A_533 = arith.constant 96 : index
      %parallel_loop3A_534 = tpu.vector_load %arg10[%parallel_loop3A_532, %parallel_loop3A_533] {strides = array<i32>} : memref<80x128xf32, #tpu.memory_space<vmem>>, vector<16xf32>,
      tpu.vector_store %arg10[%parallel_loop3A_532, %parallel_loop3A_533], %broadcast_in_dim3A_2 {strides = array<i32>} : memref<80x128xf32, #tpu.memory_space<vmem>>, vector<16xf32>,
      %parallel_loop3A_535 = arith.index_cast %parallel_loop3A_127 : i32 to index
      %parallel_loop3A_536 = arith.constant 96 : index
      %parallel_loop3A_537 = tpu.vector_load %arg8[%parallel_loop3A_535, %parallel_loop3A_536] {strides = array<i32>} : memref<80x128xf32, #tpu.memory_space<vmem>>, vector<16xf32>,
      %parallel_loop3A_538 = arith.constant 1.000000e-01 : f32
      %parallel_loop3A_539 = vector.broadcast %parallel_loop3A_538 : f32 to vector<16xf32>
      %parallel_loop3A_540 = arith.mulf %parallel_loop3A_539, %parallel_loop3A_537 : vector<16xf32>
      %parallel_loop3A_541 = arith.index_cast %parallel_loop3A_127 : i32 to index
      %parallel_loop3A_542 = arith.constant 96 : index
      %parallel_loop3A_543 = tpu.vector_load %arg11[%parallel_loop3A_541, %parallel_loop3A_542] {strides = array<i32>} : memref<80x128xf32, #tpu.memory_space<vmem>>, vector<16xf32>,
      tpu.vector_store %arg11[%parallel_loop3A_541, %parallel_loop3A_542], %parallel_loop3A_540 {strides = array<i32>} : memref<80x128xf32, #tpu.memory_space<vmem>>, vector<16xf32>,
      %parallel_loop3A_544 = arith.mulf %parallel_loop3A_528, %parallel_loop3A_537 : vector<16xf32>
      %parallel_loop3A_545 = arith.index_cast %parallel_loop3A_127 : i32 to index
      %parallel_loop3A_546 = arith.constant 96 : index
      %parallel_loop3A_547 = tpu.vector_load %arg7[%parallel_loop3A_545, %parallel_loop3A_546] {strides = array<i32>} : memref<80x128xf32, #tpu.memory_space<vmem>>, vector<16xf32>,
      tpu.vector_store %arg7[%parallel_loop3A_545, %parallel_loop3A_546], %parallel_loop3A_544 {strides = array<i32>} : memref<80x128xf32, #tpu.memory_space<vmem>>, vector<16xf32>,
      %parallel_loop3A_548 = arith.index_cast %parallel_loop3A_127 : i32 to index
      %parallel_loop3A_549 = arith.constant 112 : index
      %parallel_loop3A_550 = tpu.vector_load %arg9[%parallel_loop3A_548, %parallel_loop3A_549] {strides = array<i32>} : memref<80x128xf32, #tpu.memory_space<vmem>>, vector<16xf32>,
      %parallel_loop3A_551 = arith.constant 1.000000e+00 : f32
      %parallel_loop3A_552 = vector.broadcast %parallel_loop3A_551 : f32 to vector<16xf32>
      %parallel_loop3A_553 = arith.addf %parallel_loop3A_550, %parallel_loop3A_552 : vector<16xf32>
      %parallel_loop3A_554 = vector.bitcast %parallel_loop3A_553 : vector<16xf32> to vector<16xi32>
      %parallel_loop3A_555 = arith.constant 1 : i32
      %parallel_loop3A_556 = vector.broadcast %parallel_loop3A_555 : i32 to vector<16xi32>
      %parallel_loop3A_557 = arith.shrui %parallel_loop3A_554, %parallel_loop3A_556 : vector<16xi32>
      %parallel_loop3A_558 = arith.constant 1597463007 : i32
      %parallel_loop3A_559 = vector.broadcast %parallel_loop3A_558 : i32 to vector<16xi32>
      %parallel_loop3A_560 = arith.subi %parallel_loop3A_559, %parallel_loop3A_557 : vector<16xi32>
      %parallel_loop3A_561 = vector.bitcast %parallel_loop3A_560 : vector<16xi32> to vector<16xf32>
      %parallel_loop3A_562 = arith.constant 5.000000e-01 : f32
      %parallel_loop3A_563 = vector.broadcast %parallel_loop3A_562 : f32 to vector<16xf32>
      %parallel_loop3A_564 = arith.mulf %parallel_loop3A_563, %parallel_loop3A_553 : vector<16xf32>
      %parallel_loop3A_565 = arith.mulf %parallel_loop3A_564, %parallel_loop3A_561 : vector<16xf32>
      %parallel_loop3A_566 = arith.mulf %parallel_loop3A_565, %parallel_loop3A_561 : vector<16xf32>
      %parallel_loop3A_567 = arith.constant 1.500000e+00 : f32
      %parallel_loop3A_568 = vector.broadcast %parallel_loop3A_567 : f32 to vector<16xf32>
      %parallel_loop3A_569 = arith.subf %parallel_loop3A_568, %parallel_loop3A_566 : vector<16xf32>
      %parallel_loop3A_570 = arith.mulf %parallel_loop3A_561, %parallel_loop3A_569 : vector<16xf32>
      %parallel_loop3A_571 = arith.constant 5.000000e-01 : f32
      %parallel_loop3A_572 = vector.broadcast %parallel_loop3A_571 : f32 to vector<16xf32>
      %parallel_loop3A_573 = arith.mulf %parallel_loop3A_572, %parallel_loop3A_553 : vector<16xf32>
      %parallel_loop3A_574 = arith.mulf %parallel_loop3A_573, %parallel_loop3A_570 : vector<16xf32>
      %parallel_loop3A_575 = arith.mulf %parallel_loop3A_574, %parallel_loop3A_570 : vector<16xf32>
      %parallel_loop3A_576 = arith.constant 1.500000e+00 : f32
      %parallel_loop3A_577 = vector.broadcast %parallel_loop3A_576 : f32 to vector<16xf32>
      %parallel_loop3A_578 = arith.subf %parallel_loop3A_577, %parallel_loop3A_575 : vector<16xf32>
      %parallel_loop3A_579 = arith.mulf %parallel_loop3A_570, %parallel_loop3A_578 : vector<16xf32>
      %parallel_loop3A_580 = arith.constant 5.000000e-01 : f32
      %parallel_loop3A_581 = vector.broadcast %parallel_loop3A_580 : f32 to vector<16xf32>
      %parallel_loop3A_582 = arith.mulf %parallel_loop3A_581, %parallel_loop3A_553 : vector<16xf32>
      %parallel_loop3A_583 = arith.mulf %parallel_loop3A_582, %parallel_loop3A_579 : vector<16xf32>
      %parallel_loop3A_584 = arith.mulf %parallel_loop3A_583, %parallel_loop3A_579 : vector<16xf32>
      %parallel_loop3A_585 = arith.constant 1.500000e+00 : f32
      %parallel_loop3A_586 = vector.broadcast %parallel_loop3A_585 : f32 to vector<16xf32>
      %parallel_loop3A_587 = arith.subf %parallel_loop3A_586, %parallel_loop3A_584 : vector<16xf32>
      %parallel_loop3A_588 = arith.mulf %parallel_loop3A_579, %parallel_loop3A_587 : vector<16xf32>
      %parallel_loop3A_589 = arith.index_cast %parallel_loop3A_127 : i32 to index
      %parallel_loop3A_590 = arith.constant 112 : index
      %parallel_loop3A_591 = tpu.vector_load %arg9[%parallel_loop3A_589, %parallel_loop3A_590] {strides = array<i32>} : memref<80x128xf32, #tpu.memory_space<vmem>>, vector<16xf32>,
      tpu.vector_store %arg9[%parallel_loop3A_589, %parallel_loop3A_590], %parallel_loop3A_588 {strides = array<i32>} : memref<80x128xf32, #tpu.memory_space<vmem>>, vector<16xf32>,
      %parallel_loop3A_592 = arith.index_cast %parallel_loop3A_127 : i32 to index
      %parallel_loop3A_593 = arith.constant 112 : index
      %parallel_loop3A_594 = tpu.vector_load %arg10[%parallel_loop3A_592, %parallel_loop3A_593] {strides = array<i32>} : memref<80x128xf32, #tpu.memory_space<vmem>>, vector<16xf32>,
      tpu.vector_store %arg10[%parallel_loop3A_592, %parallel_loop3A_593], %broadcast_in_dim3A_2 {strides = array<i32>} : memref<80x128xf32, #tpu.memory_space<vmem>>, vector<16xf32>,
      %parallel_loop3A_595 = arith.index_cast %parallel_loop3A_127 : i32 to index
      %parallel_loop3A_596 = arith.constant 112 : index
      %parallel_loop3A_597 = tpu.vector_load %arg8[%parallel_loop3A_595, %parallel_loop3A_596] {strides = array<i32>} : memref<80x128xf32, #tpu.memory_space<vmem>>, vector<16xf32>,
      %parallel_loop3A_598 = arith.constant 1.000000e-01 : f32
      %parallel_loop3A_599 = vector.broadcast %parallel_loop3A_598 : f32 to vector<16xf32>
      %parallel_loop3A_600 = arith.mulf %parallel_loop3A_599, %parallel_loop3A_597 : vector<16xf32>
      %parallel_loop3A_601 = arith.index_cast %parallel_loop3A_127 : i32 to index
      %parallel_loop3A_602 = arith.constant 112 : index
      %parallel_loop3A_603 = tpu.vector_load %arg11[%parallel_loop3A_601, %parallel_loop3A_602] {strides = array<i32>} : memref<80x128xf32, #tpu.memory_space<vmem>>, vector<16xf32>,
      tpu.vector_store %arg11[%parallel_loop3A_601, %parallel_loop3A_602], %parallel_loop3A_600 {strides = array<i32>} : memref<80x128xf32, #tpu.memory_space<vmem>>, vector<16xf32>,
      %parallel_loop3A_604 = arith.mulf %parallel_loop3A_588, %parallel_loop3A_597 : vector<16xf32>
      %parallel_loop3A_605 = arith.index_cast %parallel_loop3A_127 : i32 to index
      %parallel_loop3A_606 = arith.constant 112 : index
      %parallel_loop3A_607 = tpu.vector_load %arg7[%parallel_loop3A_605, %parallel_loop3A_606] {strides = array<i32>} : memref<80x128xf32, #tpu.memory_space<vmem>>, vector<16xf32>,
      tpu.vector_store %arg7[%parallel_loop3A_605, %parallel_loop3A_606], %parallel_loop3A_604 {strides = array<i32>} : memref<80x128xf32, #tpu.memory_space<vmem>>, vector<16xf32>,
    } {sc.loop_unroll_factor = 2 : i64, sc.parallel_access}
    %barrier3A_112 = arith.constant 0 : index
    tpu.barrier barrier_id(%barrier3A_112)
    %scan3A_113 = arith.constant 0 : i32
    %scan3A_114 = arith.constant 1 : i32
    %scan3A_115 = arith.constant 10 : i32
    %scan3A_116 = arith.addi %scan3A_114, %scan3A_115 : i32
    %scan3A_117 = arith.constant 1 : i32
    scf.for %scan3A_127 = %scan3A_114 to %scan3A_116 step %scan3A_117  : i32 {
      %lt3A = arith.constant 10 : i32
      %lt3A_128 = arith.cmpi slt, %scan3A_127, %lt3A : i32
      %jit3A = arith.constant 1.000000e-01 : f32
      %jit3A_129 = arith.constant 1.000000e+00 : f32
      %select_n3A = arith.select %lt3A_128, %jit3A, %jit3A_129 : f32
      %scan3A_130 = arith.constant 0 : i32
      %scan3A_131 = arith.constant 0 : i32
      %scan3A_132 = arith.constant 78 : i32
      %scan3A_133 = arith.addi %scan3A_131, %scan3A_132 : i32
      %scan3A_134 = arith.constant 1 : i32
      scf.for %scan3A_167 = %scan3A_131 to %scan3A_133 step %scan3A_134  : i32 {
        %get3A_168 = arith.index_cast %scan3A_167 : i32 to index
        %get3A_169 = arith.constant 0 : index
        %get3A_170 = tpu.vector_load %arg5[%get3A_168, %get3A_169] {strides = array<i32>} : memref<80x128xi32, #tpu.memory_space<vmem>>, vector<16xi32>,
        %get3A_171 = arith.index_cast %scan3A_167 : i32 to index
        %get3A_172 = arith.constant 16 : index
        %get3A_173 = tpu.vector_load %arg5[%get3A_171, %get3A_172] {strides = array<i32>} : memref<80x128xi32, #tpu.memory_space<vmem>>, vector<16xi32>,
        %get3A_174 = arith.index_cast %scan3A_167 : i32 to index
        %get3A_175 = arith.constant 32 : index
        %get3A_176 = tpu.vector_load %arg5[%get3A_174, %get3A_175] {strides = array<i32>} : memref<80x128xi32, #tpu.memory_space<vmem>>, vector<16xi32>,
        %get3A_177 = arith.index_cast %scan3A_167 : i32 to index
        %get3A_178 = arith.constant 48 : index
        %get3A_179 = tpu.vector_load %arg5[%get3A_177, %get3A_178] {strides = array<i32>} : memref<80x128xi32, #tpu.memory_space<vmem>>, vector<16xi32>,
        %get3A_180 = arith.index_cast %scan3A_167 : i32 to index
        %get3A_181 = arith.constant 64 : index
        %get3A_182 = tpu.vector_load %arg5[%get3A_180, %get3A_181] {strides = array<i32>} : memref<80x128xi32, #tpu.memory_space<vmem>>, vector<16xi32>,
        %get3A_183 = arith.index_cast %scan3A_167 : i32 to index
        %get3A_184 = arith.constant 80 : index
        %get3A_185 = tpu.vector_load %arg5[%get3A_183, %get3A_184] {strides = array<i32>} : memref<80x128xi32, #tpu.memory_space<vmem>>, vector<16xi32>,
        %get3A_186 = arith.index_cast %scan3A_167 : i32 to index
        %get3A_187 = arith.constant 96 : index
        %get3A_188 = tpu.vector_load %arg5[%get3A_186, %get3A_187] {strides = array<i32>} : memref<80x128xi32, #tpu.memory_space<vmem>>, vector<16xi32>,
        %get3A_189 = arith.index_cast %scan3A_167 : i32 to index
        %get3A_190 = arith.constant 112 : index
        %get3A_191 = tpu.vector_load %arg5[%get3A_189, %get3A_190] {strides = array<i32>} : memref<80x128xi32, #tpu.memory_space<vmem>>, vector<16xi32>,
        %get3A_192 = arith.index_cast %scan3A_167 : i32 to index
        %get3A_193 = arith.constant 0 : index
        %get3A_194 = tpu.vector_load %arg6[%get3A_192, %get3A_193] {strides = array<i32>} : memref<80x128xi32, #tpu.memory_space<vmem>>, vector<16xi32>,
        %get3A_195 = arith.index_cast %scan3A_167 : i32 to index
        %get3A_196 = arith.constant 16 : index
        %get3A_197 = tpu.vector_load %arg6[%get3A_195, %get3A_196] {strides = array<i32>} : memref<80x128xi32, #tpu.memory_space<vmem>>, vector<16xi32>,
        %get3A_198 = arith.index_cast %scan3A_167 : i32 to index
        %get3A_199 = arith.constant 32 : index
        %get3A_200 = tpu.vector_load %arg6[%get3A_198, %get3A_199] {strides = array<i32>} : memref<80x128xi32, #tpu.memory_space<vmem>>, vector<16xi32>,
        %get3A_201 = arith.index_cast %scan3A_167 : i32 to index
        %get3A_202 = arith.constant 48 : index
        %get3A_203 = tpu.vector_load %arg6[%get3A_201, %get3A_202] {strides = array<i32>} : memref<80x128xi32, #tpu.memory_space<vmem>>, vector<16xi32>,
        %get3A_204 = arith.index_cast %scan3A_167 : i32 to index
        %get3A_205 = arith.constant 64 : index
        %get3A_206 = tpu.vector_load %arg6[%get3A_204, %get3A_205] {strides = array<i32>} : memref<80x128xi32, #tpu.memory_space<vmem>>, vector<16xi32>,
        %get3A_207 = arith.index_cast %scan3A_167 : i32 to index
        %get3A_208 = arith.constant 80 : index
        %get3A_209 = tpu.vector_load %arg6[%get3A_207, %get3A_208] {strides = array<i32>} : memref<80x128xi32, #tpu.memory_space<vmem>>, vector<16xi32>,
        %get3A_210 = arith.index_cast %scan3A_167 : i32 to index
        %get3A_211 = arith.constant 96 : index
        %get3A_212 = tpu.vector_load %arg6[%get3A_210, %get3A_211] {strides = array<i32>} : memref<80x128xi32, #tpu.memory_space<vmem>>, vector<16xi32>,
        %get3A_213 = arith.index_cast %scan3A_167 : i32 to index
        %get3A_214 = arith.constant 112 : index
        %get3A_215 = tpu.vector_load %arg6[%get3A_213, %get3A_214] {strides = array<i32>} : memref<80x128xi32, #tpu.memory_space<vmem>>, vector<16xi32>,
        %shift_right_arithmetic3A_216 = arith.constant 7 : i32
        %shift_right_arithmetic3A_217 = vector.broadcast %shift_right_arithmetic3A_216 : i32 to vector<16xi32>
        %shift_right_arithmetic3A_218 = arith.shrsi %get3A_170, %shift_right_arithmetic3A_217 : vector<16xi32>
        %and3A_219 = arith.constant 127 : i32
        %and3A_220 = vector.broadcast %and3A_219 : i32 to vector<16xi32>
        %and3A_221 = arith.andi %get3A_170, %and3A_220 : vector<16xi32>
        %gather3A_222 = tpu.vector_load_idx %arg7[%shift_right_arithmetic3A_218, %and3A_221] : memref<80x128xf32, #tpu.memory_space<vmem>>[vector<16xi32>, vector<16xi32>], vector<16xf32>,
        %shift_right_arithmetic3A_223 = arith.constant 7 : i32
        %shift_right_arithmetic3A_224 = vector.broadcast %shift_right_arithmetic3A_223 : i32 to vector<16xi32>
        %shift_right_arithmetic3A_225 = arith.shrsi %get3A_173, %shift_right_arithmetic3A_224 : vector<16xi32>
        %and3A_226 = arith.constant 127 : i32
        %and3A_227 = vector.broadcast %and3A_226 : i32 to vector<16xi32>
        %and3A_228 = arith.andi %get3A_173, %and3A_227 : vector<16xi32>
        %gather3A_229 = tpu.vector_load_idx %arg7[%shift_right_arithmetic3A_225, %and3A_228] : memref<80x128xf32, #tpu.memory_space<vmem>>[vector<16xi32>, vector<16xi32>], vector<16xf32>,
        %shift_right_arithmetic3A_230 = arith.constant 7 : i32
        %shift_right_arithmetic3A_231 = vector.broadcast %shift_right_arithmetic3A_230 : i32 to vector<16xi32>
        %shift_right_arithmetic3A_232 = arith.shrsi %get3A_176, %shift_right_arithmetic3A_231 : vector<16xi32>
        %and3A_233 = arith.constant 127 : i32
        %and3A_234 = vector.broadcast %and3A_233 : i32 to vector<16xi32>
        %and3A_235 = arith.andi %get3A_176, %and3A_234 : vector<16xi32>
        %gather3A_236 = tpu.vector_load_idx %arg7[%shift_right_arithmetic3A_232, %and3A_235] : memref<80x128xf32, #tpu.memory_space<vmem>>[vector<16xi32>, vector<16xi32>], vector<16xf32>,
        %shift_right_arithmetic3A_237 = arith.constant 7 : i32
        %shift_right_arithmetic3A_238 = vector.broadcast %shift_right_arithmetic3A_237 : i32 to vector<16xi32>
        %shift_right_arithmetic3A_239 = arith.shrsi %get3A_179, %shift_right_arithmetic3A_238 : vector<16xi32>
        %and3A_240 = arith.constant 127 : i32
        %and3A_241 = vector.broadcast %and3A_240 : i32 to vector<16xi32>
        %and3A_242 = arith.andi %get3A_179, %and3A_241 : vector<16xi32>
        %gather3A_243 = tpu.vector_load_idx %arg7[%shift_right_arithmetic3A_239, %and3A_242] : memref<80x128xf32, #tpu.memory_space<vmem>>[vector<16xi32>, vector<16xi32>], vector<16xf32>,
        %shift_right_arithmetic3A_244 = arith.constant 7 : i32
        %shift_right_arithmetic3A_245 = vector.broadcast %shift_right_arithmetic3A_244 : i32 to vector<16xi32>
        %shift_right_arithmetic3A_246 = arith.shrsi %get3A_182, %shift_right_arithmetic3A_245 : vector<16xi32>
        %and3A_247 = arith.constant 127 : i32
        %and3A_248 = vector.broadcast %and3A_247 : i32 to vector<16xi32>
        %and3A_249 = arith.andi %get3A_182, %and3A_248 : vector<16xi32>
        %gather3A_250 = tpu.vector_load_idx %arg7[%shift_right_arithmetic3A_246, %and3A_249] : memref<80x128xf32, #tpu.memory_space<vmem>>[vector<16xi32>, vector<16xi32>], vector<16xf32>,
        %shift_right_arithmetic3A_251 = arith.constant 7 : i32
        %shift_right_arithmetic3A_252 = vector.broadcast %shift_right_arithmetic3A_251 : i32 to vector<16xi32>
        %shift_right_arithmetic3A_253 = arith.shrsi %get3A_185, %shift_right_arithmetic3A_252 : vector<16xi32>
        %and3A_254 = arith.constant 127 : i32
        %and3A_255 = vector.broadcast %and3A_254 : i32 to vector<16xi32>
        %and3A_256 = arith.andi %get3A_185, %and3A_255 : vector<16xi32>
        %gather3A_257 = tpu.vector_load_idx %arg7[%shift_right_arithmetic3A_253, %and3A_256] : memref<80x128xf32, #tpu.memory_space<vmem>>[vector<16xi32>, vector<16xi32>], vector<16xf32>,
        %shift_right_arithmetic3A_258 = arith.constant 7 : i32
        %shift_right_arithmetic3A_259 = vector.broadcast %shift_right_arithmetic3A_258 : i32 to vector<16xi32>
        %shift_right_arithmetic3A_260 = arith.shrsi %get3A_188, %shift_right_arithmetic3A_259 : vector<16xi32>
        %and3A_261 = arith.constant 127 : i32
        %and3A_262 = vector.broadcast %and3A_261 : i32 to vector<16xi32>
        %and3A_263 = arith.andi %get3A_188, %and3A_262 : vector<16xi32>
        %gather3A_264 = tpu.vector_load_idx %arg7[%shift_right_arithmetic3A_260, %and3A_263] : memref<80x128xf32, #tpu.memory_space<vmem>>[vector<16xi32>, vector<16xi32>], vector<16xf32>,
        %shift_right_arithmetic3A_265 = arith.constant 7 : i32
        %shift_right_arithmetic3A_266 = vector.broadcast %shift_right_arithmetic3A_265 : i32 to vector<16xi32>
        %shift_right_arithmetic3A_267 = arith.shrsi %get3A_191, %shift_right_arithmetic3A_266 : vector<16xi32>
        %and3A_268 = arith.constant 127 : i32
        %and3A_269 = vector.broadcast %and3A_268 : i32 to vector<16xi32>
        %and3A_270 = arith.andi %get3A_191, %and3A_269 : vector<16xi32>
        %gather3A_271 = tpu.vector_load_idx %arg7[%shift_right_arithmetic3A_267, %and3A_270] : memref<80x128xf32, #tpu.memory_space<vmem>>[vector<16xi32>, vector<16xi32>], vector<16xf32>,
        %shift_right_arithmetic3A_272 = arith.constant 7 : i32
        %shift_right_arithmetic3A_273 = vector.broadcast %shift_right_arithmetic3A_272 : i32 to vector<16xi32>
        %shift_right_arithmetic3A_274 = arith.shrsi %get3A_194, %shift_right_arithmetic3A_273 : vector<16xi32>
        %and3A_275 = arith.constant 127 : i32
        %and3A_276 = vector.broadcast %and3A_275 : i32 to vector<16xi32>
        %and3A_277 = arith.andi %get3A_194, %and3A_276 : vector<16xi32>
        tpu.vector_store_idx %arg10[%shift_right_arithmetic3A_274, %and3A_277], %gather3A_222 {add = true} : memref<80x128xf32, #tpu.memory_space<vmem>>[vector<16xi32>, vector<16xi32>], vector<16xf32>,
        %shift_right_arithmetic3A_278 = arith.constant 7 : i32
        %shift_right_arithmetic3A_279 = vector.broadcast %shift_right_arithmetic3A_278 : i32 to vector<16xi32>
        %shift_right_arithmetic3A_280 = arith.shrsi %get3A_197, %shift_right_arithmetic3A_279 : vector<16xi32>
        %and3A_281 = arith.constant 127 : i32
        %and3A_282 = vector.broadcast %and3A_281 : i32 to vector<16xi32>
        %and3A_283 = arith.andi %get3A_197, %and3A_282 : vector<16xi32>
        tpu.vector_store_idx %arg10[%shift_right_arithmetic3A_280, %and3A_283], %gather3A_229 {add = true} : memref<80x128xf32, #tpu.memory_space<vmem>>[vector<16xi32>, vector<16xi32>], vector<16xf32>,
        %shift_right_arithmetic3A_284 = arith.constant 7 : i32
        %shift_right_arithmetic3A_285 = vector.broadcast %shift_right_arithmetic3A_284 : i32 to vector<16xi32>
        %shift_right_arithmetic3A_286 = arith.shrsi %get3A_200, %shift_right_arithmetic3A_285 : vector<16xi32>
        %and3A_287 = arith.constant 127 : i32
        %and3A_288 = vector.broadcast %and3A_287 : i32 to vector<16xi32>
        %and3A_289 = arith.andi %get3A_200, %and3A_288 : vector<16xi32>
        tpu.vector_store_idx %arg10[%shift_right_arithmetic3A_286, %and3A_289], %gather3A_236 {add = true} : memref<80x128xf32, #tpu.memory_space<vmem>>[vector<16xi32>, vector<16xi32>], vector<16xf32>,
        %shift_right_arithmetic3A_290 = arith.constant 7 : i32
        %shift_right_arithmetic3A_291 = vector.broadcast %shift_right_arithmetic3A_290 : i32 to vector<16xi32>
        %shift_right_arithmetic3A_292 = arith.shrsi %get3A_203, %shift_right_arithmetic3A_291 : vector<16xi32>
        %and3A_293 = arith.constant 127 : i32
        %and3A_294 = vector.broadcast %and3A_293 : i32 to vector<16xi32>
        %and3A_295 = arith.andi %get3A_203, %and3A_294 : vector<16xi32>
        tpu.vector_store_idx %arg10[%shift_right_arithmetic3A_292, %and3A_295], %gather3A_243 {add = true} : memref<80x128xf32, #tpu.memory_space<vmem>>[vector<16xi32>, vector<16xi32>], vector<16xf32>,
        %shift_right_arithmetic3A_296 = arith.constant 7 : i32
        %shift_right_arithmetic3A_297 = vector.broadcast %shift_right_arithmetic3A_296 : i32 to vector<16xi32>
        %shift_right_arithmetic3A_298 = arith.shrsi %get3A_206, %shift_right_arithmetic3A_297 : vector<16xi32>
        %and3A_299 = arith.constant 127 : i32
        %and3A_300 = vector.broadcast %and3A_299 : i32 to vector<16xi32>
        %and3A_301 = arith.andi %get3A_206, %and3A_300 : vector<16xi32>
        tpu.vector_store_idx %arg10[%shift_right_arithmetic3A_298, %and3A_301], %gather3A_250 {add = true} : memref<80x128xf32, #tpu.memory_space<vmem>>[vector<16xi32>, vector<16xi32>], vector<16xf32>,
        %shift_right_arithmetic3A_302 = arith.constant 7 : i32
        %shift_right_arithmetic3A_303 = vector.broadcast %shift_right_arithmetic3A_302 : i32 to vector<16xi32>
        %shift_right_arithmetic3A_304 = arith.shrsi %get3A_209, %shift_right_arithmetic3A_303 : vector<16xi32>
        %and3A_305 = arith.constant 127 : i32
        %and3A_306 = vector.broadcast %and3A_305 : i32 to vector<16xi32>
        %and3A_307 = arith.andi %get3A_209, %and3A_306 : vector<16xi32>
        tpu.vector_store_idx %arg10[%shift_right_arithmetic3A_304, %and3A_307], %gather3A_257 {add = true} : memref<80x128xf32, #tpu.memory_space<vmem>>[vector<16xi32>, vector<16xi32>], vector<16xf32>,
        %shift_right_arithmetic3A_308 = arith.constant 7 : i32
        %shift_right_arithmetic3A_309 = vector.broadcast %shift_right_arithmetic3A_308 : i32 to vector<16xi32>
        %shift_right_arithmetic3A_310 = arith.shrsi %get3A_212, %shift_right_arithmetic3A_309 : vector<16xi32>
        %and3A_311 = arith.constant 127 : i32
        %and3A_312 = vector.broadcast %and3A_311 : i32 to vector<16xi32>
        %and3A_313 = arith.andi %get3A_212, %and3A_312 : vector<16xi32>
        tpu.vector_store_idx %arg10[%shift_right_arithmetic3A_310, %and3A_313], %gather3A_264 {add = true} : memref<80x128xf32, #tpu.memory_space<vmem>>[vector<16xi32>, vector<16xi32>], vector<16xf32>,
        %shift_right_arithmetic3A_314 = arith.constant 7 : i32
        %shift_right_arithmetic3A_315 = vector.broadcast %shift_right_arithmetic3A_314 : i32 to vector<16xi32>
        %shift_right_arithmetic3A_316 = arith.shrsi %get3A_215, %shift_right_arithmetic3A_315 : vector<16xi32>
        %and3A_317 = arith.constant 127 : i32
        %and3A_318 = vector.broadcast %and3A_317 : i32 to vector<16xi32>
        %and3A_319 = arith.andi %get3A_215, %and3A_318 : vector<16xi32>
        tpu.vector_store_idx %arg10[%shift_right_arithmetic3A_316, %and3A_319], %gather3A_271 {add = true} : memref<80x128xf32, #tpu.memory_space<vmem>>[vector<16xi32>, vector<16xi32>], vector<16xf32>,
      }
      %scan3A_135 = arith.constant 78 : i32
      %get3A_136 = arith.constant 78 : i32
      %get3A_137 = arith.index_cast %get3A_136 : i32 to index
      %get3A_138 = arith.constant 0 : index
      %get3A_139 = tpu.vector_load %arg5[%get3A_137, %get3A_138] {strides = array<i32>} : memref<80x128xi32, #tpu.memory_space<vmem>>, vector<16xi32>,
      %get3A_140 = arith.constant 78 : i32
      %get3A_141 = arith.index_cast %get3A_140 : i32 to index
      %get3A_142 = arith.constant 0 : index
      %get3A_143 = tpu.vector_load %arg6[%get3A_141, %get3A_142] {strides = array<i32>} : memref<80x128xi32, #tpu.memory_space<vmem>>, vector<16xi32>,
      %shift_right_arithmetic3A_144 = arith.constant 7 : i32
      %shift_right_arithmetic3A_145 = vector.broadcast %shift_right_arithmetic3A_144 : i32 to vector<16xi32>
      %shift_right_arithmetic3A_146 = arith.shrsi %get3A_139, %shift_right_arithmetic3A_145 : vector<16xi32>
      %and3A_147 = arith.constant 127 : i32
      %and3A_148 = vector.broadcast %and3A_147 : i32 to vector<16xi32>
      %and3A_149 = arith.andi %get3A_139, %and3A_148 : vector<16xi32>
      %gather3A = tpu.vector_load_idx %arg7[%shift_right_arithmetic3A_146, %and3A_149] : memref<80x128xf32, #tpu.memory_space<vmem>>[vector<16xi32>, vector<16xi32>], vector<16xf32>,
      %shift_right_arithmetic3A_150 = arith.constant 7 : i32
      %shift_right_arithmetic3A_151 = vector.broadcast %shift_right_arithmetic3A_150 : i32 to vector<16xi32>
      %shift_right_arithmetic3A_152 = arith.shrsi %get3A_143, %shift_right_arithmetic3A_151 : vector<16xi32>
      %and3A_153 = arith.constant 127 : i32
      %and3A_154 = vector.broadcast %and3A_153 : i32 to vector<16xi32>
      %and3A_155 = arith.andi %get3A_143, %and3A_154 : vector<16xi32>
      tpu.vector_store_idx %arg10[%shift_right_arithmetic3A_152, %and3A_155], %gather3A {add = true} : memref<80x128xf32, #tpu.memory_space<vmem>>[vector<16xi32>, vector<16xi32>], vector<16xf32>,
      "tpu.region"() ({
        %run_scoped3A = tpu.sem_alloc : memref<!tpu.dma_semaphore, #tpu.memory_space<semaphore_mem>>
        %dma_start3A = arith.constant 0 : i32
        %dma_start3A_167 = arith.constant 0 : i32
        %dma_start3A_168 = tpu.memref_slice %arg14[%dma_start3A, %dma_start3A_167] : memref<80x128xf32, #tpu.memory_space<vmem_shared>> -> memref<80x128xf32, #tpu.memory_space<vmem_shared>>
        tpu.enqueue_indirect_dma source(%arg10 : memref<80x128xf32, #tpu.memory_space<vmem>>) target(%dma_start3A_168 : memref<80x128xf32, #tpu.memory_space<vmem_shared>>) offsets(%arg13 : memref<80xi32, #tpu.memory_space<vmem>>) semaphore(%run_scoped3A : memref<!tpu.dma_semaphore, #tpu.memory_space<semaphore_mem>>) {add = true}
        %dma_wait3A = arith.constant 0 : i32
        %dma_wait3A_169 = arith.constant 0 : i32
        %dma_wait3A_170 = tpu.memref_slice %arg14[%dma_wait3A, %dma_wait3A_169] : memref<80x128xf32, #tpu.memory_space<vmem_shared>> -> memref<80x128xf32, #tpu.memory_space<vmem_shared>>
        tpu.wait_indirect_dma semaphore(%run_scoped3A : memref<!tpu.dma_semaphore, #tpu.memory_space<semaphore_mem>>) src(%arg10 : memref<80x128xf32, #tpu.memory_space<vmem>>) dst(%dma_wait3A_170 : memref<80x128xf32, #tpu.memory_space<vmem_shared>>)
        tpu.yield
      }) : () -> ()
      %barrier3A_156 = arith.constant 0 : index
      tpu.barrier barrier_id(%barrier3A_156)
      "tpu.region"() ({
        %run_scoped3A = tpu.sem_alloc : memref<!tpu.dma_semaphore, #tpu.memory_space<semaphore_mem>>
        tpu.enqueue_dma source(%arg14 : memref<80x128xf32, #tpu.memory_space<vmem_shared>>) target(%arg10 : memref<80x128xf32, #tpu.memory_space<vmem>>) target_semaphore(%run_scoped3A : memref<!tpu.dma_semaphore, #tpu.memory_space<semaphore_mem>>)
        tpu.wait_dma2 semaphore(%run_scoped3A : memref<!tpu.dma_semaphore, #tpu.memory_space<semaphore_mem>>) src(%arg14 : memref<80x128xf32, #tpu.memory_space<vmem_shared>>) dst(%arg10 : memref<80x128xf32, #tpu.memory_space<vmem>>)
        tpu.yield
      }) : () -> ()
      %barrier3A_157 = arith.constant 0 : index
      tpu.barrier barrier_id(%barrier3A_157)
      %eq3A_158 = arith.constant 0 : i32
      %eq3A_159 = arith.cmpi eq, %arg1, %eq3A_158 : i32
      %convert_element_type3A_160 = arith.extui %eq3A_159 : i1 to i32
      %cond3A_161 = arith.constant 0 : i32
      %cond3A_162 = arith.cmpi ne, %convert_element_type3A_160, %cond3A_161 : i32
      scf.if %cond3A_162 {
        "tpu.region"() ({
          %run_scoped3A = tpu.sem_alloc : memref<!tpu.dma_semaphore, #tpu.memory_space<semaphore_mem>>
          tpu.enqueue_dma source(%arg12 : memref<80x128xf32, #tpu.memory_space<vmem>>) target(%arg14 : memref<80x128xf32, #tpu.memory_space<vmem_shared>>) target_semaphore(%run_scoped3A : memref<!tpu.dma_semaphore, #tpu.memory_space<semaphore_mem>>)
          tpu.wait_dma2 semaphore(%run_scoped3A : memref<!tpu.dma_semaphore, #tpu.memory_space<semaphore_mem>>) src(%arg12 : memref<80x128xf32, #tpu.memory_space<vmem>>) dst(%arg14 : memref<80x128xf32, #tpu.memory_space<vmem_shared>>)
          tpu.yield
        }) : () -> ()
      } else {
      }
      %parallel_loop3A_163 = arith.constant 0 : i32
      %parallel_loop3A_164 = arith.constant 80 : i32
      %parallel_loop3A_165 = arith.constant 1 : i32
      scf.for %parallel_loop3A_167 = %parallel_loop3A_163 to %parallel_loop3A_164 step %parallel_loop3A_165  : i32 {
        %parallel_loop3A_168 = arith.index_cast %parallel_loop3A_167 : i32 to index
        %parallel_loop3A_169 = arith.constant 0 : index
        %parallel_loop3A_170 = tpu.vector_load %arg9[%parallel_loop3A_168, %parallel_loop3A_169] {strides = array<i32>} : memref<80x128xf32, #tpu.memory_space<vmem>>, vector<16xf32>,
        %parallel_loop3A_171 = arith.constant 0.899999976 : f32
        %parallel_loop3A_172 = vector.broadcast %parallel_loop3A_171 : f32 to vector<16xf32>
        %parallel_loop3A_173 = arith.mulf %parallel_loop3A_172, %parallel_loop3A_170 : vector<16xf32>
        %parallel_loop3A_174 = arith.index_cast %parallel_loop3A_167 : i32 to index
        %parallel_loop3A_175 = arith.constant 0 : index
        %parallel_loop3A_176 = tpu.vector_load %arg10[%parallel_loop3A_174, %parallel_loop3A_175] {strides = array<i32>} : memref<80x128xf32, #tpu.memory_space<vmem>>, vector<16xf32>,
        %parallel_loop3A_177 = arith.index_cast %parallel_loop3A_167 : i32 to index
        %parallel_loop3A_178 = arith.constant 0 : index
        %parallel_loop3A_179 = tpu.vector_load %arg7[%parallel_loop3A_177, %parallel_loop3A_178] {strides = array<i32>} : memref<80x128xf32, #tpu.memory_space<vmem>>, vector<16xf32>,
        %parallel_loop3A_180 = arith.addf %parallel_loop3A_176, %parallel_loop3A_179 : vector<16xf32>
        %parallel_loop3A_181 = arith.mulf %parallel_loop3A_173, %parallel_loop3A_180 : vector<16xf32>
        %parallel_loop3A_182 = arith.index_cast %parallel_loop3A_167 : i32 to index
        %parallel_loop3A_183 = arith.constant 0 : index
        %parallel_loop3A_184 = tpu.vector_load %arg8[%parallel_loop3A_182, %parallel_loop3A_183] {strides = array<i32>} : memref<80x128xf32, #tpu.memory_space<vmem>>, vector<16xf32>,
        tpu.vector_store %arg8[%parallel_loop3A_182, %parallel_loop3A_183], %parallel_loop3A_181 {strides = array<i32>} : memref<80x128xf32, #tpu.memory_space<vmem>>, vector<16xf32>,
        %parallel_loop3A_185 = arith.index_cast %parallel_loop3A_167 : i32 to index
        %parallel_loop3A_186 = arith.constant 0 : index
        %parallel_loop3A_187 = tpu.vector_load %arg11[%parallel_loop3A_185, %parallel_loop3A_186] {strides = array<i32>} : memref<80x128xf32, #tpu.memory_space<vmem>>, vector<16xf32>,
        %parallel_loop3A_188 = vector.broadcast %select_n3A : f32 to vector<16xf32>
        %parallel_loop3A_189 = arith.mulf %parallel_loop3A_188, %parallel_loop3A_181 : vector<16xf32>
        %parallel_loop3A_190 = arith.addf %parallel_loop3A_187, %parallel_loop3A_189 : vector<16xf32>
        %parallel_loop3A_191 = arith.index_cast %parallel_loop3A_167 : i32 to index
        %parallel_loop3A_192 = arith.constant 0 : index
        %parallel_loop3A_193 = tpu.vector_load %arg11[%parallel_loop3A_191, %parallel_loop3A_192] {strides = array<i32>} : memref<80x128xf32, #tpu.memory_space<vmem>>, vector<16xf32>,
        tpu.vector_store %arg11[%parallel_loop3A_191, %parallel_loop3A_192], %parallel_loop3A_190 {strides = array<i32>} : memref<80x128xf32, #tpu.memory_space<vmem>>, vector<16xf32>,
        %parallel_loop3A_194 = arith.mulf %parallel_loop3A_170, %parallel_loop3A_181 : vector<16xf32>
        %parallel_loop3A_195 = arith.index_cast %parallel_loop3A_167 : i32 to index
        %parallel_loop3A_196 = arith.constant 0 : index
        %parallel_loop3A_197 = tpu.vector_load %arg7[%parallel_loop3A_195, %parallel_loop3A_196] {strides = array<i32>} : memref<80x128xf32, #tpu.memory_space<vmem>>, vector<16xf32>,
        tpu.vector_store %arg7[%parallel_loop3A_195, %parallel_loop3A_196], %parallel_loop3A_194 {strides = array<i32>} : memref<80x128xf32, #tpu.memory_space<vmem>>, vector<16xf32>,
        %parallel_loop3A_198 = arith.index_cast %parallel_loop3A_167 : i32 to index
        %parallel_loop3A_199 = arith.constant 0 : index
        %parallel_loop3A_200 = tpu.vector_load %arg10[%parallel_loop3A_198, %parallel_loop3A_199] {strides = array<i32>} : memref<80x128xf32, #tpu.memory_space<vmem>>, vector<16xf32>,
        tpu.vector_store %arg10[%parallel_loop3A_198, %parallel_loop3A_199], %broadcast_in_dim3A_2 {strides = array<i32>} : memref<80x128xf32, #tpu.memory_space<vmem>>, vector<16xf32>,
        %parallel_loop3A_201 = arith.index_cast %parallel_loop3A_167 : i32 to index
        %parallel_loop3A_202 = arith.constant 16 : index
        %parallel_loop3A_203 = tpu.vector_load %arg9[%parallel_loop3A_201, %parallel_loop3A_202] {strides = array<i32>} : memref<80x128xf32, #tpu.memory_space<vmem>>, vector<16xf32>,
        %parallel_loop3A_204 = arith.constant 0.899999976 : f32
        %parallel_loop3A_205 = vector.broadcast %parallel_loop3A_204 : f32 to vector<16xf32>
        %parallel_loop3A_206 = arith.mulf %parallel_loop3A_205, %parallel_loop3A_203 : vector<16xf32>
        %parallel_loop3A_207 = arith.index_cast %parallel_loop3A_167 : i32 to index
        %parallel_loop3A_208 = arith.constant 16 : index
        %parallel_loop3A_209 = tpu.vector_load %arg10[%parallel_loop3A_207, %parallel_loop3A_208] {strides = array<i32>} : memref<80x128xf32, #tpu.memory_space<vmem>>, vector<16xf32>,
        %parallel_loop3A_210 = arith.index_cast %parallel_loop3A_167 : i32 to index
        %parallel_loop3A_211 = arith.constant 16 : index
        %parallel_loop3A_212 = tpu.vector_load %arg7[%parallel_loop3A_210, %parallel_loop3A_211] {strides = array<i32>} : memref<80x128xf32, #tpu.memory_space<vmem>>, vector<16xf32>,
        %parallel_loop3A_213 = arith.addf %parallel_loop3A_209, %parallel_loop3A_212 : vector<16xf32>
        %parallel_loop3A_214 = arith.mulf %parallel_loop3A_206, %parallel_loop3A_213 : vector<16xf32>
        %parallel_loop3A_215 = arith.index_cast %parallel_loop3A_167 : i32 to index
        %parallel_loop3A_216 = arith.constant 16 : index
        %parallel_loop3A_217 = tpu.vector_load %arg8[%parallel_loop3A_215, %parallel_loop3A_216] {strides = array<i32>} : memref<80x128xf32, #tpu.memory_space<vmem>>, vector<16xf32>,
        tpu.vector_store %arg8[%parallel_loop3A_215, %parallel_loop3A_216], %parallel_loop3A_214 {strides = array<i32>} : memref<80x128xf32, #tpu.memory_space<vmem>>, vector<16xf32>,
        %parallel_loop3A_218 = arith.index_cast %parallel_loop3A_167 : i32 to index
        %parallel_loop3A_219 = arith.constant 16 : index
        %parallel_loop3A_220 = tpu.vector_load %arg11[%parallel_loop3A_218, %parallel_loop3A_219] {strides = array<i32>} : memref<80x128xf32, #tpu.memory_space<vmem>>, vector<16xf32>,
        %parallel_loop3A_221 = vector.broadcast %select_n3A : f32 to vector<16xf32>
        %parallel_loop3A_222 = arith.mulf %parallel_loop3A_221, %parallel_loop3A_214 : vector<16xf32>
        %parallel_loop3A_223 = arith.addf %parallel_loop3A_220, %parallel_loop3A_222 : vector<16xf32>
        %parallel_loop3A_224 = arith.index_cast %parallel_loop3A_167 : i32 to index
        %parallel_loop3A_225 = arith.constant 16 : index
        %parallel_loop3A_226 = tpu.vector_load %arg11[%parallel_loop3A_224, %parallel_loop3A_225] {strides = array<i32>} : memref<80x128xf32, #tpu.memory_space<vmem>>, vector<16xf32>,
        tpu.vector_store %arg11[%parallel_loop3A_224, %parallel_loop3A_225], %parallel_loop3A_223 {strides = array<i32>} : memref<80x128xf32, #tpu.memory_space<vmem>>, vector<16xf32>,
        %parallel_loop3A_227 = arith.mulf %parallel_loop3A_203, %parallel_loop3A_214 : vector<16xf32>
        %parallel_loop3A_228 = arith.index_cast %parallel_loop3A_167 : i32 to index
        %parallel_loop3A_229 = arith.constant 16 : index
        %parallel_loop3A_230 = tpu.vector_load %arg7[%parallel_loop3A_228, %parallel_loop3A_229] {strides = array<i32>} : memref<80x128xf32, #tpu.memory_space<vmem>>, vector<16xf32>,
        tpu.vector_store %arg7[%parallel_loop3A_228, %parallel_loop3A_229], %parallel_loop3A_227 {strides = array<i32>} : memref<80x128xf32, #tpu.memory_space<vmem>>, vector<16xf32>,
        %parallel_loop3A_231 = arith.index_cast %parallel_loop3A_167 : i32 to index
        %parallel_loop3A_232 = arith.constant 16 : index
        %parallel_loop3A_233 = tpu.vector_load %arg10[%parallel_loop3A_231, %parallel_loop3A_232] {strides = array<i32>} : memref<80x128xf32, #tpu.memory_space<vmem>>, vector<16xf32>,
        tpu.vector_store %arg10[%parallel_loop3A_231, %parallel_loop3A_232], %broadcast_in_dim3A_2 {strides = array<i32>} : memref<80x128xf32, #tpu.memory_space<vmem>>, vector<16xf32>,
        %parallel_loop3A_234 = arith.index_cast %parallel_loop3A_167 : i32 to index
        %parallel_loop3A_235 = arith.constant 32 : index
        %parallel_loop3A_236 = tpu.vector_load %arg9[%parallel_loop3A_234, %parallel_loop3A_235] {strides = array<i32>} : memref<80x128xf32, #tpu.memory_space<vmem>>, vector<16xf32>,
        %parallel_loop3A_237 = arith.constant 0.899999976 : f32
        %parallel_loop3A_238 = vector.broadcast %parallel_loop3A_237 : f32 to vector<16xf32>
        %parallel_loop3A_239 = arith.mulf %parallel_loop3A_238, %parallel_loop3A_236 : vector<16xf32>
        %parallel_loop3A_240 = arith.index_cast %parallel_loop3A_167 : i32 to index
        %parallel_loop3A_241 = arith.constant 32 : index
        %parallel_loop3A_242 = tpu.vector_load %arg10[%parallel_loop3A_240, %parallel_loop3A_241] {strides = array<i32>} : memref<80x128xf32, #tpu.memory_space<vmem>>, vector<16xf32>,
        %parallel_loop3A_243 = arith.index_cast %parallel_loop3A_167 : i32 to index
        %parallel_loop3A_244 = arith.constant 32 : index
        %parallel_loop3A_245 = tpu.vector_load %arg7[%parallel_loop3A_243, %parallel_loop3A_244] {strides = array<i32>} : memref<80x128xf32, #tpu.memory_space<vmem>>, vector<16xf32>,
        %parallel_loop3A_246 = arith.addf %parallel_loop3A_242, %parallel_loop3A_245 : vector<16xf32>
        %parallel_loop3A_247 = arith.mulf %parallel_loop3A_239, %parallel_loop3A_246 : vector<16xf32>
        %parallel_loop3A_248 = arith.index_cast %parallel_loop3A_167 : i32 to index
        %parallel_loop3A_249 = arith.constant 32 : index
        %parallel_loop3A_250 = tpu.vector_load %arg8[%parallel_loop3A_248, %parallel_loop3A_249] {strides = array<i32>} : memref<80x128xf32, #tpu.memory_space<vmem>>, vector<16xf32>,
        tpu.vector_store %arg8[%parallel_loop3A_248, %parallel_loop3A_249], %parallel_loop3A_247 {strides = array<i32>} : memref<80x128xf32, #tpu.memory_space<vmem>>, vector<16xf32>,
        %parallel_loop3A_251 = arith.index_cast %parallel_loop3A_167 : i32 to index
        %parallel_loop3A_252 = arith.constant 32 : index
        %parallel_loop3A_253 = tpu.vector_load %arg11[%parallel_loop3A_251, %parallel_loop3A_252] {strides = array<i32>} : memref<80x128xf32, #tpu.memory_space<vmem>>, vector<16xf32>,
        %parallel_loop3A_254 = vector.broadcast %select_n3A : f32 to vector<16xf32>
        %parallel_loop3A_255 = arith.mulf %parallel_loop3A_254, %parallel_loop3A_247 : vector<16xf32>
        %parallel_loop3A_256 = arith.addf %parallel_loop3A_253, %parallel_loop3A_255 : vector<16xf32>
        %parallel_loop3A_257 = arith.index_cast %parallel_loop3A_167 : i32 to index
        %parallel_loop3A_258 = arith.constant 32 : index
        %parallel_loop3A_259 = tpu.vector_load %arg11[%parallel_loop3A_257, %parallel_loop3A_258] {strides = array<i32>} : memref<80x128xf32, #tpu.memory_space<vmem>>, vector<16xf32>,
        tpu.vector_store %arg11[%parallel_loop3A_257, %parallel_loop3A_258], %parallel_loop3A_256 {strides = array<i32>} : memref<80x128xf32, #tpu.memory_space<vmem>>, vector<16xf32>,
        %parallel_loop3A_260 = arith.mulf %parallel_loop3A_236, %parallel_loop3A_247 : vector<16xf32>
        %parallel_loop3A_261 = arith.index_cast %parallel_loop3A_167 : i32 to index
        %parallel_loop3A_262 = arith.constant 32 : index
        %parallel_loop3A_263 = tpu.vector_load %arg7[%parallel_loop3A_261, %parallel_loop3A_262] {strides = array<i32>} : memref<80x128xf32, #tpu.memory_space<vmem>>, vector<16xf32>,
        tpu.vector_store %arg7[%parallel_loop3A_261, %parallel_loop3A_262], %parallel_loop3A_260 {strides = array<i32>} : memref<80x128xf32, #tpu.memory_space<vmem>>, vector<16xf32>,
        %parallel_loop3A_264 = arith.index_cast %parallel_loop3A_167 : i32 to index
        %parallel_loop3A_265 = arith.constant 32 : index
        %parallel_loop3A_266 = tpu.vector_load %arg10[%parallel_loop3A_264, %parallel_loop3A_265] {strides = array<i32>} : memref<80x128xf32, #tpu.memory_space<vmem>>, vector<16xf32>,
        tpu.vector_store %arg10[%parallel_loop3A_264, %parallel_loop3A_265], %broadcast_in_dim3A_2 {strides = array<i32>} : memref<80x128xf32, #tpu.memory_space<vmem>>, vector<16xf32>,
        %parallel_loop3A_267 = arith.index_cast %parallel_loop3A_167 : i32 to index
        %parallel_loop3A_268 = arith.constant 48 : index
        %parallel_loop3A_269 = tpu.vector_load %arg9[%parallel_loop3A_267, %parallel_loop3A_268] {strides = array<i32>} : memref<80x128xf32, #tpu.memory_space<vmem>>, vector<16xf32>,
        %parallel_loop3A_270 = arith.constant 0.899999976 : f32
        %parallel_loop3A_271 = vector.broadcast %parallel_loop3A_270 : f32 to vector<16xf32>
        %parallel_loop3A_272 = arith.mulf %parallel_loop3A_271, %parallel_loop3A_269 : vector<16xf32>
        %parallel_loop3A_273 = arith.index_cast %parallel_loop3A_167 : i32 to index
        %parallel_loop3A_274 = arith.constant 48 : index
        %parallel_loop3A_275 = tpu.vector_load %arg10[%parallel_loop3A_273, %parallel_loop3A_274] {strides = array<i32>} : memref<80x128xf32, #tpu.memory_space<vmem>>, vector<16xf32>,
        %parallel_loop3A_276 = arith.index_cast %parallel_loop3A_167 : i32 to index
        %parallel_loop3A_277 = arith.constant 48 : index
        %parallel_loop3A_278 = tpu.vector_load %arg7[%parallel_loop3A_276, %parallel_loop3A_277] {strides = array<i32>} : memref<80x128xf32, #tpu.memory_space<vmem>>, vector<16xf32>,
        %parallel_loop3A_279 = arith.addf %parallel_loop3A_275, %parallel_loop3A_278 : vector<16xf32>
        %parallel_loop3A_280 = arith.mulf %parallel_loop3A_272, %parallel_loop3A_279 : vector<16xf32>
        %parallel_loop3A_281 = arith.index_cast %parallel_loop3A_167 : i32 to index
        %parallel_loop3A_282 = arith.constant 48 : index
        %parallel_loop3A_283 = tpu.vector_load %arg8[%parallel_loop3A_281, %parallel_loop3A_282] {strides = array<i32>} : memref<80x128xf32, #tpu.memory_space<vmem>>, vector<16xf32>,
        tpu.vector_store %arg8[%parallel_loop3A_281, %parallel_loop3A_282], %parallel_loop3A_280 {strides = array<i32>} : memref<80x128xf32, #tpu.memory_space<vmem>>, vector<16xf32>,
        %parallel_loop3A_284 = arith.index_cast %parallel_loop3A_167 : i32 to index
        %parallel_loop3A_285 = arith.constant 48 : index
        %parallel_loop3A_286 = tpu.vector_load %arg11[%parallel_loop3A_284, %parallel_loop3A_285] {strides = array<i32>} : memref<80x128xf32, #tpu.memory_space<vmem>>, vector<16xf32>,
        %parallel_loop3A_287 = vector.broadcast %select_n3A : f32 to vector<16xf32>
        %parallel_loop3A_288 = arith.mulf %parallel_loop3A_287, %parallel_loop3A_280 : vector<16xf32>
        %parallel_loop3A_289 = arith.addf %parallel_loop3A_286, %parallel_loop3A_288 : vector<16xf32>
        %parallel_loop3A_290 = arith.index_cast %parallel_loop3A_167 : i32 to index
        %parallel_loop3A_291 = arith.constant 48 : index
        %parallel_loop3A_292 = tpu.vector_load %arg11[%parallel_loop3A_290, %parallel_loop3A_291] {strides = array<i32>} : memref<80x128xf32, #tpu.memory_space<vmem>>, vector<16xf32>,
        tpu.vector_store %arg11[%parallel_loop3A_290, %parallel_loop3A_291], %parallel_loop3A_289 {strides = array<i32>} : memref<80x128xf32, #tpu.memory_space<vmem>>, vector<16xf32>,
        %parallel_loop3A_293 = arith.mulf %parallel_loop3A_269, %parallel_loop3A_280 : vector<16xf32>
        %parallel_loop3A_294 = arith.index_cast %parallel_loop3A_167 : i32 to index
        %parallel_loop3A_295 = arith.constant 48 : index
        %parallel_loop3A_296 = tpu.vector_load %arg7[%parallel_loop3A_294, %parallel_loop3A_295] {strides = array<i32>} : memref<80x128xf32, #tpu.memory_space<vmem>>, vector<16xf32>,
        tpu.vector_store %arg7[%parallel_loop3A_294, %parallel_loop3A_295], %parallel_loop3A_293 {strides = array<i32>} : memref<80x128xf32, #tpu.memory_space<vmem>>, vector<16xf32>,
        %parallel_loop3A_297 = arith.index_cast %parallel_loop3A_167 : i32 to index
        %parallel_loop3A_298 = arith.constant 48 : index
        %parallel_loop3A_299 = tpu.vector_load %arg10[%parallel_loop3A_297, %parallel_loop3A_298] {strides = array<i32>} : memref<80x128xf32, #tpu.memory_space<vmem>>, vector<16xf32>,
        tpu.vector_store %arg10[%parallel_loop3A_297, %parallel_loop3A_298], %broadcast_in_dim3A_2 {strides = array<i32>} : memref<80x128xf32, #tpu.memory_space<vmem>>, vector<16xf32>,
        %parallel_loop3A_300 = arith.index_cast %parallel_loop3A_167 : i32 to index
        %parallel_loop3A_301 = arith.constant 64 : index
        %parallel_loop3A_302 = tpu.vector_load %arg9[%parallel_loop3A_300, %parallel_loop3A_301] {strides = array<i32>} : memref<80x128xf32, #tpu.memory_space<vmem>>, vector<16xf32>,
        %parallel_loop3A_303 = arith.constant 0.899999976 : f32
        %parallel_loop3A_304 = vector.broadcast %parallel_loop3A_303 : f32 to vector<16xf32>
        %parallel_loop3A_305 = arith.mulf %parallel_loop3A_304, %parallel_loop3A_302 : vector<16xf32>
        %parallel_loop3A_306 = arith.index_cast %parallel_loop3A_167 : i32 to index
        %parallel_loop3A_307 = arith.constant 64 : index
        %parallel_loop3A_308 = tpu.vector_load %arg10[%parallel_loop3A_306, %parallel_loop3A_307] {strides = array<i32>} : memref<80x128xf32, #tpu.memory_space<vmem>>, vector<16xf32>,
        %parallel_loop3A_309 = arith.index_cast %parallel_loop3A_167 : i32 to index
        %parallel_loop3A_310 = arith.constant 64 : index
        %parallel_loop3A_311 = tpu.vector_load %arg7[%parallel_loop3A_309, %parallel_loop3A_310] {strides = array<i32>} : memref<80x128xf32, #tpu.memory_space<vmem>>, vector<16xf32>,
        %parallel_loop3A_312 = arith.addf %parallel_loop3A_308, %parallel_loop3A_311 : vector<16xf32>
        %parallel_loop3A_313 = arith.mulf %parallel_loop3A_305, %parallel_loop3A_312 : vector<16xf32>
        %parallel_loop3A_314 = arith.index_cast %parallel_loop3A_167 : i32 to index
        %parallel_loop3A_315 = arith.constant 64 : index
        %parallel_loop3A_316 = tpu.vector_load %arg8[%parallel_loop3A_314, %parallel_loop3A_315] {strides = array<i32>} : memref<80x128xf32, #tpu.memory_space<vmem>>, vector<16xf32>,
        tpu.vector_store %arg8[%parallel_loop3A_314, %parallel_loop3A_315], %parallel_loop3A_313 {strides = array<i32>} : memref<80x128xf32, #tpu.memory_space<vmem>>, vector<16xf32>,
        %parallel_loop3A_317 = arith.index_cast %parallel_loop3A_167 : i32 to index
        %parallel_loop3A_318 = arith.constant 64 : index
        %parallel_loop3A_319 = tpu.vector_load %arg11[%parallel_loop3A_317, %parallel_loop3A_318] {strides = array<i32>} : memref<80x128xf32, #tpu.memory_space<vmem>>, vector<16xf32>,
        %parallel_loop3A_320 = vector.broadcast %select_n3A : f32 to vector<16xf32>
        %parallel_loop3A_321 = arith.mulf %parallel_loop3A_320, %parallel_loop3A_313 : vector<16xf32>
        %parallel_loop3A_322 = arith.addf %parallel_loop3A_319, %parallel_loop3A_321 : vector<16xf32>
        %parallel_loop3A_323 = arith.index_cast %parallel_loop3A_167 : i32 to index
        %parallel_loop3A_324 = arith.constant 64 : index
        %parallel_loop3A_325 = tpu.vector_load %arg11[%parallel_loop3A_323, %parallel_loop3A_324] {strides = array<i32>} : memref<80x128xf32, #tpu.memory_space<vmem>>, vector<16xf32>,
        tpu.vector_store %arg11[%parallel_loop3A_323, %parallel_loop3A_324], %parallel_loop3A_322 {strides = array<i32>} : memref<80x128xf32, #tpu.memory_space<vmem>>, vector<16xf32>,
        %parallel_loop3A_326 = arith.mulf %parallel_loop3A_302, %parallel_loop3A_313 : vector<16xf32>
        %parallel_loop3A_327 = arith.index_cast %parallel_loop3A_167 : i32 to index
        %parallel_loop3A_328 = arith.constant 64 : index
        %parallel_loop3A_329 = tpu.vector_load %arg7[%parallel_loop3A_327, %parallel_loop3A_328] {strides = array<i32>} : memref<80x128xf32, #tpu.memory_space<vmem>>, vector<16xf32>,
        tpu.vector_store %arg7[%parallel_loop3A_327, %parallel_loop3A_328], %parallel_loop3A_326 {strides = array<i32>} : memref<80x128xf32, #tpu.memory_space<vmem>>, vector<16xf32>,
        %parallel_loop3A_330 = arith.index_cast %parallel_loop3A_167 : i32 to index
        %parallel_loop3A_331 = arith.constant 64 : index
        %parallel_loop3A_332 = tpu.vector_load %arg10[%parallel_loop3A_330, %parallel_loop3A_331] {strides = array<i32>} : memref<80x128xf32, #tpu.memory_space<vmem>>, vector<16xf32>,
        tpu.vector_store %arg10[%parallel_loop3A_330, %parallel_loop3A_331], %broadcast_in_dim3A_2 {strides = array<i32>} : memref<80x128xf32, #tpu.memory_space<vmem>>, vector<16xf32>,
        %parallel_loop3A_333 = arith.index_cast %parallel_loop3A_167 : i32 to index
        %parallel_loop3A_334 = arith.constant 80 : index
        %parallel_loop3A_335 = tpu.vector_load %arg9[%parallel_loop3A_333, %parallel_loop3A_334] {strides = array<i32>} : memref<80x128xf32, #tpu.memory_space<vmem>>, vector<16xf32>,
        %parallel_loop3A_336 = arith.constant 0.899999976 : f32
        %parallel_loop3A_337 = vector.broadcast %parallel_loop3A_336 : f32 to vector<16xf32>
        %parallel_loop3A_338 = arith.mulf %parallel_loop3A_337, %parallel_loop3A_335 : vector<16xf32>
        %parallel_loop3A_339 = arith.index_cast %parallel_loop3A_167 : i32 to index
        %parallel_loop3A_340 = arith.constant 80 : index
        %parallel_loop3A_341 = tpu.vector_load %arg10[%parallel_loop3A_339, %parallel_loop3A_340] {strides = array<i32>} : memref<80x128xf32, #tpu.memory_space<vmem>>, vector<16xf32>,
        %parallel_loop3A_342 = arith.index_cast %parallel_loop3A_167 : i32 to index
        %parallel_loop3A_343 = arith.constant 80 : index
        %parallel_loop3A_344 = tpu.vector_load %arg7[%parallel_loop3A_342, %parallel_loop3A_343] {strides = array<i32>} : memref<80x128xf32, #tpu.memory_space<vmem>>, vector<16xf32>,
        %parallel_loop3A_345 = arith.addf %parallel_loop3A_341, %parallel_loop3A_344 : vector<16xf32>
        %parallel_loop3A_346 = arith.mulf %parallel_loop3A_338, %parallel_loop3A_345 : vector<16xf32>
        %parallel_loop3A_347 = arith.index_cast %parallel_loop3A_167 : i32 to index
        %parallel_loop3A_348 = arith.constant 80 : index
        %parallel_loop3A_349 = tpu.vector_load %arg8[%parallel_loop3A_347, %parallel_loop3A_348] {strides = array<i32>} : memref<80x128xf32, #tpu.memory_space<vmem>>, vector<16xf32>,
        tpu.vector_store %arg8[%parallel_loop3A_347, %parallel_loop3A_348], %parallel_loop3A_346 {strides = array<i32>} : memref<80x128xf32, #tpu.memory_space<vmem>>, vector<16xf32>,
        %parallel_loop3A_350 = arith.index_cast %parallel_loop3A_167 : i32 to index
        %parallel_loop3A_351 = arith.constant 80 : index
        %parallel_loop3A_352 = tpu.vector_load %arg11[%parallel_loop3A_350, %parallel_loop3A_351] {strides = array<i32>} : memref<80x128xf32, #tpu.memory_space<vmem>>, vector<16xf32>,
        %parallel_loop3A_353 = vector.broadcast %select_n3A : f32 to vector<16xf32>
        %parallel_loop3A_354 = arith.mulf %parallel_loop3A_353, %parallel_loop3A_346 : vector<16xf32>
        %parallel_loop3A_355 = arith.addf %parallel_loop3A_352, %parallel_loop3A_354 : vector<16xf32>
        %parallel_loop3A_356 = arith.index_cast %parallel_loop3A_167 : i32 to index
        %parallel_loop3A_357 = arith.constant 80 : index
        %parallel_loop3A_358 = tpu.vector_load %arg11[%parallel_loop3A_356, %parallel_loop3A_357] {strides = array<i32>} : memref<80x128xf32, #tpu.memory_space<vmem>>, vector<16xf32>,
        tpu.vector_store %arg11[%parallel_loop3A_356, %parallel_loop3A_357], %parallel_loop3A_355 {strides = array<i32>} : memref<80x128xf32, #tpu.memory_space<vmem>>, vector<16xf32>,
        %parallel_loop3A_359 = arith.mulf %parallel_loop3A_335, %parallel_loop3A_346 : vector<16xf32>
        %parallel_loop3A_360 = arith.index_cast %parallel_loop3A_167 : i32 to index
        %parallel_loop3A_361 = arith.constant 80 : index
        %parallel_loop3A_362 = tpu.vector_load %arg7[%parallel_loop3A_360, %parallel_loop3A_361] {strides = array<i32>} : memref<80x128xf32, #tpu.memory_space<vmem>>, vector<16xf32>,
        tpu.vector_store %arg7[%parallel_loop3A_360, %parallel_loop3A_361], %parallel_loop3A_359 {strides = array<i32>} : memref<80x128xf32, #tpu.memory_space<vmem>>, vector<16xf32>,
        %parallel_loop3A_363 = arith.index_cast %parallel_loop3A_167 : i32 to index
        %parallel_loop3A_364 = arith.constant 80 : index
        %parallel_loop3A_365 = tpu.vector_load %arg10[%parallel_loop3A_363, %parallel_loop3A_364] {strides = array<i32>} : memref<80x128xf32, #tpu.memory_space<vmem>>, vector<16xf32>,
        tpu.vector_store %arg10[%parallel_loop3A_363, %parallel_loop3A_364], %broadcast_in_dim3A_2 {strides = array<i32>} : memref<80x128xf32, #tpu.memory_space<vmem>>, vector<16xf32>,
        %parallel_loop3A_366 = arith.index_cast %parallel_loop3A_167 : i32 to index
        %parallel_loop3A_367 = arith.constant 96 : index
        %parallel_loop3A_368 = tpu.vector_load %arg9[%parallel_loop3A_366, %parallel_loop3A_367] {strides = array<i32>} : memref<80x128xf32, #tpu.memory_space<vmem>>, vector<16xf32>,
        %parallel_loop3A_369 = arith.constant 0.899999976 : f32
        %parallel_loop3A_370 = vector.broadcast %parallel_loop3A_369 : f32 to vector<16xf32>
        %parallel_loop3A_371 = arith.mulf %parallel_loop3A_370, %parallel_loop3A_368 : vector<16xf32>
        %parallel_loop3A_372 = arith.index_cast %parallel_loop3A_167 : i32 to index
        %parallel_loop3A_373 = arith.constant 96 : index
        %parallel_loop3A_374 = tpu.vector_load %arg10[%parallel_loop3A_372, %parallel_loop3A_373] {strides = array<i32>} : memref<80x128xf32, #tpu.memory_space<vmem>>, vector<16xf32>,
        %parallel_loop3A_375 = arith.index_cast %parallel_loop3A_167 : i32 to index
        %parallel_loop3A_376 = arith.constant 96 : index
        %parallel_loop3A_377 = tpu.vector_load %arg7[%parallel_loop3A_375, %parallel_loop3A_376] {strides = array<i32>} : memref<80x128xf32, #tpu.memory_space<vmem>>, vector<16xf32>,
        %parallel_loop3A_378 = arith.addf %parallel_loop3A_374, %parallel_loop3A_377 : vector<16xf32>
        %parallel_loop3A_379 = arith.mulf %parallel_loop3A_371, %parallel_loop3A_378 : vector<16xf32>
        %parallel_loop3A_380 = arith.index_cast %parallel_loop3A_167 : i32 to index
        %parallel_loop3A_381 = arith.constant 96 : index
        %parallel_loop3A_382 = tpu.vector_load %arg8[%parallel_loop3A_380, %parallel_loop3A_381] {strides = array<i32>} : memref<80x128xf32, #tpu.memory_space<vmem>>, vector<16xf32>,
        tpu.vector_store %arg8[%parallel_loop3A_380, %parallel_loop3A_381], %parallel_loop3A_379 {strides = array<i32>} : memref<80x128xf32, #tpu.memory_space<vmem>>, vector<16xf32>,
        %parallel_loop3A_383 = arith.index_cast %parallel_loop3A_167 : i32 to index
        %parallel_loop3A_384 = arith.constant 96 : index
        %parallel_loop3A_385 = tpu.vector_load %arg11[%parallel_loop3A_383, %parallel_loop3A_384] {strides = array<i32>} : memref<80x128xf32, #tpu.memory_space<vmem>>, vector<16xf32>,
        %parallel_loop3A_386 = vector.broadcast %select_n3A : f32 to vector<16xf32>
        %parallel_loop3A_387 = arith.mulf %parallel_loop3A_386, %parallel_loop3A_379 : vector<16xf32>
        %parallel_loop3A_388 = arith.addf %parallel_loop3A_385, %parallel_loop3A_387 : vector<16xf32>
        %parallel_loop3A_389 = arith.index_cast %parallel_loop3A_167 : i32 to index
        %parallel_loop3A_390 = arith.constant 96 : index
        %parallel_loop3A_391 = tpu.vector_load %arg11[%parallel_loop3A_389, %parallel_loop3A_390] {strides = array<i32>} : memref<80x128xf32, #tpu.memory_space<vmem>>, vector<16xf32>,
        tpu.vector_store %arg11[%parallel_loop3A_389, %parallel_loop3A_390], %parallel_loop3A_388 {strides = array<i32>} : memref<80x128xf32, #tpu.memory_space<vmem>>, vector<16xf32>,
        %parallel_loop3A_392 = arith.mulf %parallel_loop3A_368, %parallel_loop3A_379 : vector<16xf32>
        %parallel_loop3A_393 = arith.index_cast %parallel_loop3A_167 : i32 to index
        %parallel_loop3A_394 = arith.constant 96 : index
        %parallel_loop3A_395 = tpu.vector_load %arg7[%parallel_loop3A_393, %parallel_loop3A_394] {strides = array<i32>} : memref<80x128xf32, #tpu.memory_space<vmem>>, vector<16xf32>,
        tpu.vector_store %arg7[%parallel_loop3A_393, %parallel_loop3A_394], %parallel_loop3A_392 {strides = array<i32>} : memref<80x128xf32, #tpu.memory_space<vmem>>, vector<16xf32>,
        %parallel_loop3A_396 = arith.index_cast %parallel_loop3A_167 : i32 to index
        %parallel_loop3A_397 = arith.constant 96 : index
        %parallel_loop3A_398 = tpu.vector_load %arg10[%parallel_loop3A_396, %parallel_loop3A_397] {strides = array<i32>} : memref<80x128xf32, #tpu.memory_space<vmem>>, vector<16xf32>,
        tpu.vector_store %arg10[%parallel_loop3A_396, %parallel_loop3A_397], %broadcast_in_dim3A_2 {strides = array<i32>} : memref<80x128xf32, #tpu.memory_space<vmem>>, vector<16xf32>,
        %parallel_loop3A_399 = arith.index_cast %parallel_loop3A_167 : i32 to index
        %parallel_loop3A_400 = arith.constant 112 : index
        %parallel_loop3A_401 = tpu.vector_load %arg9[%parallel_loop3A_399, %parallel_loop3A_400] {strides = array<i32>} : memref<80x128xf32, #tpu.memory_space<vmem>>, vector<16xf32>,
        %parallel_loop3A_402 = arith.constant 0.899999976 : f32
        %parallel_loop3A_403 = vector.broadcast %parallel_loop3A_402 : f32 to vector<16xf32>
        %parallel_loop3A_404 = arith.mulf %parallel_loop3A_403, %parallel_loop3A_401 : vector<16xf32>
        %parallel_loop3A_405 = arith.index_cast %parallel_loop3A_167 : i32 to index
        %parallel_loop3A_406 = arith.constant 112 : index
        %parallel_loop3A_407 = tpu.vector_load %arg10[%parallel_loop3A_405, %parallel_loop3A_406] {strides = array<i32>} : memref<80x128xf32, #tpu.memory_space<vmem>>, vector<16xf32>,
        %parallel_loop3A_408 = arith.index_cast %parallel_loop3A_167 : i32 to index
        %parallel_loop3A_409 = arith.constant 112 : index
        %parallel_loop3A_410 = tpu.vector_load %arg7[%parallel_loop3A_408, %parallel_loop3A_409] {strides = array<i32>} : memref<80x128xf32, #tpu.memory_space<vmem>>, vector<16xf32>,
        %parallel_loop3A_411 = arith.addf %parallel_loop3A_407, %parallel_loop3A_410 : vector<16xf32>
        %parallel_loop3A_412 = arith.mulf %parallel_loop3A_404, %parallel_loop3A_411 : vector<16xf32>
        %parallel_loop3A_413 = arith.index_cast %parallel_loop3A_167 : i32 to index
        %parallel_loop3A_414 = arith.constant 112 : index
        %parallel_loop3A_415 = tpu.vector_load %arg8[%parallel_loop3A_413, %parallel_loop3A_414] {strides = array<i32>} : memref<80x128xf32, #tpu.memory_space<vmem>>, vector<16xf32>,
        tpu.vector_store %arg8[%parallel_loop3A_413, %parallel_loop3A_414], %parallel_loop3A_412 {strides = array<i32>} : memref<80x128xf32, #tpu.memory_space<vmem>>, vector<16xf32>,
        %parallel_loop3A_416 = arith.index_cast %parallel_loop3A_167 : i32 to index
        %parallel_loop3A_417 = arith.constant 112 : index
        %parallel_loop3A_418 = tpu.vector_load %arg11[%parallel_loop3A_416, %parallel_loop3A_417] {strides = array<i32>} : memref<80x128xf32, #tpu.memory_space<vmem>>, vector<16xf32>,
        %parallel_loop3A_419 = vector.broadcast %select_n3A : f32 to vector<16xf32>
        %parallel_loop3A_420 = arith.mulf %parallel_loop3A_419, %parallel_loop3A_412 : vector<16xf32>
        %parallel_loop3A_421 = arith.addf %parallel_loop3A_418, %parallel_loop3A_420 : vector<16xf32>
        %parallel_loop3A_422 = arith.index_cast %parallel_loop3A_167 : i32 to index
        %parallel_loop3A_423 = arith.constant 112 : index
        %parallel_loop3A_424 = tpu.vector_load %arg11[%parallel_loop3A_422, %parallel_loop3A_423] {strides = array<i32>} : memref<80x128xf32, #tpu.memory_space<vmem>>, vector<16xf32>,
        tpu.vector_store %arg11[%parallel_loop3A_422, %parallel_loop3A_423], %parallel_loop3A_421 {strides = array<i32>} : memref<80x128xf32, #tpu.memory_space<vmem>>, vector<16xf32>,
        %parallel_loop3A_425 = arith.mulf %parallel_loop3A_401, %parallel_loop3A_412 : vector<16xf32>
        %parallel_loop3A_426 = arith.index_cast %parallel_loop3A_167 : i32 to index
        %parallel_loop3A_427 = arith.constant 112 : index
        %parallel_loop3A_428 = tpu.vector_load %arg7[%parallel_loop3A_426, %parallel_loop3A_427] {strides = array<i32>} : memref<80x128xf32, #tpu.memory_space<vmem>>, vector<16xf32>,
        tpu.vector_store %arg7[%parallel_loop3A_426, %parallel_loop3A_427], %parallel_loop3A_425 {strides = array<i32>} : memref<80x128xf32, #tpu.memory_space<vmem>>, vector<16xf32>,
        %parallel_loop3A_429 = arith.index_cast %parallel_loop3A_167 : i32 to index
        %parallel_loop3A_430 = arith.constant 112 : index
        %parallel_loop3A_431 = tpu.vector_load %arg10[%parallel_loop3A_429, %parallel_loop3A_430] {strides = array<i32>} : memref<80x128xf32, #tpu.memory_space<vmem>>, vector<16xf32>,
        tpu.vector_store %arg10[%parallel_loop3A_429, %parallel_loop3A_430], %broadcast_in_dim3A_2 {strides = array<i32>} : memref<80x128xf32, #tpu.memory_space<vmem>>, vector<16xf32>,
      } {sc.loop_unroll_factor = 2 : i64, sc.parallel_access}
      %barrier3A_166 = arith.constant 0 : index
      tpu.barrier barrier_id(%barrier3A_166)
    }
    %scan3A_118 = arith.constant 10 : i32
    %eq3A_119 = arith.constant 0 : i32
    %eq3A_120 = arith.cmpi eq, %arg0, %eq3A_119 : i32
    %eq3A_121 = arith.constant 0 : i32
    %eq3A_122 = arith.cmpi eq, %arg1, %eq3A_121 : i32
    %and3A_123 = arith.andi %eq3A_120, %eq3A_122 : i1
    %convert_element_type3A_124 = arith.extui %and3A_123 : i1 to i32
    %cond3A_125 = arith.constant 0 : i32
    %cond3A_126 = arith.cmpi ne, %convert_element_type3A_124, %cond3A_125 : i32
    scf.if %cond3A_126 {
      "tpu.region"() ({
        %run_scoped3A = tpu.sem_alloc : memref<!tpu.dma_semaphore, #tpu.memory_space<semaphore_mem>>
        tpu.enqueue_dma source(%arg11 : memref<80x128xf32, #tpu.memory_space<vmem>>) target(%arg4 : memref<80x128xf32, #tpu.memory_space<hbm>>) target_semaphore(%run_scoped3A : memref<!tpu.dma_semaphore, #tpu.memory_space<semaphore_mem>>)
        tpu.wait_dma2 semaphore(%run_scoped3A : memref<!tpu.dma_semaphore, #tpu.memory_space<semaphore_mem>>) src(%arg11 : memref<80x128xf32, #tpu.memory_space<vmem>>) dst(%arg4 : memref<80x128xf32, #tpu.memory_space<hbm>>)
        tpu.yield
      }) : () -> ()
    } else {
    }
    return
  }
}

module attributes {stable_mosaic.version = 14 : i64} {
  func.func @_tc_hidden_body(%arg0: i32, %arg1: memref<1024x256xf32, #tpu.memory_space<vmem>>, %arg2: memref<256x512xf32, #tpu.memory_space<vmem>>, %arg3: memref<512x512xf32, #tpu.memory_space<vmem>>, %arg4: memref<512x512xf32, #tpu.memory_space<vmem>>, %arg5: memref<512x512xf32, #tpu.memory_space<vmem>>, %arg6: memref<1024x512xf32, #tpu.memory_space<vmem>>) attributes {dimension_semantics = [#tpu.dimension_semantics<arbitrary>], iteration_bounds = array<i64: 10>, scalar_prefetch = 0 : i64, scratch_operands = 0 : i64, tpu.core_type = #tpu.core_type<tc>, window_params = [{transform_indices = @transform_0, window_bounds = array<i64: 1024, 256>}, {pipeline_mode = #tpu.pipeline_mode<synchronous>, transform_indices = @transform_1, window_bounds = array<i64: 256, 512>}, {pipeline_mode = #tpu.pipeline_mode<synchronous>, transform_indices = @transform_2, window_bounds = array<i64: 512, 512>}, {pipeline_mode = #tpu.pipeline_mode<synchronous>, transform_indices = @transform_3, window_bounds = array<i64: 512, 512>}, {pipeline_mode = #tpu.pipeline_mode<synchronous>, transform_indices = @transform_4, window_bounds = array<i64: 512, 512>}, {transform_indices = @transform_5, window_bounds = array<i64: 1024, 512>}]} {
    %get3A = arith.constant 0 : index
    %get3A_0 = arith.constant 0 : index
    %get3A_1 = vector.load %arg1[%get3A, %get3A_0] : memref<1024x256xf32, #tpu.memory_space<vmem>>, vector<1024x256xf32>
    %get3A_2 = arith.constant 0 : index
    %get3A_3 = arith.constant 0 : index
    %get3A_4 = vector.load %arg2[%get3A_2, %get3A_3] : memref<256x512xf32, #tpu.memory_space<vmem>>, vector<256x512xf32>
    %dot_general3A = arith.constant dense<0.000000e+00> : vector<1024x512xf32>
    %dot_general3A_5 = tpu.matmul %get3A_1, %get3A_4, %dot_general3A {dimension_numbers = #tpu.dot_dimension_numbers<[1], [0], [0], [1], [0, 0, 1, 1], [], []>, transpose_lhs_hint = false} : vector<1024x256xf32>, vector<256x512xf32>, vector<1024x512xf32> -> vector<1024x512xf32>
    %max3A = arith.constant 0.000000e+00 : f32
    %max3A_6 = vector.broadcast %max3A : f32 to vector<1024x512xf32>
    %max3A_7 = arith.maximumf %dot_general3A_5, %max3A_6 : vector<1024x512xf32>
    %get3A_8 = arith.constant 0 : index
    %get3A_9 = arith.constant 0 : index
    %get3A_10 = vector.load %arg3[%get3A_8, %get3A_9] : memref<512x512xf32, #tpu.memory_space<vmem>>, vector<512x512xf32>
    %dot_general3A_11 = arith.constant dense<0.000000e+00> : vector<1024x512xf32>
    %dot_general3A_12 = tpu.matmul %max3A_7, %get3A_10, %dot_general3A_11 {dimension_numbers = #tpu.dot_dimension_numbers<[1], [0], [0], [1], [0, 0, 1, 1], [], []>, transpose_lhs_hint = false} : vector<1024x512xf32>, vector<512x512xf32>, vector<1024x512xf32> -> vector<1024x512xf32>
    %max3A_13 = arith.constant 0.000000e+00 : f32
    %max3A_14 = vector.broadcast %max3A_13 : f32 to vector<1024x512xf32>
    %max3A_15 = arith.maximumf %dot_general3A_12, %max3A_14 : vector<1024x512xf32>
    %get3A_16 = arith.constant 0 : index
    %get3A_17 = arith.constant 0 : index
    %get3A_18 = vector.load %arg4[%get3A_16, %get3A_17] : memref<512x512xf32, #tpu.memory_space<vmem>>, vector<512x512xf32>
    %dot_general3A_19 = arith.constant dense<0.000000e+00> : vector<1024x512xf32>
    %dot_general3A_20 = tpu.matmul %max3A_15, %get3A_18, %dot_general3A_19 {dimension_numbers = #tpu.dot_dimension_numbers<[1], [0], [0], [1], [0, 0, 1, 1], [], []>, transpose_lhs_hint = false} : vector<1024x512xf32>, vector<512x512xf32>, vector<1024x512xf32> -> vector<1024x512xf32>
    %max3A_21 = arith.constant 0.000000e+00 : f32
    %max3A_22 = vector.broadcast %max3A_21 : f32 to vector<1024x512xf32>
    %max3A_23 = arith.maximumf %dot_general3A_20, %max3A_22 : vector<1024x512xf32>
    %get3A_24 = arith.constant 0 : index
    %get3A_25 = arith.constant 0 : index
    %get3A_26 = vector.load %arg5[%get3A_24, %get3A_25] : memref<512x512xf32, #tpu.memory_space<vmem>>, vector<512x512xf32>
    %dot_general3A_27 = arith.constant dense<0.000000e+00> : vector<1024x512xf32>
    %dot_general3A_28 = tpu.matmul %max3A_23, %get3A_26, %dot_general3A_27 {dimension_numbers = #tpu.dot_dimension_numbers<[1], [0], [0], [1], [0, 0, 1, 1], [], []>, transpose_lhs_hint = false} : vector<1024x512xf32>, vector<512x512xf32>, vector<1024x512xf32> -> vector<1024x512xf32>
    %max3A_29 = arith.constant 0.000000e+00 : f32
    %max3A_30 = vector.broadcast %max3A_29 : f32 to vector<1024x512xf32>
    %max3A_31 = arith.maximumf %dot_general3A_28, %max3A_30 : vector<1024x512xf32>
    %swap3A = arith.constant 0 : index
    %swap3A_32 = arith.constant 0 : index
    %swap3A_33 = vector.load %arg6[%swap3A, %swap3A_32] : memref<1024x512xf32, #tpu.memory_space<vmem>>, vector<1024x512xf32>
    tpu.vector_store %arg6[%swap3A, %swap3A_32], %max3A_31 {strides = array<i32>} : memref<1024x512xf32, #tpu.memory_space<vmem>>, vector<1024x512xf32>,
    return
  }
  func.func @transform_0(%arg0: i32) -> (i32, i32) {
    %c0_i32 = arith.constant 0 : i32
    %c0_i32_0 = arith.constant 0 : i32
    return %arg0, %c0_i32 : i32, i32
  }
  func.func @transform_1(%arg0: i32) -> (i32, i32) {
    %c0_i32 = arith.constant 0 : i32
    %c0_i32_0 = arith.constant 0 : i32
    %c0_i32_1 = arith.constant 0 : i32
    return %c0_i32, %c0_i32_0 : i32, i32
  }
  func.func @transform_2(%arg0: i32) -> (i32, i32) {
    %c0_i32 = arith.constant 0 : i32
    %c0_i32_0 = arith.constant 0 : i32
    %c0_i32_1 = arith.constant 0 : i32
    return %c0_i32, %c0_i32_0 : i32, i32
  }
  func.func @transform_3(%arg0: i32) -> (i32, i32) {
    %c0_i32 = arith.constant 0 : i32
    %c0_i32_0 = arith.constant 0 : i32
    %c0_i32_1 = arith.constant 0 : i32
    return %c0_i32, %c0_i32_0 : i32, i32
  }
  func.func @transform_4(%arg0: i32) -> (i32, i32) {
    %c0_i32 = arith.constant 0 : i32
    %c0_i32_0 = arith.constant 0 : i32
    %c0_i32_1 = arith.constant 0 : i32
    return %c0_i32, %c0_i32_0 : i32, i32
  }
  func.func @transform_5(%arg0: i32) -> (i32, i32) {
    %c0_i32 = arith.constant 0 : i32
    %c0_i32_0 = arith.constant 0 : i32
    return %arg0, %c0_i32 : i32, i32
  }
}

module attributes {stable_mosaic.version = 14 : i64} {
  func.func @_tc_comb_body(%arg0: i32, %arg1: memref<1x1x1024xf32, #tpu.memory_space<vmem>>, %arg2: memref<1024x512xf32, #tpu.memory_space<vmem>>, %arg3: memref<512x512xf32, #tpu.memory_space<vmem>>, %arg4: memref<512x512xf32, #tpu.memory_space<vmem>>, %arg5: memref<1x512xf32, #tpu.memory_space<vmem>>, %arg6: memref<512x128xf32, #tpu.memory_space<vmem>>, %arg7: memref<1x128xf32, #tpu.memory_space<vmem>>, %arg8: memref<1x128xf32, #tpu.memory_space<vmem>>, %arg9: memref<1x512xf32, #tpu.memory_space<vmem>>) attributes {dimension_semantics = [#tpu.dimension_semantics<arbitrary>], iteration_bounds = array<i64: 10>, scalar_prefetch = 0 : i64, scratch_operands = 1 : i64, tpu.core_type = #tpu.core_type<tc>, window_params = [{transform_indices = @transform_0, window_bounds = array<i64: 1, 1, 1024>}, {transform_indices = @transform_1, window_bounds = array<i64: 1024, 512>}, {pipeline_mode = #tpu.pipeline_mode<synchronous>, transform_indices = @transform_2, window_bounds = array<i64: 512, 512>}, {pipeline_mode = #tpu.pipeline_mode<synchronous>, transform_indices = @transform_3, window_bounds = array<i64: 512, 512>}, {pipeline_mode = #tpu.pipeline_mode<synchronous>, transform_indices = @transform_4, window_bounds = array<i64: 1, 512>}, {pipeline_mode = #tpu.pipeline_mode<synchronous>, transform_indices = @transform_5, window_bounds = array<i64: 512, 128>}, {pipeline_mode = #tpu.pipeline_mode<synchronous>, transform_indices = @transform_6, window_bounds = array<i64: 1, 128>}, {pipeline_mode = #tpu.pipeline_mode<synchronous>, transform_indices = @transform_7, window_bounds = array<i64: 1, 128>}]} {
    %get3A = arith.constant 0 : index
    %get3A_0 = arith.constant 0 : index
    %get3A_1 = arith.constant 0 : index
    %get3A_2 = vector.load %arg1[%get3A, %get3A_0, %get3A_1] : memref<1x1x1024xf32, #tpu.memory_space<vmem>>, vector<1x1x1024xf32>
    %get3A_3 = vector.shape_cast %get3A_2 : vector<1x1x1024xf32> to vector<1x1024xf32>
    %get3A_4 = arith.constant 0 : index
    %get3A_5 = arith.constant 0 : index
    %get3A_6 = vector.load %arg2[%get3A_4, %get3A_5] : memref<1024x512xf32, #tpu.memory_space<vmem>>, vector<1024x512xf32>
    %dot_general3A = arith.constant dense<0.000000e+00> : vector<1x512xf32>
    %dot_general3A_7 = tpu.matmul %get3A_3, %get3A_6, %dot_general3A {dimension_numbers = #tpu.dot_dimension_numbers<[1], [0], [0], [1], [0, 0, 1, 1], [], []>, transpose_lhs_hint = false} : vector<1x1024xf32>, vector<1024x512xf32>, vector<1x512xf32> -> vector<1x512xf32>
    %eq3A = arith.constant 0 : i32
    %eq3A_8 = arith.cmpi eq, %arg0, %eq3A : i32
    %convert_element_type3A = arith.extui %eq3A_8 : i1 to i32
    %cond3A = arith.constant 0 : i32
    %cond3A_9 = arith.cmpi ne, %convert_element_type3A, %cond3A : i32
    scf.if %cond3A_9 {
      %broadcast_in_dim3A = arith.constant 0.000000e+00 : f32
      %broadcast_in_dim3A_20 = vector.broadcast %broadcast_in_dim3A : f32 to vector<1x512xf32>
      %swap3A_21 = arith.constant 0 : index
      %swap3A_22 = arith.constant 0 : index
      %swap3A_23 = vector.load %arg9[%swap3A_21, %swap3A_22] : memref<1x512xf32, #tpu.memory_space<vmem>>, vector<1x512xf32>
      tpu.vector_store %arg9[%swap3A_21, %swap3A_22], %broadcast_in_dim3A_20 {strides = array<i32>} : memref<1x512xf32, #tpu.memory_space<vmem>>, vector<1x512xf32>,
    } else {
    }
    %get3A_10 = arith.constant 0 : index
    %get3A_11 = arith.constant 0 : index
    %get3A_12 = vector.load %arg9[%get3A_10, %get3A_11] : memref<1x512xf32, #tpu.memory_space<vmem>>, vector<1x512xf32>
    %add3A = arith.addf %get3A_12, %dot_general3A_7 : vector<1x512xf32>
    %swap3A = arith.constant 0 : index
    %swap3A_13 = arith.constant 0 : index
    %swap3A_14 = vector.load %arg9[%swap3A, %swap3A_13] : memref<1x512xf32, #tpu.memory_space<vmem>>, vector<1x512xf32>
    tpu.vector_store %arg9[%swap3A, %swap3A_13], %add3A {strides = array<i32>} : memref<1x512xf32, #tpu.memory_space<vmem>>, vector<1x512xf32>,
    %eq3A_15 = arith.constant 9 : i32
    %eq3A_16 = arith.cmpi eq, %arg0, %eq3A_15 : i32
    %convert_element_type3A_17 = arith.extui %eq3A_16 : i1 to i32
    %cond3A_18 = arith.constant 0 : i32
    %cond3A_19 = arith.cmpi ne, %convert_element_type3A_17, %cond3A_18 : i32
    scf.if %cond3A_19 {
      %get3A_20 = arith.constant 0 : index
      %get3A_21 = arith.constant 0 : index
      %get3A_22 = vector.load %arg9[%get3A_20, %get3A_21] : memref<1x512xf32, #tpu.memory_space<vmem>>, vector<1x512xf32>
      %get3A_23 = arith.constant 0 : index
      %get3A_24 = arith.constant 0 : index
      %get3A_25 = vector.load %arg3[%get3A_23, %get3A_24] : memref<512x512xf32, #tpu.memory_space<vmem>>, vector<512x512xf32>
      %dot_general3A_26 = arith.constant dense<0.000000e+00> : vector<1x512xf32>
      %dot_general3A_27 = tpu.matmul %get3A_22, %get3A_25, %dot_general3A_26 {dimension_numbers = #tpu.dot_dimension_numbers<[1], [0], [0], [1], [0, 0, 1, 1], [], []>, transpose_lhs_hint = false} : vector<1x512xf32>, vector<512x512xf32>, vector<1x512xf32> -> vector<1x512xf32>
      %get3A_28 = arith.constant 0 : index
      %get3A_29 = arith.constant 0 : index
      %get3A_30 = vector.load %arg4[%get3A_28, %get3A_29] : memref<512x512xf32, #tpu.memory_space<vmem>>, vector<512x512xf32>
      %dot_general3A_31 = arith.constant dense<0.000000e+00> : vector<1x512xf32>
      %dot_general3A_32 = tpu.matmul %dot_general3A_27, %get3A_30, %dot_general3A_31 {dimension_numbers = #tpu.dot_dimension_numbers<[1], [0], [0], [1], [0, 0, 1, 1], [], []>, transpose_lhs_hint = false} : vector<1x512xf32>, vector<512x512xf32>, vector<1x512xf32> -> vector<1x512xf32>
      %get3A_33 = arith.constant 0 : index
      %get3A_34 = arith.constant 0 : index
      %get3A_35 = vector.load %arg5[%get3A_33, %get3A_34] : memref<1x512xf32, #tpu.memory_space<vmem>>, vector<1x512xf32>
      %add3A_36 = arith.addf %dot_general3A_32, %get3A_35 : vector<1x512xf32>
      %max3A = arith.constant 0.000000e+00 : f32
      %max3A_37 = vector.broadcast %max3A : f32 to vector<1x512xf32>
      %max3A_38 = arith.maximumf %add3A_36, %max3A_37 : vector<1x512xf32>
      %get3A_39 = arith.constant 0 : index
      %get3A_40 = arith.constant 0 : index
      %get3A_41 = vector.load %arg6[%get3A_39, %get3A_40] : memref<512x128xf32, #tpu.memory_space<vmem>>, vector<512x128xf32>
      %dot_general3A_42 = arith.constant dense<0.000000e+00> : vector<1x128xf32>
      %dot_general3A_43 = tpu.matmul %max3A_38, %get3A_41, %dot_general3A_42 {dimension_numbers = #tpu.dot_dimension_numbers<[1], [0], [0], [1], [0, 0, 1, 1], [], []>, transpose_lhs_hint = false} : vector<1x512xf32>, vector<512x128xf32>, vector<1x128xf32> -> vector<1x128xf32>
      %get3A_44 = arith.constant 0 : index
      %get3A_45 = arith.constant 0 : index
      %get3A_46 = vector.load %arg7[%get3A_44, %get3A_45] : memref<1x128xf32, #tpu.memory_space<vmem>>, vector<1x128xf32>
      %add3A_47 = arith.addf %dot_general3A_43, %get3A_46 : vector<1x128xf32>
      %swap3A_48 = arith.constant 0 : index
      %swap3A_49 = arith.constant 0 : index
      %swap3A_50 = vector.load %arg8[%swap3A_48, %swap3A_49] : memref<1x128xf32, #tpu.memory_space<vmem>>, vector<1x128xf32>
      tpu.vector_store %arg8[%swap3A_48, %swap3A_49], %add3A_47 {strides = array<i32>} : memref<1x128xf32, #tpu.memory_space<vmem>>, vector<1x128xf32>,
    } else {
    }
    return
  }
  func.func @transform_0(%arg0: i32) -> (i32, i32, i32) {
    %c0_i32 = arith.constant 0 : i32
    %c0_i32_0 = arith.constant 0 : i32
    %c0_i32_1 = arith.constant 0 : i32
    return %arg0, %c0_i32, %c0_i32_0 : i32, i32, i32
  }
  func.func @transform_1(%arg0: i32) -> (i32, i32) {
    %c0_i32 = arith.constant 0 : i32
    %c0_i32_0 = arith.constant 0 : i32
    return %arg0, %c0_i32 : i32, i32
  }
  func.func @transform_2(%arg0: i32) -> (i32, i32) {
    %c0_i32 = arith.constant 0 : i32
    %c0_i32_0 = arith.constant 0 : i32
    %c0_i32_1 = arith.constant 0 : i32
    return %c0_i32, %c0_i32_0 : i32, i32
  }
  func.func @transform_3(%arg0: i32) -> (i32, i32) {
    %c0_i32 = arith.constant 0 : i32
    %c0_i32_0 = arith.constant 0 : i32
    %c0_i32_1 = arith.constant 0 : i32
    return %c0_i32, %c0_i32_0 : i32, i32
  }
  func.func @transform_4(%arg0: i32) -> (i32, i32) {
    %c0_i32 = arith.constant 0 : i32
    %c0_i32_0 = arith.constant 0 : i32
    %c0_i32_1 = arith.constant 0 : i32
    return %c0_i32, %c0_i32_0 : i32, i32
  }
  func.func @transform_5(%arg0: i32) -> (i32, i32) {
    %c0_i32 = arith.constant 0 : i32
    %c0_i32_0 = arith.constant 0 : i32
    %c0_i32_1 = arith.constant 0 : i32
    return %c0_i32, %c0_i32_0 : i32, i32
  }
  func.func @transform_6(%arg0: i32) -> (i32, i32) {
    %c0_i32 = arith.constant 0 : i32
    %c0_i32_0 = arith.constant 0 : i32
    %c0_i32_1 = arith.constant 0 : i32
    return %c0_i32, %c0_i32_0 : i32, i32
  }
  func.func @transform_7(%arg0: i32) -> (i32, i32) {
    %c0_i32 = arith.constant 0 : i32
    %c0_i32_0 = arith.constant 0 : i32
    %c0_i32_1 = arith.constant 0 : i32
    return %c0_i32, %c0_i32_0 : i32, i32
  }
}

</mosaic_0001>

<sc_bundles>
// kernel: kernel.5.cloned.1.call-start
scs
__scs_entry_jumppad:
0x0: {  	(pc) =	sbr.rel $0x88, $3  }
0x1: {  	(tag) =	ssettag $0x0;
	lr =	simm.s32 $0x1  }
0x2: {  	[smem:$0x3F96] =	sst lr;
	_ =	strace $0xD0000000  }
0x3: {  	_ = 	snop  }
0x4: {  	_ = 	snop  }
0x5: {  	_ = 	snop  }
0x6: {  	_ = 	snop  }
0x7: {  	_ = 	snop  }
__scs_overlays_trampoline_lowered:
0x8: {  	[smem:$0x3FA5] =	sst s0  }
0x9: {  	[smem:$0x3FA6] =	sst s1  }
0xa: {  	[smem:$0x3FA7] =	sst s2  }
0xb: {  	[smem:$0x3FA8] =	sst s3  }
0xc: {  	[smem:$0x3FA9] =	sst s4  }
0xd: {  	[smem:$0x3FAA] =	sst s5  }
0xe: {  	[smem:$0x3FAB] =	sst s6  }
0xf: {  	[smem:$0x3FAC] =	sst s7  }
0x10: {  	[smem:$0x3FAD] =	sst s8  }
0x11: {  	[smem:$0x3FAE] =	sst s9;
	s0 =	simm.s32 @!p0 $0x0  }
0x12: {  	s1 =	sld [smem:$0x3F94];
	s0 =	simm.s32 @p0 $0x1  }
0x13: {  	[smem:$0x3FAF] =	sst s0;
	s0 =	simm.s32 @!p1 $0x0  }
0x14: {  	s2 =	sld [smem:$0x3F93];
	s0 =	simm.s32 @p1 $0x1  }
0x15: {  	[smem:$0x3FB0] =	sst s0;
	s0 =	simm.s32 @!p2 $0x0  }
0x16: {  	s3 =	sld [smem:$0x3FDB];
	s0 =	simm.s32 @p2 $0x1  }
0x17: {  	s4 =	simm.s32 $0x1BF5;
	[smem:$0x3FB2] =	sst s0  }
0x18: {  	s0 =	sld [smem:$0x3F95];
	_ =	swait.ge [sflag:s4], $0x0  }
0x19: {  	s7 =	sld [smem:$0x3F96]  }
0x1a: {  	s8 =	sadd.s32 $0xFFFFE003, lr  }
0x1b: {  	s9 =	sadd.s32 $0xFFFFFEF7, lr;
	s5 =	simm.s32 $0xFFFFFFFF;
	p2 =	slt.u32 s8, $0xFFFFF086  }
0x1c: {  	p1 =	slt.u32 s9, $0xF7A;
	s5 =	simm.s32 @!p2 $0x0  }
0x1d: {  	s5 =	simm.s32 @p1 $0x1;
	p0 =	seq.s32 s7, s2  }
0x1e: {  	s7 =	smul.u32 @!p0 $0xF7A, s2;
	p2 =	seq.s32 @!p0 s5, $0x0  }
0x1f: {  	s9 =	smul.u32 $0xF7A, s1;
	s8 =	simm.s32 @!p0 $0x1BF5;
	p2 =	por !p2, p0  }
0x20: {  	[sflag:s8] =	ssyncset.s32 @!p0 $0xFFFFF086;
	s6 =	sadd.s32 @!p0 s3, s7;
	s7 =	simm.s32 @!p0 $0x108  }
0x21: {  	s3 =	sadd.s32 s3, s9;
	s6 =	sadd.s32 @!p0 $0x88, s6;
	s7 =	simm.s32 @p2 $0x1082  }
0x22: {  	[simem:s7], [sflag:s8] =	dma.local @!p0 [hbm:s6], $0xF7A  }
0x23: {  	s9 =	sor.u32 $0xD0000000, s2;
	s6 =	simm.s32 $0x108;
	_ =	swait.ge @!p0 [sflag:s8], $0x0  }
0x24: {  	s3 =	sadd.s32 $0x88, s3;
	s6 =	simm.s32 @!p1 $0x1082;
	[sflag:s4] =	ssyncset.s32 $0xFFFFF086  }
0x25: {  	[simem:s6], [sflag:s4] =	dma.local [hbm:s3], $0xF7A  }
0x26: {  	[smem:$0x3F96] =	sst s1;
	(tag) =	ssettag s2;
	_ =	strace s9  }
0x27: {  	s1 =	sld [smem:$0x3FA6]  }
0x28: {  	s2 =	sld [smem:$0x3FA7]  }
0x29: {  	s4 =	sld [smem:$0x3FA9]  }
0x2a: {  	p0 =	seq.s32 s5, $0x0;
	s5 =	sld [smem:$0x3FAA]  }
0x2b: {  	s6 =	sld [smem:$0x3FAB]  }
0x2c: {  	s7 =	sld [smem:$0x3FAC]  }
0x2d: {  	s3 =	simm.s32 $0x108;
	s8 =	sld [smem:$0x3FAD]  }
0x2e: {  	s3 =	simm.s32 @!p0 $0x1082;
	s9 =	sld [smem:$0x3FAE]  }
0x2f: {  	lr =	sadd.s32 s0, s3;
	s0 =	sld [smem:$0x3FA5]  }
0x30: {  	s3 =	sld [smem:$0x3FA8]  }
0x31: {  	[smem:$0x3FB1] =	sst s10  }
0x32: {  	s10 =	sld [smem:$0x3FAF];
	_ =	sdelay $0x3  }
0x33: {  	p0 =	seq.s32 s10, $0x1;
	s10 =	sld [smem:$0x3FB1];
	_ =	sdelay $0x3  }
0x34: {  	[smem:$0x3FB1] =	sst s10  }
0x35: {  	s10 =	sld [smem:$0x3FB0];
	_ =	sdelay $0x3  }
0x36: {  	p1 =	seq.s32 s10, $0x1;
	s10 =	sld [smem:$0x3FB1];
	_ =	sdelay $0x3  }
0x37: {  	[smem:$0x3FB1] =	sst s10  }
0x38: {  	s10 =	sld [smem:$0x3FB2]  }
0x39: {  	_ = 	snop;
	(pc) =	sbr.ind lr, $3  }
0x3a: {  	_ = 	snop  }
0x3b: {  	_ = 	snop  }
0x3c: {  	p2 =	seq.s32 s10, $0x1;
	s10 =	sld [smem:$0x3FB1]  }
0x3d: {  	_ =	shalt  }
0x3e: {  	_ =	shalt  }
0x3f: {  	_ =	shalt  }
0x40: {  	_ =	shalt  }
0x41: {  	_ =	shalt  }
0x42: {  	_ =	shalt  }
0x43: {  	_ =	shalt  }
0x44: {  	_ =	shalt  }
0x45: {  	_ =	shalt  }
0x46: {  	_ =	shalt  }
0x47: {  	_ =	shalt  }
0x48: {  	_ =	shalt  }
0x49: {  	_ =	shalt  }
0x4a: {  	_ =	shalt  }
0x4b: {  	_ =	shalt  }
0x4c: {  	_ =	shalt  }
0x4d: {  	_ =	shalt  }
0x4e: {  	_ =	shalt  }
0x4f: {  	_ =	shalt  }
0x50: {  	_ =	shalt  }
0x51: {  	_ =	shalt  }
0x52: {  	_ =	shalt  }
0x53: {  	_ =	shalt  }
0x54: {  	_ =	shalt  }
0x55: {  	_ =	shalt  }
0x56: {  	_ =	shalt  }
0x57: {  	_ =	shalt  }
0x58: {  	_ =	shalt  }
0x59: {  	_ =	shalt  }
0x5a: {  	_ =	shalt  }
0x5b: {  	_ =	shalt  }
0x5c: {  	_ =	shalt  }
0x5d: {  	_ =	shalt  }
0x5e: {  	_ =	shalt  }
0x5f: {  	_ =	shalt  }
0x60: {  	_ =	shalt  }
0x61: {  	_ =	shalt  }
0x62: {  	_ =	shalt  }
0x63: {  	_ =	shalt  }
0x64: {  	_ =	shalt  }
0x65: {  	_ =	shalt  }
0x66: {  	_ =	shalt  }
0x67: {  	_ =	shalt  }
0x68: {  	_ =	shalt  }
0x69: {  	_ =	shalt  }
0x6a: {  	_ =	shalt  }
0x6b: {  	_ =	shalt  }
0x6c: {  	_ =	shalt  }
0x6d: {  	_ =	shalt  }
0x6e: {  	_ =	shalt  }
0x6f: {  	_ =	shalt  }
0x70: {  	_ =	shalt  }
0x71: {  	_ =	shalt  }
0x72: {  	_ =	shalt  }
0x73: {  	_ =	shalt  }
0x74: {  	_ =	shalt  }
0x75: {  	_ =	shalt  }
0x76: {  	_ =	shalt  }
0x77: {  	_ =	shalt  }
0x78: {  	_ =	shalt  }
0x79: {  	_ =	shalt  }
0x7a: {  	_ =	shalt  }
0x7b: {  	_ =	shalt  }
0x7c: {  	_ =	shalt  }
0x7d: {  	_ =	shalt  }
0x7e: {  	_ =	shalt  }
0x7f: {  	_ =	shalt  }
0x80: {  	_ =	shalt  }
0x81: {  	_ =	shalt  }
0x82: {  	_ =	shalt  }
0x83: {  	_ =	shalt  }
0x84: {  	_ =	shalt  }
0x85: {  	_ =	shalt  }
0x86: {  	_ =	shalt  }
0x87: {  	_ =	shalt  }
.Lfunc_end0:
.L_simem_size_0:
called_computation_lowered:
.L_overlay_start_0:
0x88: {  	s0 =	sld [smem:$0x3FD9]  }
0x89: {  	s1 =	sld [smem:$0x3FFE];
	_ =	sdelay $0x3  }
0x8a: {  	s0 =	sadd.s32 s1, s0  }
0x8b: {  	[smem:$0x3FBD] =	sst s0  }
0x8c: {  	_ = 	snop  }
0x8d: {  	(tm) =	ssettm $0x1  }
0x8e: {  	s15 =	sld [smem:$0x3FFB];
	_ =	sdelay $0x3  }
0x8f: {  	_ =	strace s15  }
0x90: {  	s0 =	sld [smem:$0x3FFC];
	_ =	sdelay $0x3  }
0x91: {  	_ =	strace s0  }
0x92: {  	s0 =	sld [smem:$0x3FFD];
	_ =	sdelay $0x3  }
0x93: {  	_ =	strace s0  }
0x94: {  	_ =	strace $0x8FFFFFFF  }
0x95: {  	s16 =	sld [smem:$0x3FDB];
	_ =	sdelay $0x1  }
0x96: {  	s17 =	simm.s32 $_scs_section_size  }
0x97: {  	s2 =	simm.s32 $_size__tile_overlayer_lowered;
	s3 =	simm.s32 $_tile_overlayer_lowered  }
0x98: {  	s20 =	simm.s32 $0x1BFF;
	s19 =	sshll.u32 s3, $0x1;
	s0 =	sadd.s32 s17, s16  }
0x99: {  	s4 =	simm.s32 $0x0;
	s18 =	sshll.u32 s2, $0x1;
	s2 =	sadd.s32 s19, s0  }
0x9a: {  	[timem:s4], [sflag:s20] =	dma.local [hbm:s2], s18  }
0x9b: {  	_ =	swait.ge [sflag:s20], s18  }
0x9c: {  	s1 =	ssub.s32 $0x0, s18;
	[sflag:s20] =	ssyncset.done $0x0  }
0x9d: {  	[sflag:s20] =	ssyncadd.s32 s1;
	_ =	sdelay $0x1  }
0x9e: {  	s21 =	simm.s32 $0x1B8B  }
0x9f: {  	_ =	swait.ge [sflag:s21], $0x1  }
0xa0: {  	[sflag:s21] =	ssyncset.done $0x0  }
0xa1: {  	s23 =	simm.s32 $0x1B8E;
	s22 =	sld [smem:$0x3FFE];
	[sflag:s21] =	ssyncadd.s32 $0xFFFFFFFF  }
0xa2: {  	s24 =	simm.s32 $execute0_lowered;
	[smem:$0x3FD2] =	sst s23  }
0xa3: {  	s2 =	sshll.u32 s24, $0x1;
	_ =	strace $0x80000046;
	[dreg:$0x1] =	wrdreg $0xFFFFFFFF  }
0xa4: {  	s25 =	simm.s32 $_size_execute0_lowered;
	s0 =	sadd.s32 s0, s2;
	[dreg:$0x0] =	wrdreg $0x0  }
0xa5: {  	s2 =	sshll.u32 s25, $0x1;
	[dreg:$0x2] =	wrdreg s0  }
0xa6: {  	[dreg:$0x3] =	wrdreg s2  }
0xa7: {  	[dreg:$0x4] =	wrdreg $0xC0  }
0xa8: {  	_ =	task [dreg:s4], $0x5FFFF  }
0xa9: {  	[dreg:$0x1] =	wrdreg $0xFFFFFFFF  }
0xaa: {  	[dreg:$0x0] =	wrdreg $0x60  }
0xab: {  	[dreg:$0x2] =	wrdreg s22  }
0xac: {  	[dreg:$0x3] =	wrdreg $0x140800  }
0xad: {  	[dreg:$0x4] =	wrdreg $0x9  }
0xae: {  	_ =	task.clear_ibuf [dreg:s4], $0x5FFFF;
	_ =	strace $0x90000046  }
0xaf: {  	s26 =	simm.s32 $0x9;
	_ =	strace $0x80000048  }
0xb0: {  	_ =	swait.ge [sflag:s26], $0x1  }
0xb1: {  	[sflag:s26] =	ssyncadd.s32 $0xFFFFFFFF  }
0xb2: {  	_ =	strace $0x90000048  }
0xb3: {  	_ =	sfence  }
0xb4: {  	s28 =	sld [smem:$0x0];
	_ =	sdelay $0x1  }
0xb5: {  	s29 =	srdreg.scid  }
0xb6: {  	s30 =	sshll.u32 s29, $0xD;
	s31 =	sshrl.u32 s29, $0x2  }
0xb7: {  	s1 =	sand.u32 $0x1, s29;
	s2 =	sand.u32 $0x4000, s30;
	s0 =	sadd.s32 s31, s28  }
0xb8: {  	s1 =	sor.u32 s2, s1;
	s0 =	sshll.u32 s0, $0x11  }
0xb9: {  	s0 =	sor.u32 s0, s1  }
0xba: {  	s0 =	sadd.s32 $0x8F2B, s0  }
0xbb: {  	[sflag:s0] =	ssyncadd.remote.s32 $0x1  }
0xbc: {  	_ =	sfence.sel $0xFFFF  }
0xbd: {  	[dreg:$0x0] =	wrdreg $0xFFFFFFFF;
	(pc) =	sbr.abs _section_cstart, $3  }
0xbe: {  	[dreg:$0x1] =	wrdreg $0xFFFFFFFF  }
0xbf: {  	_ =	task.clear_ibuf [dreg:s4], $0x2FFFF;
	_ =	strace $0x9FFFFFFF  }
0xc0: {  	(tm) =	ssettm $0x7FFFFFFF  }
0xc1: {  	_ =	shalt  }
tec
execute0_lowered:
.L_overlay_start_1:
0x0: {  	(tag) =	ssettag $0x1  }
0x1: {  	s0 =	stileid.u32  }
0x2: {  	s1 =	smul.u32 $0x500, s0  }
0x3: {  	s3 =	rddreg [dreg:$0x0];
	s2 =	simm.s32 $0x0  }
0x4: {  	[smem:$0x7FF] =	sst s2;
	s1 =	sadd.s32 s1, s3  }
0x5: {  	s30 =	simm.s32 $0x1;
	_ =	strace $0x80000047;
	s4 =	sadd.s32 $0x6200, s1  }
0x6: {  	[tilespmem:s2], [sflag:$0x1] =	stream.linear.gather [hbm4b:s4+s2], $0x2800, $0x38;
	[tilespmem:$0x14300] =	vst v63  }
0x7: {  	_ =	swait.ge [sflag:s30], $0x2800  }
0x8: {  	[sflag:s30] =	ssyncset.done $0x0  }
0x9: {  	s5 =	simm.s32 $0x2800;
	s1 =	sadd.s32 $0x1200, s1;
	[sflag:s30] =	ssyncadd.s32 $0xFFFFD800  }
0xa: {  	[tilespmem:s5], [sflag:$0x1] =	stream.linear.gather [hbm4b:s1+s2], $0x2800, $0x38;
	[tilespmem:$0x14300] =	vst v63  }
0xb: {  	_ =	swait.ge [sflag:s30], $0x2800  }
0xc: {  	[sflag:s30] =	ssyncset.done $0x0  }
0xd: {  	s31 =	simm.s32 $0x11880;
	v0 =	vimm.f32 $0.0e+00;
	[sflag:s30] =	ssyncadd.s32 $0xFFFFD800  }
0xe: {  	[tilespmem:s31+$0x0] =	vst v0  }
0xf: {  	s1 =	simm.s32 $0xC880;
	[tilespmem:s31+$0xFFFFFF80] =	vst v0  }
0x10: {  	[tilespmem:s1+$0x0] =	vst v0  }
0x11: {  	v1 =	vimm.f32 $1.000000000e+00;
	s2 =	simm.s32 $0x7880;
	[tilespmem:s1+$0xFFFFFF80] =	vst v0  }
0x12: {  	[tilespmem:s2+$0x0] =	vst v1  }
0x13: {  	[tilespmem:s2+$0xFFFFFF80] =	vst v1  }
0x14: {  	[tilespmem:s31+$0x10] =	vst v0  }
0x15: {  	[tilespmem:s31+$0xFFFFFF90] =	vst v0  }
0x16: {  	[tilespmem:s1+$0x10] =	vst v0  }
0x17: {  	[tilespmem:s1+$0xFFFFFF90] =	vst v0  }
0x18: {  	[tilespmem:s2+$0x10] =	vst v1  }
0x19: {  	[tilespmem:s2+$0xFFFFFF90] =	vst v1  }
0x1a: {  	[tilespmem:s31+$0x20] =	vst v0  }
0x1b: {  	[tilespmem:s31+$0xFFFFFFA0] =	vst v0  }
0x1c: {  	[tilespmem:s1+$0x20] =	vst v0  }
0x1d: {  	[tilespmem:s1+$0xFFFFFFA0] =	vst v0  }
0x1e: {  	[tilespmem:s2+$0x20] =	vst v1  }
0x1f: {  	[tilespmem:s2+$0xFFFFFFA0] =	vst v1  }
0x20: {  	[tilespmem:s31+$0x30] =	vst v0  }
0x21: {  	[tilespmem:s31+$0xFFFFFFB0] =	vst v0  }
0x22: {  	[tilespmem:s1+$0x30] =	vst v0  }
0x23: {  	[tilespmem:s1+$0xFFFFFFB0] =	vst v0  }
0x24: {  	[tilespmem:s2+$0x30] =	vst v1  }
0x25: {  	[tilespmem:s2+$0xFFFFFFB0] =	vst v1  }
0x26: {  	[tilespmem:s31+$0x40] =	vst v0  }
0x27: {  	[tilespmem:s31+$0xFFFFFFC0] =	vst v0  }
0x28: {  	[tilespmem:s1+$0x40] =	vst v0  }
0x29: {  	[tilespmem:s1+$0xFFFFFFC0] =	vst v0  }
0x2a: {  	[tilespmem:s2+$0x40] =	vst v1  }
0x2b: {  	[tilespmem:s2+$0xFFFFFFC0] =	vst v1  }
0x2c: {  	[tilespmem:s31+$0x50] =	vst v0  }
0x2d: {  	[tilespmem:s31+$0xFFFFFFD0] =	vst v0  }
0x2e: {  	[tilespmem:s1+$0x50] =	vst v0  }
0x2f: {  	[tilespmem:s1+$0xFFFFFFD0] =	vst v0  }
0x30: {  	[tilespmem:s2+$0x50] =	vst v1  }
0x31: {  	[tilespmem:s2+$0xFFFFFFD0] =	vst v1  }
0x32: {  	[tilespmem:s31+$0x60] =	vst v0  }
0x33: {  	[tilespmem:s31+$0xFFFFFFE0] =	vst v0  }
0x34: {  	[tilespmem:s1+$0x60] =	vst v0  }
0x35: {  	[tilespmem:s1+$0xFFFFFFE0] =	vst v0  }
0x36: {  	[tilespmem:s2+$0x60] =	vst v1  }
0x37: {  	[tilespmem:s2+$0xFFFFFFE0] =	vst v1  }
0x38: {  	[tilespmem:s31+$0x70] =	vst v0  }
0x39: {  	[tilespmem:s31+$0xFFFFFFF0] =	vst v0  }
0x3a: {  	[tilespmem:s1+$0x70] =	vst v0  }
0x3b: {  	[tilespmem:s1+$0xFFFFFFF0] =	vst v0  }
0x3c: {  	s3 =	sadd.s32 $0xB200, s3;
	[tilespmem:s2+$0x70] =	vst v1  }
0x3d: {  	[dreg:$0x14] =	wrdreg s3  }
0x3e: {  	s4 =	simm.s32 $0x11980;
	s3 =	simm.s32 $0x0;
	[tilespmem:s2+$0xFFFFFFF0] =	vst v1  }
.LBB2_1:
0x3f: {  	[tilespmem:s4+$0x0] =	vst v0;
	s1 =	sadd.s32 $0x100, s1  }
0x40: {  	s2 =	sadd.s32 $0x100, s2;
	[tilespmem:s1+$0x0] =	vst v0  }
0x41: {  	[tilespmem:s2+$0x0] =	vst v1  }
0x42: {  	[tilespmem:s4+$0x10] =	vst v0  }
0x43: {  	[tilespmem:s1+$0x10] =	vst v0  }
0x44: {  	[tilespmem:s2+$0x10] =	vst v1  }
0x45: {  	[tilespmem:s4+$0x20] =	vst v0  }
0x46: {  	[tilespmem:s1+$0x20] =	vst v0  }
0x47: {  	[tilespmem:s2+$0x20] =	vst v1  }
0x48: {  	[tilespmem:s4+$0x30] =	vst v0  }
0x49: {  	[tilespmem:s1+$0x30] =	vst v0  }
0x4a: {  	[tilespmem:s2+$0x30] =	vst v1  }
0x4b: {  	[tilespmem:s4+$0x40] =	vst v0  }
0x4c: {  	[tilespmem:s1+$0x40] =	vst v0  }
0x4d: {  	[tilespmem:s2+$0x40] =	vst v1  }
0x4e: {  	[tilespmem:s4+$0x50] =	vst v0  }
0x4f: {  	[tilespmem:s1+$0x50] =	vst v0  }
0x50: {  	[tilespmem:s2+$0x50] =	vst v1  }
0x51: {  	[tilespmem:s4+$0x60] =	vst v0  }
0x52: {  	[tilespmem:s1+$0x60] =	vst v0  }
0x53: {  	[tilespmem:s2+$0x60] =	vst v1  }
0x54: {  	[tilespmem:s4+$0x70] =	vst v0  }
0x55: {  	[tilespmem:s1+$0x70] =	vst v0  }
0x56: {  	[tilespmem:s2+$0x70] =	vst v1  }
0x57: {  	[tilespmem:s4+$0xFFFFFF80] =	vst v0  }
0x58: {  	[tilespmem:s1+$0xFFFFFF80] =	vst v0  }
0x59: {  	[tilespmem:s2+$0xFFFFFF80] =	vst v1  }
0x5a: {  	[tilespmem:s4+$0xFFFFFF90] =	vst v0  }
0x5b: {  	[tilespmem:s1+$0xFFFFFF90] =	vst v0  }
0x5c: {  	[tilespmem:s2+$0xFFFFFF90] =	vst v1  }
0x5d: {  	[tilespmem:s4+$0xFFFFFFA0] =	vst v0  }
0x5e: {  	[tilespmem:s1+$0xFFFFFFA0] =	vst v0  }
0x5f: {  	[tilespmem:s2+$0xFFFFFFA0] =	vst v1  }
0x60: {  	[tilespmem:s4+$0xFFFFFFB0] =	vst v0  }
0x61: {  	[tilespmem:s1+$0xFFFFFFB0] =	vst v0  }
0x62: {  	[tilespmem:s2+$0xFFFFFFB0] =	vst v1  }
0x63: {  	[tilespmem:s4+$0xFFFFFFC0] =	vst v0  }
0x64: {  	[tilespmem:s1+$0xFFFFFFC0] =	vst v0  }
0x65: {  	[tilespmem:s2+$0xFFFFFFC0] =	vst v1  }
0x66: {  	[tilespmem:s4+$0xFFFFFFD0] =	vst v0  }
0x67: {  	[tilespmem:s1+$0xFFFFFFD0] =	vst v0  }
0x68: {  	s3 =	sadd.s32 $0x2, s3;
	[tilespmem:s2+$0xFFFFFFD0] =	vst v1  }
0x69: {  	p0 =	slt.u32 s3, $0x4E;
	[tilespmem:s4+$0xFFFFFFE0] =	vst v0  }
.Ltmp0:
0x6a: {  	[tilespmem:s1+$0xFFFFFFE0] =	vst v0;
	(pc) =	sbr.rel @p0 .LBB2_1-.Ltmp0, $4  }
0x6b: {  	[tilespmem:s2+$0xFFFFFFE0] =	vst v1  }
0x6c: {  	[tilespmem:s4+$0xFFFFFFF0] =	vst v0  }
0x6d: {  	[tilespmem:s1+$0xFFFFFFF0] =	vst v0  }
0x6e: {  	s4 =	sadd.s32 $0x100, s4;
	[tilespmem:s2+$0xFFFFFFF0] =	vst v1  }
0x6f: {  	v0 =	vimm.f32 $0.0e+00  }
0x70: {  	[tilespmem:$0x9F10] =	vst v0  }
0x71: {  	[tilespmem:$0x9F20] =	vst v0  }
0x72: {  	[tilespmem:$0x9F30] =	vst v0  }
0x73: {  	[tilespmem:$0x9F40] =	vst v0  }
0x74: {  	[tilespmem:$0x9F50] =	vst v0  }
0x75: {  	[tilespmem:$0x9F60] =	vst v0  }
0x76: {  	[tilespmem:$0x9F70] =	vst v0  }
0x77: {  	[tilespmem:$0x9F80] =	vst v0  }
0x78: {  	[tilespmem:$0x9F90] =	vst v0  }
0x79: {  	[tilespmem:$0x9FA0] =	vst v0  }
0x7a: {  	[tilespmem:$0x9FB0] =	vst v0  }
0x7b: {  	[tilespmem:$0x9FC0] =	vst v0  }
0x7c: {  	[tilespmem:$0x9FD0] =	vst v0  }
0x7d: {  	[tilespmem:$0x9FE0] =	vst v0  }
0x7e: {  	[tilespmem:$0x9FF0] =	vst v0;
	v0 =	vlaneseq.u32  }
0x7f: {  	[tilespmem:$0x14000] =	vst v0;
	v1 =	vor.u32 $0x10, v0  }
0x80: {  	[tilespmem:$0x14010] =	vst v1;
	v1 =	vor.u32 $0x20, v0  }
0x81: {  	[tilespmem:$0x14020] =	vst v1;
	v1 =	vor.u32 $0x30, v0  }
0x82: {  	p0 =	sne.s32 s0, $0x0;
	v0 =	vor.u32 $0x40, v0;
	[tilespmem:$0x14030] =	vst v1  }
0x83: {  	s1 =	rddreg [dreg:$0x1];
	s0 =	simm.s32 @!p0 $0x11800;
	[tilespmem:$0x14040] =	vst v0  }
0x84: {  	[spmem:s1] =	stream.linear.scatter @!p0 [tilespmem:s0], [sflag:$0x1], $0x2800, $0x38;
	[tilespmem:$0x14300] =	vst v63  }
0x85: {  	s0 =	simm.s32 @!p0 $0x1  }
0x86: {  	_ =	swait.ge @!p0 [sflag:s0], $0x2800  }
0x87: {  	[sflag:s0] =	ssyncset.done @!p0 $0x0  }
0x88: {  	[sflag:s0] =	ssyncadd.s32 @!p0 $0xFFFFD800  }
0x89: {  	s31 =	simm.s32 $0x0;
	[bflag:$0x0] =	sbarrier.arrive $0xFFFF  }
0x8a: {  	v2 =	vld [tilespmem:s31+$0x0]  }
0x8b: {  	v3 =	vld [tilespmem:s31+$0x10]  }
0x8c: {  	v4 =	vld [tilespmem:s31+$0x20]  }
0x8d: {  	v5 =	vld [tilespmem:s31+$0x30]  }
0x8e: {  	v6 =	vld [tilespmem:s31+$0x40]  }
0x8f: {  	v7 =	vld [tilespmem:s31+$0x50]  }
0x90: {  	v8 =	vld [tilespmem:s31+$0x60]  }
0x91: {  	v0 =	vimm.f32 $1.000000000e+00;
	s0 =	simm.s32 $0xC800;
	v1 =	vld [tilespmem:s31+$0x70]  }
0x92: {  	[tilespmem:v2+s0+$0x0] =	vst.idx.add.f32.msk $0xffff, v0  }
0x93: {  	[tilespmem:v3+s0+$0x0] =	vst.idx.add.f32.msk $0xffff, v0  }
0x94: {  	[tilespmem:v4+s0+$0x0] =	vst.idx.add.f32.msk $0xffff, v0  }
0x95: {  	[tilespmem:v5+s0+$0x0] =	vst.idx.add.f32.msk $0xffff, v0  }
0x96: {  	[tilespmem:v6+s0+$0x0] =	vst.idx.add.f32.msk $0xffff, v0  }
0x97: {  	[tilespmem:v7+s0+$0x0] =	vst.idx.add.f32.msk $0xffff, v0  }
0x98: {  	s1 =	simm.s32 $0x200;
	[tilespmem:v8+s0+$0x0] =	vst.idx.add.f32.msk $0xffff, v0  }
.LBB2_3:
0x99: {  	s2 =	sshra.s32 s1, $0x2;
	p1 =	sne.s32 s1, $0x9A00;
	s1 =	sadd.s32 $0x200, s1;
	[tilespmem:v1+s0+$0x0] =	vst.idx.add.f32.msk $0xffff, v0  }
0x9a: {  	v2 =	vld [tilespmem:s2+$0x0]  }
0x9b: {  	v3 =	vld [tilespmem:s2+$0x10]  }
0x9c: {  	v4 =	vld [tilespmem:s2+$0x20]  }
0x9d: {  	v5 =	vld [tilespmem:s2+$0x30]  }
0x9e: {  	v6 =	vld [tilespmem:s2+$0x40]  }
0x9f: {  	v7 =	vld [tilespmem:s2+$0x50]  }
0xa0: {  	v8 =	vld [tilespmem:s2+$0x60]  }
0xa1: {  	v1 =	vld [tilespmem:s2+$0x70]  }
0xa2: {  	[tilespmem:v2+s0+$0x0] =	vst.idx.add.f32.msk $0xffff, v0  }
0xa3: {  	[tilespmem:v3+s0+$0x0] =	vst.idx.add.f32.msk $0xffff, v0  }
.Ltmp1:
0xa4: {  	[tilespmem:v4+s0+$0x0] =	vst.idx.add.f32.msk $0xffff, v0;
	(pc) =	sbr.rel @p1 .LBB2_3-.Ltmp1, $4  }
0xa5: {  	[tilespmem:v5+s0+$0x0] =	vst.idx.add.f32.msk $0xffff, v0  }
0xa6: {  	[tilespmem:v6+s0+$0x0] =	vst.idx.add.f32.msk $0xffff, v0  }
0xa7: {  	[tilespmem:v7+s0+$0x0] =	vst.idx.add.f32.msk $0xffff, v0  }
0xa8: {  	[tilespmem:v8+s0+$0x0] =	vst.idx.add.f32.msk $0xffff, v0  }
0xa9: {  	_ =	sdelay $0x3  }
0xaa: {  	[tilespmem:v1+s0+$0x0] =	vst.idx.add.f32.msk $0xffff, v0  }
0xab: {  	v0 =	vld [tilespmem:$0x2700];
	_ =	sdelay $0x6  }
0xac: {  	v1 =	vimm.f32 $1.000000000e+00;
	s12 =	simm.s32 $0xC800;
	s1 =	simm.s32 $0x50  }
0xad: {  	s2 =	simm.s32 $0x14000;
	s3 =	rddreg [dreg:$0x1];
	s13 =	simm.s32 $0x1;
	[tilespmem:v0+s12+$0x0] =	vst.idx.add.f32.msk $0xffff, v1  }
0xae: {  	[spmem:s3] =	stream.indirect.scatter.add.f32 [tilespmem:s12], [sflag:$0x1], $0x80, s2, s1, $0xb8;
	[tilespmem:$0x14300] =	vst v63  }
0xaf: {  	_ =	swait.ge [sflag:s13], $0x2800  }
0xb0: {  	[sflag:s13] =	ssyncset.done $0x0  }
0xb1: {  	[sflag:s13] =	ssyncadd.s32 $0xFFFFD800  }
0xb2: {  	s14 =	simm.s32 $0xA000;
	[bflag:$0x0] =	sbarrier.arrive $0xFFFF  }
0xb3: {  	[tilespmem:s14], [sflag:$0x1] =	stream.linear.gather [spmem:s3], $0x2800, $0x38;
	[tilespmem:$0x14300] =	vst v63  }
0xb4: {  	_ =	swait.ge [sflag:s13], $0x2800  }
0xb5: {  	[sflag:s13] =	ssyncset.done $0x0  }
0xb6: {  	[sflag:s13] =	ssyncadd.s32 $0xFFFFD800  }
0xb7: {  	s0 =	simm.s32 @!p0 $0x11800;
	[bflag:$0x0] =	sbarrier.arrive $0xFFFF  }
0xb8: {  	[spmem:s3] =	stream.linear.scatter @!p0 [tilespmem:s0], [sflag:$0x1], $0x2800, $0x38;
	[tilespmem:$0x14300] =	vst v63  }
0xb9: {  	s0 =	simm.s32 @!p0 $0x1  }
0xba: {  	_ =	swait.ge @!p0 [sflag:s0], $0x2800  }
0xbb: {  	[sflag:s0] =	ssyncset.done @!p0 $0x0  }
0xbc: {  	s1 =	simm.s32 $0xA080;
	[sflag:s0] =	ssyncadd.s32 @!p0 $0xFFFFD800  }
0xbd: {  	v0 =	vld [tilespmem:s1+$0x0];
	_ =	sdelay $0x4  }
0xbe: {  	v0 =	vadd.f32 $1.000000000e+00, v0;
	_ =	sdelay $0x1  }
0xbf: {  	v1 =	vmul.f32 $5.000000000e-01, v0;
	v0 =	vshrl.u32 v0, $0x1  }
0xc0: {  	v0 =	vsub.s32 $0x5F3759DF, v0  }
0xc1: {  	v2 =	vmul.f32 v0, v1;
	_ =	sdelay $0x1  }
0xc2: {  	v2 =	vmul.f32 v0, v2;
	_ =	sdelay $0x1  }
0xc3: {  	v2 =	vsub.f32 $1.500000000e+00, v2;
	_ =	sdelay $0x1  }
0xc4: {  	v0 =	vmul.f32 v0, v2;
	_ =	sdelay $0x1  }
0xc5: {  	v2 =	vmul.f32 v0, v1;
	_ =	sdelay $0x1  }
0xc6: {  	v2 =	vmul.f32 v2, v0;
	_ =	sdelay $0x1  }
0xc7: {  	v2 =	vsub.f32 $1.500000000e+00, v2;
	_ =	sdelay $0x1  }
0xc8: {  	v0 =	vmul.f32 v2, v0;
	_ =	sdelay $0x1  }
0xc9: {  	v1 =	vmul.f32 v0, v1;
	_ =	sdelay $0x1  }
0xca: {  	v1 =	vmul.f32 v1, v0;
	_ =	sdelay $0x1  }
0xcb: {  	v1 =	vsub.f32 $1.500000000e+00, v1;
	_ =	sdelay $0x1  }
0xcc: {  	v1 =	vmul.f32 v1, v0;
	_ =	sdelay $0x1  }
0xcd: {  	s5 =	simm.s32 $0xC880;
	v0 =	vimm.f32 $0.0e+00;
	[tilespmem:s1+$0x0] =	vst v1  }
0xce: {  	s12 =	simm.s32 $0x7880;
	[tilespmem:s5+$0x0] =	vst v0  }
0xcf: {  	v2 =	vld [tilespmem:s12+$0x0];
	_ =	sdelay $0x1  }
0xd0: {  	v3 =	vld [tilespmem:s1+$0xFFFFFF80];
	_ =	sdelay $0x2  }
0xd1: {  	v4 =	vmul.f32 $1.000000010e-01, v2  }
0xd2: {  	s8 =	simm.s32 $0xF080;
	v1 =	vmul.f32 v1, v2  }
0xd3: {  	s15 =	simm.s32 $0x5080;
	v2 =	vadd.f32 $1.000000000e+00, v3;
	[tilespmem:s8+$0x0] =	vst v4  }
0xd4: {  	[tilespmem:s15+$0x0] =	vst v1  }
0xd5: {  	v1 =	vshrl.u32 v2, $0x1;
	v2 =	vmul.f32 $5.000000000e-01, v2;
	v3 =	vld [tilespmem:s1+$0x10]  }
0xd6: {  	v1 =	vsub.s32 $0x5F3759DF, v1  }
0xd7: {  	v4 =	vmul.f32 v1, v2;
	_ =	sdelay $0x1  }
0xd8: {  	v4 =	vmul.f32 v1, v4  }
0xd9: {  	v3 =	vadd.f32 $1.000000000e+00, v3  }
0xda: {  	v4 =	vsub.f32 $1.500000000e+00, v4  }
0xdb: {  	v5 =	vshrl.u32 v3, $0x1;
	v3 =	vmul.f32 $5.000000000e-01, v3  }
0xdc: {  	v1 =	vmul.f32 v1, v4;
	v4 =	vsub.s32 $0x5F3759DF, v5  }
0xdd: {  	v5 =	vmul.f32 v4, v3  }
0xde: {  	v6 =	vmul.f32 v1, v2  }
0xdf: {  	v5 =	vmul.f32 v4, v5  }
0xe0: {  	v6 =	vmul.f32 v6, v1  }
0xe1: {  	v5 =	vsub.f32 $1.500000000e+00, v5  }
0xe2: {  	v6 =	vsub.f32 $1.500000000e+00, v6  }
0xe3: {  	v4 =	vmul.f32 v4, v5  }
0xe4: {  	v1 =	vmul.f32 v6, v1  }
0xe5: {  	v5 =	vmul.f32 v4, v3  }
0xe6: {  	v2 =	vmul.f32 v1, v2  }
0xe7: {  	v5 =	vmul.f32 v5, v4  }
0xe8: {  	v2 =	vmul.f32 v2, v1  }
0xe9: {  	v5 =	vsub.f32 $1.500000000e+00, v5  }
0xea: {  	v2 =	vsub.f32 $1.500000000e+00, v2  }
0xeb: {  	v4 =	vmul.f32 v5, v4  }
0xec: {  	v1 =	vmul.f32 v2, v1  }
0xed: {  	v2 =	vmul.f32 v4, v3  }
0xee: {  	[tilespmem:s1+$0xFFFFFF80] =	vst v1  }
0xef: {  	[tilespmem:s5+$0xFFFFFF80] =	vst v0;
	v2 =	vmul.f32 v2, v4  }
0xf0: {  	v3 =	vld [tilespmem:s12+$0xFFFFFF80]  }
0xf1: {  	v2 =	vsub.f32 $1.500000000e+00, v2;
	_ =	sdelay $0x1  }
0xf2: {  	v2 =	vmul.f32 v2, v4;
	_ =	sdelay $0x1  }
0xf3: {  	v4 =	vmul.f32 $1.000000010e-01, v3;
	[tilespmem:s1+$0x10] =	vst v2  }
0xf4: {  	v1 =	vmul.f32 v1, v3;
	[tilespmem:s5+$0x10] =	vst v0  }
0xf5: {  	s16 =	simm.s32 $0x5080;
	[tilespmem:s8+$0xFFFFFF80] =	vst v4;
	v3 =	vld [tilespmem:s12+$0x10]  }
0xf6: {  	[tilespmem:s16+$0xFFFFFF80] =	vst v1  }
0xf7: {  	v1 =	vld [tilespmem:s1+$0xFFFFFF90];
	_ =	sdelay $0x2  }
0xf8: {  	v4 =	vmul.f32 $1.000000010e-01, v3  }
0xf9: {  	v2 =	vmul.f32 v2, v3  }
0xfa: {  	v1 =	vadd.f32 $1.000000000e+00, v1;
	[tilespmem:s8+$0x10] =	vst v4  }
0xfb: {  	[tilespmem:s16+$0x10] =	vst v2  }
0xfc: {  	v2 =	vshrl.u32 v1, $0x1;
	v1 =	vmul.f32 $5.000000000e-01, v1;
	v3 =	vld [tilespmem:s1+$0x20]  }
0xfd: {  	v2 =	vsub.s32 $0x5F3759DF, v2  }
0xfe: {  	v4 =	vmul.f32 v2, v1;
	_ =	sdelay $0x1  }
0xff: {  	v4 =	vmul.f32 v2, v4  }
0x100: {  	v3 =	vadd.f32 $1.000000000e+00, v3  }
0x101: {  	s4 =	simm.s32 $0xA180;
	v4 =	vsub.f32 $1.500000000e+00, v4  }
0x102: {  	v6 =	vld [tilespmem:s4+$0x0];
	v5 =	vshrl.u32 v3, $0x1;
	v3 =	vmul.f32 $5.000000000e-01, v3  }
0x103: {  	v2 =	vmul.f32 v2, v4;
	v4 =	vsub.s32 $0x5F3759DF, v5  }
0x104: {  	v5 =	vmul.f32 v4, v3  }
0x105: {  	v7 =	vmul.f32 v2, v1  }
0x106: {  	v5 =	vmul.f32 v4, v5  }
0x107: {  	v6 =	vadd.f32 $1.000000000e+00, v6;
	v7 =	vmul.f32 v7, v2  }
0x108: {  	v5 =	vsub.f32 $1.500000000e+00, v5  }
0x109: {  	v8 =	vmul.f32 $5.000000000e-01, v6;
	v6 =	vshrl.u32 v6, $0x1;
	v7 =	vsub.f32 $1.500000000e+00, v7  }
0x10a: {  	v4 =	vmul.f32 v4, v5;
	v5 =	vsub.s32 $0x5F3759DF, v6  }
0x10b: {  	v2 =	vmul.f32 v7, v2;
	v6 =	vmul.f32 v5, v8  }
0x10c: {  	v7 =	vmul.f32 v4, v3  }
0x10d: {  	v1 =	vmul.f32 v2, v1;
	v6 =	vmul.f32 v5, v6  }
0x10e: {  	v7 =	vmul.f32 v7, v4  }
0x10f: {  	v1 =	vmul.f32 v1, v2;
	v6 =	vsub.f32 $1.500000000e+00, v6  }
0x110: {  	v7 =	vsub.f32 $1.500000000e+00, v7  }
0x111: {  	v1 =	vsub.f32 $1.500000000e+00, v1;
	v5 =	vmul.f32 v5, v6  }
0x112: {  	v4 =	vmul.f32 v7, v4  }
0x113: {  	v1 =	vmul.f32 v1, v2;
	v2 =	vmul.f32 v5, v8  }
0x114: {  	v3 =	vmul.f32 v4, v3  }
0x115: {  	[tilespmem:s1+$0xFFFFFF90] =	vst v1;
	v2 =	vmul.f32 v2, v5  }
0x116: {  	[tilespmem:s5+$0xFFFFFF90] =	vst v0;
	v3 =	vmul.f32 v3, v4  }
0x117: {  	v6 =	vld [tilespmem:s12+$0xFFFFFF90];
	v2 =	vsub.f32 $1.500000000e+00, v2  }
0x118: {  	v3 =	vsub.f32 $1.500000000e+00, v3  }
0x119: {  	v7 =	vld [tilespmem:s4+$0xFFFFFF80];
	v2 =	vmul.f32 v2, v5  }
0x11a: {  	v3 =	vmul.f32 v3, v4  }
0x11b: {  	v4 =	vmul.f32 v2, v8  }
0x11c: {  	v5 =	vmul.f32 $1.000000010e-01, v6;
	[tilespmem:s1+$0x20] =	vst v3  }
0x11d: {  	v1 =	vmul.f32 v1, v6;
	[tilespmem:s5+$0x20] =	vst v0;
	v4 =	vmul.f32 v4, v2  }
0x11e: {  	s17 =	simm.s32 $0x5080;
	[tilespmem:s8+$0xFFFFFF90] =	vst v5;
	v5 =	vadd.f32 $1.000000000e+00, v7;
	v6 =	vld [tilespmem:s12+$0x20]  }
0x11f: {  	[tilespmem:s17+$0xFFFFFF90] =	vst v1;
	v1 =	vsub.f32 $1.500000000e+00, v4  }
0x120: {  	v4 =	vld [tilespmem:s1+$0xFFFFFFA0];
	v7 =	vshrl.u32 v5, $0x1;
	v5 =	vmul.f32 $5.000000000e-01, v5  }
0x121: {  	v7 =	vsub.s32 $0x5F3759DF, v7;
	v1 =	vmul.f32 v1, v2  }
0x122: {  	v2 =	vmul.f32 v7, v5  }
0x123: {  	s6 =	simm.s32 $0xC980;
	v8 =	vmul.f32 $1.000000010e-01, v6;
	[tilespmem:s4+$0x0] =	vst v1  }
0x124: {  	s7 =	simm.s32 $0x7980;
	v2 =	vmul.f32 v7, v2;
	v3 =	vmul.f32 v3, v6;
	[tilespmem:s6+$0x0] =	vst v0  }
0x125: {  	v4 =	vadd.f32 $1.000000000e+00, v4;
	[tilespmem:s8+$0x20] =	vst v8;
	v6 =	vld [tilespmem:s7+$0x0]  }
0x126: {  	v2 =	vsub.f32 $1.500000000e+00, v2;
	[tilespmem:s17+$0x20] =	vst v3  }
0x127: {  	v3 =	vshrl.u32 v4, $0x1;
	v4 =	vmul.f32 $5.000000000e-01, v4;
	v8 =	vld [tilespmem:s1+$0x30]  }
0x128: {  	v3 =	vsub.s32 $0x5F3759DF, v3;
	v2 =	vmul.f32 v7, v2  }
0x129: {  	v7 =	vmul.f32 v3, v4  }
0x12a: {  	v9 =	vmul.f32 v2, v5;
	v10 =	vmul.f32 $1.000000010e-01, v6  }
0x12b: {  	s14 =	simm.s32 $0xF180;
	v7 =	vmul.f32 v3, v7;
	v1 =	vmul.f32 v1, v6  }
0x12c: {  	s18 =	simm.s32 $0x5180;
	v6 =	vmul.f32 v9, v2;
	v8 =	vadd.f32 $1.000000000e+00, v8;
	[tilespmem:s14+$0x0] =	vst v10  }
0x12d: {  	v7 =	vsub.f32 $1.500000000e+00, v7;
	[tilespmem:s18+$0x0] =	vst v1  }
0x12e: {  	v1 =	vsub.f32 $1.500000000e+00, v6;
	v6 =	vshrl.u32 v8, $0x1;
	v8 =	vmul.f32 $5.000000000e-01, v8;
	v9 =	vld [tilespmem:s4+$0x10]  }
0x12f: {  	v3 =	vmul.f32 v3, v7;
	v6 =	vsub.s32 $0x5F3759DF, v6  }
0x130: {  	v1 =	vmul.f32 v1, v2;
	v2 =	vmul.f32 v6, v8  }
0x131: {  	v7 =	vmul.f32 v3, v4  }
0x132: {  	v5 =	vmul.f32 v1, v5;
	v2 =	vmul.f32 v6, v2  }
0x133: {  	v7 =	vmul.f32 v7, v3;
	v9 =	vadd.f32 $1.000000000e+00, v9  }
0x134: {  	v5 =	vmul.f32 v5, v1;
	v2 =	vsub.f32 $1.500000000e+00, v2  }
0x135: {  	v7 =	vsub.f32 $1.500000000e+00, v7;
	v10 =	vshrl.u32 v9, $0x1;
	v9 =	vmul.f32 $5.000000000e-01, v9  }
0x136: {  	v5 =	vsub.f32 $1.500000000e+00, v5;
	v2 =	vmul.f32 v6, v2;
	v6 =	vsub.s32 $0x5F3759DF, v10  }
0x137: {  	v3 =	vmul.f32 v7, v3;
	v7 =	vmul.f32 v6, v9  }
0x138: {  	v1 =	vmul.f32 v5, v1;
	v5 =	vmul.f32 v2, v8  }
0x139: {  	v7 =	vmul.f32 v6, v7  }
0x13a: {  	v4 =	vmul.f32 v3, v4;
	[tilespmem:s4+$0xFFFFFF80] =	vst v1;
	v5 =	vmul.f32 v5, v2  }
0x13b: {  	[tilespmem:s6+$0xFFFFFF80] =	vst v0;
	v7 =	vsub.f32 $1.500000000e+00, v7  }
0x13c: {  	v4 =	vmul.f32 v4, v3;
	v10 =	vld [tilespmem:s7+$0xFFFFFF80];
	v5 =	vsub.f32 $1.500000000e+00, v5  }
0x13d: {  	v6 =	vmul.f32 v6, v7  }
0x13e: {  	v4 =	vsub.f32 $1.500000000e+00, v4;
	v2 =	vmul.f32 v5, v2  }
0x13f: {  	v5 =	vmul.f32 v6, v9  }
0x140: {  	v3 =	vmul.f32 v4, v3;
	v4 =	vmul.f32 v2, v8  }
0x141: {  	v7 =	vmul.f32 $1.000000010e-01, v10;
	v5 =	vmul.f32 v5, v6  }
0x142: {  	[tilespmem:s1+$0xFFFFFFA0] =	vst v3;
	v1 =	vmul.f32 v1, v10;
	v4 =	vmul.f32 v4, v2  }
0x143: {  	s19 =	simm.s32 $0x5180;
	[tilespmem:s14+$0xFFFFFF80] =	vst v7;
	v5 =	vsub.f32 $1.500000000e+00, v5  }
0x144: {  	[tilespmem:s19+$0xFFFFFF80] =	vst v1;
	v1 =	vsub.f32 $1.500000000e+00, v4  }
0x145: {  	[tilespmem:s5+$0xFFFFFFA0] =	vst v0;
	v4 =	vld [tilespmem:s4+$0xFFFFFF90];
	v5 =	vmul.f32 v5, v6  }
0x146: {  	v6 =	vld [tilespmem:s12+$0xFFFFFFA0];
	v1 =	vmul.f32 v1, v2  }
0x147: {  	v2 =	vmul.f32 v5, v9  }
0x148: {  	[tilespmem:s1+$0x30] =	vst v1  }
0x149: {  	[tilespmem:s5+$0x30] =	vst v0;
	v2 =	vmul.f32 v2, v5  }
0x14a: {  	v4 =	vadd.f32 $1.000000000e+00, v4;
	v7 =	vld [tilespmem:s12+$0x30]  }
0x14b: {  	v8 =	vmul.f32 $1.000000010e-01, v6;
	v2 =	vsub.f32 $1.500000000e+00, v2  }
0x14c: {  	v3 =	vmul.f32 v3, v6;
	v6 =	vshrl.u32 v4, $0x1;
	v4 =	vmul.f32 $5.000000000e-01, v4  }
0x14d: {  	s20 =	simm.s32 $0x5080;
	[tilespmem:s8+$0xFFFFFFA0] =	vst v8;
	v6 =	vsub.s32 $0x5F3759DF, v6;
	v2 =	vmul.f32 v2, v5  }
0x14e: {  	[tilespmem:s20+$0xFFFFFFA0] =	vst v3;
	v3 =	vmul.f32 v6, v4  }
0x14f: {  	v5 =	vmul.f32 $1.000000010e-01, v7;
	[tilespmem:s4+$0x10] =	vst v2  }
0x150: {  	v8 =	vld [tilespmem:s1+$0xFFFFFFB0];
	v3 =	vmul.f32 v6, v3;
	v1 =	vmul.f32 v1, v7;
	[tilespmem:s6+$0x10] =	vst v0  }
0x151: {  	[tilespmem:s8+$0x30] =	vst v5;
	v5 =	vld [tilespmem:s7+$0x10]  }
0x152: {  	v3 =	vsub.f32 $1.500000000e+00, v3;
	[tilespmem:s20+$0x30] =	vst v1  }
0x153: {  	v1 =	vld [tilespmem:s1+$0x40]  }
0x154: {  	v3 =	vmul.f32 v6, v3;
	_ =	sdelay $0x1  }
0x155: {  	v6 =	vadd.f32 $1.000000000e+00, v8;
	v7 =	vmul.f32 v3, v4;
	v8 =	vmul.f32 $1.000000010e-01, v5  }
0x156: {  	v2 =	vmul.f32 v2, v5  }
0x157: {  	s21 =	simm.s32 $0x5180;
	v5 =	vshrl.u32 v6, $0x1;
	v7 =	vmul.f32 v7, v3;
	v1 =	vadd.f32 $1.000000000e+00, v1;
	[tilespmem:s14+$0x10] =	vst v8  }
0x158: {  	v6 =	vmul.f32 $5.000000000e-01, v6;
	v5 =	vsub.s32 $0x5F3759DF, v5;
	[tilespmem:s21+$0x10] =	vst v2  }
0x159: {  	v2 =	vsub.f32 $1.500000000e+00, v7;
	v7 =	vshrl.u32 v1, $0x1;
	v1 =	vmul.f32 $5.000000000e-01, v1;
	v8 =	vld [tilespmem:s4+$0x20]  }
0x15a: {  	v9 =	vmul.f32 v5, v6;
	v7 =	vsub.s32 $0x5F3759DF, v7  }
0x15b: {  	v2 =	vmul.f32 v2, v3;
	v3 =	vmul.f32 v7, v1  }
0x15c: {  	v9 =	vmul.f32 v5, v9  }
0x15d: {  	v4 =	vmul.f32 v2, v4;
	v3 =	vmul.f32 v7, v3  }
0x15e: {  	v9 =	vsub.f32 $1.500000000e+00, v9;
	v8 =	vadd.f32 $1.000000000e+00, v8  }
0x15f: {  	v4 =	vmul.f32 v4, v2;
	v3 =	vsub.f32 $1.500000000e+00, v3  }
0x160: {  	v5 =	vmul.f32 v5, v9;
	v9 =	vshrl.u32 v8, $0x1;
	v8 =	vmul.f32 $5.000000000e-01, v8  }
0x161: {  	v4 =	vsub.f32 $1.500000000e+00, v4;
	v3 =	vmul.f32 v7, v3;
	v7 =	vsub.s32 $0x5F3759DF, v9  }
0x162: {  	v10 =	vmul.f32 v7, v8  }
0x163: {  	s10 =	simm.s32 $0xA280;
	v2 =	vmul.f32 v4, v2;
	v4 =	vmul.f32 v3, v1  }
0x164: {  	v11 =	vld [tilespmem:s10+$0x0];
	v9 =	vmul.f32 v5, v6;
	v10 =	vmul.f32 v7, v10  }
0x165: {  	[tilespmem:s4+$0xFFFFFF90] =	vst v2;
	v4 =	vmul.f32 v4, v3  }
0x166: {  	v9 =	vmul.f32 v9, v5;
	[tilespmem:s6+$0xFFFFFF90] =	vst v0;
	v10 =	vsub.f32 $1.500000000e+00, v10  }
0x167: {  	v12 =	vld [tilespmem:s7+$0xFFFFFF90];
	v4 =	vsub.f32 $1.500000000e+00, v4  }
0x168: {  	v9 =	vsub.f32 $1.500000000e+00, v9;
	v7 =	vmul.f32 v7, v10  }
0x169: {  	v3 =	vmul.f32 v4, v3;
	v4 =	vadd.f32 $1.000000000e+00, v11  }
0x16a: {  	v5 =	vmul.f32 v9, v5;
	v9 =	vmul.f32 v7, v8  }
0x16b: {  	v1 =	vmul.f32 v3, v1;
	v10 =	vmul.f32 $5.000000000e-01, v4;
	v4 =	vshrl.u32 v4, $0x1  }
0x16c: {  	v11 =	vmul.f32 $1.000000010e-01, v12;
	v9 =	vmul.f32 v9, v7;
	v4 =	vsub.s32 $0x5F3759DF, v4  }
0x16d: {  	v1 =	vmul.f32 v1, v3;
	v13 =	vmul.f32 v4, v10  }
0x16e: {  	v6 =	vmul.f32 v5, v6;
	v2 =	vmul.f32 v2, v12;
	v9 =	vsub.f32 $1.500000000e+00, v9  }
0x16f: {  	[tilespmem:s14+$0xFFFFFF90] =	vst v11;
	v1 =	vsub.f32 $1.500000000e+00, v1;
	v11 =	vmul.f32 v4, v13  }
0x170: {  	v6 =	vmul.f32 v6, v5;
	[tilespmem:s21+$0xFFFFFF90] =	vst v2;
	v2 =	vmul.f32 v9, v7  }
0x171: {  	v7 =	vld [tilespmem:s4+$0xFFFFFFA0];
	v1 =	vmul.f32 v1, v3;
	v3 =	vsub.f32 $1.500000000e+00, v11  }
0x172: {  	v6 =	vsub.f32 $1.500000000e+00, v6;
	v8 =	vmul.f32 v2, v8  }
0x173: {  	[tilespmem:s1+$0x40] =	vst v1;
	v3 =	vmul.f32 v4, v3  }
0x174: {  	v5 =	vmul.f32 v6, v5;
	[tilespmem:s5+$0x40] =	vst v0;
	v4 =	vmul.f32 v8, v2  }
0x175: {  	v6 =	vld [tilespmem:s12+$0x40];
	v8 =	vmul.f32 v3, v10  }
0x176: {  	[tilespmem:s1+$0xFFFFFFB0] =	vst v5;
	v7 =	vadd.f32 $1.000000000e+00, v7;
	v4 =	vsub.f32 $1.500000000e+00, v4  }
0x177: {  	v12 =	vld [tilespmem:s10+$0xFFFFFF80];
	[tilespmem:s5+$0xFFFFFFB0] =	vst v0;
	v8 =	vmul.f32 v8, v3  }
0x178: {  	v9 =	vld [tilespmem:s12+$0xFFFFFFB0];
	v11 =	vshrl.u32 v7, $0x1;
	v7 =	vmul.f32 $5.000000000e-01, v7;
	v2 =	vmul.f32 v4, v2  }
0x179: {  	v4 =	vsub.s32 $0x5F3759DF, v11;
	v8 =	vsub.f32 $1.500000000e+00, v8  }
0x17a: {  	v11 =	vmul.f32 v4, v7;
	v13 =	vmul.f32 $1.000000010e-01, v6;
	[tilespmem:s4+$0x20] =	vst v2  }
0x17b: {  	v1 =	vmul.f32 v1, v6;
	[tilespmem:s6+$0x20] =	vst v0;
	v3 =	vmul.f32 v8, v3  }
0x17c: {  	s23 =	simm.s32 $0x5080;
	v6 =	vmul.f32 v4, v11;
	[tilespmem:s8+$0x40] =	vst v13;
	v8 =	vld [tilespmem:s7+$0x20]  }
0x17d: {  	v12 =	vadd.f32 $1.000000000e+00, v12;
	v11 =	vmul.f32 $1.000000010e-01, v9;
	[tilespmem:s23+$0x40] =	vst v1;
	v1 =	vmul.f32 v3, v10  }
0x17e: {  	v5 =	vmul.f32 v5, v9;
	v6 =	vsub.f32 $1.500000000e+00, v6;
	v9 =	vld [tilespmem:s1+$0x50]  }
0x17f: {  	[tilespmem:s8+$0xFFFFFFB0] =	vst v11;
	v10 =	vshrl.u32 v12, $0x1;
	v11 =	vmul.f32 $5.000000000e-01, v12;
	v1 =	vmul.f32 v1, v3  }
0x180: {  	[tilespmem:s23+$0xFFFFFFB0] =	vst v5;
	v5 =	vsub.s32 $0x5F3759DF, v10;
	v4 =	vmul.f32 v4, v6  }
0x181: {  	v6 =	vld [tilespmem:s1+$0xFFFFFFC0];
	v10 =	vmul.f32 v5, v11;
	v12 =	vmul.f32 $1.000000010e-01, v8;
	v1 =	vsub.f32 $1.500000000e+00, v1  }
0x182: {  	v13 =	vmul.f32 v4, v7;
	v2 =	vmul.f32 v2, v8  }
0x183: {  	s22 =	simm.s32 $0x5180;
	v8 =	vmul.f32 v5, v10;
	v9 =	vadd.f32 $1.000000000e+00, v9;
	[tilespmem:s14+$0x20] =	vst v12;
	v1 =	vmul.f32 v1, v3  }
0x184: {  	v3 =	vmul.f32 v13, v4;
	[tilespmem:s22+$0x20] =	vst v2  }
0x185: {  	s9 =	simm.s32 $0xCA80;
	v2 =	vsub.f32 $1.500000000e+00, v8;
	v8 =	vshrl.u32 v9, $0x1;
	v9 =	vmul.f32 $5.000000000e-01, v9;
	v10 =	vld [tilespmem:s4+$0x30];
	[tilespmem:s10+$0x0] =	vst v1  }
0x186: {  	s16 =	simm.s32 $0x7A80;
	v6 =	vadd.f32 $1.000000000e+00, v6;
	v3 =	vsub.f32 $1.500000000e+00, v3;
	v8 =	vsub.s32 $0x5F3759DF, v8;
	[tilespmem:s9+$0x0] =	vst v0  }
0x187: {  	v2 =	vmul.f32 v5, v2;
	v5 =	vmul.f32 v8, v9;
	v12 =	vld [tilespmem:s16+$0x0]  }
0x188: {  	v13 =	vshrl.u32 v6, $0x1;
	v6 =	vmul.f32 $5.000000000e-01, v6;
	v3 =	vmul.f32 v3, v4  }
0x189: {  	v4 =	vsub.s32 $0x5F3759DF, v13;
	v13 =	vmul.f32 v2, v11;
	v5 =	vmul.f32 v8, v5  }
0x18a: {  	v14 =	vmul.f32 v4, v6;
	v10 =	vadd.f32 $1.000000000e+00, v10  }
0x18b: {  	v7 =	vmul.f32 v3, v7;
	v13 =	vmul.f32 v13, v2;
	v5 =	vsub.f32 $1.500000000e+00, v5  }
0x18c: {  	v15 =	vshrl.u32 v10, $0x1;
	v10 =	vmul.f32 $5.000000000e-01, v10;
	v16 =	vmul.f32 $1.000000010e-01, v12  }
0x18d: {  	s3 =	simm.s32 $0xF280;
	v13 =	vsub.f32 $1.500000000e+00, v13;
	v1 =	vmul.f32 v1, v12;
	v15 =	vsub.s32 $0x5F3759DF, v15  }
0x18e: {  	s22 =	simm.s32 $0x5280;
	v5 =	vmul.f32 v8, v5;
	v8 =	vmul.f32 v15, v10;
	[tilespmem:s3+$0x0] =	vst v16  }
0x18f: {  	v7 =	vmul.f32 v7, v3;
	v2 =	vmul.f32 v13, v2;
	[tilespmem:s22+$0x0] =	vst v1  }
0x190: {  	v1 =	vmul.f32 v5, v9;
	v8 =	vmul.f32 v15, v8;
	v12 =	vld [tilespmem:s10+$0x10]  }
0x191: {  	v7 =	vsub.f32 $1.500000000e+00, v7;
	v13 =	vmul.f32 v4, v14;
	v11 =	vmul.f32 v2, v11  }
0x192: {  	v1 =	vmul.f32 v1, v5;
	v8 =	vsub.f32 $1.500000000e+00, v8  }
0x193: {  	v3 =	vmul.f32 v7, v3;
	v13 =	vsub.f32 $1.500000000e+00, v13;
	v7 =	vmul.f32 v11, v2  }
0x194: {  	v1 =	vsub.f32 $1.500000000e+00, v1;
	v8 =	vmul.f32 v15, v8  }
0x195: {  	[tilespmem:s4+$0xFFFFFFA0] =	vst v3;
	v4 =	vmul.f32 v4, v13;
	v7 =	vsub.f32 $1.500000000e+00, v7;
	v11 =	vadd.f32 $1.000000000e+00, v12  }
0x196: {  	[tilespmem:s6+$0xFFFFFFA0] =	vst v0;
	v1 =	vmul.f32 v1, v5;
	v5 =	vmul.f32 v8, v10  }
0x197: {  	v12 =	vld [tilespmem:s7+$0xFFFFFFA0];
	v2 =	vmul.f32 v7, v2;
	v7 =	vshrl.u32 v11, $0x1;
	v11 =	vmul.f32 $5.000000000e-01, v11  }
0x198: {  	v9 =	vmul.f32 v1, v9;
	v5 =	vmul.f32 v5, v8;
	v7 =	vsub.s32 $0x5F3759DF, v7  }
0x199: {  	v13 =	vmul.f32 v4, v6;
	[tilespmem:s10+$0xFFFFFF80] =	vst v2;
	v14 =	vmul.f32 v7, v11  }
0x19a: {  	[tilespmem:s9+$0xFFFFFF80] =	vst v0;
	v9 =	vmul.f32 v9, v1;
	v5 =	vsub.f32 $1.500000000e+00, v5  }
0x19b: {  	v13 =	vmul.f32 v13, v4;
	v15 =	vld [tilespmem:s16+$0xFFFFFF80];
	v14 =	vmul.f32 v7, v14  }
0x19c: {  	v16 =	vmul.f32 $1.000000010e-01, v12;
	v9 =	vsub.f32 $1.500000000e+00, v9;
	v5 =	vmul.f32 v5, v8  }
0x19d: {  	v3 =	vmul.f32 v3, v12;
	v8 =	vsub.f32 $1.500000000e+00, v13;
	v12 =	vsub.f32 $1.500000000e+00, v14  }
0x19e: {  	s24 =	simm.s32 $0x5180;
	[tilespmem:s14+$0xFFFFFFA0] =	vst v16;
	v1 =	vmul.f32 v9, v1;
	v9 =	vmul.f32 v5, v10  }
0x19f: {  	[tilespmem:s24+$0xFFFFFFA0] =	vst v3;
	v4 =	vmul.f32 v8, v4;
	v3 =	vmul.f32 v7, v12  }
0x1a0: {  	v7 =	vld [tilespmem:s4+$0xFFFFFFB0];
	v8 =	vmul.f32 $1.000000010e-01, v15;
	[tilespmem:s1+$0x50] =	vst v1;
	v2 =	vmul.f32 v2, v15  }
0x1a1: {  	v9 =	vmul.f32 v9, v5;
	[tilespmem:s5+$0x50] =	vst v0;
	v10 =	vmul.f32 v3, v11  }
0x1a2: {  	v6 =	vmul.f32 v4, v6;
	[tilespmem:s3+$0xFFFFFF80] =	vst v8  }
0x1a3: {  	v8 =	vsub.f32 $1.500000000e+00, v9;
	v9 =	vld [tilespmem:s12+$0x50];
	[tilespmem:s22+$0xFFFFFF80] =	vst v2;
	v2 =	vmul.f32 v10, v3  }
0x1a4: {  	v6 =	vmul.f32 v6, v4;
	v10 =	vld [tilespmem:s10+$0xFFFFFF90]  }
0x1a5: {  	v5 =	vmul.f32 v8, v5;
	v7 =	vadd.f32 $1.000000000e+00, v7;
	v2 =	vsub.f32 $1.500000000e+00, v2;
	_ =	sdelay $0x1  }
0x1a6: {  	v6 =	vsub.f32 $1.500000000e+00, v6;
	[tilespmem:s4+$0x30] =	vst v5;
	v8 =	vshrl.u32 v7, $0x1;
	v2 =	vmul.f32 v2, v3  }
0x1a7: {  	[tilespmem:s6+$0x30] =	vst v0;
	v3 =	vmul.f32 $5.000000000e-01, v7;
	v7 =	vsub.s32 $0x5F3759DF, v8;
	v8 =	vmul.f32 $1.000000010e-01, v9  }
0x1a8: {  	v4 =	vmul.f32 v6, v4;
	v1 =	vmul.f32 v1, v9;
	v12 =	vld [tilespmem:s7+$0x30];
	v9 =	vadd.f32 $1.000000000e+00, v10  }
0x1a9: {  	v10 =	vmul.f32 v2, v11;
	v6 =	vmul.f32 v7, v3;
	[tilespmem:s8+$0x50] =	vst v8  }
0x1aa: {  	[tilespmem:s23+$0x50] =	vst v1;
	v1 =	vshrl.u32 v9, $0x1;
	v8 =	vmul.f32 $5.000000000e-01, v9  }
0x1ab: {  	v9 =	vmul.f32 v10, v2;
	v6 =	vmul.f32 v7, v6;
	v10 =	vld [tilespmem:s1+$0x60];
	v1 =	vsub.s32 $0x5F3759DF, v1  }
0x1ac: {  	v11 =	vmul.f32 v1, v8  }
0x1ad: {  	[tilespmem:s1+$0xFFFFFFC0] =	vst v4;
	v13 =	vmul.f32 $1.000000010e-01, v12;
	v9 =	vsub.f32 $1.500000000e+00, v9;
	v6 =	vsub.f32 $1.500000000e+00, v6  }
0x1ae: {  	[tilespmem:s5+$0xFFFFFFC0] =	vst v0;
	v5 =	vmul.f32 v5, v12;
	v11 =	vmul.f32 v1, v11  }
0x1af: {  	s25 =	simm.s32 $0x5180;
	[tilespmem:s14+$0x30] =	vst v13;
	v2 =	vmul.f32 v9, v2;
	v6 =	vmul.f32 v7, v6  }
0x1b0: {  	v12 =	vld [tilespmem:s12+$0xFFFFFFC0];
	[tilespmem:s25+$0x30] =	vst v5;
	v5 =	vadd.f32 $1.000000000e+00, v10  }
0x1b1: {  	v7 =	vsub.f32 $1.500000000e+00, v11;
	v9 =	vld [tilespmem:s4+$0x40];
	[tilespmem:s10+$0x10] =	vst v2;
	v10 =	vmul.f32 v6, v3  }
0x1b2: {  	[tilespmem:s9+$0x10] =	vst v0;
	v11 =	vshrl.u32 v5, $0x1;
	v5 =	vmul.f32 $5.000000000e-01, v5  }
0x1b3: {  	v1 =	vmul.f32 v1, v7;
	v7 =	vld [tilespmem:s16+$0x10];
	v10 =	vmul.f32 v10, v6;
	v11 =	vsub.s32 $0x5F3759DF, v11  }
0x1b4: {  	v14 =	vmul.f32 v11, v5  }
0x1b5: {  	v13 =	vmul.f32 $1.000000010e-01, v12;
	v15 =	vmul.f32 v1, v8;
	v10 =	vsub.f32 $1.500000000e+00, v10  }
0x1b6: {  	v4 =	vmul.f32 v4, v12;
	v9 =	vadd.f32 $1.000000000e+00, v9;
	v12 =	vmul.f32 v11, v14  }
0x1b7: {  	s26 =	simm.s32 $0x5080;
	[tilespmem:s8+$0xFFFFFFC0] =	vst v13;
	v13 =	vmul.f32 v15, v1;
	v6 =	vmul.f32 v10, v6  }
0x1b8: {  	[tilespmem:s26+$0xFFFFFFC0] =	vst v4;
	v4 =	vshrl.u32 v9, $0x1;
	v9 =	vmul.f32 $5.000000000e-01, v9;
	v14 =	vmul.f32 $1.000000010e-01, v7  }
0x1b9: {  	v12 =	vsub.f32 $1.500000000e+00, v12;
	v2 =	vmul.f32 v2, v7;
	v4 =	vsub.s32 $0x5F3759DF, v4  }
0x1ba: {  	v15 =	vld [tilespmem:s1+$0xFFFFFFD0];
	v7 =	vsub.f32 $1.500000000e+00, v13;
	v13 =	vmul.f32 v4, v9;
	[tilespmem:s3+$0x10] =	vst v14  }
0x1bb: {  	v3 =	vmul.f32 v6, v3;
	v10 =	vmul.f32 v11, v12;
	[tilespmem:s22+$0x10] =	vst v2  }
0x1bc: {  	v1 =	vmul.f32 v7, v1;
	v2 =	vmul.f32 v4, v13;
	v7 =	vld [tilespmem:s10+$0x20]  }
0x1bd: {  	v11 =	vmul.f32 v10, v5  }
0x1be: {  	v3 =	vmul.f32 v3, v6;
	v8 =	vmul.f32 v1, v8;
	v2 =	vsub.f32 $1.500000000e+00, v2  }
0x1bf: {  	v12 =	vadd.f32 $1.000000000e+00, v15;
	v11 =	vmul.f32 v11, v10  }
0x1c0: {  	v3 =	vsub.f32 $1.500000000e+00, v3;
	v8 =	vmul.f32 v8, v1;
	v2 =	vmul.f32 v4, v2  }
0x1c1: {  	v13 =	vshrl.u32 v12, $0x1;
	v11 =	vsub.f32 $1.500000000e+00, v11;
	v7 =	vadd.f32 $1.000000000e+00, v7  }
0x1c2: {  	v4 =	vmul.f32 $5.000000000e-01, v12;
	v8 =	vsub.f32 $1.500000000e+00, v8;
	v12 =	vmul.f32 v2, v9  }
0x1c3: {  	v10 =	vmul.f32 v11, v10;
	v11 =	vshrl.u32 v7, $0x1;
	v7 =	vmul.f32 $5.000000000e-01, v7  }
0x1c4: {  	v1 =	vmul.f32 v8, v1;
	v8 =	vmul.f32 v12, v2;
	v11 =	vsub.s32 $0x5F3759DF, v11  }
0x1c5: {  	v12 =	vsub.s32 $0x5F3759DF, v13;
	v5 =	vmul.f32 v10, v5;
	v13 =	vmul.f32 v11, v7  }
0x1c6: {  	v3 =	vmul.f32 v3, v6;
	[tilespmem:s10+$0xFFFFFF90] =	vst v1;
	v14 =	vmul.f32 v12, v4;
	v6 =	vsub.f32 $1.500000000e+00, v8  }
0x1c7: {  	[tilespmem:s9+$0xFFFFFF90] =	vst v0;
	v5 =	vmul.f32 v5, v10;
	v8 =	vmul.f32 v11, v13  }
0x1c8: {  	[tilespmem:s4+$0xFFFFFFB0] =	vst v3;
	v13 =	vmul.f32 v12, v14;
	v14 =	vld [tilespmem:s16+$0xFFFFFF90];
	v2 =	vmul.f32 v6, v2  }
0x1c9: {  	[tilespmem:s6+$0xFFFFFFB0] =	vst v0;
	v5 =	vsub.f32 $1.500000000e+00, v5;
	v6 =	vsub.f32 $1.500000000e+00, v8  }
0x1ca: {  	v8 =	vsub.f32 $1.500000000e+00, v13;
	v13 =	vld [tilespmem:s7+$0xFFFFFFB0];
	v9 =	vmul.f32 v2, v9  }
0x1cb: {  	s15 =	simm.s32 $0xA380;
	v5 =	vmul.f32 v5, v10;
	v6 =	vmul.f32 v11, v6  }
0x1cc: {  	v10 =	vld [tilespmem:s15+$0x0];
	v8 =	vmul.f32 v12, v8;
	v9 =	vmul.f32 v9, v2  }
0x1cd: {  	v11 =	vmul.f32 $1.000000010e-01, v14;
	[tilespmem:s1+$0x60] =	vst v5;
	v12 =	vmul.f32 v6, v7  }
0x1ce: {  	v1 =	vmul.f32 v1, v14;
	v15 =	vmul.f32 v8, v4;
	[tilespmem:s5+$0x60] =	vst v0;
	v9 =	vsub.f32 $1.500000000e+00, v9  }
0x1cf: {  	v14 =	vmul.f32 $1.000000010e-01, v13;
	[tilespmem:s3+$0xFFFFFF90] =	vst v11;
	v11 =	vmul.f32 v12, v6  }
0x1d0: {  	v12 =	vmul.f32 v15, v8;
	v15 =	vld [tilespmem:s12+$0x60];
	[tilespmem:s22+$0xFFFFFF90] =	vst v1;
	v1 =	vmul.f32 v9, v2  }
0x1d1: {  	v10 =	vadd.f32 $1.000000000e+00, v10;
	v2 =	vld [tilespmem:s10+$0xFFFFFFA0];
	[tilespmem:s14+$0xFFFFFFB0] =	vst v14;
	v9 =	vsub.f32 $1.500000000e+00, v11  }
0x1d2: {  	v3 =	vmul.f32 v3, v13;
	v11 =	vsub.f32 $1.500000000e+00, v12;
	[tilespmem:s4+$0x40] =	vst v1  }
0x1d3: {  	s11 =	simm.s32 $0x5180;
	[tilespmem:s6+$0x40] =	vst v0;
	v6 =	vmul.f32 v9, v6;
	v9 =	vmul.f32 $5.000000000e-01, v10;
	v10 =	vshrl.u32 v10, $0x1  }
0x1d4: {  	[tilespmem:s11+$0xFFFFFFB0] =	vst v3;
	v8 =	vmul.f32 v11, v8;
	v3 =	vld [tilespmem:s7+$0x40];
	v10 =	vsub.s32 $0x5F3759DF, v10  }
0x1d5: {  	v11 =	vld [tilespmem:s4+$0xFFFFFFC0];
	v7 =	vmul.f32 v6, v7;
	v12 =	vmul.f32 v10, v9  }
0x1d6: {  	v13 =	vmul.f32 $1.000000010e-01, v15;
	v4 =	vmul.f32 v8, v4;
	v2 =	vadd.f32 $1.000000000e+00, v2  }
0x1d7: {  	v7 =	vmul.f32 v7, v6;
	v12 =	vmul.f32 v10, v12  }
0x1d8: {  	v5 =	vmul.f32 v5, v15;
	v15 =	vld [tilespmem:s15+$0xFFFFFF80];
	v4 =	vmul.f32 v4, v8;
	v14 =	vshrl.u32 v2, $0x1  }
0x1d9: {  	s17 =	simm.s32 $0x5080;
	[tilespmem:s8+$0x60] =	vst v13;
	v13 =	vmul.f32 $1.000000010e-01, v3;
	v7 =	vsub.f32 $1.500000000e+00, v7;
	v12 =	vsub.f32 $1.500000000e+00, v12  }
0x1da: {  	[tilespmem:s17+$0x60] =	vst v5;
	v2 =	vmul.f32 $5.000000000e-01, v2;
	v5 =	vadd.f32 $1.000000000e+00, v11;
	v1 =	vmul.f32 v1, v3  }
0x1db: {  	v11 =	vsub.s32 $0x5F3759DF, v14;
	v3 =	vld [tilespmem:s1+$0x70];
	[tilespmem:s14+$0x40] =	vst v13;
	v6 =	vmul.f32 v7, v6;
	v7 =	vmul.f32 v10, v12  }
0x1dc: {  	v10 =	vmul.f32 v11, v2;
	v12 =	vshrl.u32 v5, $0x1;
	v5 =	vmul.f32 $5.000000000e-01, v5;
	[tilespmem:s11+$0x40] =	vst v1  }
0x1dd: {  	v12 =	vsub.s32 $0x5F3759DF, v12;
	v1 =	vadd.f32 $1.000000000e+00, v15;
	[tilespmem:s10+$0x20] =	vst v6;
	v13 =	vmul.f32 v7, v9  }
0x1de: {  	v10 =	vmul.f32 v11, v10;
	v14 =	vmul.f32 v12, v5;
	v15 =	vld [tilespmem:s4+$0x50];
	[tilespmem:s9+$0x20] =	vst v0  }
0x1df: {  	v16 =	vshrl.u32 v1, $0x1;
	v17 =	vmul.f32 $5.000000000e-01, v1;
	v18 =	vld [tilespmem:s16+$0x20];
	v1 =	vmul.f32 v13, v7  }
0x1e0: {  	v3 =	vadd.f32 $1.000000000e+00, v3;
	v10 =	vsub.f32 $1.500000000e+00, v10;
	v13 =	vsub.s32 $0x5F3759DF, v16  }
0x1e1: {  	v14 =	vmul.f32 v12, v14;
	v16 =	vmul.f32 v13, v17;
	v19 =	vsub.f32 $1.500000000e+00, v1  }
0x1e2: {  	v1 =	vmul.f32 $5.000000000e-01, v3;
	v10 =	vmul.f32 v11, v10  }
0x1e3: {  	v3 =	vshrl.u32 v3, $0x1;
	v11 =	vmul.f32 v13, v16;
	v7 =	vmul.f32 v19, v7  }
0x1e4: {  	v15 =	vadd.f32 $1.000000000e+00, v15;
	v16 =	vmul.f32 v10, v2;
	v19 =	vmul.f32 $1.000000010e-01, v18  }
0x1e5: {  	v11 =	vsub.f32 $1.500000000e+00, v11;
	v6 =	vmul.f32 v6, v18;
	v9 =	vmul.f32 v7, v9  }
0x1e6: {  	v18 =	vshrl.u32 v15, $0x1;
	v15 =	vmul.f32 $5.000000000e-01, v15;
	v16 =	vmul.f32 v16, v10;
	[tilespmem:s3+$0x20] =	vst v19  }
0x1e7: {  	v11 =	vmul.f32 v13, v11;
	v13 =	vsub.s32 $0x5F3759DF, v18;
	v9 =	vmul.f32 v9, v7;
	[tilespmem:s22+$0x20] =	vst v6  }
0x1e8: {  	v3 =	vsub.s32 $0x5F3759DF, v3;
	v6 =	vsub.f32 $1.500000000e+00, v16;
	v16 =	vmul.f32 v13, v15;
	v18 =	vld [tilespmem:s10+$0x30]  }
0x1e9: {  	v19 =	vmul.f32 v3, v1;
	v20 =	vmul.f32 v11, v17;
	v9 =	vsub.f32 $1.500000000e+00, v9  }
0x1ea: {  	v14 =	vsub.f32 $1.500000000e+00, v14;
	v6 =	vmul.f32 v6, v10;
	v10 =	vmul.f32 v13, v16  }
0x1eb: {  	v16 =	vmul.f32 v20, v11;
	v7 =	vmul.f32 v9, v7  }
0x1ec: {  	v9 =	vmul.f32 v12, v14;
	v2 =	vmul.f32 v6, v2;
	v10 =	vsub.f32 $1.500000000e+00, v10  }
0x1ed: {  	s2 =	simm.s32 $0xCB80;
	v12 =	vmul.f32 v3, v19;
	v14 =	vsub.f32 $1.500000000e+00, v16;
	[tilespmem:s15+$0x0] =	vst v7;
	v16 =	vadd.f32 $1.000000000e+00, v18  }
0x1ee: {  	s0 =	simm.s32 $0x7B80;
	v2 =	vmul.f32 v2, v6;
	v10 =	vmul.f32 v13, v10;
	[tilespmem:s2+$0x0] =	vst v0  }
0x1ef: {  	v11 =	vmul.f32 v14, v11;
	v13 =	vld [tilespmem:s0+$0x0];
	v14 =	vshrl.u32 v16, $0x1;
	v16 =	vmul.f32 $5.000000000e-01, v16  }
0x1f0: {  	v2 =	vsub.f32 $1.500000000e+00, v2;
	v18 =	vmul.f32 v10, v15;
	v14 =	vsub.s32 $0x5F3759DF, v14  }
0x1f1: {  	v17 =	vmul.f32 v11, v17;
	v19 =	vmul.f32 v14, v16  }
0x1f2: {  	v2 =	vmul.f32 v2, v6;
	v6 =	vmul.f32 v18, v10  }
0x1f3: {  	v17 =	vmul.f32 v17, v11;
	v18 =	vmul.f32 v14, v19  }
0x1f4: {  	v19 =	vmul.f32 v9, v5;
	[tilespmem:s10+$0xFFFFFFA0] =	vst v2;
	v6 =	vsub.f32 $1.500000000e+00, v6;
	v55 =	vmul.f32 $1.000000010e-01, v13  }
0x1f5: {  	s17 =	simm.s32 $0xF380;
	v17 =	vsub.f32 $1.500000000e+00, v17;
	[tilespmem:s9+$0xFFFFFFA0] =	vst v0;
	v7 =	vmul.f32 v7, v13;
	v13 =	vsub.f32 $1.500000000e+00, v18  }
0x1f6: {  	s19 =	simm.s32 $0x5380;
	v4 =	vsub.f32 $1.500000000e+00, v4;
	v18 =	vmul.f32 v19, v9;
	v19 =	vld [tilespmem:s16+$0xFFFFFFA0];
	v6 =	vmul.f32 v6, v10;
	[tilespmem:s17+$0x0] =	vst v55  }
0x1f7: {  	v10 =	vsub.f32 $1.500000000e+00, v12;
	v11 =	vmul.f32 v17, v11;
	[tilespmem:s19+$0x0] =	vst v7;
	v7 =	vmul.f32 v14, v13  }
0x1f8: {  	v4 =	vmul.f32 v4, v8;
	v8 =	vsub.f32 $1.500000000e+00, v18;
	v12 =	vmul.f32 v6, v15;
	v13 =	vld [tilespmem:s15+$0x10]  }
0x1f9: {  	v3 =	vmul.f32 v3, v10;
	[tilespmem:s15+$0xFFFFFF80] =	vst v11;
	v10 =	vmul.f32 v7, v16  }
0x1fa: {  	v8 =	vmul.f32 v8, v9;
	[tilespmem:s2+$0xFFFFFF80] =	vst v0;
	v9 =	vmul.f32 v12, v6  }
0x1fb: {  	v15 =	vmul.f32 v3, v1;
	v12 =	vmul.f32 $1.000000010e-01, v19;
	v14 =	vld [tilespmem:s0+$0xFFFFFF80]  }
0x1fc: {  	[tilespmem:s1+$0xFFFFFFD0] =	vst v4;
	v2 =	vmul.f32 v2, v19;
	v10 =	vmul.f32 v10, v7;
	v9 =	vsub.f32 $1.500000000e+00, v9  }
0x1fd: {  	v5 =	vmul.f32 v8, v5;
	[tilespmem:s3+$0xFFFFFFA0] =	vst v12;
	v12 =	vadd.f32 $1.000000000e+00, v13  }
0x1fe: {  	v15 =	vmul.f32 v15, v3;
	v10 =	vsub.f32 $1.500000000e+00, v10;
	[tilespmem:s22+$0xFFFFFFA0] =	vst v2;
	v2 =	vmul.f32 v9, v6  }
0x1ff: {  	[tilespmem:s5+$0xFFFFFFD0] =	vst v0;
	v5 =	vmul.f32 v5, v8;
	v9 =	vshrl.u32 v12, $0x1;
	v12 =	vmul.f32 $5.000000000e-01, v12  }
0x200: {  	v13 =	vld [tilespmem:s12+$0xFFFFFFD0];
	v7 =	vmul.f32 v10, v7;
	v10 =	vmul.f32 $1.000000010e-01, v14;
	[tilespmem:s4+$0x50] =	vst v2;
	v9 =	vsub.s32 $0x5F3759DF, v9  }
0x201: {  	v6 =	vld [tilespmem:s10+$0xFFFFFFB0];
	v11 =	vmul.f32 v11, v14;
	[tilespmem:s6+$0x50] =	vst v0;
	v14 =	vmul.f32 v9, v12  }
0x202: {  	v5 =	vsub.f32 $1.500000000e+00, v5;
	v16 =	vmul.f32 v7, v16;
	[tilespmem:s17+$0xFFFFFF80] =	vst v10;
	v10 =	vld [tilespmem:s7+$0x50]  }
0x203: {  	v15 =	vsub.f32 $1.500000000e+00, v15;
	[tilespmem:s19+$0xFFFFFF80] =	vst v11;
	v11 =	vmul.f32 v9, v14  }
0x204: {  	v5 =	vmul.f32 v5, v8;
	v14 =	vmul.f32 v16, v7;
	v17 =	vld [tilespmem:s15+$0xFFFFFF90]  }
0x205: {  	v3 =	vmul.f32 v15, v3;
	v4 =	vmul.f32 v4, v13;
	v8 =	vsub.f32 $1.500000000e+00, v11  }
0x206: {  	v16 =	vmul.f32 $1.000000010e-01, v13;
	v6 =	vadd.f32 $1.000000000e+00, v6;
	[tilespmem:s4+$0xFFFFFFC0] =	vst v5;
	v11 =	vsub.f32 $1.500000000e+00, v14  }
0x207: {  	[tilespmem:s6+$0xFFFFFFC0] =	vst v0;
	v13 =	vmul.f32 $1.000000010e-01, v10;
	v8 =	vmul.f32 v9, v8  }
0x208: {  	[tilespmem:s8+$0xFFFFFFD0] =	vst v16;
	v14 =	vshrl.u32 v6, $0x1;
	v6 =	vmul.f32 $5.000000000e-01, v6;
	v7 =	vmul.f32 v11, v7  }
0x209: {  	v9 =	vsub.s32 $0x5F3759DF, v14;
	v11 =	vld [tilespmem:s7+$0xFFFFFFC0];
	v14 =	vadd.f32 $1.000000000e+00, v17;
	[tilespmem:s14+$0x50] =	vst v13;
	v15 =	vmul.f32 v8, v12  }
0x20a: {  	v2 =	vmul.f32 v2, v10;
	v16 =	vmul.f32 v9, v6;
	[tilespmem:s10+$0x30] =	vst v7  }
0x20b: {  	s11 =	simm.s32 $0x5180;
	[tilespmem:s9+$0x30] =	vst v0;
	v10 =	vshrl.u32 v14, $0x1;
	v13 =	vmul.f32 $5.000000000e-01, v14;
	v14 =	vmul.f32 v15, v8  }
0x20c: {  	s13 =	simm.s32 $0x5080;
	[tilespmem:s11+$0x50] =	vst v2;
	v16 =	vmul.f32 v9, v16;
	v15 =	vld [tilespmem:s16+$0x30];
	v2 =	vsub.s32 $0x5F3759DF, v10  }
0x20d: {  	v1 =	vmul.f32 v3, v1;
	[tilespmem:s13+$0xFFFFFFD0] =	vst v4;
	v4 =	vld [tilespmem:s4+$0x60];
	v10 =	vmul.f32 v2, v13;
	v14 =	vsub.f32 $1.500000000e+00, v14  }
0x20e: {  	v18 =	vmul.f32 $1.000000010e-01, v11;
	v16 =	vsub.f32 $1.500000000e+00, v16;
	v5 =	vmul.f32 v5, v11  }
0x20f: {  	v10 =	vmul.f32 v2, v10;
	v8 =	vmul.f32 v14, v8  }
0x210: {  	v1 =	vmul.f32 v1, v3;
	v17 =	vld [tilespmem:s1+$0xFFFFFFE0];
	[tilespmem:s14+$0xFFFFFFC0] =	vst v18;
	v9 =	vmul.f32 v9, v16  }
0x211: {  	[tilespmem:s11+$0xFFFFFFC0] =	vst v5;
	v11 =	vmul.f32 $1.000000010e-01, v15;
	v5 =	vsub.f32 $1.500000000e+00, v10;
	v10 =	vmul.f32 v8, v12  }
0x212: {  	v4 =	vadd.f32 $1.000000000e+00, v4;
	v7 =	vmul.f32 v7, v15;
	v14 =	vld [tilespmem:s4+$0xFFFFFFD0];
	v12 =	vmul.f32 v9, v6  }
0x213: {  	[tilespmem:s3+$0x30] =	vst v11;
	v2 =	vmul.f32 v2, v5;
	v5 =	vmul.f32 v10, v8  }
0x214: {  	[tilespmem:s22+$0x30] =	vst v7;
	v7 =	vmul.f32 v12, v9;
	v10 =	vshrl.u32 v4, $0x1;
	v4 =	vmul.f32 $5.000000000e-01, v4  }
0x215: {  	v11 =	vadd.f32 $1.000000000e+00, v17;
	v12 =	vld [tilespmem:s10+$0x40];
	v10 =	vsub.s32 $0x5F3759DF, v10;
	v15 =	vmul.f32 v2, v13  }
0x216: {  	v16 =	vsub.f32 $1.500000000e+00, v5;
	v7 =	vsub.f32 $1.500000000e+00, v7;
	v17 =	vmul.f32 v10, v4  }
0x217: {  	v5 =	vmul.f32 $5.000000000e-01, v11;
	v14 =	vadd.f32 $1.000000000e+00, v14;
	v15 =	vmul.f32 v15, v2  }
0x218: {  	v8 =	vmul.f32 v16, v8;
	v7 =	vmul.f32 v7, v9  }
0x219: {  	v9 =	vmul.f32 v10, v17;
	v16 =	vshrl.u32 v14, $0x1;
	v15 =	vsub.f32 $1.500000000e+00, v15  }
0x21a: {  	v14 =	vmul.f32 $5.000000000e-01, v14;
	[tilespmem:s15+$0x10] =	vst v8;
	v12 =	vadd.f32 $1.000000000e+00, v12;
	v6 =	vmul.f32 v7, v6  }
0x21b: {  	v16 =	vsub.s32 $0x5F3759DF, v16;
	v9 =	vsub.f32 $1.500000000e+00, v9;
	[tilespmem:s2+$0x10] =	vst v0;
	v2 =	vmul.f32 v15, v2  }
0x21c: {  	v15 =	vld [tilespmem:s0+$0x10];
	v17 =	vshrl.u32 v12, $0x1;
	v12 =	vmul.f32 $5.000000000e-01, v12;
	v6 =	vmul.f32 v6, v7  }
0x21d: {  	v9 =	vmul.f32 v10, v9;
	v10 =	vsub.s32 $0x5F3759DF, v17;
	v13 =	vmul.f32 v2, v13  }
0x21e: {  	v19 =	vmul.f32 v16, v14;
	v17 =	vmul.f32 v10, v12;
	v6 =	vsub.f32 $1.500000000e+00, v6  }
0x21f: {  	v1 =	vsub.f32 $1.500000000e+00, v1;
	v18 =	vmul.f32 v9, v4;
	v13 =	vmul.f32 v13, v2  }
0x220: {  	v11 =	vshrl.u32 v11, $0x1;
	v17 =	vmul.f32 v10, v17;
	v6 =	vmul.f32 v6, v7  }
0x221: {  	v11 =	vsub.s32 $0x5F3759DF, v11;
	v18 =	vmul.f32 v18, v9;
	v56 =	vmul.f32 $1.000000010e-01, v15  }
0x222: {  	v13 =	vsub.f32 $1.500000000e+00, v13;
	v8 =	vmul.f32 v8, v15;
	v15 =	vsub.f32 $1.500000000e+00, v17;
	[tilespmem:s10+$0xFFFFFFB0] =	vst v6  }
0x223: {  	v19 =	vmul.f32 v16, v19;
	v17 =	vmul.f32 v11, v5;
	v18 =	vsub.f32 $1.500000000e+00, v18;
	[tilespmem:s17+$0x10] =	vst v56  }
0x224: {  	v2 =	vmul.f32 v13, v2;
	[tilespmem:s19+$0x10] =	vst v8;
	v8 =	vmul.f32 v10, v15  }
0x225: {  	v1 =	vmul.f32 v1, v3;
	[tilespmem:s9+$0xFFFFFFB0] =	vst v0;
	v9 =	vmul.f32 v18, v9;
	v13 =	vld [tilespmem:s15+$0x20]  }
0x226: {  	v7 =	vsub.f32 $1.500000000e+00, v19;
	v10 =	vmul.f32 v11, v17;
	v3 =	vld [tilespmem:s16+$0xFFFFFFB0];
	[tilespmem:s15+$0xFFFFFF90] =	vst v2;
	v15 =	vmul.f32 v8, v12  }
0x227: {  	v4 =	vmul.f32 v9, v4;
	[tilespmem:s2+$0xFFFFFF90] =	vst v0  }
0x228: {  	v7 =	vmul.f32 v16, v7;
	v10 =	vsub.f32 $1.500000000e+00, v10;
	v16 =	vld [tilespmem:s0+$0xFFFFFF90];
	v15 =	vmul.f32 v15, v8  }
0x229: {  	v4 =	vmul.f32 v4, v9  }
0x22a: {  	v10 =	vmul.f32 v11, v10;
	v11 =	vadd.f32 $1.000000000e+00, v13;
	v13 =	vsub.f32 $1.500000000e+00, v15  }
0x22b: {  	v57 =	vmul.f32 $1.000000010e-01, v3;
	v3 =	vmul.f32 v6, v3;
	v4 =	vsub.f32 $1.500000000e+00, v4  }
0x22c: {  	v18 =	vshrl.u32 v11, $0x1;
	v11 =	vmul.f32 $5.000000000e-01, v11;
	v8 =	vmul.f32 v13, v8  }
0x22d: {  	v13 =	vmul.f32 $1.000000010e-01, v16;
	v16 =	vmul.f32 v2, v16;
	v18 =	vsub.s32 $0x5F3759DF, v18  }
0x22e: {  	v19 =	vmul.f32 v18, v11;
	v12 =	vmul.f32 v8, v12  }
0x22f: {  	v15 =	vmul.f32 v7, v14;
	v9 =	vmul.f32 v4, v9;
	[tilespmem:s17+$0xFFFFFF90] =	vst v13  }
0x230: {  	[tilespmem:s19+$0xFFFFFF90] =	vst v16;
	v4 =	vmul.f32 v18, v19;
	v12 =	vmul.f32 v12, v8  }
0x231: {  	v17 =	vmul.f32 v10, v5;
	v13 =	vmul.f32 v15, v7;
	v6 =	vld [tilespmem:s15+$0xFFFFFFA0]  }
0x232: {  	[tilespmem:s3+$0xFFFFFFB0] =	vst v57;
	v4 =	vsub.f32 $1.500000000e+00, v4;
	v12 =	vsub.f32 $1.500000000e+00, v12  }
0x233: {  	[tilespmem:s22+$0xFFFFFFB0] =	vst v3;
	v15 =	vmul.f32 v17, v10;
	v13 =	vsub.f32 $1.500000000e+00, v13  }
0x234: {  	s20 =	simm.s32 $0xA480;
	[tilespmem:s4+$0x60] =	vst v9;
	v16 =	vld [tilespmem:s10+$0xFFFFFFC0];
	v17 =	vmul.f32 v18, v4;
	v8 =	vmul.f32 v12, v8  }
0x235: {  	[tilespmem:s6+$0x60] =	vst v0;
	v7 =	vmul.f32 v13, v7;
	v13 =	vld [tilespmem:s20+$0x0];
	v4 =	vsub.f32 $1.500000000e+00, v15  }
0x236: {  	v12 =	vld [tilespmem:s7+$0x60];
	v6 =	vadd.f32 $1.000000000e+00, v6;
	v15 =	vmul.f32 v17, v11;
	[tilespmem:s10+$0x40] =	vst v8  }
0x237: {  	v4 =	vmul.f32 v4, v10;
	v10 =	vld [tilespmem:s20+$0xFFFFFF80];
	[tilespmem:s9+$0x40] =	vst v0  }
0x238: {  	v18 =	vshrl.u32 v6, $0x1;
	v6 =	vmul.f32 $5.000000000e-01, v6;
	v15 =	vmul.f32 v15, v17;
	v19 =	vld [tilespmem:s16+$0x40]  }
0x239: {  	v14 =	vmul.f32 v7, v14;
	v18 =	vsub.s32 $0x5F3759DF, v18  }
0x23a: {  	v16 =	vadd.f32 $1.000000000e+00, v16;
	v21 =	vmul.f32 v18, v6;
	v15 =	vsub.f32 $1.500000000e+00, v15  }
0x23b: {  	v13 =	vadd.f32 $1.000000000e+00, v13;
	v58 =	vmul.f32 $1.000000010e-01, v12;
	v9 =	vmul.f32 v9, v12  }
0x23c: {  	v12 =	vshrl.u32 v16, $0x1;
	v21 =	vmul.f32 v18, v21;
	v15 =	vmul.f32 v15, v17  }
0x23d: {  	s26 =	simm.s32 $0x5180;
	v10 =	vadd.f32 $1.000000000e+00, v10;
	[tilespmem:s14+$0x60] =	vst v58;
	v17 =	vmul.f32 $5.000000000e-01, v13;
	v59 =	vmul.f32 $1.000000010e-01, v19  }
0x23e: {  	v13 =	vshrl.u32 v13, $0x1;
	[tilespmem:s26+$0x60] =	vst v9;
	v8 =	vmul.f32 v8, v19;
	v9 =	vmul.f32 v15, v11  }
0x23f: {  	v11 =	vsub.s32 $0x5F3759DF, v13;
	v13 =	vmul.f32 $5.000000000e-01, v16;
	v16 =	vsub.f32 $1.500000000e+00, v21  }
0x240: {  	v61 =	vshrl.u32 v10, $0x1;
	v10 =	vmul.f32 $5.000000000e-01, v10;
	v19 =	vmul.f32 v11, v17;
	[tilespmem:s3+$0x40] =	vst v59  }
0x241: {  	v9 =	vmul.f32 v9, v15;
	[tilespmem:s22+$0x40] =	vst v8;
	v8 =	vmul.f32 v18, v16;
	v16 =	vsub.s32 $0x5F3759DF, v61  }
0x242: {  	v18 =	vmul.f32 v11, v19;
	v19 =	vld [tilespmem:s10+$0x50];
	v21 =	vmul.f32 v16, v10  }
0x243: {  	v14 =	vmul.f32 v14, v7;
	v9 =	vsub.f32 $1.500000000e+00, v9;
	v23 =	vmul.f32 v8, v6  }
0x244: {  	v5 =	vmul.f32 v4, v5;
	v18 =	vsub.f32 $1.500000000e+00, v18;
	v21 =	vmul.f32 v16, v21  }
0x245: {  	v9 =	vmul.f32 v9, v15;
	v62 =	vmul.f32 v23, v8  }
0x246: {  	v12 =	vsub.s32 $0x5F3759DF, v12;
	v11 =	vmul.f32 v11, v18;
	v18 =	vsub.f32 $1.500000000e+00, v21  }
0x247: {  	v22 =	vmul.f32 v12, v13;
	[tilespmem:s15+$0x20] =	vst v9;
	v19 =	vadd.f32 $1.000000000e+00, v19;
	v20 =	vsub.f32 $1.500000000e+00, v62  }
0x248: {  	v60 =	vld [tilespmem:s4+$0x70];
	v28 =	vmul.f32 v11, v17;
	[tilespmem:s2+$0x20] =	vst v0;
	v16 =	vmul.f32 v16, v18  }
0x249: {  	v18 =	vld [tilespmem:s0+$0x20];
	v29 =	vshrl.u32 v19, $0x1;
	v19 =	vmul.f32 $5.000000000e-01, v19;
	v8 =	vmul.f32 v20, v8  }
0x24a: {  	v30 =	vmul.f32 v28, v11;
	v31 =	vsub.s32 $0x5F3759DF, v29;
	v32 =	vmul.f32 v16, v10  }
0x24b: {  	v24 =	vmul.f32 v31, v19;
	v6 =	vmul.f32 v8, v6  }
0x24c: {  	v63 =	vmul.f32 v12, v22;
	v20 =	vsub.f32 $1.500000000e+00, v30;
	v23 =	vmul.f32 v32, v16  }
0x24d: {  	v24 =	vmul.f32 v31, v24;
	v6 =	vmul.f32 v6, v8  }
0x24e: {  	v15 =	vadd.f32 $1.000000000e+00, v60;
	v11 =	vmul.f32 v20, v11;
	v33 =	vmul.f32 $1.000000010e-01, v18  }
0x24f: {  	v9 =	vmul.f32 v9, v18;
	v18 =	vsub.f32 $1.500000000e+00, v23;
	v24 =	vsub.f32 $1.500000000e+00, v24  }
0x250: {  	v25 =	vmul.f32 $5.000000000e-01, v15;
	v6 =	vsub.f32 $1.500000000e+00, v6;
	v17 =	vmul.f32 v11, v17  }
0x251: {  	v15 =	vshrl.u32 v15, $0x1;
	[tilespmem:s17+$0x20] =	vst v33;
	v16 =	vmul.f32 v18, v16;
	v22 =	vmul.f32 v31, v24  }
0x252: {  	[tilespmem:s19+$0x20] =	vst v9;
	v9 =	vsub.f32 $1.500000000e+00, v63;
	v6 =	vmul.f32 v6, v8;
	v17 =	vmul.f32 v17, v11  }
0x253: {  	v15 =	vsub.s32 $0x5F3759DF, v15;
	v18 =	vld [tilespmem:s15+$0x30];
	v10 =	vmul.f32 v16, v10;
	v8 =	vmul.f32 v22, v19  }
0x254: {  	v34 =	vmul.f32 v15, v25;
	v9 =	vmul.f32 v12, v9;
	v12 =	vsub.f32 $1.500000000e+00, v17  }
0x255: {  	v14 =	vsub.f32 $1.500000000e+00, v14;
	[tilespmem:s15+$0xFFFFFFA0] =	vst v6;
	v10 =	vmul.f32 v10, v16;
	v8 =	vmul.f32 v8, v22  }
0x256: {  	v17 =	vmul.f32 v15, v34;
	[tilespmem:s2+$0xFFFFFFA0] =	vst v0;
	v11 =	vmul.f32 v12, v11  }
0x257: {  	v7 =	vmul.f32 v14, v7;
	v12 =	vld [tilespmem:s0+$0xFFFFFFA0];
	v10 =	vsub.f32 $1.500000000e+00, v10;
	v8 =	vsub.f32 $1.500000000e+00, v8  }
0x258: {  	s23 =	simm.s32 $0xCC80;
	v17 =	vsub.f32 $1.500000000e+00, v17;
	v14 =	vadd.f32 $1.000000000e+00, v18;
	v18 =	vmul.f32 v9, v13;
	[tilespmem:s20+$0x0] =	vst v11  }
0x259: {  	s21 =	simm.s32 $0x7C80;
	v10 =	vmul.f32 v10, v16;
	[tilespmem:s23+$0x0] =	vst v0;
	v8 =	vmul.f32 v8, v22  }
0x25a: {  	v15 =	vmul.f32 v15, v17;
	v35 =	vshrl.u32 v14, $0x1;
	v14 =	vmul.f32 $5.000000000e-01, v14;
	v16 =	vld [tilespmem:s21+$0x0]  }
0x25b: {  	v18 =	vmul.f32 v18, v9;
	v17 =	vsub.s32 $0x5F3759DF, v35;
	[tilespmem:s20+$0xFFFFFF80] =	vst v10;
	v19 =	vmul.f32 v8, v19  }
0x25c: {  	v20 =	vmul.f32 v17, v14;
	v36 =	vmul.f32 $1.000000010e-01, v12;
	[tilespmem:s23+$0xFFFFFF80] =	vst v0  }
0x25d: {  	[tilespmem:s1+$0x70] =	vst v1;
	v6 =	vmul.f32 v6, v12;
	v12 =	vld [tilespmem:s21+$0xFFFFFF80];
	v19 =	vmul.f32 v19, v8  }
0x25e: {  	[tilespmem:s5+$0x70] =	vst v0;
	v5 =	vmul.f32 v5, v4;
	v20 =	vmul.f32 v17, v20  }
0x25f: {  	v18 =	vsub.f32 $1.500000000e+00, v18;
	[tilespmem:s17+$0xFFFFFFA0] =	vst v36;
	v38 =	vmul.f32 $1.000000010e-01, v16;
	v19 =	vsub.f32 $1.500000000e+00, v19  }
0x260: {  	s24 =	simm.s32 $0xF480;
	v37 =	vmul.f32 v15, v25;
	[tilespmem:s19+$0xFFFFFFA0] =	vst v6;
	v20 =	vsub.f32 $1.500000000e+00, v20;
	v6 =	vmul.f32 v11, v16  }
0x261: {  	s25 =	simm.s32 $0x5480;
	v9 =	vmul.f32 v18, v9;
	[tilespmem:s24+$0x0] =	vst v38;
	v8 =	vmul.f32 v19, v8  }
0x262: {  	v2 =	vld [tilespmem:s12+$0x70];
	v11 =	vmul.f32 v17, v20;
	v39 =	vmul.f32 $1.000000010e-01, v12;
	[tilespmem:s25+$0x0] =	vst v6  }
0x263: {  	s29 =	simm.s32 $0xA580;
	v13 =	vmul.f32 v9, v13;
	v17 =	vmul.f32 v37, v15;
	v6 =	vld [tilespmem:s20+$0x10];
	[tilespmem:s10+$0x50] =	vst v8  }
0x264: {  	v60 =	vld [tilespmem:s29+$0xFFFFFF80];
	v10 =	vmul.f32 v10, v12;
	v18 =	vmul.f32 v11, v14;
	[tilespmem:s24+$0xFFFFFF80] =	vst v39  }
0x265: {  	v13 =	vmul.f32 v13, v9;
	v19 =	vld [tilespmem:s15+$0xFFFFFFB0];
	v17 =	vsub.f32 $1.500000000e+00, v17;
	[tilespmem:s9+$0x50] =	vst v0  }
0x266: {  	v40 =	vsub.f32 $1.500000000e+00, v5;
	[tilespmem:s25+$0xFFFFFF80] =	vst v10;
	v12 =	vld [tilespmem:s16+$0x50];
	v18 =	vmul.f32 v18, v11  }
0x267: {  	v5 =	vmul.f32 v1, v2;
	v13 =	vsub.f32 $1.500000000e+00, v13;
	v1 =	vmul.f32 v17, v15;
	v17 =	vld [tilespmem:s20+$0xFFFFFF90]  }
0x268: {  	v3 =	vmul.f32 $1.000000010e-01, v2;
	v10 =	vsub.f32 $1.500000000e+00, v18;
	v6 =	vadd.f32 $1.000000000e+00, v6  }
0x269: {  	[tilespmem:s4+$0xFFFFFFD0] =	vst v7;
	v4 =	vmul.f32 v40, v4;
	v32 =	vadd.f32 $1.000000000e+00, v60;
	v9 =	vmul.f32 v13, v9  }
0x26a: {  	[tilespmem:s6+$0xFFFFFFD0] =	vst v0;
	v10 =	vmul.f32 v10, v11;
	v11 =	vshrl.u32 v6, $0x1;
	v6 =	vmul.f32 $5.000000000e-01, v6  }
0x26b: {  	v16 =	vld [tilespmem:s7+$0xFFFFFFD0];
	v13 =	vadd.f32 $1.000000000e+00, v19;
	[tilespmem:s10+$0xFFFFFFC0] =	vst v9;
	v18 =	vmul.f32 $1.000000010e-01, v12;
	v8 =	vmul.f32 v8, v12  }
0x26c: {  	[tilespmem:s9+$0xFFFFFFC0] =	vst v0;
	v17 =	vadd.f32 $1.000000000e+00, v17;
	v11 =	vsub.s32 $0x5F3759DF, v11;
	v12 =	vmul.f32 v10, v14  }
0x26d: {  	v22 =	vmul.f32 $5.000000000e-01, v32;
	v14 =	vmul.f32 v11, v6;
	[tilespmem:s3+$0x50] =	vst v18;
	v18 =	vshrl.u32 v13, $0x1  }
0x26e: {  	v19 =	vld [tilespmem:s16+$0xFFFFFFC0];
	v41 =	vshrl.u32 v17, $0x1;
	v17 =	vmul.f32 $5.000000000e-01, v17;
	[tilespmem:s22+$0x50] =	vst v8;
	v8 =	vmul.f32 v12, v10  }
0x26f: {  	v12 =	vmul.f32 $5.000000000e-01, v13;
	v13 =	vsub.s32 $0x5F3759DF, v18;
	v14 =	vmul.f32 v11, v14;
	v18 =	vld [tilespmem:s10+$0x60]  }
0x270: {  	v15 =	vmul.f32 $1.000000010e-01, v16;
	v20 =	vsub.s32 $0x5F3759DF, v41;
	v8 =	vsub.f32 $1.500000000e+00, v8  }
0x271: {  	v7 =	vmul.f32 v7, v16;
	v43 =	vmul.f32 v20, v17;
	v14 =	vsub.f32 $1.500000000e+00, v14  }
0x272: {  	[tilespmem:s14+$0xFFFFFFD0] =	vst v15;
	v42 =	vmul.f32 v13, v12;
	v8 =	vmul.f32 v8, v10  }
0x273: {  	[tilespmem:s26+$0xFFFFFFD0] =	vst v7;
	v44 =	vmul.f32 v20, v43;
	v11 =	vmul.f32 v11, v14  }
0x274: {  	v45 =	vmul.f32 $1.000000010e-01, v19;
	v14 =	vmul.f32 v13, v42;
	v18 =	vadd.f32 $1.000000000e+00, v18;
	[tilespmem:s15+$0x30] =	vst v8  }
0x275: {  	v7 =	vmul.f32 v9, v19;
	v21 =	vsub.f32 $1.500000000e+00, v44;
	v46 =	vmul.f32 v11, v6;
	[tilespmem:s2+$0x30] =	vst v0  }
0x276: {  	v14 =	vsub.f32 $1.500000000e+00, v14;
	v47 =	vshrl.u32 v18, $0x1;
	v18 =	vmul.f32 $5.000000000e-01, v18;
	v48 =	vld [tilespmem:s0+$0x30]  }
0x277: {  	[tilespmem:s1+$0xFFFFFFE0] =	vst v4;
	v15 =	vmul.f32 v20, v21;
	v23 =	vmul.f32 v46, v11;
	v24 =	vsub.s32 $0x5F3759DF, v47  }
0x278: {  	[tilespmem:s5+$0xFFFFFFE0] =	vst v0;
	v9 =	vmul.f32 v13, v14;
	v49 =	vmul.f32 v24, v18  }
0x279: {  	v16 =	vld [tilespmem:s12+$0xFFFFFFE0];
	v2 =	vmul.f32 v1, v25;
	[tilespmem:s3+$0xFFFFFFC0] =	vst v45;
	v19 =	vmul.f32 v15, v17;
	v13 =	vsub.f32 $1.500000000e+00, v23  }
0x27a: {  	[tilespmem:s22+$0xFFFFFFC0] =	vst v7;
	v14 =	vld [tilespmem:s4+$0xFFFFFFE0];
	v7 =	vmul.f32 v9, v12;
	v20 =	vmul.f32 v24, v49  }
0x27b: {  	v11 =	vmul.f32 v13, v11;
	v13 =	vmul.f32 $1.000000010e-01, v48  }
0x27c: {  	v8 =	vmul.f32 v8, v48;
	v7 =	vmul.f32 v7, v9;
	v20 =	vsub.f32 $1.500000000e+00, v20  }
0x27d: {  	v19 =	vmul.f32 v19, v15;
	v6 =	vmul.f32 v11, v6;
	[tilespmem:s17+$0x30] =	vst v13  }
0x27e: {  	v4 =	vmul.f32 v4, v16;
	v13 =	vld [tilespmem:s10+$0xFFFFFFD0];
	v7 =	vsub.f32 $1.500000000e+00, v7;
	v20 =	vmul.f32 v24, v20;
	[tilespmem:s19+$0x30] =	vst v8  }
0x27f: {  	v8 =	vadd.f32 $1.000000000e+00, v14;
	v14 =	vsub.f32 $1.500000000e+00, v19;
	v6 =	vmul.f32 v6, v11;
	v19 =	vld [tilespmem:s15+$0x40]  }
0x280: {  	v10 =	vmul.f32 $1.000000010e-01, v16;
	v16 =	vmul.f32 v20, v18  }
0x281: {  	v7 =	vmul.f32 v7, v9;
	v14 =	vmul.f32 v14, v15;
	v6 =	vsub.f32 $1.500000000e+00, v6  }
0x282: {  	v50 =	vmul.f32 $5.000000000e-01, v8;
	v9 =	vmul.f32 v16, v20  }
0x283: {  	v13 =	vadd.f32 $1.000000000e+00, v13;
	v15 =	vmul.f32 v14, v17;
	v6 =	vmul.f32 v6, v11  }
0x284: {  	v11 =	vmul.f32 v7, v12;
	v9 =	vsub.f32 $1.500000000e+00, v9;
	v12 =	vadd.f32 $1.000000000e+00, v19  }
0x285: {  	v16 =	vshrl.u32 v13, $0x1;
	v13 =	vmul.f32 $5.000000000e-01, v13;
	v15 =	vmul.f32 v15, v14;
	[tilespmem:s20+$0x10] =	vst v6  }
0x286: {  	[tilespmem:s23+$0x10] =	vst v0;
	v9 =	vmul.f32 v9, v20;
	v17 =	vshrl.u32 v12, $0x1;
	v12 =	vmul.f32 $5.000000000e-01, v12  }
0x287: {  	v11 =	vmul.f32 v11, v7;
	v15 =	vsub.f32 $1.500000000e+00, v15;
	v19 =	vld [tilespmem:s21+$0x10];
	v17 =	vsub.s32 $0x5F3759DF, v17  }
0x288: {  	v16 =	vsub.s32 $0x5F3759DF, v16;
	v18 =	vmul.f32 v9, v18;
	v51 =	vmul.f32 v17, v12  }
0x289: {  	v8 =	vshrl.u32 v8, $0x1;
	v52 =	vmul.f32 v16, v13;
	v14 =	vmul.f32 v15, v14  }
0x28a: {  	[tilespmem:s8+$0xFFFFFFE0] =	vst v10;
	v8 =	vsub.s32 $0x5F3759DF, v8;
	v10 =	vmul.f32 v18, v9;
	v15 =	vmul.f32 v17, v51  }
0x28b: {  	v53 =	vmul.f32 v16, v52;
	v18 =	vmul.f32 v8, v50;
	[tilespmem:s20+$0xFFFFFF90] =	vst v14  }
0x28c: {  	s18 =	simm.s32 $0x5080;
	[tilespmem:s23+$0xFFFFFF90] =	vst v0;
	v54 =	vmul.f32 $1.000000010e-01, v19;
	v10 =	vsub.f32 $1.500000000e+00, v10;
	v15 =	vsub.f32 $1.500000000e+00, v15  }
0x28d: {  	[tilespmem:s18+$0xFFFFFFE0] =	vst v4;
	v4 =	vmul.f32 v8, v18;
	v18 =	vld [tilespmem:s21+$0xFFFFFF90];
	v6 =	vmul.f32 v6, v19  }
0x28e: {  	v11 =	vsub.f32 $1.500000000e+00, v11;
	v19 =	vld [tilespmem:s1+$0xFFFFFFF0];
	[tilespmem:s24+$0x10] =	vst v54;
	v9 =	vmul.f32 v10, v9;
	v10 =	vmul.f32 v17, v15  }
0x28f: {  	v2 =	vmul.f32 v2, v1;
	v15 =	vsub.f32 $1.500000000e+00, v53;
	v4 =	vsub.f32 $1.500000000e+00, v4;
	[tilespmem:s25+$0x10] =	vst v6  }
0x290: {  	v6 =	vmul.f32 v11, v7;
	v7 =	vld [tilespmem:s20+$0x20];
	[tilespmem:s10+$0x60] =	vst v9;
	v11 =	vmul.f32 v10, v12  }
0x291: {  	v15 =	vmul.f32 v16, v15;
	v4 =	vmul.f32 v8, v4;
	[tilespmem:s9+$0x60] =	vst v0  }
0x292: {  	v2 =	vsub.f32 $1.500000000e+00, v2;
	[tilespmem:s15+$0xFFFFFFB0] =	vst v6;
	v8 =	vmul.f32 $1.000000010e-01, v18;
	v16 =	vld [tilespmem:s16+$0x60];
	v11 =	vmul.f32 v11, v10  }
0x293: {  	v17 =	vadd.f32 $1.000000000e+00, v19;
	v14 =	vmul.f32 v14, v18;
	[tilespmem:s2+$0xFFFFFFB0] =	vst v0;
	v19 =	vmul.f32 v15, v13  }
0x294: {  	v2 =	vmul.f32 v2, v1;
	v55 =	vmul.f32 v4, v50;
	v18 =	vld [tilespmem:s0+$0xFFFFFFB0];
	[tilespmem:s24+$0xFFFFFF90] =	vst v8;
	v8 =	vsub.f32 $1.500000000e+00, v11  }
0x295: {  	v1 =	vmul.f32 $5.000000000e-01, v17;
	v11 =	vmul.f32 v19, v15;
	[tilespmem:s25+$0xFFFFFF90] =	vst v14;
	v7 =	vadd.f32 $1.000000000e+00, v7  }
0x296: {  	v14 =	vshrl.u32 v17, $0x1;
	v17 =	vmul.f32 v55, v4;
	v19 =	vld [tilespmem:s20+$0xFFFFFFA0];
	v8 =	vmul.f32 v8, v10  }
0x297: {  	v10 =	vsub.f32 $1.500000000e+00, v11;
	v11 =	vmul.f32 $5.000000000e-01, v7;
	v56 =	vmul.f32 $1.000000010e-01, v16  }
0x298: {  	v7 =	vshrl.u32 v7, $0x1;
	v9 =	vmul.f32 v9, v16;
	v12 =	vmul.f32 v8, v12  }
0x299: {  	v16 =	vmul.f32 $1.000000010e-01, v18;
	v10 =	vmul.f32 v10, v15;
	v15 =	vsub.s32 $0x5F3759DF, v7  }
0x29a: {  	v7 =	vsub.f32 $1.500000000e+00, v17;
	v6 =	vmul.f32 v6, v18;
	[tilespmem:s3+$0x60] =	vst v56;
	v17 =	vmul.f32 v15, v11  }
0x29b: {  	[tilespmem:s22+$0x60] =	vst v9;
	v9 =	vmul.f32 v12, v8;
	v12 =	vmul.f32 v10, v13;
	v13 =	vadd.f32 $1.000000000e+00, v19  }
0x29c: {  	v4 =	vmul.f32 v7, v4;
	[tilespmem:s17+$0xFFFFFFB0] =	vst v16;
	v18 =	vld [tilespmem:s10+$0x70];
	v7 =	vmul.f32 v15, v17  }
0x29d: {  	[tilespmem:s19+$0xFFFFFFB0] =	vst v6;
	v9 =	vsub.f32 $1.500000000e+00, v9;
	v6 =	vmul.f32 v12, v10;
	v12 =	vshrl.u32 v13, $0x1  }
0x29e: {  	v13 =	vmul.f32 $5.000000000e-01, v13;
	v12 =	vsub.s32 $0x5F3759DF, v12;
	v17 =	vsub.f32 $1.500000000e+00, v7  }
0x29f: {  	v16 =	vld [tilespmem:s15+$0xFFFFFFC0];
	v7 =	vsub.s32 $0x5F3759DF, v14;
	v8 =	vmul.f32 v9, v8;
	v9 =	vmul.f32 v4, v50  }
0x2a0: {  	v14 =	vmul.f32 v12, v13;
	v19 =	vmul.f32 v7, v1  }
0x2a1: {  	v6 =	vsub.f32 $1.500000000e+00, v6;
	v15 =	vmul.f32 v15, v17;
	v17 =	vadd.f32 $1.000000000e+00, v18;
	v18 =	vld [tilespmem:s29+$0x0];
	[tilespmem:s15+$0x40] =	vst v8  }
0x2a2: {  	v9 =	vmul.f32 v9, v4;
	v14 =	vmul.f32 v12, v14;
	[tilespmem:s2+$0x40] =	vst v0  }
0x2a3: {  	v6 =	vmul.f32 v6, v10;
	v57 =	vmul.f32 v15, v11;
	v59 =	vld [tilespmem:s0+$0x40]  }
0x2a4: {  	v16 =	vadd.f32 $1.000000000e+00, v16;
	v58 =	vshrl.u32 v17, $0x1;
	v17 =	vmul.f32 $5.000000000e-01, v17  }
0x2a5: {  	v14 =	vsub.f32 $1.500000000e+00, v14;
	v21 =	vsub.s32 $0x5F3759DF, v58;
	v20 =	vmul.f32 v57, v15  }
0x2a6: {  	v62 =	vshrl.u32 v16, $0x1;
	v10 =	vmul.f32 $5.000000000e-01, v16;
	v16 =	vadd.f32 $1.000000000e+00, v18  }
0x2a7: {  	v61 =	vmul.f32 v21, v17;
	v12 =	vmul.f32 v12, v14;
	v14 =	vsub.f32 $1.500000000e+00, v20  }
0x2a8: {  	v63 =	vmul.f32 $5.000000000e-01, v16;
	v16 =	vshrl.u32 v16, $0x1;
	v31 =	vmul.f32 $1.000000010e-01, v59  }
0x2a9: {  	v14 =	vmul.f32 v14, v15;
	v8 =	vmul.f32 v8, v59;
	v15 =	vsub.s32 $0x5F3759DF, v16  }
0x2aa: {  	v18 =	vmul.f32 v21, v61;
	v33 =	vmul.f32 v15, v63;
	[tilespmem:s17+$0x40] =	vst v31  }
0x2ab: {  	v34 =	vmul.f32 v12, v13;
	v11 =	vmul.f32 v14, v11;
	[tilespmem:s19+$0x40] =	vst v8  }
0x2ac: {  	v16 =	vsub.s32 $0x5F3759DF, v62;
	v8 =	vshrl.u32 v32, $0x1;
	v23 =	vmul.f32 v15, v33;
	v35 =	vld [tilespmem:s15+$0x50]  }
0x2ad: {  	v18 =	vsub.f32 $1.500000000e+00, v18;
	v8 =	vsub.s32 $0x5F3759DF, v8;
	v11 =	vmul.f32 v11, v14  }
0x2ae: {  	v24 =	vmul.f32 v34, v12;
	v26 =	vmul.f32 v8, v22;
	v23 =	vsub.f32 $1.500000000e+00, v23  }
0x2af: {  	v36 =	vmul.f32 v16, v10;
	v18 =	vmul.f32 v21, v18;
	v11 =	vsub.f32 $1.500000000e+00, v11  }
0x2b0: {  	v26 =	vmul.f32 v8, v26;
	v15 =	vmul.f32 v15, v23  }
0x2b1: {  	v37 =	vsub.f32 $1.500000000e+00, v24;
	v11 =	vmul.f32 v11, v14;
	v14 =	vadd.f32 $1.000000000e+00, v35  }
0x2b2: {  	v27 =	vmul.f32 v18, v17;
	v39 =	vsub.f32 $1.500000000e+00, v26;
	v40 =	vmul.f32 v15, v63  }
0x2b3: {  	v12 =	vmul.f32 v37, v12;
	[tilespmem:s20+$0x20] =	vst v11;
	v41 =	vshrl.u32 v14, $0x1;
	v14 =	vmul.f32 $5.000000000e-01, v14  }
0x2b4: {  	v8 =	vmul.f32 v8, v39;
	[tilespmem:s23+$0x20] =	vst v0;
	v42 =	vmul.f32 v40, v15;
	v23 =	vsub.s32 $0x5F3759DF, v41  }
0x2b5: {  	v38 =	vmul.f32 v27, v18;
	v43 =	vld [tilespmem:s21+$0x20];
	v44 =	vmul.f32 v23, v14  }
0x2b6: {  	v21 =	vmul.f32 v16, v36;
	v28 =	vmul.f32 v8, v22;
	v25 =	vsub.f32 $1.500000000e+00, v42  }
0x2b7: {  	v13 =	vmul.f32 v12, v13;
	v24 =	vsub.f32 $1.500000000e+00, v38;
	v45 =	vmul.f32 v23, v44  }
0x2b8: {  	v46 =	vmul.f32 v28, v8;
	v15 =	vmul.f32 v25, v15  }
0x2b9: {  	[tilespmem:s4+$0x70] =	vst v2;
	v13 =	vmul.f32 v13, v12;
	v18 =	vmul.f32 v24, v18;
	v24 =	vsub.f32 $1.500000000e+00, v45  }
0x2ba: {  	[tilespmem:s6+$0x70] =	vst v0;
	v47 =	vsub.f32 $1.500000000e+00, v46;
	v48 =	vmul.f32 $1.000000010e-01, v43;
	v20 =	vmul.f32 v15, v63  }
0x2bb: {  	[tilespmem:s10+$0xFFFFFFD0] =	vst v6;
	v13 =	vsub.f32 $1.500000000e+00, v13;
	v11 =	vmul.f32 v11, v43;
	v23 =	vmul.f32 v23, v24  }
0x2bc: {  	v9 =	vsub.f32 $1.500000000e+00, v9;
	v25 =	vmul.f32 v47, v8;
	[tilespmem:s24+$0x20] =	vst v48;
	v8 =	vmul.f32 v20, v15  }
0x2bd: {  	v17 =	vmul.f32 v18, v17;
	v12 =	vmul.f32 v13, v12;
	[tilespmem:s25+$0x20] =	vst v11  }
0x2be: {  	[tilespmem:s9+$0xFFFFFFD0] =	vst v0;
	v11 =	vmul.f32 v9, v4;
	v13 =	vmul.f32 v23, v14;
	v9 =	vld [tilespmem:s20+$0x30];
	v8 =	vsub.f32 $1.500000000e+00, v8  }
0x2bf: {  	v17 =	vmul.f32 v17, v18;
	[tilespmem:s20+$0xFFFFFFA0] =	vst v12;
	v4 =	vmul.f32 v25, v22  }
0x2c0: {  	v50 =	vsub.f32 $1.500000000e+00, v21;
	[tilespmem:s23+$0xFFFFFFA0] =	vst v0;
	v13 =	vmul.f32 v13, v23;
	v15 =	vmul.f32 v8, v15  }
0x2c1: {  	v17 =	vsub.f32 $1.500000000e+00, v17;
	[tilespmem:s4+$0xFFFFFFE0] =	vst v11;
	v4 =	vmul.f32 v4, v25  }
0x2c2: {  	s30 =	simm.s32 $0xCD80;
	v19 =	vmul.f32 v7, v19;
	v16 =	vmul.f32 v16, v50;
	v51 =	vld [tilespmem:s21+$0xFFFFFFA0];
	v13 =	vsub.f32 $1.500000000e+00, v13;
	[tilespmem:s29+$0x0] =	vst v15  }
0x2c3: {  	s18 =	simm.s32 $0xC980;
	v52 =	vsub.f32 $1.500000000e+00, v4;
	v4 =	vmul.f32 v17, v18;
	v9 =	vadd.f32 $1.000000000e+00, v9;
	[tilespmem:s30+$0x0] =	vst v0  }
0x2c4: {  	v49 =	vld [tilespmem:s7+$0x70];
	v18 =	vmul.f32 v16, v10;
	v13 =	vmul.f32 v13, v23;
	[dreg:$0x3] =	wrdreg s18  }
0x2c5: {  	s31 =	simm.s32 $0x7D80;
	v17 =	vsub.f32 $1.500000000e+00, v19;
	v19 =	vmul.f32 v52, v25;
	v55 =	vmul.f32 $5.000000000e-01, v9;
	[tilespmem:s6+$0xFFFFFFE0] =	vst v0  }
0x2c6: {  	v54 =	vshrl.u32 v9, $0x1;
	v53 =	vld [tilespmem:s31+$0x0];
	[tilespmem:s10+$0x70] =	vst v4;
	v9 =	vmul.f32 v13, v14;
	v14 =	vmul.f32 v18, v16  }
0x2c7: {  	v12 =	vmul.f32 v12, v51;
	v17 =	vmul.f32 v7, v17;
	[tilespmem:s29+$0xFFFFFF80] =	vst v19;
	v22 =	vsub.s32 $0x5F3759DF, v54  }
0x2c8: {  	v18 =	vmul.f32 $1.000000010e-01, v51;
	v59 =	vld [tilespmem:s16+$0xFFFFFFD0];
	[tilespmem:s30+$0xFFFFFF80] =	vst v0;
	v56 =	vmul.f32 v22, v55;
	v7 =	vsub.f32 $1.500000000e+00, v14  }
0x2c9: {  	v8 =	vmul.f32 $1.000000010e-01, v49;
	[tilespmem:s9+$0x70] =	vst v0;
	v9 =	vmul.f32 v9, v13;
	v14 =	vld [tilespmem:s31+$0xFFFFFF80]  }
0x2ca: {  	[tilespmem:s24+$0xFFFFFFA0] =	vst v18;
	v57 =	vmul.f32 v22, v56;
	v16 =	vmul.f32 v7, v16  }
0x2cb: {  	s26 =	simm.s32 $0x7980;
	[tilespmem:s25+$0xFFFFFFA0] =	vst v12;
	v58 =	vsub.f32 $1.500000000e+00, v9;
	v9 =	vmul.f32 v2, v49;
	v18 =	vmul.f32 $1.000000010e-01, v53  }
0x2cc: {  	s28 =	simm.s32 $0xF580;
	[dreg:$0x4] =	wrdreg s26;
	v7 =	vmul.f32 v15, v53;
	v15 =	vmul.f32 v17, v1  }
0x2cd: {  	s26 =	simm.s32 $0x5580;
	v12 =	vld [tilespmem:s7+$0xFFFFFFE0];
	v2 =	vsub.f32 $1.500000000e+00, v57;
	v13 =	vmul.f32 v58, v13;
	v10 =	vmul.f32 v16, v10;
	[tilespmem:s28+$0x0] =	vst v18  }
0x2ce: {  	v6 =	vmul.f32 v6, v59;
	v18 =	vld [tilespmem:s20+$0xFFFFFFB0];
	v60 =	vmul.f32 $1.000000010e-01, v14;
	[tilespmem:s26+$0x0] =	vst v7  }
0x2cf: {  	v22 =	vmul.f32 v22, v2;
	[tilespmem:s15+$0x50] =	vst v13;
	v2 =	vmul.f32 v10, v16  }
0x2d0: {  	v10 =	vmul.f32 v19, v14;
	v14 =	vmul.f32 v15, v17;
	v61 =	vld [tilespmem:s29+$0x10];
	[tilespmem:s2+$0x50] =	vst v0  }
0x2d1: {  	v19 =	vmul.f32 $1.000000010e-01, v59;
	[tilespmem:s28+$0xFFFFFF80] =	vst v60;
	v15 =	vmul.f32 v22, v55;
	v62 =	vld [tilespmem:s0+$0x50]  }
0x2d2: {  	v2 =	vsub.f32 $1.500000000e+00, v2;
	[tilespmem:s26+$0xFFFFFF80] =	vst v10;
	v63 =	vmul.f32 $1.000000010e-01, v12;
	v14 =	vsub.f32 $1.500000000e+00, v14  }
0x2d3: {  	v11 =	vmul.f32 v11, v12;
	v30 =	vld [tilespmem:s29+$0xFFFFFF90];
	v15 =	vmul.f32 v15, v22;
	v18 =	vadd.f32 $1.000000000e+00, v18  }
0x2d4: {  	v16 =	vmul.f32 v2, v16;
	v2 =	vmul.f32 v14, v17  }
0x2d5: {  	[tilespmem:s3+$0xFFFFFFD0] =	vst v19;
	v14 =	vsub.f32 $1.500000000e+00, v15;
	v21 =	vadd.f32 $1.000000000e+00, v61;
	v17 =	vmul.f32 $5.000000000e-01, v18  }
0x2d6: {  	[tilespmem:s15+$0xFFFFFFC0] =	vst v16;
	v15 =	vshrl.u32 v18, $0x1;
	v1 =	vmul.f32 v2, v1;
	v31 =	vmul.f32 $1.000000010e-01, v62  }
0x2d7: {  	[tilespmem:s2+$0xFFFFFFC0] =	vst v0;
	v14 =	vmul.f32 v14, v22;
	v13 =	vmul.f32 v13, v62;
	v15 =	vsub.s32 $0x5F3759DF, v15  }
0x2d8: {  	[tilespmem:s22+$0xFFFFFFD0] =	vst v6;
	v18 =	vmul.f32 $5.000000000e-01, v21;
	v21 =	vshrl.u32 v21, $0x1;
	v32 =	vld [tilespmem:s0+$0xFFFFFFC0];
	v33 =	vadd.f32 $1.000000000e+00, v30  }
0x2d9: {  	v35 =	vmul.f32 v15, v17;
	v21 =	vsub.s32 $0x5F3759DF, v21;
	[tilespmem:s17+$0x50] =	vst v31;
	v23 =	vmul.f32 v14, v55  }
0x2da: {  	v39 =	vld [tilespmem:s10+$0xFFFFFFE0];
	v34 =	vmul.f32 v21, v18;
	[tilespmem:s19+$0x50] =	vst v13;
	v13 =	vshrl.u32 v33, $0x1;
	v20 =	vmul.f32 $5.000000000e-01, v33  }
0x2db: {  	v26 =	vmul.f32 v15, v35;
	v13 =	vsub.s32 $0x5F3759DF, v13;
	v23 =	vmul.f32 v23, v14  }
0x2dc: {  	v36 =	vld [tilespmem:s15+$0x60];
	v25 =	vmul.f32 v21, v34;
	v37 =	vmul.f32 v13, v20  }
0x2dd: {  	s7 =	simm.s32 $0x5180;
	[tilespmem:s14+$0xFFFFFFE0] =	vst v63;
	v6 =	vsub.f32 $1.500000000e+00, v26;
	v19 =	vmul.f32 $1.000000010e-01, v32;
	v23 =	vsub.f32 $1.500000000e+00, v23  }
0x2de: {  	[tilespmem:s7+$0xFFFFFFE0] =	vst v11;
	v16 =	vmul.f32 v16, v32;
	v25 =	vsub.f32 $1.500000000e+00, v25;
	v38 =	vmul.f32 v13, v37  }
0x2df: {  	v11 =	vadd.f32 $1.000000000e+00, v39;
	v6 =	vmul.f32 v15, v6;
	[tilespmem:s17+$0xFFFFFFC0] =	vst v19;
	v14 =	vmul.f32 v23, v14  }
0x2e0: {  	v45 =	vmul.f32 v1, v2;
	v19 =	vmul.f32 v21, v25;
	[tilespmem:s19+$0xFFFFFFC0] =	vst v16;
	v15 =	vsub.f32 $1.500000000e+00, v38  }
0x2e1: {  	v47 =	vmul.f32 $5.000000000e-01, v11;
	v12 =	vadd.f32 $1.000000000e+00, v36;
	v40 =	vmul.f32 v6, v17;
	[tilespmem:s20+$0x30] =	vst v14  }
0x2e2: {  	v11 =	vshrl.u32 v11, $0x1;
	v41 =	vld [tilespmem:s15+$0xFFFFFFD0];
	v16 =	vmul.f32 v19, v18;
	[tilespmem:s23+$0x30] =	vst v0;
	v13 =	vmul.f32 v13, v15  }
0x2e3: {  	s9 =	simm.s32 $0xA180;
	v42 =	vshrl.u32 v12, $0x1;
	v12 =	vmul.f32 $5.000000000e-01, v12;
	v21 =	vmul.f32 v40, v6;
	v43 =	vld [tilespmem:s21+$0x30]  }
0x2e4: {  	v7 =	vld [tilespmem:s16+$0x70];
	[dreg:$0x5] =	wrdreg s9;
	v15 =	vmul.f32 v16, v19;
	v16 =	vsub.s32 $0x5F3759DF, v42;
	v46 =	vmul.f32 v13, v20  }
0x2e5: {  	v11 =	vsub.s32 $0x5F3759DF, v11;
	v1 =	vld [tilespmem:s4+$0xFFFFFFF0];
	v21 =	vsub.f32 $1.500000000e+00, v21;
	v44 =	vmul.f32 v16, v12  }
0x2e6: {  	v51 =	vmul.f32 v11, v47;
	v15 =	vsub.f32 $1.500000000e+00, v15;
	v26 =	vmul.f32 v46, v13  }
0x2e7: {  	v6 =	vmul.f32 v21, v6;
	v24 =	vmul.f32 v16, v44  }
0x2e8: {  	v22 =	vadd.f32 $1.000000000e+00, v41;
	v15 =	vmul.f32 v15, v19;
	v48 =	vmul.f32 $1.000000010e-01, v43  }
0x2e9: {  	v49 =	vsub.f32 $1.500000000e+00, v26;
	v14 =	vmul.f32 v14, v43;
	v19 =	vsub.f32 $1.500000000e+00, v24  }
0x2ea: {  	v50 =	vadd.f32 $1.000000000e+00, v1;
	v1 =	vmul.f32 v6, v17;
	v18 =	vmul.f32 v15, v18  }
0x2eb: {  	[tilespmem:s24+$0x30] =	vst v48;
	v13 =	vmul.f32 v49, v13;
	v16 =	vmul.f32 v16, v19  }
0x2ec: {  	[tilespmem:s25+$0x30] =	vst v14;
	v14 =	vmul.f32 $5.000000000e-01, v22;
	v1 =	vmul.f32 v1, v6  }
0x2ed: {  	v17 =	vshrl.u32 v22, $0x1;
	v18 =	vmul.f32 v18, v15;
	v21 =	vld [tilespmem:s20+$0x40];
	v20 =	vmul.f32 v13, v20  }
0x2ee: {  	v17 =	vsub.s32 $0x5F3759DF, v17;
	v19 =	vmul.f32 v16, v12;
	v1 =	vsub.f32 $1.500000000e+00, v1  }
0x2ef: {  	v22 =	vmul.f32 v17, v14;
	v18 =	vsub.f32 $1.500000000e+00, v18;
	v20 =	vmul.f32 v20, v13  }
0x2f0: {  	v19 =	vmul.f32 v19, v16;
	v6 =	vmul.f32 v1, v6  }
0x2f1: {  	v15 =	vmul.f32 v18, v15;
	v18 =	vmul.f32 v17, v22;
	v20 =	vsub.f32 $1.500000000e+00, v20  }
0x2f2: {  	v19 =	vsub.f32 $1.500000000e+00, v19;
	v21 =	vadd.f32 $1.000000000e+00, v21;
	[tilespmem:s20+$0xFFFFFFB0] =	vst v6  }
0x2f3: {  	v10 =	vmul.f32 $1.000000010e-01, v7;
	v53 =	vmul.f32 v11, v51;
	[tilespmem:s29+$0x10] =	vst v15;
	v1 =	vsub.f32 $1.500000000e+00, v18  }
0x2f4: {  	v13 =	vmul.f32 v20, v13;
	[tilespmem:s30+$0x10] =	vst v0;
	v16 =	vmul.f32 v19, v16;
	v19 =	vshrl.u32 v21, $0x1  }
0x2f5: {  	[tilespmem:s23+$0xFFFFFFB0] =	vst v0;
	v52 =	vmul.f32 $5.000000000e-01, v21;
	v21 =	vsub.f32 $1.500000000e+00, v53;
	v18 =	vld [tilespmem:s31+$0x10];
	v17 =	vmul.f32 v17, v1  }
0x2f6: {  	v57 =	vld [tilespmem:s21+$0xFFFFFFB0];
	v19 =	vsub.s32 $0x5F3759DF, v19;
	v1 =	vmul.f32 $5.000000000e-01, v50;
	v12 =	vmul.f32 v16, v12  }
0x2f7: {  	[tilespmem:s29+$0xFFFFFF90] =	vst v13;
	v54 =	vmul.f32 v19, v52;
	v56 =	vmul.f32 v17, v14  }
0x2f8: {  	[tilespmem:s30+$0xFFFFFF90] =	vst v0;
	v11 =	vmul.f32 v11, v21;
	v12 =	vmul.f32 v12, v16  }
0x2f9: {  	v23 =	vshrl.u32 v50, $0x1;
	v55 =	vld [tilespmem:s31+$0xFFFFFF90];
	v22 =	vmul.f32 v19, v54;
	v26 =	vmul.f32 v56, v17  }
0x2fa: {  	v12 =	vsub.f32 $1.500000000e+00, v12;
	v15 =	vmul.f32 v15, v18;
	v18 =	vmul.f32 $1.000000010e-01, v18  }
0x2fb: {  	[tilespmem:s8+$0x70] =	vst v3;
	v60 =	vmul.f32 v6, v57;
	v21 =	vmul.f32 $1.000000010e-01, v57;
	v22 =	vsub.f32 $1.500000000e+00, v22  }
0x2fc: {  	v23 =	vsub.s32 $0x5F3759DF, v23;
	v12 =	vmul.f32 v12, v16;
	v16 =	vmul.f32 v11, v47;
	[tilespmem:s28+$0x10] =	vst v18  }
0x2fd: {  	v58 =	vsub.f32 $1.500000000e+00, v26;
	v18 =	vmul.f32 v19, v22;
	v19 =	vmul.f32 v23, v1;
	[tilespmem:s26+$0x10] =	vst v15  }
0x2fe: {  	v24 =	vmul.f32 $1.000000010e-01, v55;
	v15 =	vmul.f32 v16, v11;
	v16 =	vsub.f32 $1.500000000e+00, v45;
	v59 =	vld [tilespmem:s29+$0x20];
	[tilespmem:s15+$0x60] =	vst v12  }
0x2ff: {  	v13 =	vmul.f32 v13, v55;
	v17 =	vmul.f32 v58, v17;
	[tilespmem:s2+$0x60] =	vst v0  }
0x300: {  	[tilespmem:s28+$0xFFFFFF90] =	vst v24;
	v6 =	vsub.f32 $1.500000000e+00, v15;
	v15 =	vmul.f32 v18, v52;
	v2 =	vmul.f32 v16, v2;
	v16 =	vld [tilespmem:s0+$0x60]  }
0x301: {  	v19 =	vmul.f32 v23, v19;
	[tilespmem:s26+$0xFFFFFF90] =	vst v13;
	v13 =	vmul.f32 v17, v14  }
0x302: {  	[tilespmem:s14+$0x70] =	vst v8;
	v14 =	vld [tilespmem:s29+$0xFFFFFFA0];
	v6 =	vmul.f32 v6, v11;
	v11 =	vmul.f32 v15, v18  }
0x303: {  	v61 =	vmul.f32 v4, v7;
	[tilespmem:s24+$0xFFFFFFB0] =	vst v21;
	v4 =	vsub.f32 $1.500000000e+00, v19;
	v7 =	vadd.f32 $1.000000000e+00, v59  }
0x304: {  	[tilespmem:s25+$0xFFFFFFB0] =	vst v60;
	v13 =	vmul.f32 v13, v17;
	v15 =	vmul.f32 v6, v47;
	v19 =	vsub.f32 $1.500000000e+00, v11  }
0x305: {  	s10 =	simm.s32 $0x5080;
	[tilespmem:s3+$0x70] =	vst v10;
	v21 =	vld [tilespmem:s20+$0xFFFFFFC0];
	v11 =	vmul.f32 $5.000000000e-01, v7;
	v3 =	vshrl.u32 v7, $0x1;
	v7 =	vmul.f32 $1.000000010e-01, v16  }
0x306: {  	[tilespmem:s10+$0x70] =	vst v5;
	v5 =	vmul.f32 v12, v16;
	v18 =	vmul.f32 v19, v18;
	v3 =	vsub.s32 $0x5F3759DF, v3  }
0x307: {  	v4 =	vmul.f32 v23, v4;
	v12 =	vadd.f32 $1.000000000e+00, v14;
	v14 =	vmul.f32 v3, v11;
	[tilespmem:s17+$0x60] =	vst v7  }
0x308: {  	v16 =	vsub.f32 $1.500000000e+00, v13;
	v7 =	vmul.f32 v15, v6;
	v19 =	vmul.f32 v18, v52;
	[tilespmem:s19+$0x60] =	vst v5  }
0x309: {  	s13 =	simm.s32 $0xCA80;
	s11 =	simm.s32 $0x7B80;
	s18 =	simm.s32 $0x7A80;
	[tilespmem:s7+$0x70] =	vst v9;
	v13 =	vmul.f32 $5.000000000e-01, v12;
	v5 =	vshrl.u32 v12, $0x1;
	v8 =	vmul.f32 v3, v14;
	v62 =	vld [tilespmem:s15+$0x70]  }
0x30a: {  	s6 =	simm.s32 $0xF080;
	s16 =	simm.s32 $0xA280;
	s9 =	simm.s32 $0x5180;
	[tilespmem:s22+$0x70] =	vst v61;
	v12 =	vadd.f32 $1.000000000e+00, v21;
	v15 =	vsub.s32 $0x5F3759DF, v5;
	v14 =	vmul.f32 v19, v18  }
0x30b: {  	s8 =	simm.s32 $0xF180;
	s14 =	simm.s32 $0xF280;
	s3 =	simm.s32 $0xA;
	[tilespmem:s1+$0xFFFFFFF0] =	vst v2;
	v5 =	vmul.f32 v16, v17;
	v19 =	vmul.f32 v15, v13;
	v8 =	vsub.f32 $1.500000000e+00, v8  }
0x30c: {  	s4 =	simm.s32 $0xA680;
	s10 =	simm.s32 $0x5280;
	s22 =	simm.s32 $0x7D80;
	[tilespmem:s5+$0xFFFFFFF0] =	vst v0;
	v10 =	vshrl.u32 v12, $0x1;
	v9 =	vmul.f32 $5.000000000e-01, v12;
	v63 =	vsub.f32 $1.500000000e+00, v14  }
0x30d: {  	s0 =	simm.s32 $0xF580;
	s1 =	simm.s32 $0xCD80;
	v12 =	vsub.s32 $0x5F3759DF, v10;
	[tilespmem:s15+$0xFFFFFFD0] =	vst v5;
	v17 =	vmul.f32 v15, v19;
	v16 =	vmul.f32 v3, v8  }
0x30e: {  	s5 =	simm.s32 $0x5080;
	v14 =	vmul.f32 v12, v9;
	[tilespmem:s2+$0xFFFFFFD0] =	vst v0;
	s2 =	simm.s32 $0x5580;
	v3 =	vld [tilespmem:s12+$0xFFFFFFF0];
	s12 =	simm.s32 $0xCB80;
	v10 =	vmul.f32 v63, v18;
	v8 =	vadd.f32 $1.000000000e+00, v62  }
.LBB2_5:
0x30f: {  	v18 =	vld [tilespmem:s4+$0x0];
	v19 =	vmul.f32 v16, v11;
	v17 =	vsub.f32 $1.500000000e+00, v17  }
0x310: {  	v20 =	vld [tilespmem:s4+$0xFFFFFF80];
	v14 =	vmul.f32 v12, v14;
	[tilespmem:s20+$0x40] =	vst v10;
	v21 =	vshrl.u32 v8, $0x1;
	v22 =	vmul.f32 $5.000000000e-01, v8  }
0x311: {  	[tilespmem:s23+$0x40] =	vst v0;
	v15 =	vmul.f32 v15, v17;
	v17 =	vmul.f32 v19, v16;
	v19 =	vsub.s32 $0x5F3759DF, v21  }
0x312: {  	v14 =	vsub.f32 $1.500000000e+00, v14;
	v34 =	vld [tilespmem:s21+$0x40];
	v23 =	vmul.f32 v19, v22  }
0x313: {  	v24 =	vmul.f32 v15, v13;
	v17 =	vsub.f32 $1.500000000e+00, v17  }
0x314: {  	v18 =	vadd.f32 $1.000000000e+00, v18;
	v14 =	vmul.f32 v12, v14;
	v12 =	vmul.f32 v19, v23  }
0x315: {  	v20 =	vadd.f32 $1.000000000e+00, v20;
	v35 =	vmul.f32 v24, v15  }
0x316: {  	v16 =	vmul.f32 v17, v16;
	v17 =	vmul.f32 $5.000000000e-01, v18;
	v25 =	vsub.f32 $1.500000000e+00, v12  }
0x317: {  	v18 =	vshrl.u32 v18, $0x1;
	v26 =	vmul.f32 $1.000000010e-01, v34;
	v10 =	vmul.f32 v10, v34  }
0x318: {  	v18 =	vsub.s32 $0x5F3759DF, v18;
	v11 =	vmul.f32 v16, v11;
	v19 =	vmul.f32 v19, v25  }
0x319: {  	v37 =	vshrl.u32 v20, $0x1;
	v20 =	vmul.f32 $5.000000000e-01, v20;
	v38 =	vmul.f32 v18, v17;
	[tilespmem:s24+$0x40] =	vst v26  }
0x31a: {  	v7 =	vsub.f32 $1.500000000e+00, v7;
	v11 =	vmul.f32 v11, v16;
	[tilespmem:s25+$0x40] =	vst v10;
	v10 =	vmul.f32 v19, v22  }
0x31b: {  	v36 =	vmul.f32 v14, v9;
	v21 =	vsub.s32 $0x5F3759DF, v37;
	v25 =	vmul.f32 v18, v38  }
0x31c: {  	v39 =	vmul.f32 v21, v20;
	v27 =	vld [tilespmem:s20+$0x50];
	v11 =	vsub.f32 $1.500000000e+00, v11;
	v10 =	vmul.f32 v10, v19  }
0x31d: {  	v23 =	vsub.f32 $1.500000000e+00, v35;
	v24 =	vmul.f32 v36, v14;
	v25 =	vsub.f32 $1.500000000e+00, v25  }
0x31e: {  	v26 =	vmul.f32 v21, v39;
	v11 =	vmul.f32 v11, v16;
	v10 =	vsub.f32 $1.500000000e+00, v10  }
0x31f: {  	v7 =	vmul.f32 v7, v6;
	v16 =	vsub.f32 $1.500000000e+00, v24;
	v18 =	vmul.f32 v18, v25  }
0x320: {  	v15 =	vmul.f32 v23, v15;
	v40 =	vsub.f32 $1.500000000e+00, v26;
	[tilespmem:s29+$0x20] =	vst v11;
	v10 =	vmul.f32 v10, v19  }
0x321: {  	v14 =	vmul.f32 v16, v14;
	v16 =	vadd.f32 $1.000000000e+00, v27;
	v41 =	vmul.f32 v18, v17;
	[tilespmem:s30+$0x20] =	vst v0  }
0x322: {  	v19 =	vmul.f32 v21, v40;
	v42 =	vld [tilespmem:s31+$0x20];
	v22 =	vmul.f32 v10, v22  }
0x323: {  	v43 =	vshrl.u32 v16, $0x1;
	v16 =	vmul.f32 $5.000000000e-01, v16;
	v21 =	vmul.f32 v41, v18  }
0x324: {  	v44 =	vmul.f32 v19, v20;
	v24 =	vsub.s32 $0x5F3759DF, v43;
	v22 =	vmul.f32 v22, v10  }
0x325: {  	v13 =	vmul.f32 v15, v13;
	v45 =	vmul.f32 v24, v16  }
0x326: {  	v21 =	vsub.f32 $1.500000000e+00, v21;
	v25 =	vmul.f32 v44, v19;
	v22 =	vsub.f32 $1.500000000e+00, v22  }
0x327: {  	v8 =	vld [tilespmem:s11+$0xFFFFFFD0];
	[tilespmem:s16+$0xFFFFFFE0] =	vst v7;
	v26 =	vmul.f32 v24, v45;
	v46 =	vmul.f32 $1.000000010e-01, v42  }
0x328: {  	[tilespmem:s13+$0xFFFFFFE0] =	vst v0;
	v18 =	vmul.f32 v21, v18;
	v25 =	vsub.f32 $1.500000000e+00, v25;
	v10 =	vmul.f32 v22, v10  }
0x329: {  	v13 =	vmul.f32 v13, v15;
	v11 =	vmul.f32 v11, v42;
	v26 =	vsub.f32 $1.500000000e+00, v26;
	[tilespmem:s28+$0x20] =	vst v46  }
0x32a: {  	v17 =	vmul.f32 v18, v17;
	v19 =	vmul.f32 v25, v19;
	[tilespmem:s15+$0x70] =	vst v10  }
0x32b: {  	v6 =	vmul.f32 v4, v1;
	v13 =	vsub.f32 $1.500000000e+00, v13;
	v47 =	vmul.f32 v24, v26;
	[tilespmem:s12+$0x70] =	vst v0  }
0x32c: {  	v12 =	vld [tilespmem:s18+$0xFFFFFFE0];
	v17 =	vmul.f32 v17, v18;
	v20 =	vmul.f32 v19, v20;
	[tilespmem:s26+$0x20] =	vst v11  }
0x32d: {  	v13 =	vmul.f32 v13, v15;
	v11 =	vmul.f32 v47, v16;
	v15 =	vld [tilespmem:s11+$0x70]  }
0x32e: {  	v9 =	vmul.f32 v14, v9;
	v17 =	vsub.f32 $1.500000000e+00, v17;
	v20 =	vmul.f32 v20, v19;
	v48 =	vld [tilespmem:s29+$0x30]  }
0x32f: {  	v49 =	vmul.f32 $1.000000010e-01, v8;
	[tilespmem:s29+$0xFFFFFFA0] =	vst v13;
	v11 =	vmul.f32 v11, v47  }
0x330: {  	v9 =	vmul.f32 v9, v14;
	[tilespmem:s30+$0xFFFFFFA0] =	vst v0;
	v17 =	vmul.f32 v17, v18;
	v20 =	vsub.f32 $1.500000000e+00, v20  }
0x331: {  	v5 =	vmul.f32 v5, v8;
	v8 =	vmul.f32 $1.000000010e-01, v12;
	v18 =	vld [tilespmem:s31+$0xFFFFFFA0];
	[tilespmem:s17+$0xFFFFFFD0] =	vst v49;
	v11 =	vsub.f32 $1.500000000e+00, v11  }
0x332: {  	v7 =	vmul.f32 v7, v12;
	s30 =	sadd.s32 $0x100, s30;
	v9 =	vsub.f32 $1.500000000e+00, v9;
	[tilespmem:s4+$0x0] =	vst v17;
	v19 =	vmul.f32 v20, v19  }
0x333: {  	s31 =	sadd.s32 $0x100, s31;
	[tilespmem:s30+$0x0] =	vst v0;
	v50 =	vmul.f32 $1.000000010e-01, v15;
	v22 =	vadd.f32 $1.000000000e+00, v48;
	v11 =	vmul.f32 v11, v47  }
0x334: {  	v9 =	vmul.f32 v9, v14;
	v10 =	vmul.f32 v10, v15;
	v15 =	vld [tilespmem:s31+$0x0];
	[tilespmem:s4+$0xFFFFFF80] =	vst v19  }
0x335: {  	[tilespmem:s17+$0x70] =	vst v50;
	v12 =	vshrl.u32 v22, $0x1;
	v14 =	vmul.f32 $5.000000000e-01, v22;
	v16 =	vmul.f32 v11, v16  }
0x336: {  	v13 =	vmul.f32 v13, v18;
	[tilespmem:s19+$0x70] =	vst v10;
	v10 =	vmul.f32 $1.000000010e-01, v18;
	v12 =	vsub.s32 $0x5F3759DF, v12  }
0x337: {  	[tilespmem:s30+$0xFFFFFF80] =	vst v0;
	v18 =	vmul.f32 v12, v14;
	v16 =	vmul.f32 v16, v11  }
0x338: {  	v6 =	vmul.f32 v6, v4;
	v51 =	vld [tilespmem:s31+$0xFFFFFF80];
	[tilespmem:s28+$0xFFFFFFA0] =	vst v10  }
0x339: {  	v52 =	vmul.f32 $1.000000010e-01, v15;
	[tilespmem:s26+$0xFFFFFFA0] =	vst v13;
	v13 =	vmul.f32 v12, v18;
	v16 =	vsub.f32 $1.500000000e+00, v16  }
0x33a: {  	v6 =	vsub.f32 $1.500000000e+00, v6;
	v10 =	vmul.f32 $1.000000010e-01, v3;
	v15 =	vmul.f32 v17, v15;
	s28 =	sadd.s32 $0x100, s28;
	v17 =	vld [tilespmem:s29+$0xFFFFFFB0];
	[tilespmem:s20+$0xFFFFFFC0] =	vst v9  }
0x33b: {  	v18 =	vmul.f32 v2, v3;
	s26 =	sadd.s32 $0x100, s26;
	[tilespmem:s28+$0x0] =	vst v52;
	v3 =	vsub.f32 $1.500000000e+00, v13;
	v11 =	vmul.f32 v16, v11  }
0x33c: {  	v2 =	vmul.f32 v6, v4;
	[tilespmem:s26+$0x0] =	vst v15  }
0x33d: {  	v4 =	vmul.f32 $1.000000010e-01, v51;
	v6 =	vld [tilespmem:s4+$0x10];
	v12 =	vmul.f32 v12, v3;
	[tilespmem:s20+$0x50] =	vst v11  }
0x33e: {  	v1 =	vmul.f32 v2, v1;
	v3 =	vmul.f32 v19, v51;
	[tilespmem:s23+$0x50] =	vst v0  }
0x33f: {  	[tilespmem:s28+$0xFFFFFF80] =	vst v4;
	v4 =	vadd.f32 $1.000000000e+00, v17;
	v13 =	vmul.f32 v12, v14;
	v15 =	vld [tilespmem:s21+$0x50]  }
0x340: {  	v1 =	vmul.f32 v1, v2;
	[tilespmem:s26+$0xFFFFFF80] =	vst v3  }
0x341: {  	v16 =	vld [tilespmem:s4+$0xFFFFFF90];
	[tilespmem:s23+$0xFFFFFFC0] =	vst v0;
	v3 =	vshrl.u32 v4, $0x1;
	v17 =	vmul.f32 $5.000000000e-01, v4;
	v4 =	vmul.f32 v13, v12  }
0x342: {  	v6 =	vadd.f32 $1.000000000e+00, v6;
	v19 =	vld [tilespmem:s21+$0xFFFFFFC0];
	[tilespmem:s19+$0xFFFFFFD0] =	vst v5;
	v13 =	vsub.s32 $0x5F3759DF, v3  }
0x343: {  	v3 =	vsub.f32 $1.500000000e+00, v1;
	v5 =	vld [tilespmem:s15+$0xFFFFFFE0];
	[tilespmem:s14+$0xFFFFFFE0] =	vst v8;
	v1 =	vmul.f32 v13, v17;
	v4 =	vsub.f32 $1.500000000e+00, v4  }
0x344: {  	v8 =	vshrl.u32 v6, $0x1;
	v6 =	vmul.f32 $5.000000000e-01, v6;
	[tilespmem:s10+$0xFFFFFFE0] =	vst v7;
	v53 =	vmul.f32 $1.000000010e-01, v15  }
0x345: {  	v7 =	vsub.s32 $0x5F3759DF, v8;
	v8 =	vmul.f32 v11, v15;
	v11 =	vld [tilespmem:s16+$0xFFFFFFF0];
	[tilespmem:s6+$0xFFFFFFF0] =	vst v10;
	v4 =	vmul.f32 v4, v12  }
0x346: {  	v10 =	vadd.f32 $1.000000000e+00, v16;
	v12 =	vmul.f32 v7, v6;
	v1 =	vmul.f32 v13, v1;
	[tilespmem:s24+$0x50] =	vst v53  }
0x347: {  	v15 =	vmul.f32 $1.000000010e-01, v19;
	v14 =	vmul.f32 v4, v14;
	[tilespmem:s25+$0x50] =	vst v8  }
0x348: {  	s6 =	smov.u32 s8;
	v8 =	vshrl.u32 v10, $0x1;
	v10 =	vmul.f32 $5.000000000e-01, v10;
	v12 =	vmul.f32 v7, v12;
	v16 =	vld [tilespmem:s20+$0x60]  }
0x349: {  	s8 =	smov.u32 s14;
	s14 =	smov.u32 s17;
	s17 =	smov.u32 s24;
	[tilespmem:s5+$0xFFFFFFF0] =	vst v18;
	v1 =	vsub.f32 $1.500000000e+00, v1;
	v8 =	vsub.s32 $0x5F3759DF, v8;
	v14 =	vmul.f32 v14, v4  }
0x34a: {  	s5 =	smov.u32 s9;
	v9 =	vmul.f32 v9, v19;
	[tilespmem:s17+$0xFFFFFFC0] =	vst v15;
	v15 =	vmul.f32 v8, v10;
	v12 =	vsub.f32 $1.500000000e+00, v12  }
0x34b: {  	s9 =	smov.u32 s10;
	s10 =	smov.u32 s19;
	s19 =	smov.u32 s25;
	v5 =	vadd.f32 $1.000000000e+00, v5;
	v1 =	vmul.f32 v13, v1;
	v13 =	vsub.f32 $1.500000000e+00, v14  }
0x34c: {  	[tilespmem:s19+$0xFFFFFFC0] =	vst v9;
	v9 =	vadd.f32 $1.000000000e+00, v11;
	v14 =	vmul.f32 v8, v15;
	v7 =	vmul.f32 v7, v12  }
0x34d: {  	v11 =	vmul.f32 v1, v17;
	v12 =	vmul.f32 v13, v4;
	v4 =	vadd.f32 $1.000000000e+00, v16  }
0x34e: {  	v14 =	vsub.f32 $1.500000000e+00, v14;
	v15 =	vmul.f32 v7, v6  }
0x34f: {  	v13 =	vld [tilespmem:s20+$0xFFFFFFD0];
	v16 =	vshrl.u32 v5, $0x1;
	v11 =	vmul.f32 v11, v1;
	v19 =	vmul.f32 $5.000000000e-01, v4  }
0x350: {  	[tilespmem:s29+$0x30] =	vst v12;
	v18 =	vshrl.u32 v4, $0x1;
	v8 =	vmul.f32 v8, v14;
	v14 =	vmul.f32 v15, v7  }
0x351: {  	v11 =	vsub.f32 $1.500000000e+00, v11;
	v4 =	vmul.f32 $5.000000000e-01, v5;
	[tilespmem:s1+$0x30] =	vst v0;
	v15 =	vsub.s32 $0x5F3759DF, v18  }
0x352: {  	v16 =	vsub.s32 $0x5F3759DF, v16;
	v18 =	vld [tilespmem:s22+$0x30];
	v54 =	vmul.f32 v15, v19;
	v5 =	vmul.f32 v8, v10  }
0x353: {  	v14 =	vsub.f32 $1.500000000e+00, v14;
	v1 =	vmul.f32 v11, v1;
	v56 =	vmul.f32 v16, v4  }
0x354: {  	v13 =	vadd.f32 $1.000000000e+00, v13;
	v11 =	vmul.f32 v15, v54;
	v5 =	vmul.f32 v5, v8  }
0x355: {  	v7 =	vmul.f32 v14, v7;
	v17 =	vmul.f32 v1, v17  }
0x356: {  	v14 =	vshrl.u32 v13, $0x1;
	v13 =	vmul.f32 $5.000000000e-01, v13;
	v11 =	vsub.f32 $1.500000000e+00, v11  }
0x357: {  	v5 =	vsub.f32 $1.500000000e+00, v5;
	v6 =	vmul.f32 v7, v6;
	v55 =	vmul.f32 $1.000000010e-01, v18  }
0x358: {  	s24 =	smov.u32 s0;
	v12 =	vmul.f32 v12, v18;
	v11 =	vmul.f32 v15, v11  }
0x359: {  	s25 =	smov.u32 s2;
	v5 =	vmul.f32 v5, v8;
	v6 =	vmul.f32 v6, v7;
	[tilespmem:s24+$0x30] =	vst v55  }
0x35a: {  	v15 =	vmul.f32 v17, v1;
	[tilespmem:s25+$0x30] =	vst v12;
	v12 =	vmul.f32 v11, v19  }
0x35b: {  	v14 =	vsub.s32 $0x5F3759DF, v14;
	v10 =	vmul.f32 v5, v10;
	v6 =	vsub.f32 $1.500000000e+00, v6;
	v17 =	vld [tilespmem:s29+$0x40]  }
0x35c: {  	v18 =	vmul.f32 v14, v13;
	v15 =	vsub.f32 $1.500000000e+00, v15;
	v12 =	vmul.f32 v12, v11  }
0x35d: {  	v10 =	vmul.f32 v10, v5;
	v6 =	vmul.f32 v6, v7  }
0x35e: {  	v8 =	vshrl.u32 v9, $0x1;
	v7 =	vmul.f32 v15, v1;
	v12 =	vsub.f32 $1.500000000e+00, v12  }
0x35f: {  	v15 =	vmul.f32 v14, v18;
	v18 =	vmul.f32 v16, v56;
	v10 =	vsub.f32 $1.500000000e+00, v10;
	[tilespmem:s4+$0x10] =	vst v6  }
0x360: {  	v1 =	vmul.f32 $5.000000000e-01, v9;
	[tilespmem:s30+$0x10] =	vst v0;
	v9 =	vadd.f32 $1.000000000e+00, v17;
	v11 =	vmul.f32 v12, v11  }
0x361: {  	v15 =	vsub.f32 $1.500000000e+00, v15;
	[tilespmem:s29+$0xFFFFFFB0] =	vst v7;
	v5 =	vmul.f32 v10, v5;
	v10 =	vld [tilespmem:s31+$0x10];
	v12 =	vsub.f32 $1.500000000e+00, v18  }
0x362: {  	[tilespmem:s1+$0xFFFFFFB0] =	vst v0;
	v18 =	vshrl.u32 v9, $0x1;
	v9 =	vmul.f32 $5.000000000e-01, v9;
	v19 =	vmul.f32 v11, v19  }
0x363: {  	v14 =	vmul.f32 v14, v15;
	[tilespmem:s4+$0xFFFFFF90] =	vst v5;
	v12 =	vmul.f32 v16, v12;
	v18 =	vsub.s32 $0x5F3759DF, v18  }
0x364: {  	v57 =	vld [tilespmem:s22+$0xFFFFFFB0];
	[tilespmem:s30+$0xFFFFFF90] =	vst v0;
	v15 =	vmul.f32 v18, v9;
	v16 =	vmul.f32 v19, v11  }
0x365: {  	v58 =	vmul.f32 v14, v13;
	v19 =	vld [tilespmem:s31+$0xFFFFFF90];
	v59 =	vmul.f32 v12, v4  }
0x366: {  	v60 =	vmul.f32 $1.000000010e-01, v10;
	v15 =	vmul.f32 v18, v15;
	v16 =	vsub.f32 $1.500000000e+00, v16  }
0x367: {  	v8 =	vsub.s32 $0x5F3759DF, v8;
	v6 =	vmul.f32 v6, v10;
	v10 =	vmul.f32 v58, v14  }
0x368: {  	v17 =	vmul.f32 v8, v1;
	[tilespmem:s28+$0x10] =	vst v60;
	v15 =	vsub.f32 $1.500000000e+00, v15;
	v16 =	vmul.f32 v16, v11  }
0x369: {  	v61 =	vmul.f32 $1.000000010e-01, v57;
	[tilespmem:s26+$0x10] =	vst v6;
	v6 =	vsub.f32 $1.500000000e+00, v10;
	v10 =	vmul.f32 v59, v12  }
0x36a: {  	v11 =	vmul.f32 $1.000000010e-01, v19;
	v62 =	vld [tilespmem:s4+$0x20];
	v15 =	vmul.f32 v18, v15;
	[tilespmem:s20+$0x60] =	vst v16  }
0x36b: {  	v5 =	vmul.f32 v5, v19;
	v14 =	vmul.f32 v6, v14;
	[tilespmem:s23+$0x60] =	vst v0  }
0x36c: {  	v6 =	vsub.f32 $1.500000000e+00, v10;
	[tilespmem:s28+$0xFFFFFF90] =	vst v11;
	v11 =	vmul.f32 v8, v17;
	v10 =	vmul.f32 v15, v9;
	v18 =	vld [tilespmem:s21+$0x60]  }
0x36d: {  	v7 =	vmul.f32 v7, v57;
	[tilespmem:s26+$0xFFFFFF90] =	vst v5;
	v5 =	vmul.f32 v14, v13  }
0x36e: {  	v6 =	vmul.f32 v6, v12;
	v12 =	vld [tilespmem:s4+$0xFFFFFFA0];
	v11 =	vsub.f32 $1.500000000e+00, v11;
	v10 =	vmul.f32 v10, v15  }
0x36f: {  	v2 =	vmul.f32 v3, v2;
	[tilespmem:s24+$0xFFFFFFB0] =	vst v61;
	v3 =	vadd.f32 $1.000000000e+00, v62;
	v5 =	vmul.f32 v5, v14  }
0x370: {  	[tilespmem:s25+$0xFFFFFFB0] =	vst v7;
	v7 =	vmul.f32 v6, v4;
	v4 =	vmul.f32 v8, v11;
	v10 =	vsub.f32 $1.500000000e+00, v10  }
0x371: {  	s3 =	sadd.s32 $0x2, s3;
	s7 =	rddreg [dreg:$0x5];
	v17 =	vld [tilespmem:s29+$0xFFFFFFC0];
	v8 =	vshrl.u32 v3, $0x1;
	v11 =	vmul.f32 $5.000000000e-01, v3;
	v13 =	vmul.f32 $1.000000010e-01, v18  }
0x372: {  	p1 =	slt.u32 s3, $0x4E;
	[tilespmem:s7+$0xFFFFFFF0] =	vst v2;
	s7 =	smov.u32 s16;
	v8 =	vsub.s32 $0x5F3759DF, v8;
	v10 =	vmul.f32 v10, v15;
	v15 =	vmul.f32 v16, v18  }
0x373: {  	s0 =	smov.u32 s28;
	s2 =	smov.u32 s26;
	[dreg:$0x5] =	wrdreg s7;
	v12 =	vadd.f32 $1.000000000e+00, v12;
	v16 =	vmul.f32 v8, v11;
	[tilespmem:s17+$0x60] =	vst v13  }
0x374: {  	s16 =	smov.u32 s15;
	s15 =	smov.u32 s20;
	s7 =	rddreg [dreg:$0x3];
	v5 =	vsub.f32 $1.500000000e+00, v5;
	v7 =	vmul.f32 v7, v6;
	v9 =	vmul.f32 v10, v9;
	[tilespmem:s19+$0x60] =	vst v15  }
0x375: {  	s20 =	smov.u32 s18;
	s18 =	smov.u32 s11;
	[tilespmem:s7+$0xFFFFFFF0] =	vst v0;
	s7 =	smov.u32 s13;
	v15 =	vshrl.u32 v12, $0x1;
	v13 =	vmul.f32 $5.000000000e-01, v12;
	v12 =	vmul.f32 v8, v16;
	v18 =	vld [tilespmem:s15+$0x70]  }
.Ltmp2:
0x376: {  	s11 =	smov.u32 s21;
	[dreg:$0x3] =	wrdreg s7;
	v16 =	vadd.f32 $1.000000000e+00, v17;
	v15 =	vsub.s32 $0x5F3759DF, v15;
	v17 =	vmul.f32 v9, v10;
	(pc) =	sbr.rel @p1 .LBB2_5-.Ltmp2, $4  }
0x377: {  	s21 =	smov.u32 s22;
	s7 =	smov.u32 s23;
	s23 =	rddreg [dreg:$0x4];
	v5 =	vmul.f32 v5, v14;
	v19 =	vmul.f32 v15, v13;
	v12 =	vsub.f32 $1.500000000e+00, v12  }
0x378: {  	s22 =	smov.u32 s31;
	s13 =	smov.u32 s12;
	[dreg:$0x4] =	wrdreg s20;
	v14 =	vshrl.u32 v16, $0x1;
	v9 =	vmul.f32 $5.000000000e-01, v16;
	v63 =	vsub.f32 $1.500000000e+00, v17  }
0x379: {  	s20 =	smov.u32 s29;
	s29 =	smov.u32 s4;
	s4 =	sadd.s32 $0x100, s4;
	v3 =	vld [tilespmem:s23+$0xFFFFFFF0];
	[tilespmem:s15+$0xFFFFFFD0] =	vst v5;
	v17 =	vmul.f32 v15, v19;
	v16 =	vmul.f32 v8, v12;
	v12 =	vsub.s32 $0x5F3759DF, v14  }
0x37a: {  	s23 =	smov.u32 s1;
	s1 =	smov.u32 s30;
	s12 =	smov.u32 s7;
	[tilespmem:s7+$0xFFFFFFD0] =	vst v0;
	v14 =	vmul.f32 v12, v9;
	v10 =	vmul.f32 v63, v10;
	v8 =	vadd.f32 $1.000000000e+00, v18  }
0x37b: {  	v18 =	vmul.f32 v16, v11  }
0x37c: {  	v17 =	vsub.f32 $1.500000000e+00, v17  }
0x37d: {  	v18 =	vmul.f32 v18, v16  }
0x37e: {  	v15 =	vmul.f32 v15, v17  }
0x37f: {  	v18 =	vsub.f32 $1.500000000e+00, v18  }
0x380: {  	v17 =	vmul.f32 v15, v13  }
0x381: {  	v47 =	vmul.f32 v18, v16  }
0x382: {  	v17 =	vmul.f32 v17, v15  }
0x383: {  	v48 =	vmul.f32 v47, v11  }
0x384: {  	v17 =	vsub.f32 $1.500000000e+00, v17  }
0x385: {  	v11 =	vmul.f32 v48, v47  }
0x386: {  	v15 =	vmul.f32 v17, v15  }
0x387: {  	v11 =	vsub.f32 $1.500000000e+00, v11  }
0x388: {  	v49 =	vmul.f32 v15, v13  }
0x389: {  	v11 =	vmul.f32 v11, v47  }
0x38a: {  	v13 =	vmul.f32 v49, v15  }
0x38b: {  	[tilespmem:s29+$0x20] =	vst v11  }
0x38c: {  	v13 =	vsub.f32 $1.500000000e+00, v13;
	[tilespmem:s30+$0x20] =	vst v0  }
0x38d: {  	v50 =	vld [tilespmem:s31+$0x20]  }
0x38e: {  	v13 =	vmul.f32 v13, v15;
	_ =	sdelay $0x1  }
0x38f: {  	[tilespmem:s29+$0xFFFFFFA0] =	vst v13  }
0x390: {  	[tilespmem:s30+$0xFFFFFFA0] =	vst v0  }
0x391: {  	v52 =	vld [tilespmem:s31+$0xFFFFFFA0];
	v51 =	vmul.f32 $1.000000010e-01, v50  }
0x392: {  	v11 =	vmul.f32 v11, v50  }
0x393: {  	[tilespmem:s28+$0x20] =	vst v51  }
0x394: {  	[tilespmem:s26+$0x20] =	vst v11  }
0x395: {  	v11 =	vld [tilespmem:s29+$0x30]  }
0x396: {  	v53 =	vmul.f32 $1.000000010e-01, v52  }
0x397: {  	v13 =	vmul.f32 v13, v52  }
0x398: {  	[tilespmem:s28+$0xFFFFFFA0] =	vst v53  }
0x399: {  	[tilespmem:s26+$0xFFFFFFA0] =	vst v13  }
0x39a: {  	v15 =	vld [tilespmem:s29+$0xFFFFFFB0];
	v11 =	vadd.f32 $1.000000000e+00, v11;
	_ =	sdelay $0x1  }
0x39b: {  	v54 =	vshrl.u32 v11, $0x1;
	v11 =	vmul.f32 $5.000000000e-01, v11  }
0x39c: {  	v13 =	vsub.s32 $0x5F3759DF, v54  }
0x39d: {  	v55 =	vmul.f32 v13, v11  }
0x39e: {  	v15 =	vadd.f32 $1.000000000e+00, v15  }
0x39f: {  	v16 =	vmul.f32 v13, v55  }
0x3a0: {  	v56 =	vshrl.u32 v15, $0x1;
	v15 =	vmul.f32 $5.000000000e-01, v15  }
0x3a1: {  	v57 =	vsub.s32 $0x5F3759DF, v56;
	v16 =	vsub.f32 $1.500000000e+00, v16  }
0x3a2: {  	v17 =	vmul.f32 v57, v15  }
0x3a3: {  	v13 =	vmul.f32 v13, v16  }
0x3a4: {  	v17 =	vmul.f32 v57, v17  }
0x3a5: {  	v58 =	vmul.f32 v13, v11  }
0x3a6: {  	v17 =	vsub.f32 $1.500000000e+00, v17  }
0x3a7: {  	v18 =	vmul.f32 v58, v13  }
0x3a8: {  	v16 =	vmul.f32 v57, v17  }
0x3a9: {  	v18 =	vsub.f32 $1.500000000e+00, v18  }
0x3aa: {  	v17 =	vmul.f32 v16, v15  }
0x3ab: {  	v13 =	vmul.f32 v18, v13  }
0x3ac: {  	v17 =	vmul.f32 v17, v16  }
0x3ad: {  	v11 =	vmul.f32 v13, v11  }
0x3ae: {  	v17 =	vsub.f32 $1.500000000e+00, v17  }
0x3af: {  	v11 =	vmul.f32 v11, v13  }
0x3b0: {  	v16 =	vmul.f32 v17, v16  }
0x3b1: {  	v11 =	vsub.f32 $1.500000000e+00, v11  }
0x3b2: {  	v59 =	vmul.f32 v16, v15  }
0x3b3: {  	v11 =	vmul.f32 v11, v13  }
0x3b4: {  	v13 =	vmul.f32 v59, v16  }
0x3b5: {  	[tilespmem:s29+$0x30] =	vst v11  }
0x3b6: {  	v13 =	vsub.f32 $1.500000000e+00, v13;
	[tilespmem:s1+$0x30] =	vst v0  }
0x3b7: {  	v60 =	vld [tilespmem:s22+$0x30]  }
0x3b8: {  	v13 =	vmul.f32 v13, v16;
	_ =	sdelay $0x1  }
0x3b9: {  	[tilespmem:s29+$0xFFFFFFB0] =	vst v13  }
0x3ba: {  	[tilespmem:s1+$0xFFFFFFB0] =	vst v0  }
0x3bb: {  	v62 =	vld [tilespmem:s22+$0xFFFFFFB0];
	v61 =	vmul.f32 $1.000000010e-01, v60  }
0x3bc: {  	v11 =	vmul.f32 v11, v60  }
0x3bd: {  	[tilespmem:s0+$0x30] =	vst v61  }
0x3be: {  	[tilespmem:s2+$0x30] =	vst v11  }
0x3bf: {  	v11 =	vld [tilespmem:s29+$0x40]  }
0x3c0: {  	v63 =	vmul.f32 $1.000000010e-01, v62  }
0x3c1: {  	v13 =	vmul.f32 v13, v62  }
0x3c2: {  	[tilespmem:s0+$0xFFFFFFB0] =	vst v63  }
0x3c3: {  	[tilespmem:s2+$0xFFFFFFB0] =	vst v13  }
0x3c4: {  	v14 =	vmul.f32 v12, v14;
	v21 =	vld [tilespmem:s29+$0xFFFFFFC0];
	v11 =	vadd.f32 $1.000000000e+00, v11;
	_ =	sdelay $0x1  }
0x3c5: {  	v14 =	vsub.f32 $1.500000000e+00, v14;
	v20 =	vshrl.u32 v11, $0x1;
	v11 =	vmul.f32 $5.000000000e-01, v11  }
0x3c6: {  	v13 =	vsub.s32 $0x5F3759DF, v20  }
0x3c7: {  	v27 =	vmul.f32 v12, v14;
	v22 =	vmul.f32 v13, v11  }
0x3c8: {  	v15 =	vadd.f32 $1.000000000e+00, v21  }
0x3c9: {  	v19 =	vmul.f32 v27, v9;
	v16 =	vmul.f32 v13, v22  }
0x3ca: {  	v23 =	vshrl.u32 v15, $0x1;
	v15 =	vmul.f32 $5.000000000e-01, v15  }
0x3cb: {  	[tilespmem:s20+$0x40] =	vst v10;
	v19 =	vmul.f32 v19, v27;
	v24 =	vsub.s32 $0x5F3759DF, v23;
	v16 =	vsub.f32 $1.500000000e+00, v16  }
0x3cc: {  	[tilespmem:s23+$0x40] =	vst v0;
	v26 =	vmul.f32 v24, v15  }
0x3cd: {  	v25 =	vld [tilespmem:s21+$0x40];
	v30 =	vsub.f32 $1.500000000e+00, v19;
	v13 =	vmul.f32 v13, v16  }
0x3ce: {  	v18 =	vmul.f32 v24, v26  }
0x3cf: {  	v12 =	vmul.f32 v30, v27;
	v28 =	vmul.f32 v13, v11  }
0x3d0: {  	v18 =	vsub.f32 $1.500000000e+00, v18  }
0x3d1: {  	v33 =	vmul.f32 v12, v9;
	v14 =	vmul.f32 v28, v13  }
0x3d2: {  	v20 =	vmul.f32 $1.000000010e-01, v25;
	v16 =	vmul.f32 v24, v18  }
0x3d3: {  	v29 =	vmul.f32 v10, v25;
	v14 =	vsub.f32 $1.500000000e+00, v14  }
0x3d4: {  	v9 =	vmul.f32 v33, v12;
	[tilespmem:s24+$0x40] =	vst v20;
	v31 =	vmul.f32 v16, v15  }
0x3d5: {  	[tilespmem:s25+$0x40] =	vst v29;
	v13 =	vmul.f32 v14, v13  }
0x3d6: {  	v9 =	vsub.f32 $1.500000000e+00, v9;
	v32 =	vld [tilespmem:s20+$0x50];
	v10 =	vmul.f32 v31, v16  }
0x3d7: {  	v11 =	vmul.f32 v13, v11  }
0x3d8: {  	v9 =	vmul.f32 v9, v12;
	v10 =	vsub.f32 $1.500000000e+00, v10  }
0x3d9: {  	v11 =	vmul.f32 v11, v13  }
0x3da: {  	[tilespmem:s20+$0xFFFFFFC0] =	vst v9;
	v10 =	vmul.f32 v10, v16  }
0x3db: {  	[tilespmem:s23+$0xFFFFFFC0] =	vst v0;
	v14 =	vadd.f32 $1.000000000e+00, v32;
	v11 =	vsub.f32 $1.500000000e+00, v11  }
0x3dc: {  	v37 =	vld [tilespmem:s21+$0xFFFFFFC0];
	v15 =	vmul.f32 v10, v15  }
0x3dd: {  	v34 =	vshrl.u32 v14, $0x1;
	v14 =	vmul.f32 $5.000000000e-01, v14;
	v11 =	vmul.f32 v11, v13  }
0x3de: {  	v13 =	vsub.s32 $0x5F3759DF, v34;
	v15 =	vmul.f32 v15, v10  }
0x3df: {  	v35 =	vmul.f32 v13, v14;
	[tilespmem:s29+$0x40] =	vst v11  }
0x3e0: {  	v15 =	vsub.f32 $1.500000000e+00, v15;
	[tilespmem:s1+$0x40] =	vst v0  }
0x3e1: {  	v40 =	vmul.f32 $1.000000010e-01, v37;
	v12 =	vmul.f32 v13, v35;
	v36 =	vld [tilespmem:s22+$0x40]  }
0x3e2: {  	v10 =	vmul.f32 v15, v10  }
0x3e3: {  	[tilespmem:s24+$0xFFFFFFC0] =	vst v40;
	v12 =	vsub.f32 $1.500000000e+00, v12  }
0x3e4: {  	v9 =	vmul.f32 v9, v37;
	[tilespmem:s29+$0xFFFFFFC0] =	vst v10  }
0x3e5: {  	v12 =	vmul.f32 v13, v12;
	[tilespmem:s1+$0xFFFFFFC0] =	vst v0  }
0x3e6: {  	[tilespmem:s25+$0xFFFFFFC0] =	vst v9;
	v41 =	vld [tilespmem:s22+$0xFFFFFFC0];
	v38 =	vmul.f32 $1.000000010e-01, v36  }
0x3e7: {  	v45 =	vld [tilespmem:s20+$0xFFFFFFD0];
	v11 =	vmul.f32 v11, v36;
	v39 =	vmul.f32 v12, v14  }
0x3e8: {  	[tilespmem:s0+$0x40] =	vst v38  }
0x3e9: {  	v42 =	vmul.f32 v39, v12;
	[tilespmem:s2+$0x40] =	vst v11  }
0x3ea: {  	v43 =	vld [tilespmem:s29+$0x50]  }
0x3eb: {  	v44 =	vsub.f32 $1.500000000e+00, v42;
	v46 =	vmul.f32 $1.000000010e-01, v41  }
0x3ec: {  	v49 =	vadd.f32 $1.000000000e+00, v45;
	v10 =	vmul.f32 v10, v41  }
0x3ed: {  	v9 =	vmul.f32 v44, v12;
	[tilespmem:s0+$0xFFFFFFC0] =	vst v46  }
0x3ee: {  	v52 =	vshrl.u32 v49, $0x1;
	[tilespmem:s2+$0xFFFFFFC0] =	vst v10;
	v10 =	vmul.f32 $5.000000000e-01, v49  }
0x3ef: {  	v15 =	vsub.s32 $0x5F3759DF, v52;
	v48 =	vmul.f32 v9, v14;
	v51 =	vld [tilespmem:s29+$0xFFFFFFD0];
	v47 =	vadd.f32 $1.000000000e+00, v43  }
0x3f0: {  	v54 =	vmul.f32 v15, v10  }
0x3f1: {  	v13 =	vmul.f32 v48, v9;
	v50 =	vshrl.u32 v47, $0x1;
	v12 =	vmul.f32 $5.000000000e-01, v47  }
0x3f2: {  	v11 =	vsub.s32 $0x5F3759DF, v50  }
0x3f3: {  	v56 =	vmul.f32 v15, v54;
	v13 =	vsub.f32 $1.500000000e+00, v13;
	v53 =	vmul.f32 v11, v12  }
0x3f4: {  	v55 =	vadd.f32 $1.000000000e+00, v51  }
0x3f5: {  	v14 =	vsub.f32 $1.500000000e+00, v56;
	v9 =	vmul.f32 v13, v9;
	v16 =	vmul.f32 v11, v53  }
0x3f6: {  	v57 =	vshrl.u32 v55, $0x1;
	v13 =	vmul.f32 $5.000000000e-01, v55  }
0x3f7: {  	v14 =	vmul.f32 v15, v14;
	[tilespmem:s20+$0x50] =	vst v9;
	v58 =	vsub.s32 $0x5F3759DF, v57;
	v16 =	vsub.f32 $1.500000000e+00, v16  }
0x3f8: {  	[tilespmem:s23+$0x50] =	vst v0;
	v60 =	vmul.f32 v58, v13  }
0x3f9: {  	v62 =	vmul.f32 v14, v10;
	v59 =	vld [tilespmem:s21+$0x50];
	v11 =	vmul.f32 v11, v16  }
0x3fa: {  	v18 =	vmul.f32 v58, v60  }
0x3fb: {  	v19 =	vmul.f32 v62, v14;
	v61 =	vmul.f32 v11, v12  }
0x3fc: {  	v18 =	vsub.f32 $1.500000000e+00, v18  }
0x3fd: {  	v24 =	vsub.f32 $1.500000000e+00, v19;
	v15 =	vmul.f32 v61, v11  }
0x3fe: {  	v63 =	vmul.f32 $1.000000010e-01, v59;
	v16 =	vmul.f32 v58, v18  }
0x3ff: {  	v9 =	vmul.f32 v9, v59;
	v14 =	vmul.f32 v24, v14  }
0x400: {  	v25 =	vld [tilespmem:s11+$0xFFFFFFD0];
	v15 =	vsub.f32 $1.500000000e+00, v15;
	[tilespmem:s24+$0x50] =	vst v63;
	v26 =	vmul.f32 v16, v13  }
0x401: {  	v10 =	vmul.f32 v14, v10;
	[tilespmem:s25+$0x50] =	vst v9  }
0x402: {  	v11 =	vmul.f32 v15, v11;
	v27 =	vld [tilespmem:s20+$0x60];
	v9 =	vmul.f32 v26, v16  }
0x403: {  	v10 =	vmul.f32 v10, v14  }
0x404: {  	v12 =	vmul.f32 v11, v12;
	v9 =	vsub.f32 $1.500000000e+00, v9  }
0x405: {  	v5 =	vmul.f32 v5, v25;
	v28 =	vmul.f32 $1.000000010e-01, v25;
	v10 =	vsub.f32 $1.500000000e+00, v10  }
0x406: {  	v12 =	vmul.f32 v12, v11;
	v9 =	vmul.f32 v9, v16  }
0x407: {  	[tilespmem:s17+$0xFFFFFFD0] =	vst v28;
	v10 =	vmul.f32 v10, v14;
	v18 =	vadd.f32 $1.000000000e+00, v27  }
0x408: {  	[tilespmem:s19+$0xFFFFFFD0] =	vst v5;
	v12 =	vsub.f32 $1.500000000e+00, v12;
	v13 =	vmul.f32 v9, v13  }
0x409: {  	v7 =	vsub.f32 $1.500000000e+00, v7;
	[tilespmem:s20+$0xFFFFFFD0] =	vst v10;
	v29 =	vshrl.u32 v18, $0x1;
	v30 =	vmul.f32 $5.000000000e-01, v18  }
0x40a: {  	v17 =	vld [tilespmem:s15+$0xFFFFFFE0];
	[tilespmem:s23+$0xFFFFFFD0] =	vst v0;
	v11 =	vmul.f32 v12, v11;
	v12 =	vsub.s32 $0x5F3759DF, v29;
	v13 =	vmul.f32 v13, v9  }
0x40b: {  	v33 =	vld [tilespmem:s21+$0xFFFFFFD0];
	v31 =	vmul.f32 v12, v30  }
0x40c: {  	v6 =	vmul.f32 v7, v6;
	[tilespmem:s29+$0x50] =	vst v11;
	v13 =	vsub.f32 $1.500000000e+00, v13  }
0x40d: {  	[tilespmem:s1+$0x50] =	vst v0;
	v14 =	vmul.f32 v12, v31  }
0x40e: {  	[tilespmem:s16+$0xFFFFFFE0] =	vst v6;
	v32 =	vld [tilespmem:s22+$0x50];
	v9 =	vmul.f32 v13, v9  }
0x40f: {  	[tilespmem:s13+$0xFFFFFFE0] =	vst v0;
	v14 =	vsub.f32 $1.500000000e+00, v14  }
0x410: {  	v17 =	vadd.f32 $1.000000000e+00, v17;
	v37 =	vmul.f32 $1.000000010e-01, v33;
	[tilespmem:s29+$0xFFFFFFD0] =	vst v9  }
0x411: {  	v5 =	vmul.f32 v10, v33;
	v12 =	vmul.f32 v12, v14;
	[tilespmem:s1+$0xFFFFFFD0] =	vst v0  }
0x412: {  	v42 =	vshrl.u32 v17, $0x1;
	v17 =	vmul.f32 $5.000000000e-01, v17;
	[tilespmem:s24+$0xFFFFFFD0] =	vst v37;
	v38 =	vld [tilespmem:s22+$0xFFFFFFD0]  }
0x413: {  	v44 =	vsub.s32 $0x5F3759DF, v42;
	v56 =	vld [tilespmem:s18+$0xFFFFFFE0];
	[tilespmem:s25+$0xFFFFFFD0] =	vst v5;
	v34 =	vmul.f32 $1.000000010e-01, v32;
	v36 =	vmul.f32 v12, v30  }
0x414: {  	v46 =	vmul.f32 v44, v17;
	v11 =	vmul.f32 v11, v32;
	v45 =	vld [tilespmem:s20+$0xFFFFFFE0]  }
0x415: {  	[tilespmem:s0+$0x50] =	vst v34;
	v40 =	vmul.f32 v36, v12  }
0x416: {  	v35 =	vshrl.u32 v8, $0x1;
	v49 =	vmul.f32 v44, v46;
	v14 =	vmul.f32 $5.000000000e-01, v8;
	[tilespmem:s2+$0x50] =	vst v11  }
0x417: {  	v8 =	vsub.s32 $0x5F3759DF, v35;
	v41 =	vld [tilespmem:s29+$0x60];
	v11 =	vsub.f32 $1.500000000e+00, v40;
	v47 =	vmul.f32 $1.000000010e-01, v38  }
0x418: {  	v39 =	vmul.f32 v8, v14;
	v9 =	vmul.f32 v9, v38  }
0x419: {  	v6 =	vmul.f32 v6, v56;
	v51 =	vadd.f32 $1.000000000e+00, v45;
	v11 =	vmul.f32 v11, v12;
	[tilespmem:s0+$0xFFFFFFD0] =	vst v47  }
0x41a: {  	v26 =	vmul.f32 $1.000000010e-01, v56;
	v43 =	vmul.f32 v8, v39;
	v12 =	vsub.f32 $1.500000000e+00, v49;
	[tilespmem:s2+$0xFFFFFFD0] =	vst v9  }
0x41b: {  	v18 =	vshrl.u32 v51, $0x1;
	v9 =	vmul.f32 $5.000000000e-01, v51;
	v50 =	vmul.f32 v11, v30;
	v52 =	vld [tilespmem:s29+$0xFFFFFFE0]  }
0x41c: {  	v54 =	vmul.f32 v44, v12;
	v55 =	vsub.s32 $0x5F3759DF, v18;
	v48 =	vadd.f32 $1.000000000e+00, v41  }
0x41d: {  	v5 =	vsub.f32 $1.500000000e+00, v43;
	v58 =	vmul.f32 v55, v9;
	v13 =	vmul.f32 v50, v11  }
0x41e: {  	v21 =	vmul.f32 v54, v17;
	v15 =	vshrl.u32 v48, $0x1;
	v7 =	vmul.f32 $5.000000000e-01, v48  }
0x41f: {  	v61 =	vmul.f32 v55, v58;
	v15 =	vsub.s32 $0x5F3759DF, v15;
	v13 =	vsub.f32 $1.500000000e+00, v13  }
0x420: {  	v5 =	vmul.f32 v8, v5;
	v53 =	vmul.f32 v15, v7;
	v16 =	vadd.f32 $1.000000000e+00, v52  }
0x421: {  	v62 =	vmul.f32 v21, v54;
	v24 =	vsub.f32 $1.500000000e+00, v61;
	v11 =	vmul.f32 v13, v11  }
0x422: {  	v57 =	vmul.f32 v15, v53;
	v63 =	vshrl.u32 v16, $0x1;
	v16 =	vmul.f32 $5.000000000e-01, v16  }
0x423: {  	v19 =	vsub.f32 $1.500000000e+00, v62;
	v10 =	vmul.f32 v55, v24;
	v25 =	vsub.s32 $0x5F3759DF, v63  }
0x424: {  	v59 =	vmul.f32 v5, v14;
	[tilespmem:s20+$0x60] =	vst v11;
	v60 =	vsub.f32 $1.500000000e+00, v57;
	v22 =	vmul.f32 v25, v16  }
0x425: {  	v8 =	vmul.f32 v19, v54;
	[tilespmem:s23+$0x60] =	vst v0;
	v30 =	vmul.f32 v10, v9  }
0x426: {  	v27 =	vld [tilespmem:s21+$0x60];
	v13 =	vmul.f32 v15, v60;
	v28 =	vmul.f32 v25, v22  }
0x427: {  	v31 =	vmul.f32 v8, v17;
	v35 =	vmul.f32 v30, v10  }
0x428: {  	[tilespmem:s14+$0xFFFFFFE0] =	vst v26;
	v23 =	vmul.f32 v13, v7;
	v32 =	vsub.f32 $1.500000000e+00, v28  }
0x429: {  	[tilespmem:s10+$0xFFFFFFE0] =	vst v6;
	v33 =	vmul.f32 v59, v5;
	v36 =	vmul.f32 v31, v8;
	v40 =	vsub.f32 $1.500000000e+00, v35  }
0x42a: {  	v38 =	vld [tilespmem:s16+$0xFFFFFFF0];
	v29 =	vmul.f32 v23, v13;
	v37 =	vmul.f32 v25, v32  }
0x42b: {  	v6 =	vsub.f32 $1.500000000e+00, v36;
	v39 =	vmul.f32 $1.000000010e-01, v27;
	v10 =	vmul.f32 v40, v10  }
0x42c: {  	v11 =	vmul.f32 v11, v27;
	v34 =	vsub.f32 $1.500000000e+00, v29;
	v41 =	vmul.f32 v37, v16  }
0x42d: {  	v6 =	vmul.f32 v6, v8;
	v9 =	vmul.f32 v10, v9  }
0x42e: {  	[tilespmem:s24+$0x60] =	vst v39;
	v13 =	vmul.f32 v34, v13;
	v42 =	vmul.f32 v41, v37  }
0x42f: {  	v45 =	vmul.f32 v4, v1;
	v43 =	vadd.f32 $1.000000000e+00, v38;
	v19 =	vsub.f32 $1.500000000e+00, v33;
	[tilespmem:s25+$0x60] =	vst v11  }
0x430: {  	[tilespmem:s15+$0xFFFFFFE0] =	vst v6;
	v9 =	vmul.f32 v9, v10;
	v7 =	vmul.f32 v13, v7;
	v8 =	vsub.f32 $1.500000000e+00, v42  }
0x431: {  	v46 =	vshrl.u32 v43, $0x1;
	v48 =	vmul.f32 v45, v4;
	v5 =	vmul.f32 v19, v5;
	v44 =	vld [tilespmem:s20+$0x70];
	[tilespmem:s12+$0xFFFFFFE0] =	vst v0  }
0x432: {  	v47 =	vld [tilespmem:s11+$0xFFFFFFE0];
	v9 =	vsub.f32 $1.500000000e+00, v9;
	v7 =	vmul.f32 v7, v13;
	v8 =	vmul.f32 v8, v37  }
0x433: {  	v49 =	vsub.s32 $0x5F3759DF, v46;
	v14 =	vmul.f32 v5, v14;
	v11 =	vmul.f32 $5.000000000e-01, v43  }
0x434: {  	v9 =	vmul.f32 v9, v10;
	v7 =	vsub.f32 $1.500000000e+00, v7;
	v16 =	vmul.f32 v8, v16  }
0x435: {  	v50 =	vmul.f32 v14, v5;
	v18 =	vmul.f32 v49, v11  }
0x436: {  	v15 =	vadd.f32 $1.000000000e+00, v44;
	[tilespmem:s20+$0xFFFFFFE0] =	vst v9;
	v7 =	vmul.f32 v7, v13;
	v51 =	vmul.f32 v16, v8  }
0x437: {  	v52 =	vmul.f32 v49, v18;
	v55 =	vmul.f32 $1.000000010e-01, v47;
	[tilespmem:s23+$0xFFFFFFE0] =	vst v0  }
0x438: {  	v53 =	vshrl.u32 v15, $0x1;
	v15 =	vmul.f32 $5.000000000e-01, v15;
	v56 =	vld [tilespmem:s21+$0xFFFFFFE0];
	[tilespmem:s29+$0x60] =	vst v7;
	v14 =	vsub.f32 $1.500000000e+00, v51  }
0x439: {  	v6 =	vmul.f32 v6, v47;
	v16 =	vsub.f32 $1.500000000e+00, v52;
	v18 =	vsub.s32 $0x5F3759DF, v53;
	[tilespmem:s1+$0x60] =	vst v0  }
0x43a: {  	v13 =	vsub.f32 $1.500000000e+00, v48;
	[tilespmem:s17+$0xFFFFFFE0] =	vst v55;
	v57 =	vmul.f32 v18, v15;
	v54 =	vld [tilespmem:s22+$0x60];
	v8 =	vmul.f32 v14, v8  }
0x43b: {  	[tilespmem:s19+$0xFFFFFFE0] =	vst v6;
	v59 =	vmul.f32 v49, v16  }
0x43c: {  	v58 =	vmul.f32 v13, v4;
	v62 =	vld [tilespmem:s15+$0xFFFFFFF0];
	v60 =	vmul.f32 v18, v57;
	[tilespmem:s29+$0xFFFFFFE0] =	vst v8  }
0x43d: {  	v16 =	vmul.f32 v59, v11;
	v63 =	vmul.f32 $1.000000010e-01, v56;
	[tilespmem:s1+$0xFFFFFFE0] =	vst v0  }
0x43e: {  	v1 =	vmul.f32 v58, v1;
	v6 =	vsub.f32 $1.500000000e+00, v60;
	v22 =	vmul.f32 v9, v56;
	v21 =	vld [tilespmem:s22+$0xFFFFFFE0]  }
0x43f: {  	v16 =	vmul.f32 v16, v59;
	[tilespmem:s24+$0xFFFFFFE0] =	vst v63;
	v61 =	vmul.f32 $1.000000010e-01, v54  }
0x440: {  	v6 =	vmul.f32 v18, v6;
	[tilespmem:s25+$0xFFFFFFE0] =	vst v22;
	v7 =	vmul.f32 v7, v54  }
0x441: {  	v2 =	vmul.f32 v2, v3;
	v10 =	vsub.f32 $1.500000000e+00, v50;
	v27 =	vadd.f32 $1.000000000e+00, v62;
	[tilespmem:s0+$0x60] =	vst v61  }
0x442: {  	v1 =	vmul.f32 v1, v58;
	v23 =	vsub.f32 $1.500000000e+00, v16;
	v26 =	vmul.f32 v6, v15;
	v28 =	vld [tilespmem:s20+$0xFFFFFFF0];
	[tilespmem:s2+$0x60] =	vst v7  }
0x443: {  	v17 =	vshrl.u32 v27, $0x1;
	v14 =	vmul.f32 $5.000000000e-01, v27;
	v24 =	vld [tilespmem:s29+$0x70];
	v29 =	vmul.f32 $1.000000010e-01, v21  }
0x444: {  	v9 =	vmul.f32 v23, v59;
	v17 =	vsub.s32 $0x5F3759DF, v17;
	v8 =	vmul.f32 v8, v21  }
0x445: {  	v5 =	vmul.f32 v10, v5;
	v1 =	vsub.f32 $1.500000000e+00, v1;
	v30 =	vmul.f32 v17, v14;
	[tilespmem:s0+$0xFFFFFFE0] =	vst v29  }
0x446: {  	v12 =	vmul.f32 v26, v6;
	v11 =	vmul.f32 v9, v11;
	[tilespmem:s2+$0xFFFFFFE0] =	vst v8  }
0x447: {  	v1 =	vmul.f32 v1, v58;
	v4 =	vmul.f32 v17, v30;
	v32 =	vadd.f32 $1.000000000e+00, v28;
	v13 =	vld [tilespmem:s29+$0xFFFFFFF0]  }
0x448: {  	v31 =	vsub.f32 $1.500000000e+00, v12;
	v11 =	vmul.f32 v11, v9;
	v10 =	vadd.f32 $1.000000000e+00, v24  }
0x449: {  	v4 =	vsub.f32 $1.500000000e+00, v4;
	v34 =	vshrl.u32 v32, $0x1;
	v12 =	vmul.f32 $5.000000000e-01, v32  }
0x44a: {  	v18 =	vsub.s32 $0x5F3759DF, v34;
	v33 =	vshrl.u32 v10, $0x1;
	v10 =	vmul.f32 $5.000000000e-01, v10  }
0x44b: {  	v4 =	vmul.f32 v17, v4;
	s3 =	rddreg [dreg:$0x5];
	v36 =	vmul.f32 v18, v12;
	v16 =	vsub.s32 $0x5F3759DF, v33  }
0x44c: {  	v25 =	vmul.f32 $1.000000010e-01, v3;
	[tilespmem:s3+$0xFFFFFFF0] =	vst v1;
	v35 =	vmul.f32 v16, v10;
	v13 =	vadd.f32 $1.000000000e+00, v13  }
0x44d: {  	v11 =	vsub.f32 $1.500000000e+00, v11;
	v39 =	vmul.f32 v4, v14;
	s3 =	rddreg [dreg:$0x3];
	v8 =	vmul.f32 v18, v36  }
0x44e: {  	[tilespmem:s3+$0xFFFFFFF0] =	vst v0;
	v37 =	vmul.f32 v16, v35;
	v38 =	vshrl.u32 v13, $0x1;
	v13 =	vmul.f32 $5.000000000e-01, v13  }
0x44f: {  	v9 =	vmul.f32 v11, v9;
	s3 =	rddreg [dreg:$0x4];
	v8 =	vsub.f32 $1.500000000e+00, v8;
	v17 =	vsub.s32 $0x5F3759DF, v38  }
0x450: {  	v19 =	vmul.f32 v39, v4;
	v41 =	vld [tilespmem:s3+$0xFFFFFFF0];
	v11 =	vsub.f32 $1.500000000e+00, v37;
	v40 =	vmul.f32 v17, v13  }
0x451: {  	v6 =	vmul.f32 v31, v6;
	[tilespmem:s16+$0xFFFFFFF0] =	vst v9;
	v8 =	vmul.f32 v18, v8  }
0x452: {  	[tilespmem:s13+$0xFFFFFFF0] =	vst v0;
	v3 =	vsub.f32 $1.500000000e+00, v19;
	v11 =	vmul.f32 v16, v11;
	v16 =	vmul.f32 v17, v40  }
0x453: {  	v15 =	vmul.f32 v6, v15;
	v44 =	vld [tilespmem:s18+$0xFFFFFFF0];
	v43 =	vmul.f32 v8, v12  }
0x454: {  	v3 =	vmul.f32 v3, v4;
	v42 =	vmul.f32 v11, v10;
	v16 =	vsub.f32 $1.500000000e+00, v16  }
0x455: {  	v46 =	vmul.f32 $1.000000010e-01, v41;
	v45 =	vmul.f32 v43, v8  }
0x456: {  	v18 =	vmul.f32 v42, v11;
	v16 =	vmul.f32 v17, v16  }
0x457: {  	v1 =	vmul.f32 v1, v41;
	v14 =	vmul.f32 v3, v14;
	v4 =	vsub.f32 $1.500000000e+00, v45  }
0x458: {  	[tilespmem:s6+$0xFFFFFFF0] =	vst v25;
	v49 =	vmul.f32 $1.000000010e-01, v44;
	v18 =	vsub.f32 $1.500000000e+00, v18;
	v48 =	vmul.f32 v16, v13  }
0x459: {  	[tilespmem:s5+$0xFFFFFFF0] =	vst v2;
	v2 =	vmul.f32 v14, v3;
	v4 =	vmul.f32 v4, v8  }
0x45a: {  	[tilespmem:s8+$0xFFFFFFF0] =	vst v46;
	v47 =	vmul.f32 v18, v11;
	v11 =	vmul.f32 v48, v16  }
0x45b: {  	[tilespmem:s9+$0xFFFFFFF0] =	vst v1;
	v1 =	vmul.f32 v9, v44;
	v2 =	vsub.f32 $1.500000000e+00, v2  }
0x45c: {  	v51 =	vmul.f32 v15, v6;
	[tilespmem:s14+$0xFFFFFFF0] =	vst v49;
	v50 =	vmul.f32 v4, v12;
	v11 =	vsub.f32 $1.500000000e+00, v11  }
0x45d: {  	[tilespmem:s10+$0xFFFFFFF0] =	vst v1;
	v1 =	vmul.f32 v2, v3;
	v10 =	vmul.f32 v47, v10  }
0x45e: {  	[tilespmem:s15+$0x70] =	vst v5;
	v3 =	vsub.f32 $1.500000000e+00, v51;
	v2 =	vmul.f32 v50, v4;
	v52 =	vmul.f32 v11, v16  }
0x45f: {  	[tilespmem:s12+$0x70] =	vst v0;
	v53 =	vmul.f32 v10, v47  }
0x460: {  	[tilespmem:s15+$0xFFFFFFF0] =	vst v1;
	v3 =	vmul.f32 v3, v6;
	v2 =	vsub.f32 $1.500000000e+00, v2;
	v54 =	vmul.f32 v52, v13  }
0x461: {  	[tilespmem:s12+$0xFFFFFFF0] =	vst v0;
	v9 =	vsub.f32 $1.500000000e+00, v53  }
0x462: {  	[tilespmem:s20+$0x70] =	vst v3;
	v2 =	vmul.f32 v2, v4;
	v55 =	vmul.f32 v54, v52  }
0x463: {  	v56 =	vld [tilespmem:s11+$0x70];
	[tilespmem:s23+$0x70] =	vst v0;
	v7 =	vmul.f32 v9, v47  }
0x464: {  	[tilespmem:s20+$0xFFFFFFF0] =	vst v2;
	v4 =	vsub.f32 $1.500000000e+00, v55  }
0x465: {  	v57 =	vld [tilespmem:s21+$0x70];
	[tilespmem:s29+$0x70] =	vst v7  }
0x466: {  	[tilespmem:s1+$0x70] =	vst v0;
	v4 =	vmul.f32 v4, v52  }
0x467: {  	[tilespmem:s23+$0xFFFFFFF0] =	vst v0;
	v58 =	vld [tilespmem:s22+$0x70]  }
0x468: {  	v59 =	vmul.f32 $1.000000010e-01, v56;
	[tilespmem:s29+$0xFFFFFFF0] =	vst v4  }
0x469: {  	v60 =	vld [tilespmem:s11+$0xFFFFFFF0];
	[tilespmem:s1+$0xFFFFFFF0] =	vst v0;
	v0 =	vmul.f32 v5, v56  }
0x46a: {  	[tilespmem:s17+$0x70] =	vst v59;
	v61 =	vmul.f32 $1.000000010e-01, v57  }
0x46b: {  	v62 =	vld [tilespmem:s21+$0xFFFFFFF0];
	[tilespmem:s19+$0x70] =	vst v0;
	v0 =	vmul.f32 v3, v57  }
0x46c: {  	[tilespmem:s24+$0x70] =	vst v61;
	v3 =	vmul.f32 $1.000000010e-01, v58  }
0x46d: {  	v63 =	vld [tilespmem:s22+$0xFFFFFFF0];
	[tilespmem:s25+$0x70] =	vst v0;
	v0 =	vmul.f32 v7, v58  }
0x46e: {  	[tilespmem:s0+$0x70] =	vst v3;
	v3 =	vmul.f32 $1.000000010e-01, v60  }
0x46f: {  	[tilespmem:s2+$0x70] =	vst v0;
	v0 =	vmul.f32 v1, v60  }
0x470: {  	[tilespmem:s17+$0xFFFFFFF0] =	vst v3;
	v1 =	vmul.f32 $1.000000010e-01, v62  }
0x471: {  	[tilespmem:s19+$0xFFFFFFF0] =	vst v0;
	v0 =	vmul.f32 v2, v62  }
0x472: {  	[tilespmem:s24+$0xFFFFFFF0] =	vst v1;
	v1 =	vmul.f32 $1.000000010e-01, v63  }
0x473: {  	[tilespmem:s25+$0xFFFFFFF0] =	vst v0;
	v0 =	vmul.f32 v4, v63  }
0x474: {  	[tilespmem:s0+$0xFFFFFFF0] =	vst v1  }
0x475: {  	s3 =	simm.s32 $0xC800;
	[tilespmem:s2+$0xFFFFFFF0] =	vst v0  }
0x476: {  	s5 =	simm.s32 $0x1;
	s2 =	simm.s32 $0x5000;
	v0 =	vimm.f32 $0.0e+00;
	[bflag:$0x0] =	sbarrier.arrive $0xFFFF  }
.LBB2_7:
0x477: {  	s0 =	simm.s32 $0x0  }
0x478: {  	v1 =	vld [tilespmem:s0+$0x2870]  }
0x479: {  	v3 =	vld [tilespmem:s0+$0x2840]  }
0x47a: {  	v2 =	vld [tilespmem:s0+$0x70]  }
0x47b: {  	v4 =	vld [tilespmem:s0+$0x60]  }
0x47c: {  	v5 =	vld [tilespmem:s0+$0x2830]  }
0x47d: {  	v6 =	vld [tilespmem:s0+$0x40]  }
0x47e: {  	v7 =	vld [tilespmem:s0+$0x50]  }
0x47f: {  	v8 =	vld [tilespmem:s0+$0x30]  }
0x480: {  	v9 =	vld [tilespmem:s0+$0x20]  }
0x481: {  	v10 =	vld [tilespmem:s0+$0x10]  }
0x482: {  	v11 =	vld [tilespmem:s0+$0x0]  }
0x483: {  	v12 =	vld [tilespmem:s0+$0x2800]  }
0x484: {  	v13 =	vld [tilespmem:s0+$0x2850]  }
0x485: {  	v14 =	vld [tilespmem:s0+$0x2810]  }
0x486: {  	v15 =	vld [tilespmem:s0+$0x2820]  }
0x487: {  	v16 =	vld [tilespmem:s0+$0x2860]  }
0x488: {  	v6 =	vld.idx.msk [tilespmem:v6+s2+$0x0], $0xffff  }
0x489: {  	v9 =	vld.idx.msk [tilespmem:v9+s2+$0x0], $0xffff  }
0x48a: {  	v10 =	vld.idx.msk [tilespmem:v10+s2+$0x0], $0xffff  }
0x48b: {  	v11 =	vld.idx.msk [tilespmem:v11+s2+$0x0], $0xffff  }
0x48c: {  	v4 =	vld.idx.msk [tilespmem:v4+s2+$0x0], $0xffff  }
0x48d: {  	v8 =	vld.idx.msk [tilespmem:v8+s2+$0x0], $0xffff  }
0x48e: {  	v7 =	vld.idx.msk [tilespmem:v7+s2+$0x0], $0xffff  }
0x48f: {  	v2 =	vld.idx.msk [tilespmem:v2+s2+$0x0], $0xffff  }
0x490: {  	[tilespmem:v12+s3+$0x0] =	vst.idx.add.f32.msk $0xffff, v11  }
0x491: {  	[tilespmem:v14+s3+$0x0] =	vst.idx.add.f32.msk $0xffff, v10  }
0x492: {  	[tilespmem:v15+s3+$0x0] =	vst.idx.add.f32.msk $0xffff, v9  }
0x493: {  	[tilespmem:v5+s3+$0x0] =	vst.idx.add.f32.msk $0xffff, v8  }
0x494: {  	[tilespmem:v3+s3+$0x0] =	vst.idx.add.f32.msk $0xffff, v6  }
0x495: {  	[tilespmem:v13+s3+$0x0] =	vst.idx.add.f32.msk $0xffff, v7  }
0x496: {  	s0 =	simm.s32 $0x200;
	[tilespmem:v16+s3+$0x0] =	vst.idx.add.f32.msk $0xffff, v4  }
.LBB2_8:
0x497: {  	s1 =	sshra.s32 s0, $0x2;
	p1 =	sne.s32 s0, $0x9A00;
	s0 =	sadd.s32 $0x200, s0;
	[tilespmem:v1+s3+$0x0] =	vst.idx.add.f32.msk $0xffff, v2  }
0x498: {  	v1 =	vld [tilespmem:s1+$0x2870]  }
0x499: {  	v3 =	vld [tilespmem:s1+$0x2840]  }
0x49a: {  	v2 =	vld [tilespmem:s1+$0x70]  }
0x49b: {  	v4 =	vld [tilespmem:s1+$0x60]  }
0x49c: {  	v5 =	vld [tilespmem:s1+$0x2830]  }
0x49d: {  	v6 =	vld [tilespmem:s1+$0x40]  }
0x49e: {  	v7 =	vld [tilespmem:s1+$0x50]  }
0x49f: {  	v8 =	vld [tilespmem:s1+$0x30]  }
0x4a0: {  	v9 =	vld [tilespmem:s1+$0x20]  }
0x4a1: {  	v10 =	vld [tilespmem:s1+$0x10]  }
0x4a2: {  	v11 =	vld [tilespmem:s1+$0x0]  }
0x4a3: {  	v12 =	vld [tilespmem:s1+$0x2800]  }
0x4a4: {  	v13 =	vld [tilespmem:s1+$0x2850]  }
0x4a5: {  	v6 =	vld.idx.msk [tilespmem:v6+s2+$0x0], $0xffff  }
0x4a6: {  	v14 =	vld [tilespmem:s1+$0x2810]  }
0x4a7: {  	v15 =	vld [tilespmem:s1+$0x2820]  }
0x4a8: {  	v9 =	vld.idx.msk [tilespmem:v9+s2+$0x0], $0xffff  }
0x4a9: {  	v10 =	vld.idx.msk [tilespmem:v10+s2+$0x0], $0xffff  }
0x4aa: {  	v11 =	vld.idx.msk [tilespmem:v11+s2+$0x0], $0xffff  }
0x4ab: {  	v4 =	vld.idx.msk [tilespmem:v4+s2+$0x0], $0xffff  }
0x4ac: {  	v8 =	vld.idx.msk [tilespmem:v8+s2+$0x0], $0xffff  }
0x4ad: {  	v16 =	vld [tilespmem:s1+$0x2860]  }
0x4ae: {  	v7 =	vld.idx.msk [tilespmem:v7+s2+$0x0], $0xffff  }
0x4af: {  	v2 =	vld.idx.msk [tilespmem:v2+s2+$0x0], $0xffff  }
0x4b0: {  	[tilespmem:v12+s3+$0x0] =	vst.idx.add.f32.msk $0xffff, v11  }
0x4b1: {  	[tilespmem:v14+s3+$0x0] =	vst.idx.add.f32.msk $0xffff, v10  }
.Ltmp3:
0x4b2: {  	[tilespmem:v15+s3+$0x0] =	vst.idx.add.f32.msk $0xffff, v9;
	(pc) =	sbr.rel @p1 .LBB2_8-.Ltmp3, $4  }
0x4b3: {  	[tilespmem:v5+s3+$0x0] =	vst.idx.add.f32.msk $0xffff, v8  }
0x4b4: {  	[tilespmem:v3+s3+$0x0] =	vst.idx.add.f32.msk $0xffff, v6  }
0x4b5: {  	[tilespmem:v13+s3+$0x0] =	vst.idx.add.f32.msk $0xffff, v7  }
0x4b6: {  	[tilespmem:v16+s3+$0x0] =	vst.idx.add.f32.msk $0xffff, v4  }
0x4b7: {  	_ =	sdelay $0x3  }
0x4b8: {  	[tilespmem:v1+s3+$0x0] =	vst.idx.add.f32.msk $0xffff, v2  }
0x4b9: {  	v1 =	vld [tilespmem:$0x2700];
	_ =	sdelay $0x4  }
0x4ba: {  	v2 =	vld [tilespmem:$0x4F00];
	_ =	sdelay $0x2  }
0x4bb: {  	v1 =	vld.idx.msk [tilespmem:v1+s2+$0x0], $0xffff;
	_ =	sdelay $0x3  }
0x4bc: {  	s1 =	rddreg [dreg:$0x1]  }
0x4bd: {  	s0 =	simm.s32 $0x50;
	s14 =	simm.s32 $0x14000;
	s15 =	simm.s32 $0x1;
	[tilespmem:v2+s3+$0x0] =	vst.idx.add.f32.msk $0xffff, v1  }
0x4be: {  	[spmem:s1] =	stream.indirect.scatter.add.f32 [tilespmem:s3], [sflag:$0x1], $0x80, s14, s0, $0xb8;
	[tilespmem:$0x14300] =	vst v63  }
0x4bf: {  	_ =	swait.ge [sflag:s15], $0x2800  }
0x4c0: {  	[sflag:s15] =	ssyncset.done $0x0  }
0x4c1: {  	[sflag:s15] =	ssyncadd.s32 $0xFFFFD800  }
0x4c2: {  	[bflag:$0x0] =	sbarrier.arrive $0xFFFF  }
0x4c3: {  	[tilespmem:s3], [sflag:$0x1] =	stream.linear.gather [spmem:s1], $0x2800, $0x38;
	[tilespmem:$0x14300] =	vst v63  }
0x4c4: {  	_ =	swait.ge [sflag:s15], $0x2800  }
0x4c5: {  	[sflag:s15] =	ssyncset.done $0x0  }
0x4c6: {  	[sflag:s15] =	ssyncadd.s32 $0xFFFFD800  }
0x4c7: {  	s0 =	simm.s32 @!p0 $0x11800;
	[bflag:$0x0] =	sbarrier.arrive $0xFFFF  }
0x4c8: {  	[spmem:s1] =	stream.linear.scatter @!p0 [tilespmem:s0], [sflag:$0x1], $0x2800, $0x38;
	[tilespmem:$0x14300] =	vst v63  }
0x4c9: {  	s0 =	simm.s32 @!p0 $0x1  }
0x4ca: {  	_ =	swait.ge @!p0 [sflag:s0], $0x2800  }
0x4cb: {  	[sflag:s0] =	ssyncset.done @!p0 $0x0  }
0x4cc: {  	s10 =	simm.s32 $0xA080;
	[sflag:s0] =	ssyncadd.s32 @!p0 $0xFFFFD800  }
0x4cd: {  	s16 =	simm.s32 $0xC880;
	v2 =	vld [tilespmem:s10+$0x0]  }
0x4ce: {  	s6 =	simm.s32 $0x5080;
	v1 =	vld [tilespmem:s16+$0x0]  }
0x4cf: {  	v3 =	vld [tilespmem:s6+$0x0];
	_ =	sdelay $0x4  }
0x4d0: {  	v4 =	vmul.f32 $8.999999760e-01, v2;
	v1 =	vadd.f32 v3, v1;
	_ =	sdelay $0x1  }
0x4d1: {  	v3 =	vmul.f32 v1, v4  }
0x4d2: {  	s18 =	simm.s32 $0x7880  }
0x4d3: {  	[tilespmem:s18+$0x0] =	vst v3  }
0x4d4: {  	s31 =	simm.s32 $0xF080;
	[dreg:$0x15] =	wrdreg s5  }
0x4d5: {  	p1 =	seq.s32 s5, $0xA;
	s2 =	simm.f32 $1.000000000e+00;
	v4 =	vld [tilespmem:s31+$0x0]  }
0x4d6: {  	s2 =	simm.s32 @!p1 $0x3DCCCCCD  }
0x4d7: {  	v1 =	vmov s2  }
0x4d8: {  	v5 =	vmul.f32 v3, v1;
	_ =	sdelay $0x1  }
0x4d9: {  	v4 =	vadd.f32 v5, v4  }
0x4da: {  	v2 =	vmul.f32 v3, v2  }
0x4db: {  	[tilespmem:s31+$0x0] =	vst v4  }
0x4dc: {  	[tilespmem:s6+$0x0] =	vst v2  }
0x4dd: {  	[tilespmem:s16+$0x0] =	vst v0;
	v3 =	vld [tilespmem:s16+$0x10]  }
0x4de: {  	v2 =	vld [tilespmem:s10+$0x10]  }
0x4df: {  	v4 =	vld [tilespmem:s6+$0x10];
	_ =	sdelay $0x4  }
0x4e0: {  	v5 =	vmul.f32 $8.999999760e-01, v2;
	v3 =	vadd.f32 v4, v3;
	_ =	sdelay $0x1  }
0x4e1: {  	v3 =	vmul.f32 v3, v5;
	_ =	sdelay $0x1  }
0x4e2: {  	[tilespmem:s18+$0x10] =	vst v3  }
0x4e3: {  	v4 =	vld [tilespmem:s31+$0x10];
	_ =	sdelay $0x2  }
0x4e4: {  	v5 =	vmul.f32 v3, v1;
	_ =	sdelay $0x1  }
0x4e5: {  	v4 =	vadd.f32 v5, v4  }
0x4e6: {  	v2 =	vmul.f32 v3, v2  }
0x4e7: {  	[tilespmem:s31+$0x10] =	vst v4  }
0x4e8: {  	[tilespmem:s6+$0x10] =	vst v2  }
0x4e9: {  	[tilespmem:s16+$0x10] =	vst v0;
	v3 =	vld [tilespmem:s16+$0x20]  }
0x4ea: {  	v2 =	vld [tilespmem:s10+$0x20]  }
0x4eb: {  	v4 =	vld [tilespmem:s6+$0x20];
	_ =	sdelay $0x2  }
0x4ec: {  	v6 =	vld [tilespmem:s6+$0xFFFFFF80]  }
0x4ed: {  	v7 =	vld [tilespmem:s10+$0xFFFFFF80]  }
0x4ee: {  	v5 =	vld [tilespmem:s16+$0xFFFFFF80];
	v8 =	vmul.f32 $8.999999760e-01, v2;
	v3 =	vadd.f32 v4, v3;
	_ =	sdelay $0x1  }
0x4ef: {  	v3 =	vmul.f32 v3, v8;
	_ =	sdelay $0x1  }
0x4f0: {  	[tilespmem:s18+$0x20] =	vst v3  }
0x4f1: {  	v4 =	vadd.f32 v6, v5;
	v5 =	vmul.f32 $8.999999760e-01, v7;
	v6 =	vld [tilespmem:s31+$0x20];
	_ =	sdelay $0x1  }
0x4f2: {  	v4 =	vmul.f32 v4, v5  }
0x4f3: {  	v5 =	vmul.f32 v3, v1  }
0x4f4: {  	[tilespmem:s18+$0xFFFFFF80] =	vst v4  }
0x4f5: {  	s26 =	simm.s32 $0xA180;
	v8 =	vld [tilespmem:s31+$0xFFFFFF80];
	v5 =	vadd.f32 v5, v6  }
0x4f6: {  	s4 =	simm.s32 $0xC980;
	v2 =	vmul.f32 v3, v2;
	v3 =	vld [tilespmem:s26+$0x0]  }
0x4f7: {  	s15 =	simm.s32 $0x5180;
	[tilespmem:s31+$0x20] =	vst v5;
	v5 =	vld [tilespmem:s4+$0x0]  }
0x4f8: {  	v6 =	vmul.f32 v4, v1;
	[tilespmem:s6+$0x20] =	vst v2;
	v2 =	vld [tilespmem:s15+$0x0];
	_ =	sdelay $0x1  }
0x4f9: {  	v6 =	vadd.f32 v6, v8;
	[tilespmem:s16+$0x20] =	vst v0;
	v8 =	vld [tilespmem:s16+$0x30]  }
0x4fa: {  	v9 =	vld [tilespmem:s10+$0x30]  }
0x4fb: {  	v4 =	vmul.f32 v4, v7;
	v7 =	vld [tilespmem:s6+$0x30]  }
0x4fc: {  	[tilespmem:s31+$0xFFFFFF80] =	vst v6;
	v6 =	vmul.f32 $8.999999760e-01, v3;
	v2 =	vadd.f32 v2, v5;
	_ =	sdelay $0x1  }
0x4fd: {  	v2 =	vmul.f32 v2, v6  }
0x4fe: {  	s20 =	simm.s32 $0x7980  }
0x4ff: {  	s7 =	simm.s32 $0xF180;
	v6 =	vmul.f32 $8.999999760e-01, v9;
	v7 =	vadd.f32 v7, v8;
	[tilespmem:s20+$0x0] =	vst v2  }
0x500: {  	v8 =	vld [tilespmem:s7+$0x0]  }
0x501: {  	v6 =	vmul.f32 v7, v6;
	_ =	sdelay $0x1  }
0x502: {  	v7 =	vmul.f32 v2, v1;
	[tilespmem:s18+$0x30] =	vst v6  }
0x503: {  	[tilespmem:s6+$0xFFFFFF80] =	vst v4;
	v11 =	vld [tilespmem:s31+$0x30]  }
0x504: {  	v4 =	vld [tilespmem:s16+$0xFFFFFF90];
	[tilespmem:s16+$0xFFFFFF80] =	vst v0;
	v7 =	vadd.f32 v7, v8  }
0x505: {  	v10 =	vld [tilespmem:s6+$0xFFFFFF90];
	v2 =	vmul.f32 v2, v3  }
0x506: {  	v5 =	vld [tilespmem:s10+$0xFFFFFF90];
	v3 =	vmul.f32 v6, v1;
	[tilespmem:s7+$0x0] =	vst v7  }
0x507: {  	[tilespmem:s15+$0x0] =	vst v2  }
0x508: {  	v2 =	vadd.f32 v3, v11;
	[tilespmem:s4+$0x0] =	vst v0  }
0x509: {  	v3 =	vmul.f32 v6, v9;
	v6 =	vld [tilespmem:s26+$0x10]  }
0x50a: {  	[tilespmem:s31+$0x30] =	vst v2;
	v2 =	vld [tilespmem:s4+$0x10]  }
0x50b: {  	v4 =	vadd.f32 v10, v4;
	v8 =	vmul.f32 $8.999999760e-01, v5;
	[tilespmem:s6+$0x30] =	vst v3;
	v3 =	vld [tilespmem:s15+$0x10]  }
0x50c: {  	[tilespmem:s16+$0x30] =	vst v0;
	v9 =	vld [tilespmem:s16+$0x40]  }
0x50d: {  	v4 =	vmul.f32 v4, v8;
	v8 =	vld [tilespmem:s10+$0x40]  }
0x50e: {  	v10 =	vld [tilespmem:s6+$0x40]  }
0x50f: {  	v13 =	vld [tilespmem:s26+$0xFFFFFF80]  }
0x510: {  	v11 =	vld [tilespmem:s4+$0xFFFFFF80];
	[tilespmem:s18+$0xFFFFFF90] =	vst v4;
	v12 =	vmul.f32 $8.999999760e-01, v6;
	v2 =	vadd.f32 v3, v2  }
0x511: {  	v7 =	vld [tilespmem:s31+$0xFFFFFF90]  }
0x512: {  	v3 =	vld [tilespmem:s15+$0xFFFFFF80];
	v2 =	vmul.f32 v2, v12  }
0x513: {  	v12 =	vmul.f32 $8.999999760e-01, v8;
	v9 =	vadd.f32 v10, v9  }
0x514: {  	v10 =	vmul.f32 v4, v1;
	[tilespmem:s20+$0x10] =	vst v2  }
0x515: {  	v9 =	vmul.f32 v9, v12;
	v14 =	vld [tilespmem:s7+$0x10]  }
0x516: {  	v7 =	vadd.f32 v10, v7  }
0x517: {  	v10 =	vmul.f32 $8.999999760e-01, v13;
	v3 =	vadd.f32 v3, v11;
	[tilespmem:s18+$0x40] =	vst v9  }
0x518: {  	v4 =	vmul.f32 v4, v5;
	v5 =	vmul.f32 v2, v1;
	[tilespmem:s31+$0xFFFFFF90] =	vst v7;
	v7 =	vld [tilespmem:s31+$0x40]  }
0x519: {  	v3 =	vmul.f32 v3, v10  }
0x51a: {  	[tilespmem:s6+$0xFFFFFF90] =	vst v4;
	v4 =	vadd.f32 v5, v14  }
0x51b: {  	v2 =	vmul.f32 v2, v6;
	[tilespmem:s20+$0xFFFFFF80] =	vst v3;
	v5 =	vmul.f32 v9, v1  }
0x51c: {  	[tilespmem:s7+$0x10] =	vst v4  }
0x51d: {  	v4 =	vadd.f32 v5, v7;
	[tilespmem:s15+$0x10] =	vst v2  }
0x51e: {  	v2 =	vld [tilespmem:s7+$0xFFFFFF80];
	[tilespmem:s4+$0x10] =	vst v0  }
0x51f: {  	v5 =	vmul.f32 v9, v8;
	[tilespmem:s31+$0x40] =	vst v4;
	v4 =	vld [tilespmem:s4+$0x20]  }
0x520: {  	v6 =	vld [tilespmem:s26+$0x20]  }
0x521: {  	[tilespmem:s6+$0x40] =	vst v5;
	v5 =	vld [tilespmem:s15+$0x20]  }
0x522: {  	v11 =	vld [tilespmem:s16+$0xFFFFFFA0];
	v8 =	vmul.f32 v3, v1;
	[tilespmem:s16+$0x40] =	vst v0  }
0x523: {  	v9 =	vld [tilespmem:s10+$0x50]  }
0x524: {  	v10 =	vld [tilespmem:s6+$0x50];
	v2 =	vadd.f32 v8, v2  }
0x525: {  	[tilespmem:s16+$0xFFFFFF90] =	vst v0;
	v8 =	vld [tilespmem:s16+$0x50]  }
0x526: {  	v7 =	vld [tilespmem:s10+$0xFFFFFFA0];
	v3 =	vmul.f32 v3, v13;
	[tilespmem:s7+$0xFFFFFF80] =	vst v2;
	v2 =	vmul.f32 $8.999999760e-01, v6;
	v4 =	vadd.f32 v5, v4  }
0x527: {  	v5 =	vld [tilespmem:s6+$0xFFFFFFA0]  }
0x528: {  	[tilespmem:s15+$0xFFFFFF80] =	vst v3;
	v2 =	vmul.f32 v4, v2  }
0x529: {  	v3 =	vld [tilespmem:s4+$0xFFFFFF90];
	[tilespmem:s4+$0xFFFFFF80] =	vst v0  }
0x52a: {  	v12 =	vmul.f32 $8.999999760e-01, v9;
	v4 =	vld [tilespmem:s26+$0xFFFFFF90];
	v8 =	vadd.f32 v10, v8;
	[tilespmem:s20+$0x20] =	vst v2  }
0x52b: {  	v10 =	vld [tilespmem:s7+$0x20]  }
0x52c: {  	v13 =	vmul.f32 $8.999999760e-01, v7;
	v5 =	vadd.f32 v5, v11;
	v11 =	vld [tilespmem:s15+$0xFFFFFF90];
	v8 =	vmul.f32 v8, v12;
	_ =	sdelay $0x1  }
0x52d: {  	v12 =	vmul.f32 v2, v1;
	v5 =	vmul.f32 v5, v13;
	[tilespmem:s18+$0x50] =	vst v8  }
0x52e: {  	v13 =	vld [tilespmem:s31+$0x50]  }
0x52f: {  	[tilespmem:s18+$0xFFFFFFA0] =	vst v5;
	v10 =	vadd.f32 v12, v10  }
0x530: {  	s8 =	simm.s32 $0xA280;
	v2 =	vmul.f32 v2, v6;
	v14 =	vmul.f32 $8.999999760e-01, v4;
	v12 =	vld [tilespmem:s31+$0xFFFFFFA0];
	v3 =	vadd.f32 v11, v3  }
0x531: {  	s17 =	simm.s32 $0xCA80;
	v6 =	vmul.f32 v8, v1;
	v11 =	vld [tilespmem:s8+$0x0];
	[tilespmem:s7+$0x20] =	vst v10  }
0x532: {  	s28 =	simm.s32 $0x5280;
	v3 =	vmul.f32 v3, v14;
	v10 =	vld [tilespmem:s17+$0x0];
	[tilespmem:s15+$0x20] =	vst v2  }
0x533: {  	v2 =	vadd.f32 v6, v13;
	v6 =	vld [tilespmem:s28+$0x0];
	[tilespmem:s4+$0x20] =	vst v0  }
0x534: {  	v8 =	vmul.f32 v8, v9;
	v13 =	vmul.f32 v5, v1;
	[tilespmem:s20+$0xFFFFFF90] =	vst v3;
	v9 =	vld [tilespmem:s26+$0x30]  }
0x535: {  	[tilespmem:s31+$0x50] =	vst v2;
	v2 =	vld [tilespmem:s4+$0x30]  }
0x536: {  	v12 =	vadd.f32 v13, v12;
	[tilespmem:s6+$0x50] =	vst v8;
	v8 =	vld [tilespmem:s15+$0x30]  }
0x537: {  	v5 =	vmul.f32 v5, v7;
	v7 =	vld [tilespmem:s7+$0xFFFFFF90];
	[tilespmem:s16+$0x50] =	vst v0  }
0x538: {  	v13 =	vmul.f32 $8.999999760e-01, v11;
	[tilespmem:s31+$0xFFFFFFA0] =	vst v12;
	v12 =	vld [tilespmem:s10+$0x60];
	v6 =	vadd.f32 v6, v10  }
0x539: {  	[tilespmem:s6+$0xFFFFFFA0] =	vst v5;
	v5 =	vld [tilespmem:s16+$0x60]  }
0x53a: {  	v15 =	vmul.f32 v3, v1;
	v10 =	vld [tilespmem:s6+$0x60];
	v6 =	vmul.f32 v6, v13  }
0x53b: {  	s23 =	simm.s32 $0x7A80;
	v3 =	vmul.f32 v3, v4;
	v4 =	vld [tilespmem:s17+$0xFFFFFF80];
	v14 =	vmul.f32 $8.999999760e-01, v9;
	v2 =	vadd.f32 v8, v2  }
0x53c: {  	s24 =	simm.s32 $0xF280;
	v13 =	vld [tilespmem:s16+$0xFFFFFFB0];
	[tilespmem:s23+$0x0] =	vst v6  }
0x53d: {  	[tilespmem:s16+$0xFFFFFFA0] =	vst v0;
	v16 =	vld [tilespmem:s24+$0x0];
	v2 =	vmul.f32 v2, v14  }
0x53e: {  	v7 =	vadd.f32 v15, v7;
	v8 =	vld [tilespmem:s10+$0xFFFFFFB0]  }
0x53f: {  	v14 =	vld [tilespmem:s6+$0xFFFFFFB0];
	v15 =	vmul.f32 $8.999999760e-01, v12;
	v5 =	vadd.f32 v10, v5;
	[tilespmem:s20+$0x30] =	vst v2  }
0x540: {  	[tilespmem:s7+$0xFFFFFF90] =	vst v7;
	v7 =	vmul.f32 v6, v1;
	v10 =	vld [tilespmem:s7+$0x30]  }
0x541: {  	[tilespmem:s15+$0xFFFFFF90] =	vst v3;
	v3 =	vld [tilespmem:s28+$0xFFFFFF80];
	v5 =	vmul.f32 v5, v15  }
0x542: {  	[tilespmem:s4+$0xFFFFFF90] =	vst v0;
	v15 =	vld [tilespmem:s8+$0xFFFFFF80];
	v7 =	vadd.f32 v7, v16  }
0x543: {  	v6 =	vmul.f32 v6, v11;
	v11 =	vmul.f32 v2, v1;
	[tilespmem:s18+$0x60] =	vst v5;
	v16 =	vld [tilespmem:s26+$0xFFFFFFA0]  }
0x544: {  	v17 =	vld [tilespmem:s31+$0x60];
	[tilespmem:s24+$0x0] =	vst v7  }
0x545: {  	v7 =	vld [tilespmem:s4+$0xFFFFFFA0];
	[tilespmem:s28+$0x0] =	vst v6;
	v6 =	vadd.f32 v11, v10  }
0x546: {  	v2 =	vmul.f32 v2, v9;
	v10 =	vmul.f32 $8.999999760e-01, v8;
	v11 =	vadd.f32 v14, v13;
	v13 =	vld [tilespmem:s15+$0xFFFFFFA0];
	[tilespmem:s17+$0x0] =	vst v0  }
0x547: {  	v9 =	vmul.f32 v5, v1;
	v14 =	vld [tilespmem:s8+$0x10];
	[tilespmem:s7+$0x30] =	vst v6  }
0x548: {  	v6 =	vmul.f32 v11, v10;
	v10 =	vld [tilespmem:s17+$0x10];
	[tilespmem:s15+$0x30] =	vst v2  }
0x549: {  	v2 =	vadd.f32 v9, v17;
	v9 =	vld [tilespmem:s28+$0x10];
	[tilespmem:s4+$0x30] =	vst v0  }
0x54a: {  	v5 =	vmul.f32 v5, v12;
	[tilespmem:s18+$0xFFFFFFB0] =	vst v6;
	v11 =	vld [tilespmem:s26+$0x40]  }
0x54b: {  	v3 =	vadd.f32 v3, v4;
	v4 =	vmul.f32 $8.999999760e-01, v15;
	[tilespmem:s31+$0x60] =	vst v2;
	v2 =	vld [tilespmem:s4+$0x40]  }
0x54c: {  	[tilespmem:s6+$0x60] =	vst v5;
	v5 =	vld [tilespmem:s15+$0x40]  }
0x54d: {  	v3 =	vmul.f32 v3, v4;
	v12 =	vld [tilespmem:s31+$0xFFFFFFB0]  }
0x54e: {  	v7 =	vadd.f32 v13, v7;
	[tilespmem:s16+$0x60] =	vst v0;
	v17 =	vmul.f32 $8.999999760e-01, v14;
	v13 =	vld [tilespmem:s16+$0x70];
	v9 =	vadd.f32 v9, v10  }
0x54f: {  	v4 =	vld [tilespmem:s10+$0x70];
	v10 =	vmul.f32 $8.999999760e-01, v16  }
0x550: {  	[tilespmem:s23+$0xFFFFFF80] =	vst v3;
	v18 =	vmul.f32 v6, v1;
	v19 =	vld [tilespmem:s6+$0x70];
	v9 =	vmul.f32 v9, v17  }
0x551: {  	v7 =	vmul.f32 v7, v10;
	v10 =	vld [tilespmem:s24+$0xFFFFFF80];
	v17 =	vmul.f32 $8.999999760e-01, v11;
	v2 =	vadd.f32 v5, v2  }
0x552: {  	v5 =	vadd.f32 v18, v12;
	[tilespmem:s23+$0x10] =	vst v9  }
0x553: {  	[tilespmem:s20+$0xFFFFFFA0] =	vst v7;
	v12 =	vld [tilespmem:s24+$0x10];
	v2 =	vmul.f32 v2, v17  }
0x554: {  	v6 =	vmul.f32 v6, v8;
	v8 =	vmul.f32 v3, v1;
	[tilespmem:s31+$0xFFFFFFB0] =	vst v5  }
0x555: {  	v5 =	vmul.f32 $8.999999760e-01, v4;
	v13 =	vadd.f32 v19, v13;
	[tilespmem:s20+$0x40] =	vst v2  }
0x556: {  	[tilespmem:s6+$0xFFFFFFB0] =	vst v6;
	v6 =	vadd.f32 v8, v10;
	v8 =	vmul.f32 v9, v1;
	v10 =	vld [tilespmem:s7+$0x40]  }
0x557: {  	[tilespmem:s16+$0xFFFFFFB0] =	vst v0;
	v5 =	vmul.f32 v13, v5  }
0x558: {  	[tilespmem:s24+$0xFFFFFF80] =	vst v6;
	v6 =	vadd.f32 v8, v12  }
0x559: {  	v9 =	vmul.f32 v9, v14;
	v14 =	vld [tilespmem:s6+$0xFFFFFFC0];
	[tilespmem:s18+$0x70] =	vst v5;
	v12 =	vmul.f32 v2, v1  }
0x55a: {  	v13 =	vld [tilespmem:s31+$0x70];
	[tilespmem:s24+$0x10] =	vst v6  }
0x55b: {  	v8 =	vld [tilespmem:s7+$0xFFFFFFA0];
	[tilespmem:s28+$0x10] =	vst v9;
	v9 =	vadd.f32 v12, v10  }
0x55c: {  	v3 =	vmul.f32 v3, v15;
	v6 =	vld [tilespmem:s10+$0xFFFFFFC0];
	[tilespmem:s17+$0x10] =	vst v0  }
0x55d: {  	v2 =	vmul.f32 v2, v11;
	v11 =	vmul.f32 v5, v1;
	[tilespmem:s7+$0x40] =	vst v9;
	v9 =	vld [tilespmem:s8+$0x20]  }
0x55e: {  	[tilespmem:s28+$0xFFFFFF80] =	vst v3;
	v12 =	vld [tilespmem:s28+$0x20]  }
0x55f: {  	v11 =	vadd.f32 v11, v13;
	[tilespmem:s15+$0x40] =	vst v2;
	v2 =	vld [tilespmem:s17+$0x20]  }
0x560: {  	v3 =	vmul.f32 v5, v4;
	[tilespmem:s4+$0x40] =	vst v0;
	v5 =	vld [tilespmem:s4+$0x50]  }
0x561: {  	[tilespmem:s31+$0x70] =	vst v11;
	v4 =	vld [tilespmem:s26+$0x50]  }
0x562: {  	v11 =	vmul.f32 v7, v1;
	[tilespmem:s6+$0x70] =	vst v3;
	v3 =	vld [tilespmem:s15+$0x50]  }
0x563: {  	v10 =	vld [tilespmem:s16+$0xFFFFFFC0]  }
0x564: {  	[tilespmem:s17+$0xFFFFFF80] =	vst v0;
	v13 =	vld [tilespmem:s17+$0xFFFFFF90];
	v8 =	vadd.f32 v11, v8;
	v11 =	vmul.f32 $8.999999760e-01, v9;
	v2 =	vadd.f32 v12, v2  }
0x565: {  	v7 =	vmul.f32 v7, v16;
	v12 =	vld [tilespmem:s8+$0xFFFFFF90]  }
0x566: {  	[tilespmem:s7+$0xFFFFFFA0] =	vst v8;
	v8 =	vld [tilespmem:s28+$0xFFFFFF90];
	v2 =	vmul.f32 v2, v11  }
0x567: {  	[tilespmem:s15+$0xFFFFFFA0] =	vst v7;
	v7 =	vmul.f32 $8.999999760e-01, v4;
	v3 =	vadd.f32 v3, v5  }
0x568: {  	v10 =	vadd.f32 v14, v10;
	v5 =	vmul.f32 $8.999999760e-01, v6;
	[tilespmem:s23+$0x20] =	vst v2  }
0x569: {  	[tilespmem:s16+$0x70] =	vst v0;
	v3 =	vmul.f32 v3, v7;
	v11 =	vld [tilespmem:s24+$0x20]  }
0x56a: {  	[tilespmem:s4+$0xFFFFFFA0] =	vst v0;
	v7 =	vld [tilespmem:s4+$0xFFFFFFB0];
	v5 =	vmul.f32 v10, v5  }
0x56b: {  	v10 =	vld [tilespmem:s26+$0xFFFFFFB0];
	v14 =	vmul.f32 $8.999999760e-01, v12;
	v8 =	vadd.f32 v8, v13;
	[tilespmem:s20+$0x50] =	vst v3  }
0x56c: {  	v13 =	vmul.f32 v2, v1;
	[tilespmem:s18+$0xFFFFFFC0] =	vst v5;
	v15 =	vld [tilespmem:s7+$0x50]  }
0x56d: {  	v16 =	vld [tilespmem:s15+$0xFFFFFFB0];
	v8 =	vmul.f32 v8, v14  }
0x56e: {  	s5 =	simm.s32 $0xA380;
	v14 =	vld [tilespmem:s31+$0xFFFFFFC0];
	v11 =	vadd.f32 v13, v11  }
0x56f: {  	s14 =	simm.s32 $0xCB80;
	v2 =	vmul.f32 v2, v9;
	v9 =	vmul.f32 v3, v1;
	[tilespmem:s23+$0xFFFFFF90] =	vst v8;
	v13 =	vld [tilespmem:s5+$0x0]  }
0x570: {  	s19 =	simm.s32 $0x5380;
	[tilespmem:s24+$0x20] =	vst v11;
	v11 =	vld [tilespmem:s14+$0x0]  }
0x571: {  	[tilespmem:s28+$0x20] =	vst v2;
	v2 =	vadd.f32 v9, v15;
	v9 =	vld [tilespmem:s19+$0x0]  }
0x572: {  	v15 =	vld [tilespmem:s24+$0xFFFFFF90];
	[tilespmem:s17+$0x20] =	vst v0  }
0x573: {  	v3 =	vmul.f32 v3, v4;
	v4 =	vld [tilespmem:s8+$0x30]  }
0x574: {  	[tilespmem:s7+$0x50] =	vst v2;
	v2 =	vld [tilespmem:s17+$0x30]  }
0x575: {  	v17 =	vld [tilespmem:s28+$0x30];
	[tilespmem:s15+$0x50] =	vst v3  }
0x576: {  	v3 =	vmul.f32 v5, v1;
	[tilespmem:s4+$0x50] =	vst v0  }
0x577: {  	v19 =	vmul.f32 $8.999999760e-01, v13;
	v18 =	vld [tilespmem:s26+$0x60];
	v9 =	vadd.f32 v9, v11  }
0x578: {  	v11 =	vmul.f32 v8, v1;
	v3 =	vadd.f32 v3, v14;
	v14 =	vld [tilespmem:s4+$0x60]  }
0x579: {  	v20 =	vld [tilespmem:s15+$0x60];
	v9 =	vmul.f32 v9, v19  }
0x57a: {  	s30 =	simm.s32 $0x7B80;
	[tilespmem:s31+$0xFFFFFFC0] =	vst v3;
	v3 =	vadd.f32 v11, v15;
	v11 =	vmul.f32 $8.999999760e-01, v4;
	v2 =	vadd.f32 v17, v2  }
0x57b: {  	s21 =	simm.s32 $0xF380;
	v5 =	vmul.f32 v5, v6;
	v6 =	vld [tilespmem:s5+$0xFFFFFF80];
	v8 =	vmul.f32 v8, v12;
	[tilespmem:s30+$0x0] =	vst v9  }
0x57c: {  	v7 =	vadd.f32 v16, v7;
	v12 =	vmul.f32 $8.999999760e-01, v10;
	[tilespmem:s24+$0xFFFFFF90] =	vst v3;
	v2 =	vmul.f32 v2, v11;
	v3 =	vld [tilespmem:s21+$0x0]  }
0x57d: {  	v11 =	vld [tilespmem:s19+$0xFFFFFF80];
	[tilespmem:s28+$0xFFFFFF90] =	vst v8  }
0x57e: {  	v7 =	vmul.f32 v7, v12;
	v8 =	vld [tilespmem:s14+$0xFFFFFF80];
	v12 =	vmul.f32 $8.999999760e-01, v18;
	v14 =	vadd.f32 v20, v14;
	[tilespmem:s23+$0x30] =	vst v2  }
0x57f: {  	[tilespmem:s6+$0xFFFFFFC0] =	vst v5;
	v15 =	vmul.f32 v9, v1;
	v16 =	vld [tilespmem:s24+$0x30]  }
0x580: {  	v20 =	vld [tilespmem:s16+$0xFFFFFFD0];
	[tilespmem:s17+$0xFFFFFF90] =	vst v0;
	v12 =	vmul.f32 v14, v12  }
0x581: {  	[tilespmem:s20+$0xFFFFFFB0] =	vst v7;
	v5 =	vld [tilespmem:s8+$0xFFFFFFA0];
	v3 =	vadd.f32 v15, v3  }
0x582: {  	v9 =	vmul.f32 v9, v13;
	v14 =	vld [tilespmem:s17+$0xFFFFFFA0];
	[tilespmem:s20+$0x60] =	vst v12;
	v15 =	vmul.f32 v2, v1  }
0x583: {  	v13 =	vld [tilespmem:s28+$0xFFFFFFA0];
	[tilespmem:s21+$0x0] =	vst v3  }
0x584: {  	v15 =	vadd.f32 v15, v16;
	[tilespmem:s19+$0x0] =	vst v9;
	v9 =	vld [tilespmem:s7+$0x60]  }
0x585: {  	v2 =	vmul.f32 v2, v4;
	[tilespmem:s14+$0x0] =	vst v0;
	v4 =	vld [tilespmem:s14+$0x10]  }
0x586: {  	[tilespmem:s24+$0x30] =	vst v15;
	v16 =	vld [tilespmem:s5+$0x10]  }
0x587: {  	[tilespmem:s28+$0x30] =	vst v2;
	v2 =	vld [tilespmem:s19+$0x10]  }
0x588: {  	v17 =	vmul.f32 v12, v1;
	v3 =	vld [tilespmem:s7+$0xFFFFFFB0];
	[tilespmem:s17+$0x30] =	vst v0  }
0x589: {  	v8 =	vadd.f32 v11, v8;
	v11 =	vmul.f32 $8.999999760e-01, v6;
	v19 =	vld [tilespmem:s8+$0x40]  }
0x58a: {  	v12 =	vmul.f32 v12, v18;
	v18 =	vld [tilespmem:s28+$0x40];
	v9 =	vadd.f32 v17, v9  }
0x58b: {  	[tilespmem:s16+$0xFFFFFFC0] =	vst v0;
	v8 =	vmul.f32 v8, v11;
	v17 =	vld [tilespmem:s17+$0x40]  }
0x58c: {  	v11 =	vadd.f32 v13, v14;
	v13 =	vld [tilespmem:s6+$0xFFFFFFD0];
	[tilespmem:s7+$0x60] =	vst v9;
	v9 =	vmul.f32 $8.999999760e-01, v16;
	v2 =	vadd.f32 v2, v4  }
0x58d: {  	v15 =	vld [tilespmem:s10+$0xFFFFFFD0];
	v4 =	vmul.f32 $8.999999760e-01, v5  }
0x58e: {  	[tilespmem:s15+$0x60] =	vst v12;
	v12 =	vmul.f32 v7, v1;
	v2 =	vmul.f32 v2, v9  }
0x58f: {  	[tilespmem:s30+$0xFFFFFF80] =	vst v8;
	v9 =	vmul.f32 v11, v4  }
0x590: {  	v11 =	vld [tilespmem:s21+$0xFFFFFF80];
	v4 =	vmul.f32 $8.999999760e-01, v19;
	v3 =	vadd.f32 v12, v3;
	v12 =	vadd.f32 v18, v17;
	[tilespmem:s30+$0x10] =	vst v2  }
0x591: {  	v7 =	vmul.f32 v7, v10;
	[tilespmem:s23+$0xFFFFFFA0] =	vst v9  }
0x592: {  	v13 =	vadd.f32 v13, v20;
	v14 =	vmul.f32 $8.999999760e-01, v15;
	v10 =	vld [tilespmem:s21+$0x10];
	[tilespmem:s7+$0xFFFFFFB0] =	vst v3;
	v3 =	vmul.f32 v12, v4  }
0x593: {  	v12 =	vmul.f32 v8, v1;
	[tilespmem:s15+$0xFFFFFFB0] =	vst v7  }
0x594: {  	v7 =	vmul.f32 v13, v14;
	[tilespmem:s23+$0x40] =	vst v3  }
0x595: {  	v13 =	vmul.f32 v2, v1;
	v14 =	vld [tilespmem:s24+$0xFFFFFFA0];
	[tilespmem:s4+$0xFFFFFFB0] =	vst v0;
	v11 =	vadd.f32 v12, v11  }
0x596: {  	v6 =	vmul.f32 v8, v6;
	v12 =	vld [tilespmem:s24+$0x40];
	[tilespmem:s18+$0xFFFFFFD0] =	vst v7  }
0x597: {  	v8 =	vld [tilespmem:s15+$0xFFFFFFC0];
	[tilespmem:s21+$0xFFFFFF80] =	vst v11;
	v10 =	vadd.f32 v13, v10  }
0x598: {  	v2 =	vmul.f32 v2, v16;
	v11 =	vld [tilespmem:s4+$0xFFFFFFC0];
	[tilespmem:s19+$0xFFFFFF80] =	vst v6  }
0x599: {  	v16 =	vmul.f32 v3, v1;
	v13 =	vld [tilespmem:s26+$0xFFFFFFC0];
	[tilespmem:s21+$0x10] =	vst v10  }
0x59a: {  	[tilespmem:s19+$0x10] =	vst v2;
	v2 =	vld [tilespmem:s31+$0xFFFFFFD0]  }
0x59b: {  	[tilespmem:s14+$0xFFFFFF80] =	vst v0;
	v10 =	vadd.f32 v16, v12;
	v12 =	vld [tilespmem:s14+$0xFFFFFF90]  }
0x59c: {  	v5 =	vmul.f32 v9, v5;
	v16 =	vmul.f32 v9, v1;
	v9 =	vld [tilespmem:s5+$0xFFFFFF90]  }
0x59d: {  	[tilespmem:s14+$0x10] =	vst v0;
	v8 =	vadd.f32 v8, v11;
	v11 =	vld [tilespmem:s19+$0xFFFFFF90]  }
0x59e: {  	v3 =	vmul.f32 v3, v19;
	v6 =	vld [tilespmem:s5+$0x20]  }
0x59f: {  	[tilespmem:s24+$0x40] =	vst v10;
	v10 =	vld [tilespmem:s14+$0x20]  }
0x5a0: {  	[tilespmem:s28+$0x40] =	vst v3;
	v3 =	vld [tilespmem:s19+$0x20]  }
0x5a1: {  	[tilespmem:s17+$0x40] =	vst v0;
	v18 =	vld [tilespmem:s17+$0x50]  }
0x5a2: {  	v20 =	vmul.f32 v7, v1;
	v14 =	vadd.f32 v16, v14;
	v17 =	vld [tilespmem:s8+$0x50]  }
0x5a3: {  	s13 =	simm.s32 $0xA480;
	[tilespmem:s4+$0x60] =	vst v0;
	v16 =	vld [tilespmem:s28+$0x50]  }
0x5a4: {  	s22 =	simm.s32 $0xCC80;
	v21 =	vld [tilespmem:s13+$0x0];
	[tilespmem:s24+$0xFFFFFFA0] =	vst v14;
	v2 =	vadd.f32 v20, v2  }
0x5a5: {  	v22 =	vld [tilespmem:s22+$0x0];
	[tilespmem:s28+$0xFFFFFFA0] =	vst v5;
	v19 =	vmul.f32 $8.999999760e-01, v6;
	v3 =	vadd.f32 v3, v10  }
0x5a6: {  	v4 =	vld [tilespmem:s26+$0x70];
	v7 =	vmul.f32 v7, v15;
	[tilespmem:s31+$0xFFFFFFD0] =	vst v2;
	v2 =	vmul.f32 $8.999999760e-01, v9  }
0x5a7: {  	v14 =	vld [tilespmem:s4+$0x70];
	[tilespmem:s17+$0xFFFFFFA0] =	vst v0;
	v11 =	vadd.f32 v11, v12;
	v10 =	vmul.f32 $8.999999760e-01, v13;
	v5 =	vmul.f32 v3, v19  }
0x5a8: {  	[tilespmem:s6+$0xFFFFFFD0] =	vst v7;
	v19 =	vld [tilespmem:s15+$0x70];
	v20 =	vmul.f32 $8.999999760e-01, v17;
	v16 =	vadd.f32 v16, v18  }
0x5a9: {  	v11 =	vmul.f32 v11, v2;
	v8 =	vmul.f32 v8, v10;
	v10 =	vld [tilespmem:s17+$0xFFFFFFB0];
	[tilespmem:s30+$0x20] =	vst v5  }
0x5aa: {  	[tilespmem:s16+$0xFFFFFFD0] =	vst v0;
	v12 =	vmul.f32 v16, v20;
	v15 =	vld [tilespmem:s21+$0x20]  }
0x5ab: {  	v3 =	vld [tilespmem:s8+$0xFFFFFFB0];
	[tilespmem:s30+$0xFFFFFF90] =	vst v11  }
0x5ac: {  	v23 =	vmul.f32 v11, v1;
	v9 =	vmul.f32 v11, v9;
	v11 =	vld [tilespmem:s6+$0xFFFFFFE0];
	[tilespmem:s23+$0x50] =	vst v12  }
0x5ad: {  	v2 =	vmul.f32 v5, v1;
	v18 =	vld [tilespmem:s24+$0x50]  }
0x5ae: {  	v16 =	vld [tilespmem:s28+$0xFFFFFFB0]  }
0x5af: {  	[tilespmem:s20+$0xFFFFFFC0] =	vst v8;
	v20 =	vld [tilespmem:s16+$0xFFFFFFE0];
	v2 =	vadd.f32 v2, v15  }
0x5b0: {  	v5 =	vmul.f32 v5, v6;
	v7 =	vld [tilespmem:s7+$0xFFFFFFC0];
	v6 =	vmul.f32 v12, v1  }
0x5b1: {  	s9 =	simm.s32 $0x5480;
	v15 =	vld [tilespmem:s21+$0xFFFFFF90];
	[tilespmem:s21+$0x20] =	vst v2  }
0x5b2: {  	v2 =	vadd.f32 v6, v18;
	[tilespmem:s19+$0x20] =	vst v5;
	v5 =	vld [tilespmem:s9+$0x0]  }
0x5b3: {  	v6 =	vmul.f32 v12, v17;
	[tilespmem:s14+$0x20] =	vst v0;
	v17 =	vld [tilespmem:s14+$0x30]  }
0x5b4: {  	v18 =	vmul.f32 v8, v1;
	[tilespmem:s24+$0x50] =	vst v2;
	v12 =	vld [tilespmem:s5+$0x30]  }
0x5b5: {  	[tilespmem:s28+$0x50] =	vst v6;
	v6 =	vld [tilespmem:s19+$0x30]  }
0x5b6: {  	v10 =	vadd.f32 v16, v10;
	v16 =	vld [tilespmem:s22+$0xFFFFFF80];
	v7 =	vadd.f32 v18, v7;
	[tilespmem:s17+$0x50] =	vst v0  }
0x5b7: {  	v24 =	vmul.f32 $8.999999760e-01, v21;
	v15 =	vadd.f32 v23, v15;
	v18 =	vld [tilespmem:s8+$0x60];
	v5 =	vadd.f32 v5, v22  }
0x5b8: {  	v8 =	vmul.f32 v8, v13;
	[tilespmem:s7+$0xFFFFFFC0] =	vst v7;
	v7 =	vld [tilespmem:s28+$0x60]  }
0x5b9: {  	[tilespmem:s21+$0xFFFFFF90] =	vst v15;
	v22 =	vld [tilespmem:s17+$0x60];
	v5 =	vmul.f32 v5, v24  }
0x5ba: {  	s11 =	simm.s32 $0x7C80;
	v13 =	vld [tilespmem:s13+$0xFFFFFF80];
	[tilespmem:s15+$0xFFFFFFC0] =	vst v8;
	v15 =	vmul.f32 $8.999999760e-01, v12;
	v6 =	vadd.f32 v6, v17  }
0x5bb: {  	s0 =	simm.s32 $0xF480;
	v2 =	vld [tilespmem:s10+$0xFFFFFFE0];
	[tilespmem:s11+$0x0] =	vst v5  }
0x5bc: {  	[tilespmem:s19+$0xFFFFFF90] =	vst v9;
	v17 =	vmul.f32 $8.999999760e-01, v3;
	v6 =	vmul.f32 v6, v15;
	v9 =	vld [tilespmem:s0+$0x0]  }
0x5bd: {  	v54 =	vld [tilespmem:s4+$0xFFFFFFD0]  }
0x5be: {  	v8 =	vld [tilespmem:s14+$0xFFFFFFA0];
	v10 =	vmul.f32 v10, v17;
	v17 =	vmul.f32 $8.999999760e-01, v18;
	v7 =	vadd.f32 v7, v22;
	[tilespmem:s30+$0x30] =	vst v6  }
0x5bf: {  	[tilespmem:s14+$0xFFFFFF90] =	vst v0;
	v22 =	vmul.f32 v5, v1;
	v23 =	vld [tilespmem:s21+$0x30]  }
0x5c0: {  	[tilespmem:s4+$0xFFFFFFC0] =	vst v0;
	v53 =	vld [tilespmem:s5+$0xFFFFFFA0];
	v7 =	vmul.f32 v7, v17  }
0x5c1: {  	v15 =	vld [tilespmem:s9+$0xFFFFFF80];
	[tilespmem:s23+$0xFFFFFFB0] =	vst v10;
	v9 =	vadd.f32 v22, v9  }
0x5c2: {  	v5 =	vmul.f32 v5, v21;
	v21 =	vmul.f32 v6, v1;
	v17 =	vld [tilespmem:s19+$0xFFFFFFA0];
	[tilespmem:s23+$0x60] =	vst v7  }
0x5c3: {  	v6 =	vmul.f32 v6, v12;
	v22 =	vld [tilespmem:s24+$0xFFFFFFB0];
	[tilespmem:s0+$0x0] =	vst v9  }
0x5c4: {  	v12 =	vadd.f32 v19, v14;
	v25 =	vld [tilespmem:s24+$0x60];
	v9 =	vmul.f32 $8.999999760e-01, v4;
	[tilespmem:s9+$0x0] =	vst v5;
	v5 =	vadd.f32 v21, v23  }
0x5c5: {  	v21 =	vld [tilespmem:s26+$0xFFFFFFD0];
	[tilespmem:s22+$0x0] =	vst v0  }
0x5c6: {  	v11 =	vadd.f32 v11, v20;
	v19 =	vld [tilespmem:s22+$0x10];
	v9 =	vmul.f32 v12, v9;
	[tilespmem:s21+$0x30] =	vst v5;
	v5 =	vmul.f32 $8.999999760e-01, v2  }
0x5c7: {  	v12 =	vld [tilespmem:s9+$0x10];
	[tilespmem:s19+$0x30] =	vst v6;
	v6 =	vmul.f32 v7, v1;
	v7 =	vmul.f32 v7, v18  }
0x5c8: {  	v8 =	vadd.f32 v17, v8;
	v14 =	vld [tilespmem:s13+$0x10];
	v18 =	vmul.f32 $8.999999760e-01, v53;
	[tilespmem:s14+$0x30] =	vst v0;
	v20 =	vmul.f32 v11, v5  }
0x5c9: {  	[tilespmem:s20+$0x70] =	vst v9;
	v23 =	vld [tilespmem:s5+$0x40];
	v5 =	vadd.f32 v6, v25  }
0x5ca: {  	v11 =	vadd.f32 v15, v16;
	v15 =	vmul.f32 $8.999999760e-01, v13;
	v6 =	vld [tilespmem:s14+$0x40];
	v18 =	vmul.f32 v8, v18;
	[tilespmem:s18+$0xFFFFFFE0] =	vst v20  }
0x5cb: {  	v16 =	vld [tilespmem:s19+$0x40];
	[tilespmem:s24+$0x60] =	vst v5  }
0x5cc: {  	v11 =	vmul.f32 v11, v15;
	v15 =	vld [tilespmem:s15+$0xFFFFFFD0];
	v17 =	vadd.f32 v12, v19;
	v19 =	vmul.f32 v10, v1;
	[tilespmem:s30+$0xFFFFFFA0] =	vst v18  }
0x5cd: {  	[tilespmem:s28+$0x60] =	vst v7;
	v7 =	vmul.f32 $8.999999760e-01, v14  }
0x5ce: {  	v12 =	vld [tilespmem:s7+$0x70];
	[tilespmem:s11+$0xFFFFFF80] =	vst v11;
	v8 =	vadd.f32 v19, v22  }
0x5cf: {  	[tilespmem:s17+$0x60] =	vst v0;
	v19 =	vld [tilespmem:s0+$0xFFFFFF80];
	v17 =	vmul.f32 v17, v7  }
0x5d0: {  	v3 =	vmul.f32 v10, v3;
	v5 =	vld [tilespmem:s8+$0x70];
	v22 =	vmul.f32 $8.999999760e-01, v23;
	v6 =	vadd.f32 v16, v6;
	[tilespmem:s24+$0xFFFFFFB0] =	vst v8  }
0x5d1: {  	v10 =	vmul.f32 $8.999999760e-01, v21;
	v7 =	vld [tilespmem:s17+$0x70];
	v15 =	vadd.f32 v15, v54;
	[tilespmem:s11+$0x10] =	vst v17  }
0x5d2: {  	v6 =	vmul.f32 v6, v22;
	v22 =	vmul.f32 v11, v1;
	[tilespmem:s28+$0xFFFFFFB0] =	vst v3;
	v16 =	vld [tilespmem:s0+$0x10]  }
0x5d3: {  	v8 =	vld [tilespmem:s28+$0x70];
	v3 =	vmul.f32 v15, v10;
	[tilespmem:s17+$0xFFFFFFB0] =	vst v0  }
0x5d4: {  	v10 =	vld [tilespmem:s21+$0xFFFFFFA0];
	[tilespmem:s30+$0x40] =	vst v6;
	v15 =	vadd.f32 v22, v19  }
0x5d5: {  	v13 =	vmul.f32 v11, v13;
	v19 =	vmul.f32 v17, v1;
	v22 =	vld [tilespmem:s21+$0x40];
	[tilespmem:s20+$0xFFFFFFD0] =	vst v3  }
0x5d6: {  	v55 =	vld [tilespmem:s17+$0xFFFFFFC0];
	[tilespmem:s0+$0xFFFFFF80] =	vst v15  }
0x5d7: {  	v11 =	vld [tilespmem:s8+$0xFFFFFFC0];
	[tilespmem:s9+$0xFFFFFF80] =	vst v13;
	v15 =	vadd.f32 v19, v16  }
0x5d8: {  	v13 =	vmul.f32 v17, v14;
	v14 =	vmul.f32 v6, v1;
	v17 =	vld [tilespmem:s7+$0xFFFFFFD0];
	[tilespmem:s22+$0xFFFFFF80] =	vst v0  }
0x5d9: {  	v16 =	vld [tilespmem:s28+$0xFFFFFFC0];
	v19 =	vmul.f32 v18, v1;
	[tilespmem:s0+$0x10] =	vst v15  }
0x5da: {  	v15 =	vld [tilespmem:s31+$0xFFFFFFE0];
	[tilespmem:s9+$0x10] =	vst v13;
	v13 =	vadd.f32 v14, v22  }
0x5db: {  	v10 =	vadd.f32 v19, v10;
	v14 =	vld [tilespmem:s22+$0xFFFFFF90];
	[tilespmem:s22+$0x10] =	vst v0  }
0x5dc: {  	v6 =	vmul.f32 v6, v23;
	[tilespmem:s21+$0x40] =	vst v13;
	v13 =	vld [tilespmem:s13+$0x20]  }
0x5dd: {  	v18 =	vmul.f32 v18, v53;
	[tilespmem:s21+$0xFFFFFFA0] =	vst v10;
	v22 =	vld [tilespmem:s9+$0x20]  }
0x5de: {  	[tilespmem:s19+$0x40] =	vst v6;
	v6 =	vld [tilespmem:s22+$0x20]  }
0x5df: {  	v57 =	vmul.f32 v20, v1;
	[tilespmem:s19+$0xFFFFFFA0] =	vst v18;
	v18 =	vld [tilespmem:s9+$0xFFFFFF90]  }
0x5e0: {  	v2 =	vmul.f32 v20, v2;
	v23 =	vmul.f32 $8.999999760e-01, v11;
	v16 =	vadd.f32 v16, v55;
	v20 =	vld [tilespmem:s14+$0xFFFFFFB0]  }
0x5e1: {  	v56 =	vld [tilespmem:s14+$0x50]  }
0x5e2: {  	[tilespmem:s14+$0x40] =	vst v0;
	v16 =	vmul.f32 v16, v23;
	v23 =	vld [tilespmem:s13+$0xFFFFFF90]  }
0x5e3: {  	[tilespmem:s14+$0xFFFFFFA0] =	vst v0;
	v15 =	vadd.f32 v57, v15;
	v19 =	vld [tilespmem:s5+$0x50];
	v10 =	vmul.f32 $8.999999760e-01, v13;
	v6 =	vadd.f32 v22, v6  }
0x5e4: {  	v26 =	vld [tilespmem:s19+$0x50];
	[tilespmem:s23+$0xFFFFFFC0] =	vst v16  }
0x5e5: {  	[tilespmem:s31+$0xFFFFFFE0] =	vst v15;
	v15 =	vld [tilespmem:s19+$0xFFFFFFB0];
	v22 =	vmul.f32 v3, v1;
	v58 =	vmul.f32 v6, v10  }
0x5e6: {  	[tilespmem:s6+$0xFFFFFFE0] =	vst v2;
	v10 =	vld [tilespmem:s5+$0xFFFFFFB0]  }
0x5e7: {  	s25 =	simm.s32 $0xC880;
	v2 =	vadd.f32 v22, v17;
	v17 =	vld [tilespmem:s16+$0xFFFFFFF0];
	[tilespmem:s11+$0x20] =	vst v58  }
0x5e8: {  	v22 =	vld [tilespmem:s0+$0x20];
	[dreg:$0x6] =	wrdreg s25  }
0x5e9: {  	v3 =	vmul.f32 v3, v21;
	[tilespmem:s16+$0xFFFFFFE0] =	vst v0  }
0x5ea: {  	[tilespmem:s7+$0xFFFFFFD0] =	vst v2  }
0x5eb: {  	s3 =	simm.s32 $0x5080;
	v6 =	vmul.f32 $8.999999760e-01, v19;
	v21 =	vadd.f32 v26, v56;
	[tilespmem:s15+$0xFFFFFFD0] =	vst v3  }
0x5ec: {  	v2 =	vld [tilespmem:s10+$0xFFFFFFF0];
	[dreg:$0xd] =	wrdreg s3  }
0x5ed: {  	v14 =	vadd.f32 v18, v14;
	v18 =	vmul.f32 v21, v6;
	v3 =	vld [tilespmem:s6+$0xFFFFFFF0]  }
0x5ee: {  	v59 =	vmul.f32 $8.999999760e-01, v23;
	v21 =	vld [tilespmem:s24+$0xFFFFFFC0]  }
0x5ef: {  	v32 =	vmul.f32 v9, v1;
	v60 =	vld [tilespmem:s4+$0xFFFFFFE0];
	[tilespmem:s30+$0x50] =	vst v18  }
0x5f0: {  	v14 =	vmul.f32 v14, v59;
	v61 =	vmul.f32 v58, v1;
	s25 =	simm.s32 $0xA580;
	v27 =	vld [tilespmem:s21+$0x50]  }
0x5f1: {  	s2 =	simm.s32 $0x5580;
	v12 =	vadd.f32 v32, v12;
	[tilespmem:s4+$0xFFFFFFD0] =	vst v0;
	v28 =	vld [tilespmem:s25+$0x0]  }
0x5f2: {  	v15 =	vadd.f32 v15, v20;
	[tilespmem:s11+$0xFFFFFF90] =	vst v14;
	v20 =	vld [tilespmem:s2+$0xFFFFFF80];
	v22 =	vadd.f32 v61, v22  }
0x5f3: {  	s29 =	simm.s32 $0xCD80;
	v13 =	vmul.f32 v58, v13;
	[tilespmem:s7+$0x70] =	vst v12;
	v62 =	vld [tilespmem:s0+$0xFFFFFF90];
	v3 =	vadd.f32 v3, v17;
	v17 =	vmul.f32 v18, v1  }
0x5f4: {  	[tilespmem:s0+$0x20] =	vst v22;
	v22 =	vld [tilespmem:s29+$0x0]  }
0x5f5: {  	v4 =	vmul.f32 v9, v4;
	[tilespmem:s9+$0x20] =	vst v13;
	v13 =	vadd.f32 v17, v27;
	v17 =	vld [tilespmem:s2+$0x0]  }
0x5f6: {  	v6 =	vld [tilespmem:s26+$0xFFFFFFE0];
	[tilespmem:s22+$0x20] =	vst v0  }
0x5f7: {  	v33 =	vmul.f32 v16, v1;
	[tilespmem:s15+$0x70] =	vst v4;
	v18 =	vmul.f32 v18, v19;
	v19 =	vld [tilespmem:s13+$0x30]  }
0x5f8: {  	v9 =	vmul.f32 v14, v1;
	[tilespmem:s21+$0x50] =	vst v13;
	v13 =	vld [tilespmem:s22+$0x30]  }
0x5f9: {  	v12 =	vadd.f32 v33, v21;
	[tilespmem:s19+$0x50] =	vst v18;
	v18 =	vld [tilespmem:s9+$0x30]  }
0x5fa: {  	v4 =	vadd.f32 v9, v62;
	[tilespmem:s14+$0x50] =	vst v0;
	v9 =	vld [tilespmem:s14+$0x60];
	v17 =	vadd.f32 v17, v22;
	v22 =	vmul.f32 $8.999999760e-01, v28  }
0x5fb: {  	v21 =	vld [tilespmem:s5+$0x60]  }
0x5fc: {  	[tilespmem:s24+$0xFFFFFFC0] =	vst v12;
	v12 =	vld [tilespmem:s19+$0x60];
	v17 =	vmul.f32 v17, v22  }
0x5fd: {  	v11 =	vmul.f32 v16, v11;
	s10 =	simm.s32 $0x7D80;
	v14 =	vmul.f32 v14, v23;
	v34 =	vld [tilespmem:s15+$0xFFFFFFE0];
	[tilespmem:s0+$0xFFFFFF90] =	vst v4  }
0x5fe: {  	s3 =	simm.s32 $0xF580;
	v4 =	vld [tilespmem:s29+$0xFFFFFF80];
	v22 =	vmul.f32 $8.999999760e-01, v19;
	v13 =	vadd.f32 v18, v13;
	v18 =	vmul.f32 $8.999999760e-01, v10;
	[tilespmem:s10+$0x0] =	vst v17  }
0x5ff: {  	[tilespmem:s9+$0xFFFFFF90] =	vst v14;
	v14 =	vld [tilespmem:s3+$0x0]  }
0x600: {  	[tilespmem:s28+$0xFFFFFFC0] =	vst v11;
	v13 =	vmul.f32 v13, v22;
	v15 =	vmul.f32 v15, v18;
	v18 =	vld [tilespmem:s25+$0xFFFFFF80]  }
0x601: {  	[tilespmem:s17+$0xFFFFFFC0] =	vst v0;
	v36 =	vld [tilespmem:s17+$0xFFFFFFD0];
	v22 =	vmul.f32 $8.999999760e-01, v21;
	v9 =	vadd.f32 v12, v9  }
0x602: {  	v7 =	vadd.f32 v8, v7;
	v8 =	vmul.f32 $8.999999760e-01, v5;
	v11 =	vld [tilespmem:s22+$0xFFFFFFA0];
	v12 =	vmul.f32 v17, v1;
	[tilespmem:s11+$0x30] =	vst v13  }
0x603: {  	[tilespmem:s22+$0xFFFFFF90] =	vst v0;
	v9 =	vmul.f32 v9, v22;
	v23 =	vld [tilespmem:s0+$0x30]  }
0x604: {  	v39 =	vmul.f32 v7, v8;
	v16 =	vld [tilespmem:s13+$0xFFFFFFA0];
	[tilespmem:s30+$0xFFFFFFB0] =	vst v15;
	v12 =	vadd.f32 v12, v14  }
0x605: {  	v4 =	vadd.f32 v20, v4;
	v17 =	vmul.f32 v17, v28;
	v22 =	vld [tilespmem:s9+$0xFFFFFFA0];
	[tilespmem:s30+$0x60] =	vst v9;
	v7 =	vmul.f32 $8.999999760e-01, v18  }
0x606: {  	v35 =	vmul.f32 v13, v1;
	v14 =	vld [tilespmem:s21+$0xFFFFFFB0];
	[tilespmem:s3+$0x0] =	vst v12  }
0x607: {  	v13 =	vmul.f32 v13, v19;
	v12 =	vld [tilespmem:s21+$0x60];
	v4 =	vmul.f32 v4, v7;
	[tilespmem:s2+$0x0] =	vst v17  }
0x608: {  	v19 =	vmul.f32 v9, v1;
	v9 =	vmul.f32 v9, v21;
	v21 =	vld [tilespmem:s28+$0xFFFFFFD0];
	v23 =	vadd.f32 v35, v23;
	[tilespmem:s29+$0x0] =	vst v0  }
0x609: {  	v20 =	vmul.f32 v15, v1;
	v17 =	vld [tilespmem:s8+$0xFFFFFFD0];
	[tilespmem:s10+$0xFFFFFF80] =	vst v4  }
0x60a: {  	[tilespmem:s0+$0x30] =	vst v23;
	v23 =	vld [tilespmem:s25+$0x10]  }
0x60b: {  	v14 =	vadd.f32 v20, v14;
	[tilespmem:s9+$0x30] =	vst v13;
	v13 =	vld [tilespmem:s29+$0x10]  }
0x60c: {  	v12 =	vadd.f32 v19, v12;
	v19 =	vld [tilespmem:s2+$0x10];
	[tilespmem:s22+$0x30] =	vst v0  }
0x60d: {  	v8 =	vld [tilespmem:s22+$0x40];
	[tilespmem:s21+$0xFFFFFFB0] =	vst v14  }
0x60e: {  	v14 =	vld [tilespmem:s3+$0xFFFFFF80];
	[tilespmem:s21+$0x60] =	vst v12  }
0x60f: {  	v63 =	vmul.f32 $8.999999760e-01, v2;
	v40 =	vld [tilespmem:s9+$0x40];
	[tilespmem:s19+$0x60] =	vst v9  }
0x610: {  	v37 =	vadd.f32 v34, v60;
	v38 =	vmul.f32 $8.999999760e-01, v6;
	v12 =	vld [tilespmem:s13+$0x40];
	[tilespmem:s14+$0x60] =	vst v0  }
0x611: {  	[tilespmem:s23+$0x70] =	vst v39;
	v3 =	vmul.f32 v3, v63;
	v9 =	vld [tilespmem:s5+$0x70];
	v7 =	vadd.f32 v19, v13;
	v13 =	vmul.f32 $8.999999760e-01, v23  }
0x612: {  	[tilespmem:s4+$0x70] =	vst v0;
	v25 =	vmul.f32 v37, v38;
	v19 =	vld [tilespmem:s14+$0x70]  }
0x613: {  	[tilespmem:s18+$0xFFFFFFF0] =	vst v3;
	v11 =	vadd.f32 v22, v11;
	v20 =	vmul.f32 $8.999999760e-01, v16;
	v13 =	vmul.f32 v7, v13;
	v7 =	vld [tilespmem:s19+$0x70]  }
0x614: {  	[tilespmem:s20+$0xFFFFFFE0] =	vst v25;
	v10 =	vmul.f32 v15, v10;
	v41 =	vmul.f32 v4, v1  }
0x615: {  	v11 =	vmul.f32 v11, v20;
	v8 =	vadd.f32 v40, v8;
	v15 =	vmul.f32 $8.999999760e-01, v12;
	[tilespmem:s10+$0x10] =	vst v13  }
0x616: {  	v21 =	vadd.f32 v21, v36;
	v20 =	vmul.f32 $8.999999760e-01, v17;
	[tilespmem:s19+$0xFFFFFFB0] =	vst v10;
	v10 =	vld [tilespmem:s3+$0x10]  }
0x617: {  	[tilespmem:s11+$0xFFFFFFA0] =	vst v11;
	v14 =	vadd.f32 v41, v14;
	v8 =	vmul.f32 v8, v15  }
0x618: {  	[tilespmem:s14+$0xFFFFFFB0] =	vst v0;
	v15 =	vmul.f32 v21, v20;
	v21 =	vmul.f32 $8.999999760e-01, v9;
	v19 =	vadd.f32 v7, v19  }
0x619: {  	v22 =	vld [tilespmem:s24+$0x70];
	v4 =	vmul.f32 v4, v18;
	v42 =	vmul.f32 v13, v1;
	[tilespmem:s11+$0x40] =	vst v8  }
0x61a: {  	[tilespmem:s3+$0xFFFFFF80] =	vst v14;
	v19 =	vmul.f32 v19, v21;
	v21 =	vld [tilespmem:s0+$0x40]  }
0x61b: {  	v18 =	vld [tilespmem:s7+$0xFFFFFFE0];
	[tilespmem:s2+$0xFFFFFF80] =	vst v4;
	v10 =	vadd.f32 v42, v10  }
0x61c: {  	v43 =	vld [tilespmem:s19+$0xFFFFFFC0];
	[tilespmem:s29+$0xFFFFFF80] =	vst v0  }
0x61d: {  	v14 =	vld [tilespmem:s14+$0xFFFFFFC0];
	v13 =	vmul.f32 v13, v23;
	[tilespmem:s3+$0x10] =	vst v10;
	v10 =	vmul.f32 v8, v1  }
0x61e: {  	v20 =	vld [tilespmem:s0+$0xFFFFFFA0];
	[tilespmem:s23+$0xFFFFFFD0] =	vst v15  }
0x61f: {  	v7 =	vld [tilespmem:s5+$0xFFFFFFC0];
	[tilespmem:s2+$0x10] =	vst v13;
	v10 =	vadd.f32 v10, v21  }
0x620: {  	v4 =	vmul.f32 v8, v12;
	v23 =	vld [tilespmem:s24+$0xFFFFFFD0];
	[tilespmem:s29+$0x10] =	vst v0;
	v21 =	vmul.f32 v39, v1  }
0x621: {  	v8 =	vld [tilespmem:s29+$0x20];
	[tilespmem:s0+$0x40] =	vst v10  }
0x622: {  	v12 =	vld [tilespmem:s25+$0x20];
	v10 =	vadd.f32 v21, v22;
	v21 =	vmul.f32 v11, v1;
	[tilespmem:s9+$0x40] =	vst v4  }
0x623: {  	v14 =	vadd.f32 v43, v14;
	v4 =	vld [tilespmem:s2+$0x20];
	[tilespmem:s22+$0x40] =	vst v0  }
0x624: {  	v11 =	vmul.f32 v11, v16;
	v16 =	vmul.f32 $8.999999760e-01, v7;
	[tilespmem:s24+$0x70] =	vst v10;
	v10 =	vadd.f32 v21, v20;
	v21 =	vld [tilespmem:s22+$0x50]  }
0x625: {  	v5 =	vmul.f32 v39, v5;
	[tilespmem:s30+$0x70] =	vst v19;
	v20 =	vld [tilespmem:s13+$0x50]  }
0x626: {  	v14 =	vmul.f32 v14, v16;
	[tilespmem:s0+$0xFFFFFFA0] =	vst v10;
	v10 =	vld [tilespmem:s9+$0x50]  }
0x627: {  	v44 =	vmul.f32 v15, v1;
	v13 =	vld [tilespmem:s21+$0x70];
	[tilespmem:s28+$0x70] =	vst v5  }
0x628: {  	v22 =	vld [tilespmem:s29+$0xFFFFFF90];
	[tilespmem:s30+$0xFFFFFFC0] =	vst v14;
	v4 =	vadd.f32 v4, v8;
	v8 =	vmul.f32 $8.999999760e-01, v12  }
0x629: {  	v16 =	vld [tilespmem:s25+$0xFFFFFF90];
	[tilespmem:s9+$0xFFFFFFA0] =	vst v11;
	v11 =	vadd.f32 v44, v23  }
0x62a: {  	v23 =	vld [tilespmem:s2+$0xFFFFFF90];
	[tilespmem:s22+$0xFFFFFFA0] =	vst v0;
	v46 =	vmul.f32 v4, v8  }
0x62b: {  	v45 =	vld [tilespmem:s22+$0xFFFFFFB0];
	[tilespmem:s24+$0xFFFFFFD0] =	vst v11;
	v4 =	vmul.f32 v15, v17;
	v15 =	vmul.f32 $8.999999760e-01, v20;
	v10 =	vadd.f32 v10, v21  }
0x62c: {  	v11 =	vld [tilespmem:s9+$0xFFFFFFB0];
	[tilespmem:s10+$0x20] =	vst v46  }
0x62d: {  	v8 =	vld [tilespmem:s13+$0xFFFFFFB0];
	[tilespmem:s28+$0xFFFFFFD0] =	vst v4;
	v10 =	vmul.f32 v10, v15  }
0x62e: {  	v21 =	vld [tilespmem:s21+$0xFFFFFFC0];
	[tilespmem:s17+$0xFFFFFFD0] =	vst v0  }
0x62f: {  	s12 =	simm.s32 $0xA280;
	v17 =	vmul.f32 v25, v1;
	v4 =	vmul.f32 $8.999999760e-01, v16;
	v22 =	vadd.f32 v23, v22;
	v23 =	vld [tilespmem:s3+$0x20];
	[tilespmem:s11+$0x50] =	vst v10  }
0x630: {  	v15 =	vld [tilespmem:s17+$0xFFFFFFE0];
	[dreg:$0x9] =	wrdreg s12  }
0x631: {  	s16 =	simm.s32 $0xF180;
	v5 =	vadd.f32 v17, v18;
	v17 =	vmul.f32 v22, v4;
	v4 =	vld [tilespmem:s8+$0xFFFFFFE0]  }
0x632: {  	v22 =	vld [tilespmem:s0+$0x50];
	[dreg:$0x8] =	wrdreg s16  }
0x633: {  	v18 =	vmul.f32 v46, v1;
	[tilespmem:s7+$0xFFFFFFE0] =	vst v5  }
0x634: {  	v6 =	vmul.f32 v25, v6;
	s7 =	simm.s32 $0x7D80;
	[tilespmem:s17+$0x70] =	vst v0  }
0x635: {  	s6 =	simm.s32 $0xA680;
	v47 =	vld [tilespmem:s28+$0xFFFFFFE0];
	v18 =	vadd.f32 v18, v23;
	[tilespmem:s7+$0xFFFFFF90] =	vst v17  }
0x636: {  	v23 =	vld [tilespmem:s6+$0x0];
	[tilespmem:s15+$0xFFFFFFE0] =	vst v6;
	v6 =	vmul.f32 v46, v12;
	v12 =	vmul.f32 v10, v1  }
0x637: {  	s11 =	simm.s32 $0xCE80;
	v48 =	vld [tilespmem:s3+$0xFFFFFF90];
	[tilespmem:s3+$0x20] =	vst v18  }
0x638: {  	s8 =	simm.s32 $0x5680;
	v18 =	vld [tilespmem:s11+$0x0];
	[tilespmem:s2+$0x20] =	vst v6;
	v6 =	vadd.f32 v12, v22  }
0x639: {  	v10 =	vmul.f32 v10, v20;
	v12 =	vmul.f32 v19, v1;
	v22 =	vld [tilespmem:s8+$0x0];
	[tilespmem:s29+$0x20] =	vst v0  }
0x63a: {  	v20 =	vld [tilespmem:s25+$0x30];
	[tilespmem:s0+$0x50] =	vst v6  }
0x63b: {  	v6 =	vadd.f32 v12, v13;
	v12 =	vld [tilespmem:s29+$0x30];
	[tilespmem:s9+$0x50] =	vst v10  }
0x63c: {  	v9 =	vmul.f32 v19, v9;
	v13 =	vld [tilespmem:s2+$0x30];
	v10 =	vmul.f32 v17, v1;
	[tilespmem:s22+$0x50] =	vst v0  }
0x63d: {  	[tilespmem:s21+$0x70] =	vst v6;
	v19 =	vld [tilespmem:s22+$0x60]  }
0x63e: {  	v6 =	vld [tilespmem:s13+$0x60];
	[tilespmem:s19+$0x70] =	vst v9;
	v9 =	vadd.f32 v10, v48;
	v10 =	vmul.f32 $8.999999760e-01, v23;
	v18 =	vadd.f32 v22, v18  }
0x63f: {  	v16 =	vmul.f32 v17, v16;
	v17 =	vld [tilespmem:s9+$0x60];
	[tilespmem:s14+$0x70] =	vst v0  }
0x640: {  	v5 =	vld [tilespmem:s4+$0xFFFFFFF0];
	v22 =	vmul.f32 v14, v1;
	[tilespmem:s3+$0xFFFFFF90] =	vst v9;
	v10 =	vmul.f32 v18, v10  }
0x641: {  	s16 =	simm.s32 $0x7E80;
	v9 =	vld [tilespmem:s11+$0xFFFFFF80];
	v18 =	vmul.f32 $8.999999760e-01, v20;
	v12 =	vadd.f32 v13, v12;
	[tilespmem:s2+$0xFFFFFF90] =	vst v16  }
0x642: {  	s12 =	simm.s32 $0xF680;
	v21 =	vadd.f32 v22, v21;
	v22 =	vld [tilespmem:s6+$0xFFFFFF80];
	[tilespmem:s16+$0x0] =	vst v10  }
0x643: {  	v11 =	vadd.f32 v11, v45;
	v13 =	vmul.f32 $8.999999760e-01, v8;
	[tilespmem:s29+$0xFFFFFF90] =	vst v0;
	v12 =	vmul.f32 v12, v18;
	v49 =	vld [tilespmem:s12+$0x0]  }
0x644: {  	v7 =	vmul.f32 v14, v7;
	v16 =	vld [tilespmem:s8+$0xFFFFFF80];
	[tilespmem:s21+$0xFFFFFFC0] =	vst v21;
	v18 =	vmul.f32 $8.999999760e-01, v6;
	v17 =	vadd.f32 v17, v19  }
0x645: {  	v11 =	vmul.f32 v11, v13;
	v14 =	vld [tilespmem:s29+$0xFFFFFFA0];
	[tilespmem:s7+$0x30] =	vst v12  }
0x646: {  	s18 =	simm.s32 $0x7C80;
	v19 =	vmul.f32 v10, v1;
	[tilespmem:s19+$0xFFFFFFC0] =	vst v7;
	v21 =	vld [tilespmem:s3+$0x30];
	v17 =	vmul.f32 v17, v18  }
0x647: {  	v13 =	vld [tilespmem:s25+$0xFFFFFFA0];
	[tilespmem:s18+$0xFFFFFFB0] =	vst v11  }
0x648: {  	v7 =	vld [tilespmem:s2+$0xFFFFFFA0];
	[tilespmem:s18+$0x60] =	vst v17;
	v18 =	vadd.f32 v19, v49  }
0x649: {  	v10 =	vmul.f32 v10, v23;
	[tilespmem:s14+$0xFFFFFFC0] =	vst v0;
	v23 =	vmul.f32 v12, v1;
	v50 =	vld [tilespmem:s0+$0x60]  }
0x64a: {  	v19 =	vld [tilespmem:s0+$0xFFFFFFB0];
	[tilespmem:s12+$0x0] =	vst v18  }
0x64b: {  	v18 =	vld [tilespmem:s5+$0xFFFFFFD0];
	[tilespmem:s8+$0x0] =	vst v10;
	v10 =	vadd.f32 v23, v21  }
0x64c: {  	v12 =	vmul.f32 v12, v20;
	v20 =	vmul.f32 v17, v1;
	v21 =	vld [tilespmem:s14+$0xFFFFFFD0];
	[tilespmem:s11+$0x0] =	vst v0  }
0x64d: {  	v23 =	vld [tilespmem:s19+$0xFFFFFFD0];
	[tilespmem:s3+$0x30] =	vst v10  }
0x64e: {  	v51 =	vld [tilespmem:s6+$0x10];
	[tilespmem:s2+$0x30] =	vst v12;
	v12 =	vadd.f32 v20, v50  }
0x64f: {  	v6 =	vmul.f32 v17, v6;
	v10 =	vld [tilespmem:s11+$0x10];
	[tilespmem:s29+$0x30] =	vst v0  }
0x650: {  	v20 =	vld [tilespmem:s8+$0x10];
	[tilespmem:s0+$0x60] =	vst v12  }
0x651: {  	v9 =	vadd.f32 v16, v9;
	v16 =	vmul.f32 $8.999999760e-01, v22;
	v7 =	vadd.f32 v7, v14;
	v14 =	vld [tilespmem:s29+$0x40];
	[tilespmem:s9+$0x60] =	vst v6  }
0x652: {  	s5 =	simm.s32 $0xC980;
	v17 =	vld [tilespmem:s25+$0x40];
	v12 =	vmul.f32 $8.999999760e-01, v13;
	[tilespmem:s22+$0x60] =	vst v0  }
0x653: {  	v9 =	vmul.f32 v9, v16;
	v16 =	vld [tilespmem:s2+$0x40];
	v6 =	vmul.f32 v11, v1;
	[dreg:$0x7] =	wrdreg s5  }
0x654: {  	v7 =	vmul.f32 v7, v12;
	[tilespmem:s4+$0xFFFFFFE0] =	vst v0  }
0x655: {  	v6 =	vadd.f32 v6, v19;
	v19 =	vmul.f32 $8.999999760e-01, v51;
	v10 =	vadd.f32 v20, v10;
	v12 =	vld [tilespmem:s13+$0x70];
	[tilespmem:s16+$0xFFFFFF80] =	vst v9  }
0x656: {  	v8 =	vmul.f32 v11, v8;
	v20 =	vld [tilespmem:s22+$0x70];
	[tilespmem:s7+$0xFFFFFFA0] =	vst v7  }
0x657: {  	v52 =	vmul.f32 $8.999999760e-01, v4;
	v15 =	vadd.f32 v47, v15;
	v11 =	vld [tilespmem:s9+$0x70];
	[tilespmem:s0+$0xFFFFFFB0] =	vst v6;
	v10 =	vmul.f32 v10, v19  }
0x658: {  	v6 =	vld [tilespmem:s12+$0xFFFFFF80];
	v14 =	vadd.f32 v16, v14;
	[tilespmem:s9+$0xFFFFFFB0] =	vst v8;
	v8 =	vmul.f32 $8.999999760e-01, v17  }
0x659: {  	v19 =	vld [tilespmem:s26+$0xFFFFFFF0];
	v16 =	vmul.f32 v15, v52;
	[tilespmem:s16+$0x10] =	vst v10  }
0x65a: {  	v21 =	vadd.f32 v23, v21;
	v15 =	vmul.f32 $8.999999760e-01, v18;
	v23 =	vld [tilespmem:s3+$0xFFFFFFA0];
	[tilespmem:s22+$0xFFFFFFB0] =	vst v0;
	v8 =	vmul.f32 v14, v8  }
0x65b: {  	v53 =	vmul.f32 v9, v1;
	[tilespmem:s23+$0xFFFFFFE0] =	vst v16;
	v54 =	vld [tilespmem:s12+$0x10]  }
0x65c: {  	v14 =	vmul.f32 v21, v15;
	v21 =	vld [tilespmem:s13+$0xFFFFFFC0];
	s13 =	simm.s32 $0x7B80;
	v15 =	vmul.f32 $8.999999760e-01, v12;
	v11 =	vadd.f32 v11, v20;
	[tilespmem:s7+$0x40] =	vst v8  }
0x65d: {  	v20 =	vld [tilespmem:s22+$0xFFFFFFC0];
	v6 =	vadd.f32 v53, v6;
	[dreg:$0xb] =	wrdreg s13  }
0x65e: {  	v55 =	vmul.f32 v10, v1;
	v11 =	vmul.f32 v11, v15;
	[tilespmem:s30+$0xFFFFFFD0] =	vst v14  }
0x65f: {  	s10 =	simm.s32 $0x7C80;
	v9 =	vmul.f32 v9, v22;
	v15 =	vld [tilespmem:s3+$0x40];
	[tilespmem:s12+$0xFFFFFF80] =	vst v6  }
0x660: {  	v24 =	vadd.f32 v55, v54;
	[tilespmem:s10+$0x70] =	vst v11  }
0x661: {  	v22 =	vld [tilespmem:s9+$0xFFFFFFC0];
	[tilespmem:s8+$0xFFFFFF80] =	vst v9;
	v9 =	vmul.f32 v10, v51  }
0x662: {  	v57 =	vld [tilespmem:s24+$0xFFFFFFE0];
	v10 =	vmul.f32 v8, v1;
	[tilespmem:s12+$0x10] =	vst v24  }
0x663: {  	v56 =	vld [tilespmem:s0+$0x70];
	[tilespmem:s8+$0x10] =	vst v9  }
0x664: {  	s18 =	simm.s32 $0x5180;
	v6 =	vld [tilespmem:s21+$0xFFFFFFD0];
	v9 =	vadd.f32 v10, v15;
	[tilespmem:s11+$0x10] =	vst v0  }
0x665: {  	v58 =	vld [tilespmem:s11+$0xFFFFFF90];
	[dreg:$0xa] =	wrdreg s18  }
0x666: {  	v8 =	vmul.f32 v8, v17;
	v10 =	vmul.f32 v11, v1;
	[tilespmem:s3+$0x40] =	vst v9  }
0x667: {  	v15 =	vld [tilespmem:s15+$0xFFFFFFF0];
	[tilespmem:s11+$0xFFFFFF80] =	vst v0  }
0x668: {  	v11 =	vmul.f32 v11, v12;
	v9 =	vld [tilespmem:s6+$0x20];
	[tilespmem:s2+$0x40] =	vst v8;
	v8 =	vadd.f32 v10, v56;
	v10 =	vmul.f32 v7, v1  }
0x669: {  	v17 =	vld [tilespmem:s11+$0x20];
	v7 =	vmul.f32 v7, v13;
	v13 =	vadd.f32 v22, v20;
	v22 =	vmul.f32 v14, v1;
	[tilespmem:s29+$0x40] =	vst v0  }
0x66a: {  	v12 =	vld [tilespmem:s8+$0x20];
	[tilespmem:s0+$0x70] =	vst v8;
	v8 =	vadd.f32 v10, v23  }
0x66b: {  	v59 =	vld [tilespmem:s31+$0xFFFFFFF0];
	v6 =	vadd.f32 v22, v6;
	[tilespmem:s9+$0x70] =	vst v11  }
0x66c: {  	v20 =	vld [tilespmem:s29+$0x50];
	[tilespmem:s3+$0xFFFFFFA0] =	vst v8  }
0x66d: {  	v10 =	vld [tilespmem:s25+$0x50];
	v11 =	vmul.f32 $8.999999760e-01, v21;
	[tilespmem:s21+$0xFFFFFFD0] =	vst v6  }
0x66e: {  	v2 =	vmul.f32 v3, v2;
	v23 =	vld [tilespmem:s2+$0x50];
	[tilespmem:s22+$0x70] =	vst v0  }
0x66f: {  	v60 =	vld [tilespmem:s6+$0xFFFFFF90];
	v8 =	vmul.f32 v13, v11;
	v11 =	vmul.f32 $8.999999760e-01, v9;
	[tilespmem:s2+$0xFFFFFFA0] =	vst v7  }
0x670: {  	v12 =	vadd.f32 v12, v17;
	v7 =	vmul.f32 v3, v1;
	v13 =	vld [tilespmem:s8+$0xFFFFFF90];
	v3 =	vmul.f32 v14, v18;
	[tilespmem:s29+$0xFFFFFFA0] =	vst v0  }
0x671: {  	v17 =	vld [tilespmem:s29+$0xFFFFFFB0];
	[tilespmem:s10+$0xFFFFFFC0] =	vst v8  }
0x672: {  	v5 =	vadd.f32 v15, v5;
	v61 =	vmul.f32 v12, v11;
	v11 =	vmul.f32 $8.999999760e-01, v19;
	v15 =	vld [tilespmem:s25+$0xFFFFFFB0];
	[tilespmem:s19+$0xFFFFFFD0] =	vst v3  }
0x673: {  	v18 =	vld [tilespmem:s2+$0xFFFFFFB0];
	v14 =	vmul.f32 $8.999999760e-01, v10;
	v20 =	vadd.f32 v23, v20;
	[tilespmem:s14+$0xFFFFFFD0] =	vst v0  }
0x674: {  	s22 =	simm.s32 $0xCB80;
	[tilespmem:s16+$0x20] =	vst v61;
	v6 =	vmul.f32 v5, v11;
	v5 =	vld [tilespmem:s0+$0xFFFFFFC0]  }
0x675: {  	v12 =	vmul.f32 v16, v1;
	v14 =	vmul.f32 v20, v14;
	v23 =	vld [tilespmem:s12+$0x20];
	[dreg:$0xc] =	wrdreg s22  }
0x676: {  	s15 =	simm.s32 $0xA380;
	v22 =	vmul.f32 v16, v4;
	v4 =	vmul.f32 $8.999999760e-01, v60;
	v13 =	vadd.f32 v13, v58;
	v11 =	vld [tilespmem:s14+$0xFFFFFFE0]  }
0x677: {  	v62 =	vmul.f32 v8, v1;
	s25 =	simm.s32 $0xF280;
	v20 =	vadd.f32 v12, v57;
	v12 =	vmul.f32 v8, v21;
	[tilespmem:s7+$0x50] =	vst v14;
	v8 =	vld [tilespmem:s15+$0xFFFFFFE0]  }
0x678: {  	s1 =	simm.s32 $0xA480;
	s5 =	simm.s32 $0x5480;
	v21 =	vmul.f32 v13, v4;
	v16 =	vld [tilespmem:s3+$0x50];
	[dreg:$0x10] =	wrdreg s25  }
0x679: {  	s4 =	simm.s32 $0x5380;
	s26 =	simm.s32 $0xCD80;
	s13 =	simm.s32 $0xF080;
	[tilespmem:s24+$0xFFFFFFE0] =	vst v20  }
0x67a: {  	s30 =	simm.s32 $0x7C80;
	s18 =	simm.s32 $0xA680;
	s31 =	simm.s32 $0xCE80;
	[tilespmem:s16+$0xFFFFFF90] =	vst v21  }
0x67b: {  	s6 =	simm.s32 $0x5680;
	s9 =	simm.s32 $0xCC80;
	v29 =	vmul.f32 v61, v1;
	v5 =	vadd.f32 v62, v5;
	[dreg:$0xe] =	wrdreg s4  }
0x67c: {  	s8 =	simm.s32 $0xA580;
	s29 =	simm.s32 $0xF580;
	v3 =	vmul.f32 v6, v1;
	v63 =	vmul.f32 $8.999999760e-01, v15;
	v17 =	vadd.f32 v18, v17;
	v13 =	vld [tilespmem:s19+$0xFFFFFFE0];
	[tilespmem:s28+$0xFFFFFFE0] =	vst v22  }
0x67d: {  	s10 =	simm.s32 $0x7E80;
	s22 =	simm.s32 $0x5680;
	s14 =	simm.s32 $0xC;
	v4 =	vmul.f32 v6, v19;
	v19 =	vmul.f32 v21, v1;
	v20 =	vld [tilespmem:s12+$0xFFFFFF90];
	[tilespmem:s0+$0xFFFFFFC0] =	vst v5  }
0x67e: {  	v7 =	vadd.f32 v7, v59;
	s25 =	simm.s32 $0x5280;
	s24 =	simm.s32 $0xF680;
	v18 =	vmul.f32 v21, v60;
	v17 =	vmul.f32 v17, v63;
	v5 =	vld [tilespmem:s17+$0xFFFFFFF0];
	[dreg:$0x11] =	wrdreg s10  }
0x67f: {  	v21 =	vmul.f32 v61, v9;
	v9 =	vmul.f32 v14, v1;
	s19 =	simm.s32 $0xA780;
	v22 =	vadd.f32 v29, v23;
	s28 =	simm.s32 $0xF480;
	[dreg:$0xf] =	wrdreg s24  }
.LBB2_10:
0x680: {  	_ = 	snop  }
0x681: {  	v23 =	vld [tilespmem:s19+$0x0];
	s11 =	sadd.s32 $0x100, s11;
	[tilespmem:s12+$0x20] =	vst v22  }
0x682: {  	s22 =	sadd.s32 $0x100, s22;
	v24 =	vld [tilespmem:s11+$0x0];
	[tilespmem:s6+$0x20] =	vst v21;
	v11 =	vadd.f32 v13, v11;
	v13 =	vadd.f32 v19, v20  }
0x683: {  	v21 =	vld [tilespmem:s22+$0x0];
	[tilespmem:s31+$0x20] =	vst v0;
	v9 =	vadd.f32 v9, v16  }
0x684: {  	v10 =	vmul.f32 v14, v10;
	[tilespmem:s12+$0xFFFFFF90] =	vst v13  }
0x685: {  	v16 =	vmul.f32 $8.999999760e-01, v8;
	v14 =	vld [tilespmem:s18+$0x30];
	[tilespmem:s29+$0x50] =	vst v9  }
0x686: {  	v19 =	vld [tilespmem:s31+$0x30];
	[tilespmem:s2+$0x50] =	vst v10  }
0x687: {  	[tilespmem:s6+$0xFFFFFF90] =	vst v18;
	v11 =	vmul.f32 v11, v16;
	v16 =	vld [tilespmem:s6+$0x30]  }
0x688: {  	[tilespmem:s26+$0x50] =	vst v0;
	v18 =	vld [tilespmem:s26+$0x60]  }
0x689: {  	v9 =	vmul.f32 v11, v8;
	v8 =	vmul.f32 $8.999999760e-01, v23;
	v20 =	vadd.f32 v21, v24;
	v13 =	vld [tilespmem:s8+$0x60]  }
0x68a: {  	[tilespmem:s31+$0xFFFFFF90] =	vst v0;
	v21 =	vld [tilespmem:s2+$0x60]  }
0x68b: {  	v51 =	vld [tilespmem:s11+$0xFFFFFF80];
	[tilespmem:s7+$0xFFFFFFB0] =	vst v17;
	v8 =	vmul.f32 v20, v8  }
0x68c: {  	s16 =	sadd.s32 $0x100, s16;
	v22 =	vmul.f32 v17, v1;
	v15 =	vmul.f32 v17, v15;
	v17 =	vld [tilespmem:s22+$0xFFFFFF80];
	[tilespmem:s5+$0xFFFFFFC0] =	vst v12  }
0x68d: {  	s12 =	sadd.s32 $0x100, s12;
	v12 =	vld [tilespmem:s19+$0xFFFFFF80];
	v20 =	vmul.f32 $8.999999760e-01, v14;
	[tilespmem:s16+$0x0] =	vst v8;
	v16 =	vadd.f32 v16, v19  }
0x68e: {  	s24 =	smov.u32 s26;
	s26 =	smov.u32 s5;
	s5 =	rddreg [dreg:$0xb];
	[tilespmem:s9+$0xFFFFFFC0] =	vst v0;
	v19 =	vld [tilespmem:s12+$0x0]  }
0x68f: {  	v25 =	vmul.f32 $8.999999760e-01, v13;
	v18 =	vadd.f32 v21, v18;
	v16 =	vmul.f32 v16, v20;
	v20 =	vld [tilespmem:s18+$0xFFFFFFA0];
	[tilespmem:s5+$0xFFFFFFE0] =	vst v11  }
0x690: {  	s4 =	smov.u32 s18;
	v10 =	vmul.f32 v11, v1;
	s18 =	rddreg [dreg:$0x11];
	v11 =	vld [tilespmem:s31+$0xFFFFFFA0];
	[tilespmem:s17+$0xFFFFFFE0] =	vst v0  }
0x691: {  	s10 =	rddreg [dreg:$0xf];
	v21 =	vmul.f32 v8, v1;
	v18 =	vmul.f32 v18, v25;
	[tilespmem:s18+$0x30] =	vst v16;
	v26 =	vld [tilespmem:s6+$0xFFFFFFA0]  }
0x692: {  	[tilespmem:s20+$0xFFFFFFF0] =	vst v6;
	v52 =	vld [tilespmem:s10+$0x30]  }
0x693: {  	v6 =	vadd.f32 v21, v19;
	[tilespmem:s7+$0x60] =	vst v18  }
0x694: {  	s0 =	smov.u32 s29;
	v17 =	vadd.f32 v17, v51;
	v53 =	vmul.f32 $8.999999760e-01, v12;
	v8 =	vmul.f32 v8, v23;
	v19 =	vld [tilespmem:s29+$0xFFFFFFB0];
	[tilespmem:s13+$0xFFFFFFF0] =	vst v7  }
0x695: {  	v21 =	vmul.f32 v16, v1;
	v23 =	vld [tilespmem:s0+$0x60];
	[tilespmem:s12+$0x0] =	vst v6  }
0x696: {  	v7 =	vmul.f32 v17, v53;
	v17 =	vld [tilespmem:s1+$0xFFFFFFD0];
	[tilespmem:s22+$0x0] =	vst v8  }
0x697: {  	v14 =	vmul.f32 v16, v14;
	v54 =	vld [tilespmem:s26+$0xFFFFFFD0];
	[tilespmem:s11+$0x0] =	vst v0;
	v8 =	vadd.f32 v21, v52  }
0x698: {  	s29 =	smov.u32 s7;
	s7 =	smov.u32 s0;
	v16 =	vmul.f32 v18, v1;
	s0 =	smov.u32 s10;
	v6 =	vmul.f32 $8.999999760e-01, v20;
	v11 =	vadd.f32 v26, v11;
	v21 =	vld [tilespmem:s9+$0xFFFFFFD0];
	[tilespmem:s16+$0xFFFFFF80] =	vst v7  }
0x699: {  	v55 =	vld [tilespmem:s19+$0x10];
	[tilespmem:s0+$0x30] =	vst v8  }
0x69a: {  	v19 =	vadd.f32 v22, v19;
	v6 =	vmul.f32 v11, v6;
	v11 =	vadd.f32 v16, v23;
	v22 =	vld [tilespmem:s11+$0x10];
	[tilespmem:s6+$0x30] =	vst v14  }
0x69b: {  	v13 =	vmul.f32 v18, v13;
	v14 =	vld [tilespmem:s22+$0x10];
	[tilespmem:s31+$0x30] =	vst v0  }
0x69c: {  	s3 =	smov.u32 s23;
	v8 =	vmul.f32 v6, v20;
	v20 =	vld [tilespmem:s4+$0x40];
	[tilespmem:s7+$0x60] =	vst v11  }
0x69d: {  	[dreg:$0x12] =	wrdreg s3;
	s3 =	smov.u32 s18;
	v23 =	vld [tilespmem:s31+$0x40];
	[tilespmem:s2+$0x60] =	vst v13  }
0x69e: {  	s23 =	smov.u32 s16;
	v25 =	vmul.f32 v7, v1;
	v16 =	vmul.f32 $8.999999760e-01, v17;
	[tilespmem:s3+$0xFFFFFFA0] =	vst v6;
	v11 =	vadd.f32 v54, v21;
	v13 =	vld [tilespmem:s6+$0x40]  }
0x69f: {  	[dreg:$0x11] =	wrdreg s23;
	v12 =	vmul.f32 v7, v12;
	v18 =	vmul.f32 v6, v1;
	[tilespmem:s24+$0x60] =	vst v0;
	v6 =	vld [tilespmem:s24+$0x70]  }
0x6a0: {  	s23 =	rddreg [dreg:$0x10];
	s20 =	smov.u32 s5;
	v21 =	vmul.f32 $8.999999760e-01, v55;
	v16 =	vmul.f32 v11, v16;
	v7 =	vld [tilespmem:s8+$0x70];
	v14 =	vadd.f32 v14, v22  }
0x6a1: {  	[dreg:$0x13] =	wrdreg s20;
	[tilespmem:s7+$0xFFFFFFB0] =	vst v19;
	v19 =	vld [tilespmem:s2+$0x70]  }
0x6a2: {  	s5 =	smov.u32 s15;
	s15 =	smov.u32 s30;
	s13 =	rddreg [dreg:$0x8];
	v11 =	vmul.f32 v16, v17;
	v17 =	vld [tilespmem:s12+$0xFFFFFF80];
	[tilespmem:s2+$0xFFFFFFB0] =	vst v15;
	v14 =	vmul.f32 v14, v21  }
0x6a3: {  	[dreg:$0xb] =	wrdreg s15;
	s18 =	smov.u32 s13;
	s13 =	smov.u32 s23;
	v15 =	vld [tilespmem:s0+$0xFFFFFFA0];
	[tilespmem:s24+$0xFFFFFFB0] =	vst v0;
	v21 =	vmul.f32 $8.999999760e-01, v20;
	v13 =	vadd.f32 v13, v23  }
0x6a4: {  	[dreg:$0x8] =	wrdreg s13;
	v23 =	vld [tilespmem:s8+$0xFFFFFFC0];
	[tilespmem:s16+$0x10] =	vst v14  }
0x6a5: {  	s20 =	smov.u32 s12;
	s13 =	rddreg [dreg:$0xd];
	[tilespmem:s15+$0xFFFFFFD0] =	vst v16;
	v56 =	vld [tilespmem:s12+$0x10];
	v13 =	vmul.f32 v13, v21  }
0x6a6: {  	s23 =	smov.u32 s21;
	[dreg:$0xf] =	wrdreg s20;
	v22 =	vmul.f32 v16, v1;
	v16 =	vld [tilespmem:s24+$0xFFFFFFC0];
	v6 =	vadd.f32 v19, v6;
	[tilespmem:s13+$0xFFFFFFF0] =	vst v2;
	v21 =	vmul.f32 $8.999999760e-01, v7  }
0x6a7: {  	s21 =	smov.u32 s28;
	s28 =	smov.u32 s26;
	s26 =	rddreg [dreg:$0x6];
	v2 =	vmov v4;
	v4 =	vadd.f32 v25, v17;
	v17 =	vld [tilespmem:s2+$0xFFFFFFC0];
	[tilespmem:s3+$0x40] =	vst v13  }
0x6a8: {  	s15 =	rddreg [dreg:$0xa];
	v19 =	vmul.f32 v14, v1;
	[tilespmem:s26+$0xFFFFFFF0] =	vst v0;
	v15 =	vadd.f32 v18, v15;
	v6 =	vmul.f32 v6, v21;
	v18 =	vld [tilespmem:s0+$0x40]  }
0x6a9: {  	s20 =	smov.u32 s15;
	s13 =	smov.u32 s25;
	s25 =	rddreg [dreg:$0xe];
	v57 =	vld [tilespmem:s23+$0xFFFFFFE0];
	[tilespmem:s12+$0xFFFFFF80] =	vst v4  }
0x6aa: {  	s30 =	smov.u32 s2;
	[dreg:$0xd] =	wrdreg s20;
	v21 =	vld [tilespmem:s21+$0xFFFFFFD0];
	[tilespmem:s29+$0x70] =	vst v6;
	v19 =	vadd.f32 v19, v56  }
0x6ab: {  	s20 =	smov.u32 s25;
	s2 =	rddreg [dreg:$0x7];
	s25 =	smov.u32 s17;
	[tilespmem:s22+$0xFFFFFF80] =	vst v12;
	v12 =	vmul.f32 v14, v55;
	v14 =	vmul.f32 v13, v1;
	v58 =	vld [tilespmem:s7+$0x70]  }
0x6ac: {  	[dreg:$0x7] =	wrdreg s25;
	v59 =	vld [tilespmem:s11+$0xFFFFFF90];
	[tilespmem:s12+$0x10] =	vst v19  }
0x6ad: {  	s25 =	smov.u32 s9;
	s9 =	rddreg [dreg:$0x9];
	v4 =	vmul.f32 $8.999999760e-01, v23;
	v16 =	vadd.f32 v17, v16;
	v19 =	vld [tilespmem:s13+$0xFFFFFFF0];
	[tilespmem:s22+$0x10] =	vst v12;
	v12 =	vadd.f32 v14, v18  }
0x6ae: {  	v13 =	vmul.f32 v13, v20;
	v17 =	vmul.f32 v6, v1;
	v14 =	vld [tilespmem:s9+$0xFFFFFFF0];
	s9 =	smov.u32 s18;
	[tilespmem:s11+$0x10] =	vst v0  }
0x6af: {  	s26 =	rddreg [dreg:$0xc];
	s15 =	smov.u32 s2;
	s2 =	smov.u32 s6;
	v20 =	vadd.f32 v10, v57;
	v16 =	vmul.f32 v16, v4;
	v4 =	vld [tilespmem:s9+$0xFFFFFFF0];
	[tilespmem:s0+$0x40] =	vst v12  }
0x6b0: {  	s17 =	smov.u32 s26;
	s26 =	smov.u32 s24;
	s24 =	smov.u32 s31;
	v18 =	vadd.f32 v22, v21;
	v10 =	vadd.f32 v17, v58;
	v21 =	vld [tilespmem:s19+$0x20];
	[tilespmem:s2+$0x40] =	vst v13  }
0x6b1: {  	v6 =	vmul.f32 v6, v7;
	v13 =	vld [tilespmem:s11+$0x20];
	[tilespmem:s24+$0x40] =	vst v0  }
0x6b2: {  	s10 =	smov.u32 s4;
	v22 =	vld [tilespmem:s22+$0x20];
	[tilespmem:s7+$0x70] =	vst v10  }
0x6b3: {  	v12 =	vmul.f32 v16, v23;
	v5 =	vadd.f32 v19, v5;
	v23 =	vmul.f32 $8.999999760e-01, v14;
	v10 =	vld [tilespmem:s10+$0x50];
	[tilespmem:s30+$0x70] =	vst v6  }
0x6b4: {  	[tilespmem:s11+$0xFFFFFF80] =	vst v0;
	v19 =	vld [tilespmem:s24+$0x50]  }
0x6b5: {  	v6 =	vmul.f32 v5, v23;
	v5 =	vld [tilespmem:s19+$0xFFFFFF90];
	[tilespmem:s0+$0xFFFFFFA0] =	vst v15  }
0x6b6: {  	[tilespmem:s26+$0x70] =	vst v0;
	v23 =	vld [tilespmem:s22+$0xFFFFFF90]  }
0x6b7: {  	v60 =	vld [tilespmem:s2+$0x50];
	v15 =	vmul.f32 $8.999999760e-01, v21;
	[tilespmem:s2+$0xFFFFFFA0] =	vst v8;
	v13 =	vadd.f32 v22, v13  }
0x6b8: {  	[tilespmem:s24+$0xFFFFFFA0] =	vst v0;
	v22 =	vld [tilespmem:s24+$0xFFFFFFB0]  }
0x6b9: {  	[dreg:$0x10] =	wrdreg s23;
	v61 =	vmul.f32 v13, v15;
	v15 =	vld [tilespmem:s10+$0xFFFFFFB0];
	[tilespmem:s29+$0xFFFFFFC0] =	vst v16  }
0x6ba: {  	[dreg:$0xe] =	wrdreg s28;
	v17 =	vmul.f32 v16, v1;
	v13 =	vld [tilespmem:s2+$0xFFFFFFB0];
	[tilespmem:s21+$0xFFFFFFD0] =	vst v18  }
0x6bb: {  	s14 =	sadd.s32 $0x2, s14;
	[dreg:$0xa] =	wrdreg s13;
	v7 =	vadd.f32 v3, v4;
	v16 =	vmul.f32 $8.999999760e-01, v5;
	v18 =	vadd.f32 v23, v59;
	[tilespmem:s16+$0x20] =	vst v61;
	v62 =	vld [tilespmem:s7+$0xFFFFFFC0]  }
0x6bc: {  	p1 =	slt.u32 s14, $0x4E;
	[dreg:$0x6] =	wrdreg s15;
	s15 =	smov.u32 s5;
	v4 =	vmul.f32 v6, v14;
	v8 =	vmul.f32 $8.999999760e-01, v10;
	v14 =	vadd.f32 v60, v19;
	[tilespmem:s28+$0xFFFFFFD0] =	vst v11;
	v23 =	vld [tilespmem:s12+$0x20]  }
0x6bd: {  	s31 =	smov.u32 s11;
	[dreg:$0x9] =	wrdreg s15;
	s15 =	smov.u32 s1;
	[tilespmem:s25+$0xFFFFFFD0] =	vst v0;
	v11 =	vld [tilespmem:s25+$0xFFFFFFE0];
	v18 =	vmul.f32 v18, v16  }
0x6be: {  	s6 =	smov.u32 s22;
	s5 =	smov.u32 s30;
	[dreg:$0xc] =	wrdreg s25;
	v14 =	vmul.f32 v14, v8;
	v8 =	vld [tilespmem:s15+$0xFFFFFFE0];
	[tilespmem:s23+$0xFFFFFFE0] =	vst v20  }
.Ltmp4:
0x6bf: {  	s1 =	smov.u32 s8;
	s8 =	smov.u32 s10;
	[tilespmem:s16+$0xFFFFFF90] =	vst v18;
	v19 =	vmul.f32 v18, v1;
	(pc) =	sbr.rel @p1 .LBB2_10-.Ltmp4, $4  }
0x6c0: {  	s18 =	smov.u32 s19;
	s13 =	smov.u32 s9;
	s9 =	smov.u32 s26;
	[tilespmem:s3+$0x50] =	vst v14;
	v18 =	vmul.f32 v18, v5;
	v28 =	vadd.f32 v13, v22;
	v13 =	vld [tilespmem:s28+$0xFFFFFFE0];
	v5 =	vadd.f32 v17, v62  }
0x6c1: {  	s30 =	smov.u32 s29;
	s26 =	smov.u32 s24;
	s19 =	sadd.s32 $0x100, s19;
	v27 =	vmul.f32 v61, v1;
	v63 =	vmul.f32 $8.999999760e-01, v15;
	v20 =	vld [tilespmem:s12+$0xFFFFFF90];
	[tilespmem:s20+$0xFFFFFFE0] =	vst v9  }
0x6c2: {  	v3 =	vmul.f32 v6, v1;
	s29 =	smov.u32 s0;
	v21 =	vmul.f32 v61, v21;
	s25 =	smov.u32 s20;
	s23 =	rddreg [dreg:$0x13];
	v16 =	vld [tilespmem:s0+$0x50];
	[tilespmem:s7+$0xFFFFFFC0] =	vst v5  }
0x6c3: {  	s20 =	rddreg [dreg:$0x12];
	v9 =	vmul.f32 v14, v1;
	s28 =	smov.u32 s7;
	v22 =	vadd.f32 v27, v23;
	v17 =	vmul.f32 v28, v63;
	s7 =	smov.u32 s3;
	v5 =	vld [tilespmem:s17+$0xFFFFFFF0]  }
0x6c4: {  	_ =	sdelay $0x1  }
0x6c5: {  	v19 =	vadd.f32 v19, v20;
	_ =	sdelay $0x1  }
0x6c6: {  	[tilespmem:s12+$0xFFFFFF90] =	vst v19  }
0x6c7: {  	[tilespmem:s6+$0xFFFFFF90] =	vst v18  }
0x6c8: {  	[tilespmem:s31+$0xFFFFFF90] =	vst v0;
	v19 =	vld [tilespmem:s31+$0xFFFFFFA0]  }
0x6c9: {  	v18 =	vld [tilespmem:s18+$0xFFFFFFA0]  }
0x6ca: {  	v50 =	vld [tilespmem:s6+$0xFFFFFFA0]  }
0x6cb: {  	[tilespmem:s12+$0x20] =	vst v22  }
0x6cc: {  	[tilespmem:s6+$0x20] =	vst v21  }
0x6cd: {  	[tilespmem:s31+$0x20] =	vst v0;
	v52 =	vld [tilespmem:s31+$0x30]  }
0x6ce: {  	v21 =	vld [tilespmem:s18+$0x30]  }
0x6cf: {  	v23 =	vld [tilespmem:s6+$0x30];
	v51 =	vmul.f32 $8.999999760e-01, v18;
	v19 =	vadd.f32 v50, v19;
	_ =	sdelay $0x1  }
0x6d0: {  	v19 =	vmul.f32 v19, v51  }
0x6d1: {  	s10 =	rddreg [dreg:$0x11]  }
0x6d2: {  	[tilespmem:s10+$0xFFFFFFA0] =	vst v19  }
0x6d3: {  	v24 =	vmul.f32 $8.999999760e-01, v21;
	v20 =	vadd.f32 v23, v52;
	s14 =	rddreg [dreg:$0xf]  }
0x6d4: {  	v53 =	vld [tilespmem:s14+$0xFFFFFFA0]  }
0x6d5: {  	v20 =	vmul.f32 v20, v24  }
0x6d6: {  	[tilespmem:s7+$0xFFFFFFB0] =	vst v17  }
0x6d7: {  	v54 =	vmul.f32 v19, v1;
	[tilespmem:s10+$0x30] =	vst v20;
	v55 =	vld [tilespmem:s29+$0xFFFFFFB0]  }
0x6d8: {  	v56 =	vld [tilespmem:s14+$0x30]  }
0x6d9: {  	v22 =	vadd.f32 v54, v53  }
0x6da: {  	v57 =	vmul.f32 v17, v1;
	v18 =	vmul.f32 v19, v18  }
0x6db: {  	v61 =	vmul.f32 v20, v1;
	[tilespmem:s14+$0xFFFFFFA0] =	vst v22  }
0x6dc: {  	v19 =	vadd.f32 v57, v55;
	[tilespmem:s6+$0xFFFFFFA0] =	vst v18  }
0x6dd: {  	v62 =	vadd.f32 v61, v56;
	[tilespmem:s31+$0xFFFFFFA0] =	vst v0;
	v58 =	vld [tilespmem:s31+$0xFFFFFFB0]  }
0x6de: {  	v15 =	vmul.f32 v17, v15;
	[tilespmem:s29+$0xFFFFFFB0] =	vst v19;
	v59 =	vld [tilespmem:s18+$0xFFFFFFB0]  }
0x6df: {  	v20 =	vmul.f32 v20, v21;
	[tilespmem:s14+$0x30] =	vst v62;
	v60 =	vld [tilespmem:s6+$0xFFFFFFB0]  }
0x6e0: {  	[tilespmem:s2+$0xFFFFFFB0] =	vst v15  }
0x6e1: {  	[tilespmem:s6+$0x30] =	vst v20;
	v29 =	vld [tilespmem:s26+$0xFFFFFFC0]  }
0x6e2: {  	[tilespmem:s26+$0xFFFFFFB0] =	vst v0;
	v32 =	vld [tilespmem:s31+$0x40]  }
0x6e3: {  	v63 =	vld [tilespmem:s8+$0xFFFFFFC0]  }
0x6e4: {  	[tilespmem:s31+$0x30] =	vst v0;
	v30 =	vld [tilespmem:s2+$0xFFFFFFC0];
	v27 =	vmul.f32 $8.999999760e-01, v59;
	v28 =	vadd.f32 v60, v58  }
0x6e5: {  	v20 =	vld [tilespmem:s18+$0x40]  }
0x6e6: {  	v34 =	vld [tilespmem:s6+$0x40];
	v18 =	vmul.f32 v28, v27;
	_ =	sdelay $0x1  }
0x6e7: {  	[tilespmem:s10+$0xFFFFFFB0] =	vst v18  }
0x6e8: {  	v33 =	vmul.f32 $8.999999760e-01, v63;
	v15 =	vadd.f32 v30, v29;
	v31 =	vld [tilespmem:s14+$0xFFFFFFB0];
	_ =	sdelay $0x1  }
0x6e9: {  	v40 =	vmul.f32 $8.999999760e-01, v20;
	v21 =	vadd.f32 v34, v32;
	v35 =	vmul.f32 v15, v33  }
0x6ea: {  	[tilespmem:s5+$0xFFFFFFC0] =	vst v12;
	v25 =	vmul.f32 v18, v1  }
0x6eb: {  	v39 =	vld [tilespmem:s9+$0xFFFFFFD0];
	v42 =	vmul.f32 v21, v40;
	[tilespmem:s7+$0xFFFFFFC0] =	vst v35  }
0x6ec: {  	[tilespmem:s9+$0xFFFFFFC0] =	vst v0;
	v38 =	vld [tilespmem:s29+$0xFFFFFFC0];
	v36 =	vadd.f32 v25, v31  }
0x6ed: {  	v37 =	vld [tilespmem:s1+$0xFFFFFFD0];
	v18 =	vmul.f32 v18, v59;
	[tilespmem:s10+$0x40] =	vst v42  }
0x6ee: {  	v41 =	vld [tilespmem:s5+$0xFFFFFFD0];
	[tilespmem:s14+$0xFFFFFFB0] =	vst v36  }
0x6ef: {  	v9 =	vadd.f32 v9, v16;
	v43 =	vmul.f32 v35, v1;
	v48 =	vld [tilespmem:s14+$0x40];
	[tilespmem:s6+$0xFFFFFFB0] =	vst v18  }
0x6f0: {  	[tilespmem:s31+$0xFFFFFFB0] =	vst v0;
	v45 =	vld [tilespmem:s31+$0xFFFFFFC0]  }
0x6f1: {  	[tilespmem:s29+$0x50] =	vst v9;
	v46 =	vadd.f32 v43, v38;
	v44 =	vld [tilespmem:s18+$0xFFFFFFC0]  }
0x6f2: {  	[tilespmem:s17+$0xFFFFFFE0] =	vst v0;
	v12 =	vmul.f32 v35, v63;
	v47 =	vld [tilespmem:s6+$0xFFFFFFC0]  }
0x6f3: {  	[tilespmem:s29+$0xFFFFFFC0] =	vst v46  }
0x6f4: {  	v10 =	vmul.f32 v14, v10;
	v49 =	vmul.f32 $8.999999760e-01, v37;
	v15 =	vadd.f32 v41, v39;
	[tilespmem:s2+$0xFFFFFFC0] =	vst v12  }
0x6f5: {  	v50 =	vmul.f32 v42, v1;
	[tilespmem:s26+$0xFFFFFFC0] =	vst v0;
	v53 =	vld [tilespmem:s26+$0xFFFFFFD0]  }
0x6f6: {  	[tilespmem:s2+$0x50] =	vst v10;
	v14 =	vmul.f32 v15, v49;
	v51 =	vld [tilespmem:s8+$0xFFFFFFD0]  }
0x6f7: {  	[tilespmem:s26+$0x50] =	vst v0;
	v10 =	vadd.f32 v50, v48;
	v54 =	vld [tilespmem:s2+$0xFFFFFFD0];
	v52 =	vmul.f32 $8.999999760e-01, v44;
	v9 =	vadd.f32 v47, v45  }
0x6f8: {  	[tilespmem:s30+$0xFFFFFFD0] =	vst v14;
	v18 =	vmul.f32 v42, v20  }
0x6f9: {  	s11 =	rddreg [dreg:$0x9];
	[tilespmem:s14+$0x40] =	vst v10;
	v16 =	vmul.f32 v9, v52  }
0x6fa: {  	[tilespmem:s6+$0x40] =	vst v18  }
0x6fb: {  	v59 =	vld [tilespmem:s31+$0x50];
	[tilespmem:s10+$0xFFFFFFC0] =	vst v16  }
0x6fc: {  	[tilespmem:s31+$0x40] =	vst v0;
	v58 =	vmul.f32 $8.999999760e-01, v51;
	v12 =	vadd.f32 v54, v53;
	v55 =	vld [tilespmem:s14+$0xFFFFFFC0]  }
0x6fd: {  	v57 =	vld [tilespmem:s18+$0x50]  }
0x6fe: {  	v62 =	vld [tilespmem:s6+$0x50];
	v61 =	vmul.f32 v12, v58  }
0x6ff: {  	v56 =	vld [tilespmem:s28+$0xFFFFFFD0];
	v60 =	vmul.f32 v16, v1  }
0x700: {  	[tilespmem:s7+$0xFFFFFFD0] =	vst v61  }
0x701: {  	[tilespmem:s20+$0xFFFFFFF0] =	vst v6;
	v27 =	vld [tilespmem:s29+$0xFFFFFFD0];
	v18 =	vadd.f32 v60, v55  }
0x702: {  	v28 =	vld [tilespmem:s25+$0xFFFFFFF0];
	v26 =	vmul.f32 v14, v1;
	[tilespmem:s13+$0xFFFFFFF0] =	vst v7;
	v16 =	vmul.f32 v16, v44  }
0x703: {  	v63 =	vld [tilespmem:s26+$0x60];
	v30 =	vmul.f32 $8.999999760e-01, v57;
	v12 =	vadd.f32 v62, v59;
	[tilespmem:s14+$0xFFFFFFC0] =	vst v18  }
0x704: {  	v25 =	vld [tilespmem:s2+$0x60];
	v20 =	vadd.f32 v26, v56;
	v31 =	vmul.f32 v61, v1;
	[tilespmem:s6+$0xFFFFFFC0] =	vst v16  }
0x705: {  	v10 =	vld [tilespmem:s8+$0x60];
	v12 =	vmul.f32 v12, v30;
	s20 =	rddreg [dreg:$0x8];
	[tilespmem:s31+$0xFFFFFFC0] =	vst v0  }
0x706: {  	v9 =	vld [tilespmem:s11+$0xFFFFFFF0];
	v17 =	vadd.f32 v31, v27;
	[tilespmem:s28+$0xFFFFFFD0] =	vst v20  }
0x707: {  	v14 =	vmul.f32 v14, v37;
	v33 =	vld [tilespmem:s31+$0xFFFFFFD0];
	[tilespmem:s10+$0x50] =	vst v12  }
0x708: {  	s19 =	smov.u32 s5;
	v6 =	vmul.f32 v61, v51;
	[tilespmem:s29+$0xFFFFFFD0] =	vst v17;
	v29 =	vld [tilespmem:s20+$0xFFFFFFF0]  }
0x709: {  	v32 =	vld [tilespmem:s18+$0xFFFFFFD0];
	[tilespmem:s19+$0xFFFFFFD0] =	vst v14  }
0x70a: {  	v34 =	vld [tilespmem:s6+$0xFFFFFFD0];
	[tilespmem:s2+$0xFFFFFFD0] =	vst v6  }
0x70b: {  	v38 =	vld [tilespmem:s14+$0x50];
	[tilespmem:s9+$0xFFFFFFD0] =	vst v0  }
0x70c: {  	v35 =	vld [tilespmem:s9+$0xFFFFFFE0];
	[tilespmem:s26+$0xFFFFFFD0] =	vst v0  }
0x70d: {  	v5 =	vadd.f32 v28, v5;
	v37 =	vmul.f32 $8.999999760e-01, v9;
	v40 =	vld [tilespmem:s26+$0xFFFFFFE0];
	s4 =	rddreg [dreg:$0xd]  }
0x70e: {  	v42 =	vmul.f32 $8.999999760e-01, v8;
	v36 =	vld [tilespmem:s1+$0xFFFFFFE0];
	[tilespmem:s4+$0xFFFFFFF0] =	vst v2  }
0x70f: {  	v39 =	vld [tilespmem:s19+$0xFFFFFFE0];
	v2 =	vmul.f32 v5, v37;
	s22 =	rddreg [dreg:$0x6];
	v41 =	vmul.f32 $8.999999760e-01, v32;
	v14 =	vadd.f32 v34, v33  }
0x710: {  	v7 =	vadd.f32 v25, v63;
	v44 =	vmul.f32 $8.999999760e-01, v10;
	v43 =	vld [tilespmem:s8+$0xFFFFFFE0];
	[tilespmem:s22+$0xFFFFFFF0] =	vst v0;
	v3 =	vadd.f32 v3, v29  }
0x711: {  	v11 =	vadd.f32 v13, v11;
	v46 =	vmul.f32 v12, v1;
	v45 =	vld [tilespmem:s2+$0xFFFFFFE0];
	[tilespmem:s23+$0xFFFFFFF0] =	vst v2;
	v14 =	vmul.f32 v14, v41  }
0x712: {  	v7 =	vmul.f32 v7, v44;
	[tilespmem:s20+$0xFFFFFFF0] =	vst v3  }
0x713: {  	v3 =	vmul.f32 v11, v42;
	v11 =	vadd.f32 v46, v38;
	[tilespmem:s10+$0xFFFFFFD0] =	vst v14  }
0x714: {  	s5 =	rddreg [dreg:$0xb];
	v47 =	vld [tilespmem:s14+$0xFFFFFFD0];
	[tilespmem:s7+$0x60] =	vst v7  }
0x715: {  	v12 =	vmul.f32 v12, v57;
	v48 =	vmul.f32 $8.999999760e-01, v36;
	v6 =	vadd.f32 v39, v35;
	[tilespmem:s14+$0x50] =	vst v11  }
0x716: {  	v49 =	vmul.f32 $8.999999760e-01, v43;
	v5 =	vadd.f32 v45, v40;
	[tilespmem:s5+$0xFFFFFFE0] =	vst v3;
	v50 =	vld [tilespmem:s29+$0x60]  }
0x717: {  	v6 =	vmul.f32 v6, v48;
	v51 =	vmul.f32 v14, v1;
	[tilespmem:s6+$0x50] =	vst v12;
	v52 =	vld [tilespmem:s21+$0xFFFFFFE0]  }
0x718: {  	v5 =	vmul.f32 v5, v49;
	[tilespmem:s31+$0x50] =	vst v0;
	v55 =	vld [tilespmem:s31+$0x60]  }
0x719: {  	v54 =	vmul.f32 v7, v1;
	[tilespmem:s30+$0xFFFFFFE0] =	vst v6;
	v53 =	vld [tilespmem:s18+$0x60];
	v12 =	vadd.f32 v51, v47  }
0x71a: {  	v14 =	vmul.f32 v14, v32;
	[tilespmem:s7+$0xFFFFFFE0] =	vst v5;
	v57 =	vld [tilespmem:s6+$0x60]  }
0x71b: {  	v56 =	vmul.f32 v3, v1;
	v58 =	vadd.f32 v54, v50;
	[tilespmem:s14+$0xFFFFFFD0] =	vst v12  }
0x71c: {  	[tilespmem:s6+$0xFFFFFFD0] =	vst v14  }
0x71d: {  	v60 =	vadd.f32 v56, v52;
	[tilespmem:s29+$0x60] =	vst v58  }
0x71e: {  	v7 =	vmul.f32 v7, v10;
	v59 =	vld [tilespmem:s28+$0xFFFFFFE0];
	[tilespmem:s31+$0xFFFFFFD0] =	vst v0  }
0x71f: {  	v3 =	vmul.f32 v3, v8;
	v61 =	vld [tilespmem:s29+$0xFFFFFFE0];
	v24 =	vmul.f32 $8.999999760e-01, v53;
	v25 =	vadd.f32 v57, v55;
	[tilespmem:s21+$0xFFFFFFE0] =	vst v60  }
0x720: {  	v62 =	vld [tilespmem:s31+$0xFFFFFFE0];
	s4 =	rddreg [dreg:$0xe];
	[tilespmem:s2+$0x60] =	vst v7  }
0x721: {  	v63 =	vmul.f32 v6, v1;
	v22 =	vld [tilespmem:s18+$0xFFFFFFE0];
	v14 =	vmul.f32 v25, v24;
	[tilespmem:s4+$0xFFFFFFE0] =	vst v3  }
0x722: {  	v3 =	vld [tilespmem:s6+$0xFFFFFFE0];
	s24 =	rddreg [dreg:$0xc]  }
0x723: {  	v10 =	vadd.f32 v63, v59;
	[tilespmem:s10+$0x60] =	vst v14;
	v23 =	vld [tilespmem:s24+$0xFFFFFFF0]  }
0x724: {  	v6 =	vmul.f32 v6, v36;
	v27 =	vmul.f32 v5, v1;
	[tilespmem:s24+$0xFFFFFFE0] =	vst v0;
	v31 =	vld [tilespmem:s14+$0x60]  }
0x725: {  	[tilespmem:s28+$0xFFFFFFE0] =	vst v10;
	v26 =	vld [tilespmem:s15+$0xFFFFFFF0]  }
0x726: {  	v10 =	vadd.f32 v27, v61;
	[tilespmem:s19+$0xFFFFFFE0] =	vst v6;
	v28 =	vld [tilespmem:s4+$0xFFFFFFF0]  }
0x727: {  	v5 =	vmul.f32 v5, v43;
	v6 =	vld [tilespmem:s9+$0xFFFFFFF0];
	[tilespmem:s9+$0xFFFFFFE0] =	vst v0  }
0x728: {  	[tilespmem:s29+$0xFFFFFFE0] =	vst v10;
	v30 =	vld [tilespmem:s1+$0xFFFFFFF0]  }
0x729: {  	s0 =	smov.u32 s26;
	v29 =	vmul.f32 $8.999999760e-01, v22;
	[tilespmem:s2+$0xFFFFFFE0] =	vst v5;
	v36 =	vld [tilespmem:s19+$0xFFFFFFF0];
	v3 =	vadd.f32 v3, v62  }
0x72a: {  	v5 =	vld [tilespmem:s0+$0xFFFFFFF0];
	[tilespmem:s0+$0xFFFFFFE0] =	vst v0  }
0x72b: {  	v35 =	vld [tilespmem:s8+$0xFFFFFFF0];
	v3 =	vmul.f32 v3, v29  }
0x72c: {  	[tilespmem:s0+$0x60] =	vst v0;
	v45 =	vld [tilespmem:s2+$0xFFFFFFF0];
	v32 =	vmul.f32 $8.999999760e-01, v26;
	v7 =	vadd.f32 v28, v23  }
0x72d: {  	[tilespmem:s10+$0xFFFFFFE0] =	vst v3  }
0x72e: {  	v18 =	vmul.f32 v14, v1;
	s11 =	rddreg [dreg:$0xa];
	v7 =	vmul.f32 v7, v32  }
0x72f: {  	v39 =	vld [tilespmem:s0+$0x70];
	v44 =	vmul.f32 $8.999999760e-01, v30;
	v6 =	vadd.f32 v36, v6;
	[tilespmem:s11+$0xFFFFFFF0] =	vst v4  }
0x730: {  	v10 =	vadd.f32 v18, v31;
	v33 =	vld [tilespmem:s14+$0xFFFFFFE0];
	s3 =	rddreg [dreg:$0x7];
	[tilespmem:s5+$0xFFFFFFF0] =	vst v7  }
0x731: {  	v34 =	vld [tilespmem:s8+$0x70];
	v6 =	vmul.f32 v6, v44;
	v52 =	vmul.f32 $8.999999760e-01, v35;
	v5 =	vadd.f32 v45, v5;
	[tilespmem:s3+$0xFFFFFFF0] =	vst v0  }
0x732: {  	v11 =	vmul.f32 v14, v53;
	v41 =	vld [tilespmem:s2+$0x70];
	s13 =	rddreg [dreg:$0x10];
	[tilespmem:s14+$0x60] =	vst v10  }
0x733: {  	v37 =	vmul.f32 v3, v1;
	v5 =	vmul.f32 v5, v52;
	[tilespmem:s30+$0xFFFFFFF0] =	vst v6;
	v38 =	vld [tilespmem:s13+$0xFFFFFFF0]  }
0x734: {  	v43 =	vld [tilespmem:s21+$0xFFFFFFF0];
	[tilespmem:s6+$0x60] =	vst v11  }
0x735: {  	v40 =	vadd.f32 v37, v33;
	v50 =	vld [tilespmem:s28+$0xFFFFFFF0];
	[tilespmem:s7+$0xFFFFFFF0] =	vst v5  }
0x736: {  	v42 =	vmul.f32 v2, v1;
	v3 =	vmul.f32 v3, v22;
	[tilespmem:s31+$0x60] =	vst v0;
	v49 =	vld [tilespmem:s31+$0x70]  }
0x737: {  	v57 =	vld [tilespmem:s29+$0xFFFFFFF0];
	[tilespmem:s14+$0xFFFFFFE0] =	vst v40  }
0x738: {  	v48 =	vmul.f32 v7, v1;
	v47 =	vld [tilespmem:s18+$0x70];
	[tilespmem:s6+$0xFFFFFFE0] =	vst v3;
	v3 =	vadd.f32 v42, v38  }
0x739: {  	v2 =	vmul.f32 v2, v9;
	v51 =	vld [tilespmem:s6+$0x70];
	[tilespmem:s31+$0xFFFFFFE0] =	vst v0  }
0x73a: {  	v9 =	vadd.f32 v48, v43;
	v46 =	vld [tilespmem:s31+$0xFFFFFFF0];
	[tilespmem:s13+$0xFFFFFFF0] =	vst v3  }
0x73b: {  	v16 =	vadd.f32 v41, v39;
	v7 =	vmul.f32 v7, v26;
	v53 =	vld [tilespmem:s6+$0xFFFFFFF0];
	[tilespmem:s25+$0xFFFFFFF0] =	vst v2;
	v2 =	vmul.f32 $8.999999760e-01, v34  }
0x73c: {  	v54 =	vmul.f32 v6, v1;
	[tilespmem:s21+$0xFFFFFFF0] =	vst v9;
	v3 =	vld [tilespmem:s18+$0xFFFFFFF0]  }
0x73d: {  	v60 =	vmul.f32 v5, v1;
	[tilespmem:s4+$0xFFFFFFF0] =	vst v7;
	v2 =	vmul.f32 v16, v2  }
0x73e: {  	v7 =	vadd.f32 v54, v50;
	[tilespmem:s24+$0xFFFFFFF0] =	vst v0  }
0x73f: {  	v8 =	vadd.f32 v60, v57;
	[tilespmem:s7+$0x70] =	vst v2  }
0x740: {  	v56 =	vmul.f32 $8.999999760e-01, v47;
	v10 =	vadd.f32 v51, v49;
	[tilespmem:s28+$0xFFFFFFF0] =	vst v7;
	v55 =	vld [tilespmem:s29+$0x70]  }
0x741: {  	v6 =	vmul.f32 v6, v30;
	[tilespmem:s29+$0xFFFFFFF0] =	vst v8;
	v9 =	vadd.f32 v53, v46;
	v58 =	vmul.f32 $8.999999760e-01, v3  }
0x742: {  	[tilespmem:s17+$0xFFFFFFF0] =	vst v0;
	v10 =	vmul.f32 v10, v56  }
0x743: {  	[tilespmem:s19+$0xFFFFFFF0] =	vst v6;
	v59 =	vmul.f32 v2, v1;
	v7 =	vmul.f32 v9, v58  }
0x744: {  	v4 =	vmul.f32 v5, v35;
	[tilespmem:s10+$0x70] =	vst v10  }
0x745: {  	v61 =	vld [tilespmem:s14+$0x70];
	[tilespmem:s10+$0xFFFFFFF0] =	vst v7;
	v6 =	vadd.f32 v59, v55  }
0x746: {  	[tilespmem:s2+$0xFFFFFFF0] =	vst v4;
	v2 =	vmul.f32 v2, v34;
	v62 =	vld [tilespmem:s14+$0xFFFFFFF0]  }
0x747: {  	[tilespmem:s29+$0x70] =	vst v6  }
0x748: {  	[tilespmem:s2+$0x70] =	vst v2;
	v2 =	vmul.f32 v10, v1  }
0x749: {  	[tilespmem:s9+$0xFFFFFFF0] =	vst v0;
	v1 =	vmul.f32 v7, v1  }
0x74a: {  	[tilespmem:s0+$0xFFFFFFF0] =	vst v0;
	v2 =	vadd.f32 v2, v61  }
0x74b: {  	[tilespmem:s0+$0x70] =	vst v0;
	v1 =	vadd.f32 v1, v62  }
0x74c: {  	v63 =	vmul.f32 v10, v47;
	[tilespmem:s14+$0x70] =	vst v2  }
0x74d: {  	[tilespmem:s14+$0xFFFFFFF0] =	vst v1;
	v1 =	vmul.f32 v7, v3  }
0x74e: {  	[tilespmem:s6+$0x70] =	vst v63  }
0x74f: {  	[tilespmem:s6+$0xFFFFFFF0] =	vst v1  }
0x750: {  	[tilespmem:s31+$0x70] =	vst v0  }
0x751: {  	s5 =	rddreg [dreg:$0x15]  }
0x752: {  	s5 =	sadd.s32 $0x1, s5  }
0x753: {  	p1 =	sne.s32 s5, $0xB  }
.Ltmp5:
0x754: {  	_ = 	snop;
	(pc) =	sbr.rel @p1 .LBB2_7-.Ltmp5, $4  }
0x755: {  	_ = 	snop  }
0x756: {  	[tilespmem:s31+$0xFFFFFFF0] =	vst v0  }
0x757: {  	[bflag:$0x0] =	sbarrier.arrive $0xFFFF  }
0x758: {  	s3 =	simm.s32 $0xC800;
	s2 =	simm.s32 $0x5000  }
0x759: {  	_ =	sfence.sel @p0 $0x180000  }
0x75a: {  	[bflag:$0x0] =	sbarrier.arrive @p0 $0xFFFF  }
0x75b: {  	_ =	strace @p0 $0x90000047  }
0x75c: {  	[bflag:$0x2] =	sbarrier.arrive @p0 $0xFFFF  }
0x75d: {  	s0 =	simm.s32 @!p0 $0x0;
	s1 =	simm.s32 @!p0 $0xF000;
	s2 =	rddreg [dreg:$0x14]  }
0x75e: {  	[hbm4b:s2+s0] =	stream.linear.scatter @!p0 [tilespmem:s1], [sflag:$0x1], $0x2800, $0x38;
	[tilespmem:$0x14300] =	vst v63  }
0x75f: {  	s0 =	simm.s32 @!p0 $0x1  }
0x760: {  	_ =	swait.ge @!p0 [sflag:s0], $0x2800  }
0x761: {  	[sflag:s0] =	ssyncset.done @!p0 $0x0  }
0x762: {  	[sflag:s0] =	ssyncadd.s32 @!p0 $0xFFFFD800  }
0x763: {  	_ =	sfence.sel @!p0 $0x180000  }
0x764: {  	[bflag:$0x0] =	sbarrier.arrive @!p0 $0xFFFF  }
0x765: {  	_ =	strace @!p0 $0x90000047  }
0x766: {  	[bflag:$0x2] =	sbarrier.arrive @!p0 $0xFFFF  }
0x767: {  	s0 =	rddreg [dreg:$0x2]  }
0x768: {  	s0 =	sadd.s32 @!p0 $0x100000, s0  }
0x769: {  	[sflag:s0] =	ssyncadd.tile.s32 @!p0 $0x1;
	_ =	shalt  }
.Lfunc_end2:
_tile_overlayer_lowered:
.L_overlay_start_2:
0x76a: {  	(tag) =	ssettag $0x2  }
0x76b: {  	s0 =	rddreg [dreg:$0x0];
	s2 =	stileid.u32  }
0x76c: {  	s1 =	rddreg [dreg:$0x1];
	p0 =	sne.s32 s2, $0x0  }
0x76d: {  	s3 =	rddreg [dreg:$0x2];
	[bflag:$0x3] =	sbarrier.arrive $0xFFFF;
	s2 =	simm.s32 @!p0 $0x1C01  }
0x76e: {  	[timem:s3], [sflag:s2] =	dma.local @!p0 [hbm:s0], s1  }
0x76f: {  	s0 =	simm.s32 @!p0 $0x1  }
0x770: {  	_ =	swait.ge @!p0 [sflag:s0], s1  }
0x771: {  	s1 =	ssub.s32 @!p0 $0x0, s1;
	[sflag:s0] =	ssyncset.done @!p0 $0x0  }
0x772: {  	[sflag:s0] =	ssyncadd.s32 @!p0 s1  }
0x773: {  	[bflag:$0x3] =	sbarrier.arrive $0xFFFF  }
0x774: {  	_ =	shalt  }

</sc_bundles>
